<compile_context>
chip_gen: v7x
topology: tpu7x:2x2x1
jax: 0.10.2.dev20260603
libtpu: 0.0.44.dev20260713+nightly
codegen_flags: <defaults>
</compile_context>

<pallas_src>
import functools
import jax
import jax.numpy as jnp
from jax import lax
from jax.experimental import pallas as pl
from jax.experimental.pallas import tpu as pltpu
from jax.experimental.pallas import tpu_sc as plsc

_H = 32
_W = 32
_F = 128
_BS = 16


def _sc_body(col_hbm, row_hbm, out_hbm, colv, rowv, buf, sem):
    cid = lax.axis_index("c")
    sid = lax.axis_index("s")
    wid = sid * 2 + cid

    pltpu.sync_copy(col_hbm, colv)
    pltpu.sync_copy(row_hbm, rowv)

    for i in range(_W):
        for k in range(_F // 16):
            buf[i, pl.ds(k * 16, 16)] = colv[i, pl.ds(k * 16, 16)]
    for k in range(_F // 16):
        v = rowv[wid, pl.ds(k * 16, 16)]
        for i in range(_W):
            buf[i, pl.ds(_F + k * 16, 16)] = v

    copies = [
        pltpu.async_copy(buf, out_hbm.at[b, wid], sem) for b in range(_BS)
    ]
    for cp in copies:
        cp.wait()


def _sc_call(colw, roww):
    mesh = plsc.VectorSubcoreMesh(core_axis_name="c", subcore_axis_name="s")
    kfn = functools.partial(
        pl.kernel,
        mesh=mesh,
        out_type=jax.ShapeDtypeStruct((_BS, _H, _W, 2 * _F), jnp.float32),
        scratch_types=[
            pltpu.VMEM((_W, _F), jnp.float32),
            pltpu.VMEM((_H, _F), jnp.float32),
            pltpu.VMEM((_W, 2 * _F), jnp.float32),
            pltpu.SemaphoreType.DMA,
        ],
        compiler_params=pltpu.CompilerParams(use_tc_tiling_on_sc=True),
    )(_sc_body)
    return kfn(colw, roww)


def kernel(mask, row_weight, col_weight):
    bs, h, w = mask.shape
    out = _sc_call(col_weight[:w], row_weight[:h])
    return jnp.transpose(out, (0, 3, 1, 2))

# --- scband reference (transcript-rebuilt; emitter-appended) ---
"""Pipeline reference for scband-learned-positional-encoding-26542897889586 (READ-ONLY COPY).

The authoritative reference and input builder live on the scoring server;
editing this copy changes nothing except your own understanding.
"""

import jax, jax.numpy as jnp
import numpy as np

NUM_FEATS = 128
ROW_NUM_EMBED = 50
COL_NUM_EMBED = 50
BS, H, W = 16, 32, 32


def setup_inputs(seed: int = 0) -> dict:
    key = jax.random.key(seed)
    k1, k2 = jax.random.split(key)
    mask = jnp.zeros((BS, H, W), dtype=jnp.bool_)
    # nn.Embedding default init ~ N(0,1); init_cfg says Uniform but weights are learned params
    row_weight = jax.random.normal(k1, (ROW_NUM_EMBED, NUM_FEATS), dtype=jnp.float32)
    col_weight = jax.random.normal(k2, (COL_NUM_EMBED, NUM_FEATS), dtype=jnp.float32)
    return {"mask": mask, "row_weight": row_weight, "col_weight": col_weight}


def reference(mask, row_weight, col_weight):
    h, w = mask.shape[-2], mask.shape[-1]
    x = jnp.arange(w)
    y = jnp.arange(h)
    x_embed = jnp.take(col_weight, x, axis=0)  # [w, num_feats]
    y_embed = jnp.take(row_weight, y, axis=0)  # [h, num_feats]
    pos = jnp.concatenate(
        [
            jnp.tile(x_embed[None, :, :], (h, 1, 1)),  # [h, w, f]
            jnp.tile(y_embed[:, None, :], (1, w, 1)),  # [h, w, f]
        ],
        axis=-1,
    )  # [h, w, 2f]
    pos = jnp.transpose(pos, (2, 0, 1))[None, :, :, :]  # [1, 2f, h, w]
    pos = jnp.tile(pos, (mask.shape[0], 1, 1, 1))  # [bs, 2f, h, w]
    return pos

if __name__ == "__main__":
    import jax
    _d = setup_inputs()
    print(jax.jit(kernel)(*tuple(_d.values())))

</pallas_src>

<mosaic_0001>
#map = affine_map<(d0, d1) -> (0, 0)>
#map1 = affine_map<(d0, d1) -> (0, 0, 0, 0)>
module attributes {stable_mosaic.version = 14 : i64} {
  func.func @_sc_body(%arg0: i32, %arg1: i32, %arg2: memref<32x128xf32, #tpu.memory_space<hbm>>, %arg3: memref<32x128xf32, #tpu.memory_space<hbm>>, %arg4: memref<16x32x32x256xf32, #tpu.memory_space<hbm>>, %arg5: memref<32x128xf32, #tpu.memory_space<vmem>>, %arg6: memref<32x128xf32, #tpu.memory_space<vmem>>, %arg7: memref<32x256xf32, #tpu.memory_space<vmem>>, %arg8: memref<!tpu.dma_semaphore, #tpu.memory_space<semaphore_mem>>) attributes {dimension_semantics = [#tpu.dimension_semantics<core_parallel>, #tpu.dimension_semantics<subcore_parallel>], iteration_bounds = array<i64: 2, 16>, scalar_prefetch = 0 : i64, scratch_operands = 4 : i64, tpu.core_type = #tpu.core_type<sc_vector_subcore>, window_params = [{transform_indices = #map}, {transform_indices = #map}, {transform_indices = #map1}]} {
    %mul3A = arith.constant 2 : i32
    %mul3A_0 = arith.muli %arg1, %mul3A : i32
    %add3A = arith.addi %mul3A_0, %arg0 : i32
    "tpu.region"() ({
      %run_scoped3A = tpu.sem_alloc : memref<!tpu.dma_semaphore, #tpu.memory_space<semaphore_mem>>
      tpu.enqueue_dma source(%arg2 : memref<32x128xf32, #tpu.memory_space<hbm>>) target(%arg5 : memref<32x128xf32, #tpu.memory_space<vmem>>) target_semaphore(%run_scoped3A : memref<!tpu.dma_semaphore, #tpu.memory_space<semaphore_mem>>)
      tpu.wait_dma2 semaphore(%run_scoped3A : memref<!tpu.dma_semaphore, #tpu.memory_space<semaphore_mem>>) src(%arg2 : memref<32x128xf32, #tpu.memory_space<hbm>>) dst(%arg5 : memref<32x128xf32, #tpu.memory_space<vmem>>)
      tpu.yield
    }) : () -> ()
    "tpu.region"() ({
      %run_scoped3A = tpu.sem_alloc : memref<!tpu.dma_semaphore, #tpu.memory_space<semaphore_mem>>
      tpu.enqueue_dma source(%arg3 : memref<32x128xf32, #tpu.memory_space<hbm>>) target(%arg6 : memref<32x128xf32, #tpu.memory_space<vmem>>) target_semaphore(%run_scoped3A : memref<!tpu.dma_semaphore, #tpu.memory_space<semaphore_mem>>)
      tpu.wait_dma2 semaphore(%run_scoped3A : memref<!tpu.dma_semaphore, #tpu.memory_space<semaphore_mem>>) src(%arg3 : memref<32x128xf32, #tpu.memory_space<hbm>>) dst(%arg6 : memref<32x128xf32, #tpu.memory_space<vmem>>)
      tpu.yield
    }) : () -> ()
    %get3A = arith.constant 0 : i32
    %get3A_1 = arith.index_cast %get3A : i32 to index
    %get3A_2 = arith.constant 0 : index
    %get3A_3 = tpu.vector_load %arg5[%get3A_1, %get3A_2] {strides = array<i32>} : memref<32x128xf32, #tpu.memory_space<vmem>>, vector<1x16xf32>,
    %get3A_4 = vector.shape_cast %get3A_3 : vector<1x16xf32> to vector<16xf32>
    %swap3A = arith.constant 0 : i32
    %swap3A_5 = arith.index_cast %swap3A : i32 to index
    %swap3A_6 = arith.constant 0 : index
    %swap3A_7 = tpu.vector_load %arg7[%swap3A_5, %swap3A_6] {strides = array<i32>} : memref<32x256xf32, #tpu.memory_space<vmem>>, vector<1x16xf32>,
    %swap3A_8 = vector.shape_cast %swap3A_7 : vector<1x16xf32> to vector<16xf32>
    %swap3A_9 = vector.shape_cast %get3A_4 : vector<16xf32> to vector<1x16xf32>
    tpu.vector_store %arg7[%swap3A_5, %swap3A_6], %swap3A_9 {strides = array<i32>} : memref<32x256xf32, #tpu.memory_space<vmem>>, vector<1x16xf32>,
    %get3A_10 = arith.constant 0 : i32
    %get3A_11 = arith.index_cast %get3A_10 : i32 to index
    %get3A_12 = arith.constant 16 : index
    %get3A_13 = tpu.vector_load %arg5[%get3A_11, %get3A_12] {strides = array<i32>} : memref<32x128xf32, #tpu.memory_space<vmem>>, vector<1x16xf32>,
    %get3A_14 = vector.shape_cast %get3A_13 : vector<1x16xf32> to vector<16xf32>
    %swap3A_15 = arith.constant 0 : i32
    %swap3A_16 = arith.index_cast %swap3A_15 : i32 to index
    %swap3A_17 = arith.constant 16 : index
    %swap3A_18 = tpu.vector_load %arg7[%swap3A_16, %swap3A_17] {strides = array<i32>} : memref<32x256xf32, #tpu.memory_space<vmem>>, vector<1x16xf32>,
    %swap3A_19 = vector.shape_cast %swap3A_18 : vector<1x16xf32> to vector<16xf32>
    %swap3A_20 = vector.shape_cast %get3A_14 : vector<16xf32> to vector<1x16xf32>
    tpu.vector_store %arg7[%swap3A_16, %swap3A_17], %swap3A_20 {strides = array<i32>} : memref<32x256xf32, #tpu.memory_space<vmem>>, vector<1x16xf32>,
    %get3A_21 = arith.constant 0 : i32
    %get3A_22 = arith.index_cast %get3A_21 : i32 to index
    %get3A_23 = arith.constant 32 : index
    %get3A_24 = tpu.vector_load %arg5[%get3A_22, %get3A_23] {strides = array<i32>} : memref<32x128xf32, #tpu.memory_space<vmem>>, vector<1x16xf32>,
    %get3A_25 = vector.shape_cast %get3A_24 : vector<1x16xf32> to vector<16xf32>
    %swap3A_26 = arith.constant 0 : i32
    %swap3A_27 = arith.index_cast %swap3A_26 : i32 to index
    %swap3A_28 = arith.constant 32 : index
    %swap3A_29 = tpu.vector_load %arg7[%swap3A_27, %swap3A_28] {strides = array<i32>} : memref<32x256xf32, #tpu.memory_space<vmem>>, vector<1x16xf32>,
    %swap3A_30 = vector.shape_cast %swap3A_29 : vector<1x16xf32> to vector<16xf32>
    %swap3A_31 = vector.shape_cast %get3A_25 : vector<16xf32> to vector<1x16xf32>
    tpu.vector_store %arg7[%swap3A_27, %swap3A_28], %swap3A_31 {strides = array<i32>} : memref<32x256xf32, #tpu.memory_space<vmem>>, vector<1x16xf32>,
    %get3A_32 = arith.constant 0 : i32
    %get3A_33 = arith.index_cast %get3A_32 : i32 to index
    %get3A_34 = arith.constant 48 : index
    %get3A_35 = tpu.vector_load %arg5[%get3A_33, %get3A_34] {strides = array<i32>} : memref<32x128xf32, #tpu.memory_space<vmem>>, vector<1x16xf32>,
    %get3A_36 = vector.shape_cast %get3A_35 : vector<1x16xf32> to vector<16xf32>
    %swap3A_37 = arith.constant 0 : i32
    %swap3A_38 = arith.index_cast %swap3A_37 : i32 to index
    %swap3A_39 = arith.constant 48 : index
    %swap3A_40 = tpu.vector_load %arg7[%swap3A_38, %swap3A_39] {strides = array<i32>} : memref<32x256xf32, #tpu.memory_space<vmem>>, vector<1x16xf32>,
    %swap3A_41 = vector.shape_cast %swap3A_40 : vector<1x16xf32> to vector<16xf32>
    %swap3A_42 = vector.shape_cast %get3A_36 : vector<16xf32> to vector<1x16xf32>
    tpu.vector_store %arg7[%swap3A_38, %swap3A_39], %swap3A_42 {strides = array<i32>} : memref<32x256xf32, #tpu.memory_space<vmem>>, vector<1x16xf32>,
    %get3A_43 = arith.constant 0 : i32
    %get3A_44 = arith.index_cast %get3A_43 : i32 to index
    %get3A_45 = arith.constant 64 : index
    %get3A_46 = tpu.vector_load %arg5[%get3A_44, %get3A_45] {strides = array<i32>} : memref<32x128xf32, #tpu.memory_space<vmem>>, vector<1x16xf32>,
    %get3A_47 = vector.shape_cast %get3A_46 : vector<1x16xf32> to vector<16xf32>
    %swap3A_48 = arith.constant 0 : i32
    %swap3A_49 = arith.index_cast %swap3A_48 : i32 to index
    %swap3A_50 = arith.constant 64 : index
    %swap3A_51 = tpu.vector_load %arg7[%swap3A_49, %swap3A_50] {strides = array<i32>} : memref<32x256xf32, #tpu.memory_space<vmem>>, vector<1x16xf32>,
    %swap3A_52 = vector.shape_cast %swap3A_51 : vector<1x16xf32> to vector<16xf32>
    %swap3A_53 = vector.shape_cast %get3A_47 : vector<16xf32> to vector<1x16xf32>
    tpu.vector_store %arg7[%swap3A_49, %swap3A_50], %swap3A_53 {strides = array<i32>} : memref<32x256xf32, #tpu.memory_space<vmem>>, vector<1x16xf32>,
    %get3A_54 = arith.constant 0 : i32
    %get3A_55 = arith.index_cast %get3A_54 : i32 to index
    %get3A_56 = arith.constant 80 : index
    %get3A_57 = tpu.vector_load %arg5[%get3A_55, %get3A_56] {strides = array<i32>} : memref<32x128xf32, #tpu.memory_space<vmem>>, vector<1x16xf32>,
    %get3A_58 = vector.shape_cast %get3A_57 : vector<1x16xf32> to vector<16xf32>
    %swap3A_59 = arith.constant 0 : i32
    %swap3A_60 = arith.index_cast %swap3A_59 : i32 to index
    %swap3A_61 = arith.constant 80 : index
    %swap3A_62 = tpu.vector_load %arg7[%swap3A_60, %swap3A_61] {strides = array<i32>} : memref<32x256xf32, #tpu.memory_space<vmem>>, vector<1x16xf32>,
    %swap3A_63 = vector.shape_cast %swap3A_62 : vector<1x16xf32> to vector<16xf32>
    %swap3A_64 = vector.shape_cast %get3A_58 : vector<16xf32> to vector<1x16xf32>
    tpu.vector_store %arg7[%swap3A_60, %swap3A_61], %swap3A_64 {strides = array<i32>} : memref<32x256xf32, #tpu.memory_space<vmem>>, vector<1x16xf32>,
    %get3A_65 = arith.constant 0 : i32
    %get3A_66 = arith.index_cast %get3A_65 : i32 to index
    %get3A_67 = arith.constant 96 : index
    %get3A_68 = tpu.vector_load %arg5[%get3A_66, %get3A_67] {strides = array<i32>} : memref<32x128xf32, #tpu.memory_space<vmem>>, vector<1x16xf32>,
    %get3A_69 = vector.shape_cast %get3A_68 : vector<1x16xf32> to vector<16xf32>
    %swap3A_70 = arith.constant 0 : i32
    %swap3A_71 = arith.index_cast %swap3A_70 : i32 to index
    %swap3A_72 = arith.constant 96 : index
    %swap3A_73 = tpu.vector_load %arg7[%swap3A_71, %swap3A_72] {strides = array<i32>} : memref<32x256xf32, #tpu.memory_space<vmem>>, vector<1x16xf32>,
    %swap3A_74 = vector.shape_cast %swap3A_73 : vector<1x16xf32> to vector<16xf32>
    %swap3A_75 = vector.shape_cast %get3A_69 : vector<16xf32> to vector<1x16xf32>
    tpu.vector_store %arg7[%swap3A_71, %swap3A_72], %swap3A_75 {strides = array<i32>} : memref<32x256xf32, #tpu.memory_space<vmem>>, vector<1x16xf32>,
    %get3A_76 = arith.constant 0 : i32
    %get3A_77 = arith.index_cast %get3A_76 : i32 to index
    %get3A_78 = arith.constant 112 : index
    %get3A_79 = tpu.vector_load %arg5[%get3A_77, %get3A_78] {strides = array<i32>} : memref<32x128xf32, #tpu.memory_space<vmem>>, vector<1x16xf32>,
    %get3A_80 = vector.shape_cast %get3A_79 : vector<1x16xf32> to vector<16xf32>
    %swap3A_81 = arith.constant 0 : i32
    %swap3A_82 = arith.index_cast %swap3A_81 : i32 to index
    %swap3A_83 = arith.constant 112 : index
    %swap3A_84 = tpu.vector_load %arg7[%swap3A_82, %swap3A_83] {strides = array<i32>} : memref<32x256xf32, #tpu.memory_space<vmem>>, vector<1x16xf32>,
    %swap3A_85 = vector.shape_cast %swap3A_84 : vector<1x16xf32> to vector<16xf32>
    %swap3A_86 = vector.shape_cast %get3A_80 : vector<16xf32> to vector<1x16xf32>
    tpu.vector_store %arg7[%swap3A_82, %swap3A_83], %swap3A_86 {strides = array<i32>} : memref<32x256xf32, #tpu.memory_space<vmem>>, vector<1x16xf32>,
    %get3A_87 = arith.constant 1 : i32
    %get3A_88 = arith.index_cast %get3A_87 : i32 to index
    %get3A_89 = arith.constant 0 : index
    %get3A_90 = tpu.vector_load %arg5[%get3A_88, %get3A_89] {strides = array<i32>} : memref<32x128xf32, #tpu.memory_space<vmem>>, vector<1x16xf32>,
    %get3A_91 = vector.shape_cast %get3A_90 : vector<1x16xf32> to vector<16xf32>
    %swap3A_92 = arith.constant 1 : i32
    %swap3A_93 = arith.index_cast %swap3A_92 : i32 to index
    %swap3A_94 = arith.constant 0 : index
    %swap3A_95 = tpu.vector_load %arg7[%swap3A_93, %swap3A_94] {strides = array<i32>} : memref<32x256xf32, #tpu.memory_space<vmem>>, vector<1x16xf32>,
    %swap3A_96 = vector.shape_cast %swap3A_95 : vector<1x16xf32> to vector<16xf32>
    %swap3A_97 = vector.shape_cast %get3A_91 : vector<16xf32> to vector<1x16xf32>
    tpu.vector_store %arg7[%swap3A_93, %swap3A_94], %swap3A_97 {strides = array<i32>} : memref<32x256xf32, #tpu.memory_space<vmem>>, vector<1x16xf32>,
    %get3A_98 = arith.constant 1 : i32
    %get3A_99 = arith.index_cast %get3A_98 : i32 to index
    %get3A_100 = arith.constant 16 : index
    %get3A_101 = tpu.vector_load %arg5[%get3A_99, %get3A_100] {strides = array<i32>} : memref<32x128xf32, #tpu.memory_space<vmem>>, vector<1x16xf32>,
    %get3A_102 = vector.shape_cast %get3A_101 : vector<1x16xf32> to vector<16xf32>
    %swap3A_103 = arith.constant 1 : i32
    %swap3A_104 = arith.index_cast %swap3A_103 : i32 to index
    %swap3A_105 = arith.constant 16 : index
    %swap3A_106 = tpu.vector_load %arg7[%swap3A_104, %swap3A_105] {strides = array<i32>} : memref<32x256xf32, #tpu.memory_space<vmem>>, vector<1x16xf32>,
    %swap3A_107 = vector.shape_cast %swap3A_106 : vector<1x16xf32> to vector<16xf32>
    %swap3A_108 = vector.shape_cast %get3A_102 : vector<16xf32> to vector<1x16xf32>
    tpu.vector_store %arg7[%swap3A_104, %swap3A_105], %swap3A_108 {strides = array<i32>} : memref<32x256xf32, #tpu.memory_space<vmem>>, vector<1x16xf32>,
    %get3A_109 = arith.constant 1 : i32
    %get3A_110 = arith.index_cast %get3A_109 : i32 to index
    %get3A_111 = arith.constant 32 : index
    %get3A_112 = tpu.vector_load %arg5[%get3A_110, %get3A_111] {strides = array<i32>} : memref<32x128xf32, #tpu.memory_space<vmem>>, vector<1x16xf32>,
    %get3A_113 = vector.shape_cast %get3A_112 : vector<1x16xf32> to vector<16xf32>
    %swap3A_114 = arith.constant 1 : i32
    %swap3A_115 = arith.index_cast %swap3A_114 : i32 to index
    %swap3A_116 = arith.constant 32 : index
    %swap3A_117 = tpu.vector_load %arg7[%swap3A_115, %swap3A_116] {strides = array<i32>} : memref<32x256xf32, #tpu.memory_space<vmem>>, vector<1x16xf32>,
    %swap3A_118 = vector.shape_cast %swap3A_117 : vector<1x16xf32> to vector<16xf32>
    %swap3A_119 = vector.shape_cast %get3A_113 : vector<16xf32> to vector<1x16xf32>
    tpu.vector_store %arg7[%swap3A_115, %swap3A_116], %swap3A_119 {strides = array<i32>} : memref<32x256xf32, #tpu.memory_space<vmem>>, vector<1x16xf32>,
    %get3A_120 = arith.constant 1 : i32
    %get3A_121 = arith.index_cast %get3A_120 : i32 to index
    %get3A_122 = arith.constant 48 : index
    %get3A_123 = tpu.vector_load %arg5[%get3A_121, %get3A_122] {strides = array<i32>} : memref<32x128xf32, #tpu.memory_space<vmem>>, vector<1x16xf32>,
    %get3A_124 = vector.shape_cast %get3A_123 : vector<1x16xf32> to vector<16xf32>
    %swap3A_125 = arith.constant 1 : i32
    %swap3A_126 = arith.index_cast %swap3A_125 : i32 to index
    %swap3A_127 = arith.constant 48 : index
    %swap3A_128 = tpu.vector_load %arg7[%swap3A_126, %swap3A_127] {strides = array<i32>} : memref<32x256xf32, #tpu.memory_space<vmem>>, vector<1x16xf32>,
    %swap3A_129 = vector.shape_cast %swap3A_128 : vector<1x16xf32> to vector<16xf32>
    %swap3A_130 = vector.shape_cast %get3A_124 : vector<16xf32> to vector<1x16xf32>
    tpu.vector_store %arg7[%swap3A_126, %swap3A_127], %swap3A_130 {strides = array<i32>} : memref<32x256xf32, #tpu.memory_space<vmem>>, vector<1x16xf32>,
    %get3A_131 = arith.constant 1 : i32
    %get3A_132 = arith.index_cast %get3A_131 : i32 to index
    %get3A_133 = arith.constant 64 : index
    %get3A_134 = tpu.vector_load %arg5[%get3A_132, %get3A_133] {strides = array<i32>} : memref<32x128xf32, #tpu.memory_space<vmem>>, vector<1x16xf32>,
    %get3A_135 = vector.shape_cast %get3A_134 : vector<1x16xf32> to vector<16xf32>
    %swap3A_136 = arith.constant 1 : i32
    %swap3A_137 = arith.index_cast %swap3A_136 : i32 to index
    %swap3A_138 = arith.constant 64 : index
    %swap3A_139 = tpu.vector_load %arg7[%swap3A_137, %swap3A_138] {strides = array<i32>} : memref<32x256xf32, #tpu.memory_space<vmem>>, vector<1x16xf32>,
    %swap3A_140 = vector.shape_cast %swap3A_139 : vector<1x16xf32> to vector<16xf32>
    %swap3A_141 = vector.shape_cast %get3A_135 : vector<16xf32> to vector<1x16xf32>
    tpu.vector_store %arg7[%swap3A_137, %swap3A_138], %swap3A_141 {strides = array<i32>} : memref<32x256xf32, #tpu.memory_space<vmem>>, vector<1x16xf32>,
    %get3A_142 = arith.constant 1 : i32
    %get3A_143 = arith.index_cast %get3A_142 : i32 to index
    %get3A_144 = arith.constant 80 : index
    %get3A_145 = tpu.vector_load %arg5[%get3A_143, %get3A_144] {strides = array<i32>} : memref<32x128xf32, #tpu.memory_space<vmem>>, vector<1x16xf32>,
    %get3A_146 = vector.shape_cast %get3A_145 : vector<1x16xf32> to vector<16xf32>
    %swap3A_147 = arith.constant 1 : i32
    %swap3A_148 = arith.index_cast %swap3A_147 : i32 to index
    %swap3A_149 = arith.constant 80 : index
    %swap3A_150 = tpu.vector_load %arg7[%swap3A_148, %swap3A_149] {strides = array<i32>} : memref<32x256xf32, #tpu.memory_space<vmem>>, vector<1x16xf32>,
    %swap3A_151 = vector.shape_cast %swap3A_150 : vector<1x16xf32> to vector<16xf32>
    %swap3A_152 = vector.shape_cast %get3A_146 : vector<16xf32> to vector<1x16xf32>
    tpu.vector_store %arg7[%swap3A_148, %swap3A_149], %swap3A_152 {strides = array<i32>} : memref<32x256xf32, #tpu.memory_space<vmem>>, vector<1x16xf32>,
    %get3A_153 = arith.constant 1 : i32
    %get3A_154 = arith.index_cast %get3A_153 : i32 to index
    %get3A_155 = arith.constant 96 : index
    %get3A_156 = tpu.vector_load %arg5[%get3A_154, %get3A_155] {strides = array<i32>} : memref<32x128xf32, #tpu.memory_space<vmem>>, vector<1x16xf32>,
    %get3A_157 = vector.shape_cast %get3A_156 : vector<1x16xf32> to vector<16xf32>
    %swap3A_158 = arith.constant 1 : i32
    %swap3A_159 = arith.index_cast %swap3A_158 : i32 to index
    %swap3A_160 = arith.constant 96 : index
    %swap3A_161 = tpu.vector_load %arg7[%swap3A_159, %swap3A_160] {strides = array<i32>} : memref<32x256xf32, #tpu.memory_space<vmem>>, vector<1x16xf32>,
    %swap3A_162 = vector.shape_cast %swap3A_161 : vector<1x16xf32> to vector<16xf32>
    %swap3A_163 = vector.shape_cast %get3A_157 : vector<16xf32> to vector<1x16xf32>
    tpu.vector_store %arg7[%swap3A_159, %swap3A_160], %swap3A_163 {strides = array<i32>} : memref<32x256xf32, #tpu.memory_space<vmem>>, vector<1x16xf32>,
    %get3A_164 = arith.constant 1 : i32
    %get3A_165 = arith.index_cast %get3A_164 : i32 to index
    %get3A_166 = arith.constant 112 : index
    %get3A_167 = tpu.vector_load %arg5[%get3A_165, %get3A_166] {strides = array<i32>} : memref<32x128xf32, #tpu.memory_space<vmem>>, vector<1x16xf32>,
    %get3A_168 = vector.shape_cast %get3A_167 : vector<1x16xf32> to vector<16xf32>
    %swap3A_169 = arith.constant 1 : i32
    %swap3A_170 = arith.index_cast %swap3A_169 : i32 to index
    %swap3A_171 = arith.constant 112 : index
    %swap3A_172 = tpu.vector_load %arg7[%swap3A_170, %swap3A_171] {strides = array<i32>} : memref<32x256xf32, #tpu.memory_space<vmem>>, vector<1x16xf32>,
    %swap3A_173 = vector.shape_cast %swap3A_172 : vector<1x16xf32> to vector<16xf32>
    %swap3A_174 = vector.shape_cast %get3A_168 : vector<16xf32> to vector<1x16xf32>
    tpu.vector_store %arg7[%swap3A_170, %swap3A_171], %swap3A_174 {strides = array<i32>} : memref<32x256xf32, #tpu.memory_space<vmem>>, vector<1x16xf32>,
    %get3A_175 = arith.constant 2 : i32
    %get3A_176 = arith.index_cast %get3A_175 : i32 to index
    %get3A_177 = arith.constant 0 : index
    %get3A_178 = tpu.vector_load %arg5[%get3A_176, %get3A_177] {strides = array<i32>} : memref<32x128xf32, #tpu.memory_space<vmem>>, vector<1x16xf32>,
    %get3A_179 = vector.shape_cast %get3A_178 : vector<1x16xf32> to vector<16xf32>
    %swap3A_180 = arith.constant 2 : i32
    %swap3A_181 = arith.index_cast %swap3A_180 : i32 to index
    %swap3A_182 = arith.constant 0 : index
    %swap3A_183 = tpu.vector_load %arg7[%swap3A_181, %swap3A_182] {strides = array<i32>} : memref<32x256xf32, #tpu.memory_space<vmem>>, vector<1x16xf32>,
    %swap3A_184 = vector.shape_cast %swap3A_183 : vector<1x16xf32> to vector<16xf32>
    %swap3A_185 = vector.shape_cast %get3A_179 : vector<16xf32> to vector<1x16xf32>
    tpu.vector_store %arg7[%swap3A_181, %swap3A_182], %swap3A_185 {strides = array<i32>} : memref<32x256xf32, #tpu.memory_space<vmem>>, vector<1x16xf32>,
    %get3A_186 = arith.constant 2 : i32
    %get3A_187 = arith.index_cast %get3A_186 : i32 to index
    %get3A_188 = arith.constant 16 : index
    %get3A_189 = tpu.vector_load %arg5[%get3A_187, %get3A_188] {strides = array<i32>} : memref<32x128xf32, #tpu.memory_space<vmem>>, vector<1x16xf32>,
    %get3A_190 = vector.shape_cast %get3A_189 : vector<1x16xf32> to vector<16xf32>
    %swap3A_191 = arith.constant 2 : i32
    %swap3A_192 = arith.index_cast %swap3A_191 : i32 to index
    %swap3A_193 = arith.constant 16 : index
    %swap3A_194 = tpu.vector_load %arg7[%swap3A_192, %swap3A_193] {strides = array<i32>} : memref<32x256xf32, #tpu.memory_space<vmem>>, vector<1x16xf32>,
    %swap3A_195 = vector.shape_cast %swap3A_194 : vector<1x16xf32> to vector<16xf32>
    %swap3A_196 = vector.shape_cast %get3A_190 : vector<16xf32> to vector<1x16xf32>
    tpu.vector_store %arg7[%swap3A_192, %swap3A_193], %swap3A_196 {strides = array<i32>} : memref<32x256xf32, #tpu.memory_space<vmem>>, vector<1x16xf32>,
    %get3A_197 = arith.constant 2 : i32
    %get3A_198 = arith.index_cast %get3A_197 : i32 to index
    %get3A_199 = arith.constant 32 : index
    %get3A_200 = tpu.vector_load %arg5[%get3A_198, %get3A_199] {strides = array<i32>} : memref<32x128xf32, #tpu.memory_space<vmem>>, vector<1x16xf32>,
    %get3A_201 = vector.shape_cast %get3A_200 : vector<1x16xf32> to vector<16xf32>
    %swap3A_202 = arith.constant 2 : i32
    %swap3A_203 = arith.index_cast %swap3A_202 : i32 to index
    %swap3A_204 = arith.constant 32 : index
    %swap3A_205 = tpu.vector_load %arg7[%swap3A_203, %swap3A_204] {strides = array<i32>} : memref<32x256xf32, #tpu.memory_space<vmem>>, vector<1x16xf32>,
    %swap3A_206 = vector.shape_cast %swap3A_205 : vector<1x16xf32> to vector<16xf32>
    %swap3A_207 = vector.shape_cast %get3A_201 : vector<16xf32> to vector<1x16xf32>
    tpu.vector_store %arg7[%swap3A_203, %swap3A_204], %swap3A_207 {strides = array<i32>} : memref<32x256xf32, #tpu.memory_space<vmem>>, vector<1x16xf32>,
    %get3A_208 = arith.constant 2 : i32
    %get3A_209 = arith.index_cast %get3A_208 : i32 to index
    %get3A_210 = arith.constant 48 : index
    %get3A_211 = tpu.vector_load %arg5[%get3A_209, %get3A_210] {strides = array<i32>} : memref<32x128xf32, #tpu.memory_space<vmem>>, vector<1x16xf32>,
    %get3A_212 = vector.shape_cast %get3A_211 : vector<1x16xf32> to vector<16xf32>
    %swap3A_213 = arith.constant 2 : i32
    %swap3A_214 = arith.index_cast %swap3A_213 : i32 to index
    %swap3A_215 = arith.constant 48 : index
    %swap3A_216 = tpu.vector_load %arg7[%swap3A_214, %swap3A_215] {strides = array<i32>} : memref<32x256xf32, #tpu.memory_space<vmem>>, vector<1x16xf32>,
    %swap3A_217 = vector.shape_cast %swap3A_216 : vector<1x16xf32> to vector<16xf32>
    %swap3A_218 = vector.shape_cast %get3A_212 : vector<16xf32> to vector<1x16xf32>
    tpu.vector_store %arg7[%swap3A_214, %swap3A_215], %swap3A_218 {strides = array<i32>} : memref<32x256xf32, #tpu.memory_space<vmem>>, vector<1x16xf32>,
    %get3A_219 = arith.constant 2 : i32
    %get3A_220 = arith.index_cast %get3A_219 : i32 to index
    %get3A_221 = arith.constant 64 : index
    %get3A_222 = tpu.vector_load %arg5[%get3A_220, %get3A_221] {strides = array<i32>} : memref<32x128xf32, #tpu.memory_space<vmem>>, vector<1x16xf32>,
    %get3A_223 = vector.shape_cast %get3A_222 : vector<1x16xf32> to vector<16xf32>
    %swap3A_224 = arith.constant 2 : i32
    %swap3A_225 = arith.index_cast %swap3A_224 : i32 to index
    %swap3A_226 = arith.constant 64 : index
    %swap3A_227 = tpu.vector_load %arg7[%swap3A_225, %swap3A_226] {strides = array<i32>} : memref<32x256xf32, #tpu.memory_space<vmem>>, vector<1x16xf32>,
    %swap3A_228 = vector.shape_cast %swap3A_227 : vector<1x16xf32> to vector<16xf32>
    %swap3A_229 = vector.shape_cast %get3A_223 : vector<16xf32> to vector<1x16xf32>
    tpu.vector_store %arg7[%swap3A_225, %swap3A_226], %swap3A_229 {strides = array<i32>} : memref<32x256xf32, #tpu.memory_space<vmem>>, vector<1x16xf32>,
    %get3A_230 = arith.constant 2 : i32
    %get3A_231 = arith.index_cast %get3A_230 : i32 to index
    %get3A_232 = arith.constant 80 : index
    %get3A_233 = tpu.vector_load %arg5[%get3A_231, %get3A_232] {strides = array<i32>} : memref<32x128xf32, #tpu.memory_space<vmem>>, vector<1x16xf32>,
    %get3A_234 = vector.shape_cast %get3A_233 : vector<1x16xf32> to vector<16xf32>
    %swap3A_235 = arith.constant 2 : i32
    %swap3A_236 = arith.index_cast %swap3A_235 : i32 to index
    %swap3A_237 = arith.constant 80 : index
    %swap3A_238 = tpu.vector_load %arg7[%swap3A_236, %swap3A_237] {strides = array<i32>} : memref<32x256xf32, #tpu.memory_space<vmem>>, vector<1x16xf32>,
    %swap3A_239 = vector.shape_cast %swap3A_238 : vector<1x16xf32> to vector<16xf32>
    %swap3A_240 = vector.shape_cast %get3A_234 : vector<16xf32> to vector<1x16xf32>
    tpu.vector_store %arg7[%swap3A_236, %swap3A_237], %swap3A_240 {strides = array<i32>} : memref<32x256xf32, #tpu.memory_space<vmem>>, vector<1x16xf32>,
    %get3A_241 = arith.constant 2 : i32
    %get3A_242 = arith.index_cast %get3A_241 : i32 to index
    %get3A_243 = arith.constant 96 : index
    %get3A_244 = tpu.vector_load %arg5[%get3A_242, %get3A_243] {strides = array<i32>} : memref<32x128xf32, #tpu.memory_space<vmem>>, vector<1x16xf32>,
    %get3A_245 = vector.shape_cast %get3A_244 : vector<1x16xf32> to vector<16xf32>
    %swap3A_246 = arith.constant 2 : i32
    %swap3A_247 = arith.index_cast %swap3A_246 : i32 to index
    %swap3A_248 = arith.constant 96 : index
    %swap3A_249 = tpu.vector_load %arg7[%swap3A_247, %swap3A_248] {strides = array<i32>} : memref<32x256xf32, #tpu.memory_space<vmem>>, vector<1x16xf32>,
    %swap3A_250 = vector.shape_cast %swap3A_249 : vector<1x16xf32> to vector<16xf32>
    %swap3A_251 = vector.shape_cast %get3A_245 : vector<16xf32> to vector<1x16xf32>
    tpu.vector_store %arg7[%swap3A_247, %swap3A_248], %swap3A_251 {strides = array<i32>} : memref<32x256xf32, #tpu.memory_space<vmem>>, vector<1x16xf32>,
    %get3A_252 = arith.constant 2 : i32
    %get3A_253 = arith.index_cast %get3A_252 : i32 to index
    %get3A_254 = arith.constant 112 : index
    %get3A_255 = tpu.vector_load %arg5[%get3A_253, %get3A_254] {strides = array<i32>} : memref<32x128xf32, #tpu.memory_space<vmem>>, vector<1x16xf32>,
    %get3A_256 = vector.shape_cast %get3A_255 : vector<1x16xf32> to vector<16xf32>
    %swap3A_257 = arith.constant 2 : i32
    %swap3A_258 = arith.index_cast %swap3A_257 : i32 to index
    %swap3A_259 = arith.constant 112 : index
    %swap3A_260 = tpu.vector_load %arg7[%swap3A_258, %swap3A_259] {strides = array<i32>} : memref<32x256xf32, #tpu.memory_space<vmem>>, vector<1x16xf32>,
    %swap3A_261 = vector.shape_cast %swap3A_260 : vector<1x16xf32> to vector<16xf32>
    %swap3A_262 = vector.shape_cast %get3A_256 : vector<16xf32> to vector<1x16xf32>
    tpu.vector_store %arg7[%swap3A_258, %swap3A_259], %swap3A_262 {strides = array<i32>} : memref<32x256xf32, #tpu.memory_space<vmem>>, vector<1x16xf32>,
    %get3A_263 = arith.constant 3 : i32
    %get3A_264 = arith.index_cast %get3A_263 : i32 to index
    %get3A_265 = arith.constant 0 : index
    %get3A_266 = tpu.vector_load %arg5[%get3A_264, %get3A_265] {strides = array<i32>} : memref<32x128xf32, #tpu.memory_space<vmem>>, vector<1x16xf32>,
    %get3A_267 = vector.shape_cast %get3A_266 : vector<1x16xf32> to vector<16xf32>
    %swap3A_268 = arith.constant 3 : i32
    %swap3A_269 = arith.index_cast %swap3A_268 : i32 to index
    %swap3A_270 = arith.constant 0 : index
    %swap3A_271 = tpu.vector_load %arg7[%swap3A_269, %swap3A_270] {strides = array<i32>} : memref<32x256xf32, #tpu.memory_space<vmem>>, vector<1x16xf32>,
    %swap3A_272 = vector.shape_cast %swap3A_271 : vector<1x16xf32> to vector<16xf32>
    %swap3A_273 = vector.shape_cast %get3A_267 : vector<16xf32> to vector<1x16xf32>
    tpu.vector_store %arg7[%swap3A_269, %swap3A_270], %swap3A_273 {strides = array<i32>} : memref<32x256xf32, #tpu.memory_space<vmem>>, vector<1x16xf32>,
    %get3A_274 = arith.constant 3 : i32
    %get3A_275 = arith.index_cast %get3A_274 : i32 to index
    %get3A_276 = arith.constant 16 : index
    %get3A_277 = tpu.vector_load %arg5[%get3A_275, %get3A_276] {strides = array<i32>} : memref<32x128xf32, #tpu.memory_space<vmem>>, vector<1x16xf32>,
    %get3A_278 = vector.shape_cast %get3A_277 : vector<1x16xf32> to vector<16xf32>
    %swap3A_279 = arith.constant 3 : i32
    %swap3A_280 = arith.index_cast %swap3A_279 : i32 to index
    %swap3A_281 = arith.constant 16 : index
    %swap3A_282 = tpu.vector_load %arg7[%swap3A_280, %swap3A_281] {strides = array<i32>} : memref<32x256xf32, #tpu.memory_space<vmem>>, vector<1x16xf32>,
    %swap3A_283 = vector.shape_cast %swap3A_282 : vector<1x16xf32> to vector<16xf32>
    %swap3A_284 = vector.shape_cast %get3A_278 : vector<16xf32> to vector<1x16xf32>
    tpu.vector_store %arg7[%swap3A_280, %swap3A_281], %swap3A_284 {strides = array<i32>} : memref<32x256xf32, #tpu.memory_space<vmem>>, vector<1x16xf32>,
    %get3A_285 = arith.constant 3 : i32
    %get3A_286 = arith.index_cast %get3A_285 : i32 to index
    %get3A_287 = arith.constant 32 : index
    %get3A_288 = tpu.vector_load %arg5[%get3A_286, %get3A_287] {strides = array<i32>} : memref<32x128xf32, #tpu.memory_space<vmem>>, vector<1x16xf32>,
    %get3A_289 = vector.shape_cast %get3A_288 : vector<1x16xf32> to vector<16xf32>
    %swap3A_290 = arith.constant 3 : i32
    %swap3A_291 = arith.index_cast %swap3A_290 : i32 to index
    %swap3A_292 = arith.constant 32 : index
    %swap3A_293 = tpu.vector_load %arg7[%swap3A_291, %swap3A_292] {strides = array<i32>} : memref<32x256xf32, #tpu.memory_space<vmem>>, vector<1x16xf32>,
    %swap3A_294 = vector.shape_cast %swap3A_293 : vector<1x16xf32> to vector<16xf32>
    %swap3A_295 = vector.shape_cast %get3A_289 : vector<16xf32> to vector<1x16xf32>
    tpu.vector_store %arg7[%swap3A_291, %swap3A_292], %swap3A_295 {strides = array<i32>} : memref<32x256xf32, #tpu.memory_space<vmem>>, vector<1x16xf32>,
    %get3A_296 = arith.constant 3 : i32
    %get3A_297 = arith.index_cast %get3A_296 : i32 to index
    %get3A_298 = arith.constant 48 : index
    %get3A_299 = tpu.vector_load %arg5[%get3A_297, %get3A_298] {strides = array<i32>} : memref<32x128xf32, #tpu.memory_space<vmem>>, vector<1x16xf32>,
    %get3A_300 = vector.shape_cast %get3A_299 : vector<1x16xf32> to vector<16xf32>
    %swap3A_301 = arith.constant 3 : i32
    %swap3A_302 = arith.index_cast %swap3A_301 : i32 to index
    %swap3A_303 = arith.constant 48 : index
    %swap3A_304 = tpu.vector_load %arg7[%swap3A_302, %swap3A_303] {strides = array<i32>} : memref<32x256xf32, #tpu.memory_space<vmem>>, vector<1x16xf32>,
    %swap3A_305 = vector.shape_cast %swap3A_304 : vector<1x16xf32> to vector<16xf32>
    %swap3A_306 = vector.shape_cast %get3A_300 : vector<16xf32> to vector<1x16xf32>
    tpu.vector_store %arg7[%swap3A_302, %swap3A_303], %swap3A_306 {strides = array<i32>} : memref<32x256xf32, #tpu.memory_space<vmem>>, vector<1x16xf32>,
    %get3A_307 = arith.constant 3 : i32
    %get3A_308 = arith.index_cast %get3A_307 : i32 to index
    %get3A_309 = arith.constant 64 : index
    %get3A_310 = tpu.vector_load %arg5[%get3A_308, %get3A_309] {strides = array<i32>} : memref<32x128xf32, #tpu.memory_space<vmem>>, vector<1x16xf32>,
    %get3A_311 = vector.shape_cast %get3A_310 : vector<1x16xf32> to vector<16xf32>
    %swap3A_312 = arith.constant 3 : i32
    %swap3A_313 = arith.index_cast %swap3A_312 : i32 to index
    %swap3A_314 = arith.constant 64 : index
    %swap3A_315 = tpu.vector_load %arg7[%swap3A_313, %swap3A_314] {strides = array<i32>} : memref<32x256xf32, #tpu.memory_space<vmem>>, vector<1x16xf32>,
    %swap3A_316 = vector.shape_cast %swap3A_315 : vector<1x16xf32> to vector<16xf32>
    %swap3A_317 = vector.shape_cast %get3A_311 : vector<16xf32> to vector<1x16xf32>
    tpu.vector_store %arg7[%swap3A_313, %swap3A_314], %swap3A_317 {strides = array<i32>} : memref<32x256xf32, #tpu.memory_space<vmem>>, vector<1x16xf32>,
    %get3A_318 = arith.constant 3 : i32
    %get3A_319 = arith.index_cast %get3A_318 : i32 to index
    %get3A_320 = arith.constant 80 : index
    %get3A_321 = tpu.vector_load %arg5[%get3A_319, %get3A_320] {strides = array<i32>} : memref<32x128xf32, #tpu.memory_space<vmem>>, vector<1x16xf32>,
    %get3A_322 = vector.shape_cast %get3A_321 : vector<1x16xf32> to vector<16xf32>
    %swap3A_323 = arith.constant 3 : i32
    %swap3A_324 = arith.index_cast %swap3A_323 : i32 to index
    %swap3A_325 = arith.constant 80 : index
    %swap3A_326 = tpu.vector_load %arg7[%swap3A_324, %swap3A_325] {strides = array<i32>} : memref<32x256xf32, #tpu.memory_space<vmem>>, vector<1x16xf32>,
    %swap3A_327 = vector.shape_cast %swap3A_326 : vector<1x16xf32> to vector<16xf32>
    %swap3A_328 = vector.shape_cast %get3A_322 : vector<16xf32> to vector<1x16xf32>
    tpu.vector_store %arg7[%swap3A_324, %swap3A_325], %swap3A_328 {strides = array<i32>} : memref<32x256xf32, #tpu.memory_space<vmem>>, vector<1x16xf32>,
    %get3A_329 = arith.constant 3 : i32
    %get3A_330 = arith.index_cast %get3A_329 : i32 to index
    %get3A_331 = arith.constant 96 : index
    %get3A_332 = tpu.vector_load %arg5[%get3A_330, %get3A_331] {strides = array<i32>} : memref<32x128xf32, #tpu.memory_space<vmem>>, vector<1x16xf32>,
    %get3A_333 = vector.shape_cast %get3A_332 : vector<1x16xf32> to vector<16xf32>
    %swap3A_334 = arith.constant 3 : i32
    %swap3A_335 = arith.index_cast %swap3A_334 : i32 to index
    %swap3A_336 = arith.constant 96 : index
    %swap3A_337 = tpu.vector_load %arg7[%swap3A_335, %swap3A_336] {strides = array<i32>} : memref<32x256xf32, #tpu.memory_space<vmem>>, vector<1x16xf32>,
    %swap3A_338 = vector.shape_cast %swap3A_337 : vector<1x16xf32> to vector<16xf32>
    %swap3A_339 = vector.shape_cast %get3A_333 : vector<16xf32> to vector<1x16xf32>
    tpu.vector_store %arg7[%swap3A_335, %swap3A_336], %swap3A_339 {strides = array<i32>} : memref<32x256xf32, #tpu.memory_space<vmem>>, vector<1x16xf32>,
    %get3A_340 = arith.constant 3 : i32
    %get3A_341 = arith.index_cast %get3A_340 : i32 to index
    %get3A_342 = arith.constant 112 : index
    %get3A_343 = tpu.vector_load %arg5[%get3A_341, %get3A_342] {strides = array<i32>} : memref<32x128xf32, #tpu.memory_space<vmem>>, vector<1x16xf32>,
    %get3A_344 = vector.shape_cast %get3A_343 : vector<1x16xf32> to vector<16xf32>
    %swap3A_345 = arith.constant 3 : i32
    %swap3A_346 = arith.index_cast %swap3A_345 : i32 to index
    %swap3A_347 = arith.constant 112 : index
    %swap3A_348 = tpu.vector_load %arg7[%swap3A_346, %swap3A_347] {strides = array<i32>} : memref<32x256xf32, #tpu.memory_space<vmem>>, vector<1x16xf32>,
    %swap3A_349 = vector.shape_cast %swap3A_348 : vector<1x16xf32> to vector<16xf32>
    %swap3A_350 = vector.shape_cast %get3A_344 : vector<16xf32> to vector<1x16xf32>
    tpu.vector_store %arg7[%swap3A_346, %swap3A_347], %swap3A_350 {strides = array<i32>} : memref<32x256xf32, #tpu.memory_space<vmem>>, vector<1x16xf32>,
    %get3A_351 = arith.constant 4 : i32
    %get3A_352 = arith.index_cast %get3A_351 : i32 to index
    %get3A_353 = arith.constant 0 : index
    %get3A_354 = tpu.vector_load %arg5[%get3A_352, %get3A_353] {strides = array<i32>} : memref<32x128xf32, #tpu.memory_space<vmem>>, vector<1x16xf32>,
    %get3A_355 = vector.shape_cast %get3A_354 : vector<1x16xf32> to vector<16xf32>
    %swap3A_356 = arith.constant 4 : i32
    %swap3A_357 = arith.index_cast %swap3A_356 : i32 to index
    %swap3A_358 = arith.constant 0 : index
    %swap3A_359 = tpu.vector_load %arg7[%swap3A_357, %swap3A_358] {strides = array<i32>} : memref<32x256xf32, #tpu.memory_space<vmem>>, vector<1x16xf32>,
    %swap3A_360 = vector.shape_cast %swap3A_359 : vector<1x16xf32> to vector<16xf32>
    %swap3A_361 = vector.shape_cast %get3A_355 : vector<16xf32> to vector<1x16xf32>
    tpu.vector_store %arg7[%swap3A_357, %swap3A_358], %swap3A_361 {strides = array<i32>} : memref<32x256xf32, #tpu.memory_space<vmem>>, vector<1x16xf32>,
    %get3A_362 = arith.constant 4 : i32
    %get3A_363 = arith.index_cast %get3A_362 : i32 to index
    %get3A_364 = arith.constant 16 : index
    %get3A_365 = tpu.vector_load %arg5[%get3A_363, %get3A_364] {strides = array<i32>} : memref<32x128xf32, #tpu.memory_space<vmem>>, vector<1x16xf32>,
    %get3A_366 = vector.shape_cast %get3A_365 : vector<1x16xf32> to vector<16xf32>
    %swap3A_367 = arith.constant 4 : i32
    %swap3A_368 = arith.index_cast %swap3A_367 : i32 to index
    %swap3A_369 = arith.constant 16 : index
    %swap3A_370 = tpu.vector_load %arg7[%swap3A_368, %swap3A_369] {strides = array<i32>} : memref<32x256xf32, #tpu.memory_space<vmem>>, vector<1x16xf32>,
    %swap3A_371 = vector.shape_cast %swap3A_370 : vector<1x16xf32> to vector<16xf32>
    %swap3A_372 = vector.shape_cast %get3A_366 : vector<16xf32> to vector<1x16xf32>
    tpu.vector_store %arg7[%swap3A_368, %swap3A_369], %swap3A_372 {strides = array<i32>} : memref<32x256xf32, #tpu.memory_space<vmem>>, vector<1x16xf32>,
    %get3A_373 = arith.constant 4 : i32
    %get3A_374 = arith.index_cast %get3A_373 : i32 to index
    %get3A_375 = arith.constant 32 : index
    %get3A_376 = tpu.vector_load %arg5[%get3A_374, %get3A_375] {strides = array<i32>} : memref<32x128xf32, #tpu.memory_space<vmem>>, vector<1x16xf32>,
    %get3A_377 = vector.shape_cast %get3A_376 : vector<1x16xf32> to vector<16xf32>
    %swap3A_378 = arith.constant 4 : i32
    %swap3A_379 = arith.index_cast %swap3A_378 : i32 to index
    %swap3A_380 = arith.constant 32 : index
    %swap3A_381 = tpu.vector_load %arg7[%swap3A_379, %swap3A_380] {strides = array<i32>} : memref<32x256xf32, #tpu.memory_space<vmem>>, vector<1x16xf32>,
    %swap3A_382 = vector.shape_cast %swap3A_381 : vector<1x16xf32> to vector<16xf32>
    %swap3A_383 = vector.shape_cast %get3A_377 : vector<16xf32> to vector<1x16xf32>
    tpu.vector_store %arg7[%swap3A_379, %swap3A_380], %swap3A_383 {strides = array<i32>} : memref<32x256xf32, #tpu.memory_space<vmem>>, vector<1x16xf32>,
    %get3A_384 = arith.constant 4 : i32
    %get3A_385 = arith.index_cast %get3A_384 : i32 to index
    %get3A_386 = arith.constant 48 : index
    %get3A_387 = tpu.vector_load %arg5[%get3A_385, %get3A_386] {strides = array<i32>} : memref<32x128xf32, #tpu.memory_space<vmem>>, vector<1x16xf32>,
    %get3A_388 = vector.shape_cast %get3A_387 : vector<1x16xf32> to vector<16xf32>
    %swap3A_389 = arith.constant 4 : i32
    %swap3A_390 = arith.index_cast %swap3A_389 : i32 to index
    %swap3A_391 = arith.constant 48 : index
    %swap3A_392 = tpu.vector_load %arg7[%swap3A_390, %swap3A_391] {strides = array<i32>} : memref<32x256xf32, #tpu.memory_space<vmem>>, vector<1x16xf32>,
    %swap3A_393 = vector.shape_cast %swap3A_392 : vector<1x16xf32> to vector<16xf32>
    %swap3A_394 = vector.shape_cast %get3A_388 : vector<16xf32> to vector<1x16xf32>
    tpu.vector_store %arg7[%swap3A_390, %swap3A_391], %swap3A_394 {strides = array<i32>} : memref<32x256xf32, #tpu.memory_space<vmem>>, vector<1x16xf32>,
    %get3A_395 = arith.constant 4 : i32
    %get3A_396 = arith.index_cast %get3A_395 : i32 to index
    %get3A_397 = arith.constant 64 : index
    %get3A_398 = tpu.vector_load %arg5[%get3A_396, %get3A_397] {strides = array<i32>} : memref<32x128xf32, #tpu.memory_space<vmem>>, vector<1x16xf32>,
    %get3A_399 = vector.shape_cast %get3A_398 : vector<1x16xf32> to vector<16xf32>
    %swap3A_400 = arith.constant 4 : i32
    %swap3A_401 = arith.index_cast %swap3A_400 : i32 to index
    %swap3A_402 = arith.constant 64 : index
    %swap3A_403 = tpu.vector_load %arg7[%swap3A_401, %swap3A_402] {strides = array<i32>} : memref<32x256xf32, #tpu.memory_space<vmem>>, vector<1x16xf32>,
    %swap3A_404 = vector.shape_cast %swap3A_403 : vector<1x16xf32> to vector<16xf32>
    %swap3A_405 = vector.shape_cast %get3A_399 : vector<16xf32> to vector<1x16xf32>
    tpu.vector_store %arg7[%swap3A_401, %swap3A_402], %swap3A_405 {strides = array<i32>} : memref<32x256xf32, #tpu.memory_space<vmem>>, vector<1x16xf32>,
    %get3A_406 = arith.constant 4 : i32
    %get3A_407 = arith.index_cast %get3A_406 : i32 to index
    %get3A_408 = arith.constant 80 : index
    %get3A_409 = tpu.vector_load %arg5[%get3A_407, %get3A_408] {strides = array<i32>} : memref<32x128xf32, #tpu.memory_space<vmem>>, vector<1x16xf32>,
    %get3A_410 = vector.shape_cast %get3A_409 : vector<1x16xf32> to vector<16xf32>
    %swap3A_411 = arith.constant 4 : i32
    %swap3A_412 = arith.index_cast %swap3A_411 : i32 to index
    %swap3A_413 = arith.constant 80 : index
    %swap3A_414 = tpu.vector_load %arg7[%swap3A_412, %swap3A_413] {strides = array<i32>} : memref<32x256xf32, #tpu.memory_space<vmem>>, vector<1x16xf32>,
    %swap3A_415 = vector.shape_cast %swap3A_414 : vector<1x16xf32> to vector<16xf32>
    %swap3A_416 = vector.shape_cast %get3A_410 : vector<16xf32> to vector<1x16xf32>
    tpu.vector_store %arg7[%swap3A_412, %swap3A_413], %swap3A_416 {strides = array<i32>} : memref<32x256xf32, #tpu.memory_space<vmem>>, vector<1x16xf32>,
    %get3A_417 = arith.constant 4 : i32
    %get3A_418 = arith.index_cast %get3A_417 : i32 to index
    %get3A_419 = arith.constant 96 : index
    %get3A_420 = tpu.vector_load %arg5[%get3A_418, %get3A_419] {strides = array<i32>} : memref<32x128xf32, #tpu.memory_space<vmem>>, vector<1x16xf32>,
    %get3A_421 = vector.shape_cast %get3A_420 : vector<1x16xf32> to vector<16xf32>
    %swap3A_422 = arith.constant 4 : i32
    %swap3A_423 = arith.index_cast %swap3A_422 : i32 to index
    %swap3A_424 = arith.constant 96 : index
    %swap3A_425 = tpu.vector_load %arg7[%swap3A_423, %swap3A_424] {strides = array<i32>} : memref<32x256xf32, #tpu.memory_space<vmem>>, vector<1x16xf32>,
    %swap3A_426 = vector.shape_cast %swap3A_425 : vector<1x16xf32> to vector<16xf32>
    %swap3A_427 = vector.shape_cast %get3A_421 : vector<16xf32> to vector<1x16xf32>
    tpu.vector_store %arg7[%swap3A_423, %swap3A_424], %swap3A_427 {strides = array<i32>} : memref<32x256xf32, #tpu.memory_space<vmem>>, vector<1x16xf32>,
    %get3A_428 = arith.constant 4 : i32
    %get3A_429 = arith.index_cast %get3A_428 : i32 to index
    %get3A_430 = arith.constant 112 : index
    %get3A_431 = tpu.vector_load %arg5[%get3A_429, %get3A_430] {strides = array<i32>} : memref<32x128xf32, #tpu.memory_space<vmem>>, vector<1x16xf32>,
    %get3A_432 = vector.shape_cast %get3A_431 : vector<1x16xf32> to vector<16xf32>
    %swap3A_433 = arith.constant 4 : i32
    %swap3A_434 = arith.index_cast %swap3A_433 : i32 to index
    %swap3A_435 = arith.constant 112 : index
    %swap3A_436 = tpu.vector_load %arg7[%swap3A_434, %swap3A_435] {strides = array<i32>} : memref<32x256xf32, #tpu.memory_space<vmem>>, vector<1x16xf32>,
    %swap3A_437 = vector.shape_cast %swap3A_436 : vector<1x16xf32> to vector<16xf32>
    %swap3A_438 = vector.shape_cast %get3A_432 : vector<16xf32> to vector<1x16xf32>
    tpu.vector_store %arg7[%swap3A_434, %swap3A_435], %swap3A_438 {strides = array<i32>} : memref<32x256xf32, #tpu.memory_space<vmem>>, vector<1x16xf32>,
    %get3A_439 = arith.constant 5 : i32
    %get3A_440 = arith.index_cast %get3A_439 : i32 to index
    %get3A_441 = arith.constant 0 : index
    %get3A_442 = tpu.vector_load %arg5[%get3A_440, %get3A_441] {strides = array<i32>} : memref<32x128xf32, #tpu.memory_space<vmem>>, vector<1x16xf32>,
    %get3A_443 = vector.shape_cast %get3A_442 : vector<1x16xf32> to vector<16xf32>
    %swap3A_444 = arith.constant 5 : i32
    %swap3A_445 = arith.index_cast %swap3A_444 : i32 to index
    %swap3A_446 = arith.constant 0 : index
    %swap3A_447 = tpu.vector_load %arg7[%swap3A_445, %swap3A_446] {strides = array<i32>} : memref<32x256xf32, #tpu.memory_space<vmem>>, vector<1x16xf32>,
    %swap3A_448 = vector.shape_cast %swap3A_447 : vector<1x16xf32> to vector<16xf32>
    %swap3A_449 = vector.shape_cast %get3A_443 : vector<16xf32> to vector<1x16xf32>
    tpu.vector_store %arg7[%swap3A_445, %swap3A_446], %swap3A_449 {strides = array<i32>} : memref<32x256xf32, #tpu.memory_space<vmem>>, vector<1x16xf32>,
    %get3A_450 = arith.constant 5 : i32
    %get3A_451 = arith.index_cast %get3A_450 : i32 to index
    %get3A_452 = arith.constant 16 : index
    %get3A_453 = tpu.vector_load %arg5[%get3A_451, %get3A_452] {strides = array<i32>} : memref<32x128xf32, #tpu.memory_space<vmem>>, vector<1x16xf32>,
    %get3A_454 = vector.shape_cast %get3A_453 : vector<1x16xf32> to vector<16xf32>
    %swap3A_455 = arith.constant 5 : i32
    %swap3A_456 = arith.index_cast %swap3A_455 : i32 to index
    %swap3A_457 = arith.constant 16 : index
    %swap3A_458 = tpu.vector_load %arg7[%swap3A_456, %swap3A_457] {strides = array<i32>} : memref<32x256xf32, #tpu.memory_space<vmem>>, vector<1x16xf32>,
    %swap3A_459 = vector.shape_cast %swap3A_458 : vector<1x16xf32> to vector<16xf32>
    %swap3A_460 = vector.shape_cast %get3A_454 : vector<16xf32> to vector<1x16xf32>
    tpu.vector_store %arg7[%swap3A_456, %swap3A_457], %swap3A_460 {strides = array<i32>} : memref<32x256xf32, #tpu.memory_space<vmem>>, vector<1x16xf32>,
    %get3A_461 = arith.constant 5 : i32
    %get3A_462 = arith.index_cast %get3A_461 : i32 to index
    %get3A_463 = arith.constant 32 : index
    %get3A_464 = tpu.vector_load %arg5[%get3A_462, %get3A_463] {strides = array<i32>} : memref<32x128xf32, #tpu.memory_space<vmem>>, vector<1x16xf32>,
    %get3A_465 = vector.shape_cast %get3A_464 : vector<1x16xf32> to vector<16xf32>
    %swap3A_466 = arith.constant 5 : i32
    %swap3A_467 = arith.index_cast %swap3A_466 : i32 to index
    %swap3A_468 = arith.constant 32 : index
    %swap3A_469 = tpu.vector_load %arg7[%swap3A_467, %swap3A_468] {strides = array<i32>} : memref<32x256xf32, #tpu.memory_space<vmem>>, vector<1x16xf32>,
    %swap3A_470 = vector.shape_cast %swap3A_469 : vector<1x16xf32> to vector<16xf32>
    %swap3A_471 = vector.shape_cast %get3A_465 : vector<16xf32> to vector<1x16xf32>
    tpu.vector_store %arg7[%swap3A_467, %swap3A_468], %swap3A_471 {strides = array<i32>} : memref<32x256xf32, #tpu.memory_space<vmem>>, vector<1x16xf32>,
    %get3A_472 = arith.constant 5 : i32
    %get3A_473 = arith.index_cast %get3A_472 : i32 to index
    %get3A_474 = arith.constant 48 : index
    %get3A_475 = tpu.vector_load %arg5[%get3A_473, %get3A_474] {strides = array<i32>} : memref<32x128xf32, #tpu.memory_space<vmem>>, vector<1x16xf32>,
    %get3A_476 = vector.shape_cast %get3A_475 : vector<1x16xf32> to vector<16xf32>
    %swap3A_477 = arith.constant 5 : i32
    %swap3A_478 = arith.index_cast %swap3A_477 : i32 to index
    %swap3A_479 = arith.constant 48 : index
    %swap3A_480 = tpu.vector_load %arg7[%swap3A_478, %swap3A_479] {strides = array<i32>} : memref<32x256xf32, #tpu.memory_space<vmem>>, vector<1x16xf32>,
    %swap3A_481 = vector.shape_cast %swap3A_480 : vector<1x16xf32> to vector<16xf32>
    %swap3A_482 = vector.shape_cast %get3A_476 : vector<16xf32> to vector<1x16xf32>
    tpu.vector_store %arg7[%swap3A_478, %swap3A_479], %swap3A_482 {strides = array<i32>} : memref<32x256xf32, #tpu.memory_space<vmem>>, vector<1x16xf32>,
    %get3A_483 = arith.constant 5 : i32
    %get3A_484 = arith.index_cast %get3A_483 : i32 to index
    %get3A_485 = arith.constant 64 : index
    %get3A_486 = tpu.vector_load %arg5[%get3A_484, %get3A_485] {strides = array<i32>} : memref<32x128xf32, #tpu.memory_space<vmem>>, vector<1x16xf32>,
    %get3A_487 = vector.shape_cast %get3A_486 : vector<1x16xf32> to vector<16xf32>
    %swap3A_488 = arith.constant 5 : i32
    %swap3A_489 = arith.index_cast %swap3A_488 : i32 to index
    %swap3A_490 = arith.constant 64 : index
    %swap3A_491 = tpu.vector_load %arg7[%swap3A_489, %swap3A_490] {strides = array<i32>} : memref<32x256xf32, #tpu.memory_space<vmem>>, vector<1x16xf32>,
    %swap3A_492 = vector.shape_cast %swap3A_491 : vector<1x16xf32> to vector<16xf32>
    %swap3A_493 = vector.shape_cast %get3A_487 : vector<16xf32> to vector<1x16xf32>
    tpu.vector_store %arg7[%swap3A_489, %swap3A_490], %swap3A_493 {strides = array<i32>} : memref<32x256xf32, #tpu.memory_space<vmem>>, vector<1x16xf32>,
    %get3A_494 = arith.constant 5 : i32
    %get3A_495 = arith.index_cast %get3A_494 : i32 to index
    %get3A_496 = arith.constant 80 : index
    %get3A_497 = tpu.vector_load %arg5[%get3A_495, %get3A_496] {strides = array<i32>} : memref<32x128xf32, #tpu.memory_space<vmem>>, vector<1x16xf32>,
    %get3A_498 = vector.shape_cast %get3A_497 : vector<1x16xf32> to vector<16xf32>
    %swap3A_499 = arith.constant 5 : i32
    %swap3A_500 = arith.index_cast %swap3A_499 : i32 to index
    %swap3A_501 = arith.constant 80 : index
    %swap3A_502 = tpu.vector_load %arg7[%swap3A_500, %swap3A_501] {strides = array<i32>} : memref<32x256xf32, #tpu.memory_space<vmem>>, vector<1x16xf32>,
    %swap3A_503 = vector.shape_cast %swap3A_502 : vector<1x16xf32> to vector<16xf32>
    %swap3A_504 = vector.shape_cast %get3A_498 : vector<16xf32> to vector<1x16xf32>
    tpu.vector_store %arg7[%swap3A_500, %swap3A_501], %swap3A_504 {strides = array<i32>} : memref<32x256xf32, #tpu.memory_space<vmem>>, vector<1x16xf32>,
    %get3A_505 = arith.constant 5 : i32
    %get3A_506 = arith.index_cast %get3A_505 : i32 to index
    %get3A_507 = arith.constant 96 : index
    %get3A_508 = tpu.vector_load %arg5[%get3A_506, %get3A_507] {strides = array<i32>} : memref<32x128xf32, #tpu.memory_space<vmem>>, vector<1x16xf32>,
    %get3A_509 = vector.shape_cast %get3A_508 : vector<1x16xf32> to vector<16xf32>
    %swap3A_510 = arith.constant 5 : i32
    %swap3A_511 = arith.index_cast %swap3A_510 : i32 to index
    %swap3A_512 = arith.constant 96 : index
    %swap3A_513 = tpu.vector_load %arg7[%swap3A_511, %swap3A_512] {strides = array<i32>} : memref<32x256xf32, #tpu.memory_space<vmem>>, vector<1x16xf32>,
    %swap3A_514 = vector.shape_cast %swap3A_513 : vector<1x16xf32> to vector<16xf32>
    %swap3A_515 = vector.shape_cast %get3A_509 : vector<16xf32> to vector<1x16xf32>
    tpu.vector_store %arg7[%swap3A_511, %swap3A_512], %swap3A_515 {strides = array<i32>} : memref<32x256xf32, #tpu.memory_space<vmem>>, vector<1x16xf32>,
    %get3A_516 = arith.constant 5 : i32
    %get3A_517 = arith.index_cast %get3A_516 : i32 to index
    %get3A_518 = arith.constant 112 : index
    %get3A_519 = tpu.vector_load %arg5[%get3A_517, %get3A_518] {strides = array<i32>} : memref<32x128xf32, #tpu.memory_space<vmem>>, vector<1x16xf32>,
    %get3A_520 = vector.shape_cast %get3A_519 : vector<1x16xf32> to vector<16xf32>
    %swap3A_521 = arith.constant 5 : i32
    %swap3A_522 = arith.index_cast %swap3A_521 : i32 to index
    %swap3A_523 = arith.constant 112 : index
    %swap3A_524 = tpu.vector_load %arg7[%swap3A_522, %swap3A_523] {strides = array<i32>} : memref<32x256xf32, #tpu.memory_space<vmem>>, vector<1x16xf32>,
    %swap3A_525 = vector.shape_cast %swap3A_524 : vector<1x16xf32> to vector<16xf32>
    %swap3A_526 = vector.shape_cast %get3A_520 : vector<16xf32> to vector<1x16xf32>
    tpu.vector_store %arg7[%swap3A_522, %swap3A_523], %swap3A_526 {strides = array<i32>} : memref<32x256xf32, #tpu.memory_space<vmem>>, vector<1x16xf32>,
    %get3A_527 = arith.constant 6 : i32
    %get3A_528 = arith.index_cast %get3A_527 : i32 to index
    %get3A_529 = arith.constant 0 : index
    %get3A_530 = tpu.vector_load %arg5[%get3A_528, %get3A_529] {strides = array<i32>} : memref<32x128xf32, #tpu.memory_space<vmem>>, vector<1x16xf32>,
    %get3A_531 = vector.shape_cast %get3A_530 : vector<1x16xf32> to vector<16xf32>
    %swap3A_532 = arith.constant 6 : i32
    %swap3A_533 = arith.index_cast %swap3A_532 : i32 to index
    %swap3A_534 = arith.constant 0 : index
    %swap3A_535 = tpu.vector_load %arg7[%swap3A_533, %swap3A_534] {strides = array<i32>} : memref<32x256xf32, #tpu.memory_space<vmem>>, vector<1x16xf32>,
    %swap3A_536 = vector.shape_cast %swap3A_535 : vector<1x16xf32> to vector<16xf32>
    %swap3A_537 = vector.shape_cast %get3A_531 : vector<16xf32> to vector<1x16xf32>
    tpu.vector_store %arg7[%swap3A_533, %swap3A_534], %swap3A_537 {strides = array<i32>} : memref<32x256xf32, #tpu.memory_space<vmem>>, vector<1x16xf32>,
    %get3A_538 = arith.constant 6 : i32
    %get3A_539 = arith.index_cast %get3A_538 : i32 to index
    %get3A_540 = arith.constant 16 : index
    %get3A_541 = tpu.vector_load %arg5[%get3A_539, %get3A_540] {strides = array<i32>} : memref<32x128xf32, #tpu.memory_space<vmem>>, vector<1x16xf32>,
    %get3A_542 = vector.shape_cast %get3A_541 : vector<1x16xf32> to vector<16xf32>
    %swap3A_543 = arith.constant 6 : i32
    %swap3A_544 = arith.index_cast %swap3A_543 : i32 to index
    %swap3A_545 = arith.constant 16 : index
    %swap3A_546 = tpu.vector_load %arg7[%swap3A_544, %swap3A_545] {strides = array<i32>} : memref<32x256xf32, #tpu.memory_space<vmem>>, vector<1x16xf32>,
    %swap3A_547 = vector.shape_cast %swap3A_546 : vector<1x16xf32> to vector<16xf32>
    %swap3A_548 = vector.shape_cast %get3A_542 : vector<16xf32> to vector<1x16xf32>
    tpu.vector_store %arg7[%swap3A_544, %swap3A_545], %swap3A_548 {strides = array<i32>} : memref<32x256xf32, #tpu.memory_space<vmem>>, vector<1x16xf32>,
    %get3A_549 = arith.constant 6 : i32
    %get3A_550 = arith.index_cast %get3A_549 : i32 to index
    %get3A_551 = arith.constant 32 : index
    %get3A_552 = tpu.vector_load %arg5[%get3A_550, %get3A_551] {strides = array<i32>} : memref<32x128xf32, #tpu.memory_space<vmem>>, vector<1x16xf32>,
    %get3A_553 = vector.shape_cast %get3A_552 : vector<1x16xf32> to vector<16xf32>
    %swap3A_554 = arith.constant 6 : i32
    %swap3A_555 = arith.index_cast %swap3A_554 : i32 to index
    %swap3A_556 = arith.constant 32 : index
    %swap3A_557 = tpu.vector_load %arg7[%swap3A_555, %swap3A_556] {strides = array<i32>} : memref<32x256xf32, #tpu.memory_space<vmem>>, vector<1x16xf32>,
    %swap3A_558 = vector.shape_cast %swap3A_557 : vector<1x16xf32> to vector<16xf32>
    %swap3A_559 = vector.shape_cast %get3A_553 : vector<16xf32> to vector<1x16xf32>
    tpu.vector_store %arg7[%swap3A_555, %swap3A_556], %swap3A_559 {strides = array<i32>} : memref<32x256xf32, #tpu.memory_space<vmem>>, vector<1x16xf32>,
    %get3A_560 = arith.constant 6 : i32
    %get3A_561 = arith.index_cast %get3A_560 : i32 to index
    %get3A_562 = arith.constant 48 : index
    %get3A_563 = tpu.vector_load %arg5[%get3A_561, %get3A_562] {strides = array<i32>} : memref<32x128xf32, #tpu.memory_space<vmem>>, vector<1x16xf32>,
    %get3A_564 = vector.shape_cast %get3A_563 : vector<1x16xf32> to vector<16xf32>
    %swap3A_565 = arith.constant 6 : i32
    %swap3A_566 = arith.index_cast %swap3A_565 : i32 to index
    %swap3A_567 = arith.constant 48 : index
    %swap3A_568 = tpu.vector_load %arg7[%swap3A_566, %swap3A_567] {strides = array<i32>} : memref<32x256xf32, #tpu.memory_space<vmem>>, vector<1x16xf32>,
    %swap3A_569 = vector.shape_cast %swap3A_568 : vector<1x16xf32> to vector<16xf32>
    %swap3A_570 = vector.shape_cast %get3A_564 : vector<16xf32> to vector<1x16xf32>
    tpu.vector_store %arg7[%swap3A_566, %swap3A_567], %swap3A_570 {strides = array<i32>} : memref<32x256xf32, #tpu.memory_space<vmem>>, vector<1x16xf32>,
    %get3A_571 = arith.constant 6 : i32
    %get3A_572 = arith.index_cast %get3A_571 : i32 to index
    %get3A_573 = arith.constant 64 : index
    %get3A_574 = tpu.vector_load %arg5[%get3A_572, %get3A_573] {strides = array<i32>} : memref<32x128xf32, #tpu.memory_space<vmem>>, vector<1x16xf32>,
    %get3A_575 = vector.shape_cast %get3A_574 : vector<1x16xf32> to vector<16xf32>
    %swap3A_576 = arith.constant 6 : i32
    %swap3A_577 = arith.index_cast %swap3A_576 : i32 to index
    %swap3A_578 = arith.constant 64 : index
    %swap3A_579 = tpu.vector_load %arg7[%swap3A_577, %swap3A_578] {strides = array<i32>} : memref<32x256xf32, #tpu.memory_space<vmem>>, vector<1x16xf32>,
    %swap3A_580 = vector.shape_cast %swap3A_579 : vector<1x16xf32> to vector<16xf32>
    %swap3A_581 = vector.shape_cast %get3A_575 : vector<16xf32> to vector<1x16xf32>
    tpu.vector_store %arg7[%swap3A_577, %swap3A_578], %swap3A_581 {strides = array<i32>} : memref<32x256xf32, #tpu.memory_space<vmem>>, vector<1x16xf32>,
    %get3A_582 = arith.constant 6 : i32
    %get3A_583 = arith.index_cast %get3A_582 : i32 to index
    %get3A_584 = arith.constant 80 : index
    %get3A_585 = tpu.vector_load %arg5[%get3A_583, %get3A_584] {strides = array<i32>} : memref<32x128xf32, #tpu.memory_space<vmem>>, vector<1x16xf32>,
    %get3A_586 = vector.shape_cast %get3A_585 : vector<1x16xf32> to vector<16xf32>
    %swap3A_587 = arith.constant 6 : i32
    %swap3A_588 = arith.index_cast %swap3A_587 : i32 to index
    %swap3A_589 = arith.constant 80 : index
    %swap3A_590 = tpu.vector_load %arg7[%swap3A_588, %swap3A_589] {strides = array<i32>} : memref<32x256xf32, #tpu.memory_space<vmem>>, vector<1x16xf32>,
    %swap3A_591 = vector.shape_cast %swap3A_590 : vector<1x16xf32> to vector<16xf32>
    %swap3A_592 = vector.shape_cast %get3A_586 : vector<16xf32> to vector<1x16xf32>
    tpu.vector_store %arg7[%swap3A_588, %swap3A_589], %swap3A_592 {strides = array<i32>} : memref<32x256xf32, #tpu.memory_space<vmem>>, vector<1x16xf32>,
    %get3A_593 = arith.constant 6 : i32
    %get3A_594 = arith.index_cast %get3A_593 : i32 to index
    %get3A_595 = arith.constant 96 : index
    %get3A_596 = tpu.vector_load %arg5[%get3A_594, %get3A_595] {strides = array<i32>} : memref<32x128xf32, #tpu.memory_space<vmem>>, vector<1x16xf32>,
    %get3A_597 = vector.shape_cast %get3A_596 : vector<1x16xf32> to vector<16xf32>
    %swap3A_598 = arith.constant 6 : i32
    %swap3A_599 = arith.index_cast %swap3A_598 : i32 to index
    %swap3A_600 = arith.constant 96 : index
    %swap3A_601 = tpu.vector_load %arg7[%swap3A_599, %swap3A_600] {strides = array<i32>} : memref<32x256xf32, #tpu.memory_space<vmem>>, vector<1x16xf32>,
    %swap3A_602 = vector.shape_cast %swap3A_601 : vector<1x16xf32> to vector<16xf32>
    %swap3A_603 = vector.shape_cast %get3A_597 : vector<16xf32> to vector<1x16xf32>
    tpu.vector_store %arg7[%swap3A_599, %swap3A_600], %swap3A_603 {strides = array<i32>} : memref<32x256xf32, #tpu.memory_space<vmem>>, vector<1x16xf32>,
    %get3A_604 = arith.constant 6 : i32
    %get3A_605 = arith.index_cast %get3A_604 : i32 to index
    %get3A_606 = arith.constant 112 : index
    %get3A_607 = tpu.vector_load %arg5[%get3A_605, %get3A_606] {strides = array<i32>} : memref<32x128xf32, #tpu.memory_space<vmem>>, vector<1x16xf32>,
    %get3A_608 = vector.shape_cast %get3A_607 : vector<1x16xf32> to vector<16xf32>
    %swap3A_609 = arith.constant 6 : i32
    %swap3A_610 = arith.index_cast %swap3A_609 : i32 to index
    %swap3A_611 = arith.constant 112 : index
    %swap3A_612 = tpu.vector_load %arg7[%swap3A_610, %swap3A_611] {strides = array<i32>} : memref<32x256xf32, #tpu.memory_space<vmem>>, vector<1x16xf32>,
    %swap3A_613 = vector.shape_cast %swap3A_612 : vector<1x16xf32> to vector<16xf32>
    %swap3A_614 = vector.shape_cast %get3A_608 : vector<16xf32> to vector<1x16xf32>
    tpu.vector_store %arg7[%swap3A_610, %swap3A_611], %swap3A_614 {strides = array<i32>} : memref<32x256xf32, #tpu.memory_space<vmem>>, vector<1x16xf32>,
    %get3A_615 = arith.constant 7 : i32
    %get3A_616 = arith.index_cast %get3A_615 : i32 to index
    %get3A_617 = arith.constant 0 : index
    %get3A_618 = tpu.vector_load %arg5[%get3A_616, %get3A_617] {strides = array<i32>} : memref<32x128xf32, #tpu.memory_space<vmem>>, vector<1x16xf32>,
    %get3A_619 = vector.shape_cast %get3A_618 : vector<1x16xf32> to vector<16xf32>
    %swap3A_620 = arith.constant 7 : i32
    %swap3A_621 = arith.index_cast %swap3A_620 : i32 to index
    %swap3A_622 = arith.constant 0 : index
    %swap3A_623 = tpu.vector_load %arg7[%swap3A_621, %swap3A_622] {strides = array<i32>} : memref<32x256xf32, #tpu.memory_space<vmem>>, vector<1x16xf32>,
    %swap3A_624 = vector.shape_cast %swap3A_623 : vector<1x16xf32> to vector<16xf32>
    %swap3A_625 = vector.shape_cast %get3A_619 : vector<16xf32> to vector<1x16xf32>
    tpu.vector_store %arg7[%swap3A_621, %swap3A_622], %swap3A_625 {strides = array<i32>} : memref<32x256xf32, #tpu.memory_space<vmem>>, vector<1x16xf32>,
    %get3A_626 = arith.constant 7 : i32
    %get3A_627 = arith.index_cast %get3A_626 : i32 to index
    %get3A_628 = arith.constant 16 : index
    %get3A_629 = tpu.vector_load %arg5[%get3A_627, %get3A_628] {strides = array<i32>} : memref<32x128xf32, #tpu.memory_space<vmem>>, vector<1x16xf32>,
    %get3A_630 = vector.shape_cast %get3A_629 : vector<1x16xf32> to vector<16xf32>
    %swap3A_631 = arith.constant 7 : i32
    %swap3A_632 = arith.index_cast %swap3A_631 : i32 to index
    %swap3A_633 = arith.constant 16 : index
    %swap3A_634 = tpu.vector_load %arg7[%swap3A_632, %swap3A_633] {strides = array<i32>} : memref<32x256xf32, #tpu.memory_space<vmem>>, vector<1x16xf32>,
    %swap3A_635 = vector.shape_cast %swap3A_634 : vector<1x16xf32> to vector<16xf32>
    %swap3A_636 = vector.shape_cast %get3A_630 : vector<16xf32> to vector<1x16xf32>
    tpu.vector_store %arg7[%swap3A_632, %swap3A_633], %swap3A_636 {strides = array<i32>} : memref<32x256xf32, #tpu.memory_space<vmem>>, vector<1x16xf32>,
    %get3A_637 = arith.constant 7 : i32
    %get3A_638 = arith.index_cast %get3A_637 : i32 to index
    %get3A_639 = arith.constant 32 : index
    %get3A_640 = tpu.vector_load %arg5[%get3A_638, %get3A_639] {strides = array<i32>} : memref<32x128xf32, #tpu.memory_space<vmem>>, vector<1x16xf32>,
    %get3A_641 = vector.shape_cast %get3A_640 : vector<1x16xf32> to vector<16xf32>
    %swap3A_642 = arith.constant 7 : i32
    %swap3A_643 = arith.index_cast %swap3A_642 : i32 to index
    %swap3A_644 = arith.constant 32 : index
    %swap3A_645 = tpu.vector_load %arg7[%swap3A_643, %swap3A_644] {strides = array<i32>} : memref<32x256xf32, #tpu.memory_space<vmem>>, vector<1x16xf32>,
    %swap3A_646 = vector.shape_cast %swap3A_645 : vector<1x16xf32> to vector<16xf32>
    %swap3A_647 = vector.shape_cast %get3A_641 : vector<16xf32> to vector<1x16xf32>
    tpu.vector_store %arg7[%swap3A_643, %swap3A_644], %swap3A_647 {strides = array<i32>} : memref<32x256xf32, #tpu.memory_space<vmem>>, vector<1x16xf32>,
    %get3A_648 = arith.constant 7 : i32
    %get3A_649 = arith.index_cast %get3A_648 : i32 to index
    %get3A_650 = arith.constant 48 : index
    %get3A_651 = tpu.vector_load %arg5[%get3A_649, %get3A_650] {strides = array<i32>} : memref<32x128xf32, #tpu.memory_space<vmem>>, vector<1x16xf32>,
    %get3A_652 = vector.shape_cast %get3A_651 : vector<1x16xf32> to vector<16xf32>
    %swap3A_653 = arith.constant 7 : i32
    %swap3A_654 = arith.index_cast %swap3A_653 : i32 to index
    %swap3A_655 = arith.constant 48 : index
    %swap3A_656 = tpu.vector_load %arg7[%swap3A_654, %swap3A_655] {strides = array<i32>} : memref<32x256xf32, #tpu.memory_space<vmem>>, vector<1x16xf32>,
    %swap3A_657 = vector.shape_cast %swap3A_656 : vector<1x16xf32> to vector<16xf32>
    %swap3A_658 = vector.shape_cast %get3A_652 : vector<16xf32> to vector<1x16xf32>
    tpu.vector_store %arg7[%swap3A_654, %swap3A_655], %swap3A_658 {strides = array<i32>} : memref<32x256xf32, #tpu.memory_space<vmem>>, vector<1x16xf32>,
    %get3A_659 = arith.constant 7 : i32
    %get3A_660 = arith.index_cast %get3A_659 : i32 to index
    %get3A_661 = arith.constant 64 : index
    %get3A_662 = tpu.vector_load %arg5[%get3A_660, %get3A_661] {strides = array<i32>} : memref<32x128xf32, #tpu.memory_space<vmem>>, vector<1x16xf32>,
    %get3A_663 = vector.shape_cast %get3A_662 : vector<1x16xf32> to vector<16xf32>
    %swap3A_664 = arith.constant 7 : i32
    %swap3A_665 = arith.index_cast %swap3A_664 : i32 to index
    %swap3A_666 = arith.constant 64 : index
    %swap3A_667 = tpu.vector_load %arg7[%swap3A_665, %swap3A_666] {strides = array<i32>} : memref<32x256xf32, #tpu.memory_space<vmem>>, vector<1x16xf32>,
    %swap3A_668 = vector.shape_cast %swap3A_667 : vector<1x16xf32> to vector<16xf32>
    %swap3A_669 = vector.shape_cast %get3A_663 : vector<16xf32> to vector<1x16xf32>
    tpu.vector_store %arg7[%swap3A_665, %swap3A_666], %swap3A_669 {strides = array<i32>} : memref<32x256xf32, #tpu.memory_space<vmem>>, vector<1x16xf32>,
    %get3A_670 = arith.constant 7 : i32
    %get3A_671 = arith.index_cast %get3A_670 : i32 to index
    %get3A_672 = arith.constant 80 : index
    %get3A_673 = tpu.vector_load %arg5[%get3A_671, %get3A_672] {strides = array<i32>} : memref<32x128xf32, #tpu.memory_space<vmem>>, vector<1x16xf32>,
    %get3A_674 = vector.shape_cast %get3A_673 : vector<1x16xf32> to vector<16xf32>
    %swap3A_675 = arith.constant 7 : i32
    %swap3A_676 = arith.index_cast %swap3A_675 : i32 to index
    %swap3A_677 = arith.constant 80 : index
    %swap3A_678 = tpu.vector_load %arg7[%swap3A_676, %swap3A_677] {strides = array<i32>} : memref<32x256xf32, #tpu.memory_space<vmem>>, vector<1x16xf32>,
    %swap3A_679 = vector.shape_cast %swap3A_678 : vector<1x16xf32> to vector<16xf32>
    %swap3A_680 = vector.shape_cast %get3A_674 : vector<16xf32> to vector<1x16xf32>
    tpu.vector_store %arg7[%swap3A_676, %swap3A_677], %swap3A_680 {strides = array<i32>} : memref<32x256xf32, #tpu.memory_space<vmem>>, vector<1x16xf32>,
    %get3A_681 = arith.constant 7 : i32
    %get3A_682 = arith.index_cast %get3A_681 : i32 to index
    %get3A_683 = arith.constant 96 : index
    %get3A_684 = tpu.vector_load %arg5[%get3A_682, %get3A_683] {strides = array<i32>} : memref<32x128xf32, #tpu.memory_space<vmem>>, vector<1x16xf32>,
    %get3A_685 = vector.shape_cast %get3A_684 : vector<1x16xf32> to vector<16xf32>
    %swap3A_686 = arith.constant 7 : i32
    %swap3A_687 = arith.index_cast %swap3A_686 : i32 to index
    %swap3A_688 = arith.constant 96 : index
    %swap3A_689 = tpu.vector_load %arg7[%swap3A_687, %swap3A_688] {strides = array<i32>} : memref<32x256xf32, #tpu.memory_space<vmem>>, vector<1x16xf32>,
    %swap3A_690 = vector.shape_cast %swap3A_689 : vector<1x16xf32> to vector<16xf32>
    %swap3A_691 = vector.shape_cast %get3A_685 : vector<16xf32> to vector<1x16xf32>
    tpu.vector_store %arg7[%swap3A_687, %swap3A_688], %swap3A_691 {strides = array<i32>} : memref<32x256xf32, #tpu.memory_space<vmem>>, vector<1x16xf32>,
    %get3A_692 = arith.constant 7 : i32
    %get3A_693 = arith.index_cast %get3A_692 : i32 to index
    %get3A_694 = arith.constant 112 : index
    %get3A_695 = tpu.vector_load %arg5[%get3A_693, %get3A_694] {strides = array<i32>} : memref<32x128xf32, #tpu.memory_space<vmem>>, vector<1x16xf32>,
    %get3A_696 = vector.shape_cast %get3A_695 : vector<1x16xf32> to vector<16xf32>
    %swap3A_697 = arith.constant 7 : i32
    %swap3A_698 = arith.index_cast %swap3A_697 : i32 to index
    %swap3A_699 = arith.constant 112 : index
    %swap3A_700 = tpu.vector_load %arg7[%swap3A_698, %swap3A_699] {strides = array<i32>} : memref<32x256xf32, #tpu.memory_space<vmem>>, vector<1x16xf32>,
    %swap3A_701 = vector.shape_cast %swap3A_700 : vector<1x16xf32> to vector<16xf32>
    %swap3A_702 = vector.shape_cast %get3A_696 : vector<16xf32> to vector<1x16xf32>
    tpu.vector_store %arg7[%swap3A_698, %swap3A_699], %swap3A_702 {strides = array<i32>} : memref<32x256xf32, #tpu.memory_space<vmem>>, vector<1x16xf32>,
    %get3A_703 = arith.constant 8 : i32
    %get3A_704 = arith.index_cast %get3A_703 : i32 to index
    %get3A_705 = arith.constant 0 : index
    %get3A_706 = tpu.vector_load %arg5[%get3A_704, %get3A_705] {strides = array<i32>} : memref<32x128xf32, #tpu.memory_space<vmem>>, vector<1x16xf32>,
    %get3A_707 = vector.shape_cast %get3A_706 : vector<1x16xf32> to vector<16xf32>
    %swap3A_708 = arith.constant 8 : i32
    %swap3A_709 = arith.index_cast %swap3A_708 : i32 to index
    %swap3A_710 = arith.constant 0 : index
    %swap3A_711 = tpu.vector_load %arg7[%swap3A_709, %swap3A_710] {strides = array<i32>} : memref<32x256xf32, #tpu.memory_space<vmem>>, vector<1x16xf32>,
    %swap3A_712 = vector.shape_cast %swap3A_711 : vector<1x16xf32> to vector<16xf32>
    %swap3A_713 = vector.shape_cast %get3A_707 : vector<16xf32> to vector<1x16xf32>
    tpu.vector_store %arg7[%swap3A_709, %swap3A_710], %swap3A_713 {strides = array<i32>} : memref<32x256xf32, #tpu.memory_space<vmem>>, vector<1x16xf32>,
    %get3A_714 = arith.constant 8 : i32
    %get3A_715 = arith.index_cast %get3A_714 : i32 to index
    %get3A_716 = arith.constant 16 : index
    %get3A_717 = tpu.vector_load %arg5[%get3A_715, %get3A_716] {strides = array<i32>} : memref<32x128xf32, #tpu.memory_space<vmem>>, vector<1x16xf32>,
    %get3A_718 = vector.shape_cast %get3A_717 : vector<1x16xf32> to vector<16xf32>
    %swap3A_719 = arith.constant 8 : i32
    %swap3A_720 = arith.index_cast %swap3A_719 : i32 to index
    %swap3A_721 = arith.constant 16 : index
    %swap3A_722 = tpu.vector_load %arg7[%swap3A_720, %swap3A_721] {strides = array<i32>} : memref<32x256xf32, #tpu.memory_space<vmem>>, vector<1x16xf32>,
    %swap3A_723 = vector.shape_cast %swap3A_722 : vector<1x16xf32> to vector<16xf32>
    %swap3A_724 = vector.shape_cast %get3A_718 : vector<16xf32> to vector<1x16xf32>
    tpu.vector_store %arg7[%swap3A_720, %swap3A_721], %swap3A_724 {strides = array<i32>} : memref<32x256xf32, #tpu.memory_space<vmem>>, vector<1x16xf32>,
    %get3A_725 = arith.constant 8 : i32
    %get3A_726 = arith.index_cast %get3A_725 : i32 to index
    %get3A_727 = arith.constant 32 : index
    %get3A_728 = tpu.vector_load %arg5[%get3A_726, %get3A_727] {strides = array<i32>} : memref<32x128xf32, #tpu.memory_space<vmem>>, vector<1x16xf32>,
    %get3A_729 = vector.shape_cast %get3A_728 : vector<1x16xf32> to vector<16xf32>
    %swap3A_730 = arith.constant 8 : i32
    %swap3A_731 = arith.index_cast %swap3A_730 : i32 to index
    %swap3A_732 = arith.constant 32 : index
    %swap3A_733 = tpu.vector_load %arg7[%swap3A_731, %swap3A_732] {strides = array<i32>} : memref<32x256xf32, #tpu.memory_space<vmem>>, vector<1x16xf32>,
    %swap3A_734 = vector.shape_cast %swap3A_733 : vector<1x16xf32> to vector<16xf32>
    %swap3A_735 = vector.shape_cast %get3A_729 : vector<16xf32> to vector<1x16xf32>
    tpu.vector_store %arg7[%swap3A_731, %swap3A_732], %swap3A_735 {strides = array<i32>} : memref<32x256xf32, #tpu.memory_space<vmem>>, vector<1x16xf32>,
    %get3A_736 = arith.constant 8 : i32
    %get3A_737 = arith.index_cast %get3A_736 : i32 to index
    %get3A_738 = arith.constant 48 : index
    %get3A_739 = tpu.vector_load %arg5[%get3A_737, %get3A_738] {strides = array<i32>} : memref<32x128xf32, #tpu.memory_space<vmem>>, vector<1x16xf32>,
    %get3A_740 = vector.shape_cast %get3A_739 : vector<1x16xf32> to vector<16xf32>
    %swap3A_741 = arith.constant 8 : i32
    %swap3A_742 = arith.index_cast %swap3A_741 : i32 to index
    %swap3A_743 = arith.constant 48 : index
    %swap3A_744 = tpu.vector_load %arg7[%swap3A_742, %swap3A_743] {strides = array<i32>} : memref<32x256xf32, #tpu.memory_space<vmem>>, vector<1x16xf32>,
    %swap3A_745 = vector.shape_cast %swap3A_744 : vector<1x16xf32> to vector<16xf32>
    %swap3A_746 = vector.shape_cast %get3A_740 : vector<16xf32> to vector<1x16xf32>
    tpu.vector_store %arg7[%swap3A_742, %swap3A_743], %swap3A_746 {strides = array<i32>} : memref<32x256xf32, #tpu.memory_space<vmem>>, vector<1x16xf32>,
    %get3A_747 = arith.constant 8 : i32
    %get3A_748 = arith.index_cast %get3A_747 : i32 to index
    %get3A_749 = arith.constant 64 : index
    %get3A_750 = tpu.vector_load %arg5[%get3A_748, %get3A_749] {strides = array<i32>} : memref<32x128xf32, #tpu.memory_space<vmem>>, vector<1x16xf32>,
    %get3A_751 = vector.shape_cast %get3A_750 : vector<1x16xf32> to vector<16xf32>
    %swap3A_752 = arith.constant 8 : i32
    %swap3A_753 = arith.index_cast %swap3A_752 : i32 to index
    %swap3A_754 = arith.constant 64 : index
    %swap3A_755 = tpu.vector_load %arg7[%swap3A_753, %swap3A_754] {strides = array<i32>} : memref<32x256xf32, #tpu.memory_space<vmem>>, vector<1x16xf32>,
    %swap3A_756 = vector.shape_cast %swap3A_755 : vector<1x16xf32> to vector<16xf32>
    %swap3A_757 = vector.shape_cast %get3A_751 : vector<16xf32> to vector<1x16xf32>
    tpu.vector_store %arg7[%swap3A_753, %swap3A_754], %swap3A_757 {strides = array<i32>} : memref<32x256xf32, #tpu.memory_space<vmem>>, vector<1x16xf32>,
    %get3A_758 = arith.constant 8 : i32
    %get3A_759 = arith.index_cast %get3A_758 : i32 to index
    %get3A_760 = arith.constant 80 : index
    %get3A_761 = tpu.vector_load %arg5[%get3A_759, %get3A_760] {strides = array<i32>} : memref<32x128xf32, #tpu.memory_space<vmem>>, vector<1x16xf32>,
    %get3A_762 = vector.shape_cast %get3A_761 : vector<1x16xf32> to vector<16xf32>
    %swap3A_763 = arith.constant 8 : i32
    %swap3A_764 = arith.index_cast %swap3A_763 : i32 to index
    %swap3A_765 = arith.constant 80 : index
    %swap3A_766 = tpu.vector_load %arg7[%swap3A_764, %swap3A_765] {strides = array<i32>} : memref<32x256xf32, #tpu.memory_space<vmem>>, vector<1x16xf32>,
    %swap3A_767 = vector.shape_cast %swap3A_766 : vector<1x16xf32> to vector<16xf32>
    %swap3A_768 = vector.shape_cast %get3A_762 : vector<16xf32> to vector<1x16xf32>
    tpu.vector_store %arg7[%swap3A_764, %swap3A_765], %swap3A_768 {strides = array<i32>} : memref<32x256xf32, #tpu.memory_space<vmem>>, vector<1x16xf32>,
    %get3A_769 = arith.constant 8 : i32
    %get3A_770 = arith.index_cast %get3A_769 : i32 to index
    %get3A_771 = arith.constant 96 : index
    %get3A_772 = tpu.vector_load %arg5[%get3A_770, %get3A_771] {strides = array<i32>} : memref<32x128xf32, #tpu.memory_space<vmem>>, vector<1x16xf32>,
    %get3A_773 = vector.shape_cast %get3A_772 : vector<1x16xf32> to vector<16xf32>
    %swap3A_774 = arith.constant 8 : i32
    %swap3A_775 = arith.index_cast %swap3A_774 : i32 to index
    %swap3A_776 = arith.constant 96 : index
    %swap3A_777 = tpu.vector_load %arg7[%swap3A_775, %swap3A_776] {strides = array<i32>} : memref<32x256xf32, #tpu.memory_space<vmem>>, vector<1x16xf32>,
    %swap3A_778 = vector.shape_cast %swap3A_777 : vector<1x16xf32> to vector<16xf32>
    %swap3A_779 = vector.shape_cast %get3A_773 : vector<16xf32> to vector<1x16xf32>
    tpu.vector_store %arg7[%swap3A_775, %swap3A_776], %swap3A_779 {strides = array<i32>} : memref<32x256xf32, #tpu.memory_space<vmem>>, vector<1x16xf32>,
    %get3A_780 = arith.constant 8 : i32
    %get3A_781 = arith.index_cast %get3A_780 : i32 to index
    %get3A_782 = arith.constant 112 : index
    %get3A_783 = tpu.vector_load %arg5[%get3A_781, %get3A_782] {strides = array<i32>} : memref<32x128xf32, #tpu.memory_space<vmem>>, vector<1x16xf32>,
    %get3A_784 = vector.shape_cast %get3A_783 : vector<1x16xf32> to vector<16xf32>
    %swap3A_785 = arith.constant 8 : i32
    %swap3A_786 = arith.index_cast %swap3A_785 : i32 to index
    %swap3A_787 = arith.constant 112 : index
    %swap3A_788 = tpu.vector_load %arg7[%swap3A_786, %swap3A_787] {strides = array<i32>} : memref<32x256xf32, #tpu.memory_space<vmem>>, vector<1x16xf32>,
    %swap3A_789 = vector.shape_cast %swap3A_788 : vector<1x16xf32> to vector<16xf32>
    %swap3A_790 = vector.shape_cast %get3A_784 : vector<16xf32> to vector<1x16xf32>
    tpu.vector_store %arg7[%swap3A_786, %swap3A_787], %swap3A_790 {strides = array<i32>} : memref<32x256xf32, #tpu.memory_space<vmem>>, vector<1x16xf32>,
    %get3A_791 = arith.constant 9 : i32
    %get3A_792 = arith.index_cast %get3A_791 : i32 to index
    %get3A_793 = arith.constant 0 : index
    %get3A_794 = tpu.vector_load %arg5[%get3A_792, %get3A_793] {strides = array<i32>} : memref<32x128xf32, #tpu.memory_space<vmem>>, vector<1x16xf32>,
    %get3A_795 = vector.shape_cast %get3A_794 : vector<1x16xf32> to vector<16xf32>
    %swap3A_796 = arith.constant 9 : i32
    %swap3A_797 = arith.index_cast %swap3A_796 : i32 to index
    %swap3A_798 = arith.constant 0 : index
    %swap3A_799 = tpu.vector_load %arg7[%swap3A_797, %swap3A_798] {strides = array<i32>} : memref<32x256xf32, #tpu.memory_space<vmem>>, vector<1x16xf32>,
    %swap3A_800 = vector.shape_cast %swap3A_799 : vector<1x16xf32> to vector<16xf32>
    %swap3A_801 = vector.shape_cast %get3A_795 : vector<16xf32> to vector<1x16xf32>
    tpu.vector_store %arg7[%swap3A_797, %swap3A_798], %swap3A_801 {strides = array<i32>} : memref<32x256xf32, #tpu.memory_space<vmem>>, vector<1x16xf32>,
    %get3A_802 = arith.constant 9 : i32
    %get3A_803 = arith.index_cast %get3A_802 : i32 to index
    %get3A_804 = arith.constant 16 : index
    %get3A_805 = tpu.vector_load %arg5[%get3A_803, %get3A_804] {strides = array<i32>} : memref<32x128xf32, #tpu.memory_space<vmem>>, vector<1x16xf32>,
    %get3A_806 = vector.shape_cast %get3A_805 : vector<1x16xf32> to vector<16xf32>
    %swap3A_807 = arith.constant 9 : i32
    %swap3A_808 = arith.index_cast %swap3A_807 : i32 to index
    %swap3A_809 = arith.constant 16 : index
    %swap3A_810 = tpu.vector_load %arg7[%swap3A_808, %swap3A_809] {strides = array<i32>} : memref<32x256xf32, #tpu.memory_space<vmem>>, vector<1x16xf32>,
    %swap3A_811 = vector.shape_cast %swap3A_810 : vector<1x16xf32> to vector<16xf32>
    %swap3A_812 = vector.shape_cast %get3A_806 : vector<16xf32> to vector<1x16xf32>
    tpu.vector_store %arg7[%swap3A_808, %swap3A_809], %swap3A_812 {strides = array<i32>} : memref<32x256xf32, #tpu.memory_space<vmem>>, vector<1x16xf32>,
    %get3A_813 = arith.constant 9 : i32
    %get3A_814 = arith.index_cast %get3A_813 : i32 to index
    %get3A_815 = arith.constant 32 : index
    %get3A_816 = tpu.vector_load %arg5[%get3A_814, %get3A_815] {strides = array<i32>} : memref<32x128xf32, #tpu.memory_space<vmem>>, vector<1x16xf32>,
    %get3A_817 = vector.shape_cast %get3A_816 : vector<1x16xf32> to vector<16xf32>
    %swap3A_818 = arith.constant 9 : i32
    %swap3A_819 = arith.index_cast %swap3A_818 : i32 to index
    %swap3A_820 = arith.constant 32 : index
    %swap3A_821 = tpu.vector_load %arg7[%swap3A_819, %swap3A_820] {strides = array<i32>} : memref<32x256xf32, #tpu.memory_space<vmem>>, vector<1x16xf32>,
    %swap3A_822 = vector.shape_cast %swap3A_821 : vector<1x16xf32> to vector<16xf32>
    %swap3A_823 = vector.shape_cast %get3A_817 : vector<16xf32> to vector<1x16xf32>
    tpu.vector_store %arg7[%swap3A_819, %swap3A_820], %swap3A_823 {strides = array<i32>} : memref<32x256xf32, #tpu.memory_space<vmem>>, vector<1x16xf32>,
    %get3A_824 = arith.constant 9 : i32
    %get3A_825 = arith.index_cast %get3A_824 : i32 to index
    %get3A_826 = arith.constant 48 : index
    %get3A_827 = tpu.vector_load %arg5[%get3A_825, %get3A_826] {strides = array<i32>} : memref<32x128xf32, #tpu.memory_space<vmem>>, vector<1x16xf32>,
    %get3A_828 = vector.shape_cast %get3A_827 : vector<1x16xf32> to vector<16xf32>
    %swap3A_829 = arith.constant 9 : i32
    %swap3A_830 = arith.index_cast %swap3A_829 : i32 to index
    %swap3A_831 = arith.constant 48 : index
    %swap3A_832 = tpu.vector_load %arg7[%swap3A_830, %swap3A_831] {strides = array<i32>} : memref<32x256xf32, #tpu.memory_space<vmem>>, vector<1x16xf32>,
    %swap3A_833 = vector.shape_cast %swap3A_832 : vector<1x16xf32> to vector<16xf32>
    %swap3A_834 = vector.shape_cast %get3A_828 : vector<16xf32> to vector<1x16xf32>
    tpu.vector_store %arg7[%swap3A_830, %swap3A_831], %swap3A_834 {strides = array<i32>} : memref<32x256xf32, #tpu.memory_space<vmem>>, vector<1x16xf32>,
    %get3A_835 = arith.constant 9 : i32
    %get3A_836 = arith.index_cast %get3A_835 : i32 to index
    %get3A_837 = arith.constant 64 : index
    %get3A_838 = tpu.vector_load %arg5[%get3A_836, %get3A_837] {strides = array<i32>} : memref<32x128xf32, #tpu.memory_space<vmem>>, vector<1x16xf32>,
    %get3A_839 = vector.shape_cast %get3A_838 : vector<1x16xf32> to vector<16xf32>
    %swap3A_840 = arith.constant 9 : i32
    %swap3A_841 = arith.index_cast %swap3A_840 : i32 to index
    %swap3A_842 = arith.constant 64 : index
    %swap3A_843 = tpu.vector_load %arg7[%swap3A_841, %swap3A_842] {strides = array<i32>} : memref<32x256xf32, #tpu.memory_space<vmem>>, vector<1x16xf32>,
    %swap3A_844 = vector.shape_cast %swap3A_843 : vector<1x16xf32> to vector<16xf32>
    %swap3A_845 = vector.shape_cast %get3A_839 : vector<16xf32> to vector<1x16xf32>
    tpu.vector_store %arg7[%swap3A_841, %swap3A_842], %swap3A_845 {strides = array<i32>} : memref<32x256xf32, #tpu.memory_space<vmem>>, vector<1x16xf32>,
    %get3A_846 = arith.constant 9 : i32
    %get3A_847 = arith.index_cast %get3A_846 : i32 to index
    %get3A_848 = arith.constant 80 : index
    %get3A_849 = tpu.vector_load %arg5[%get3A_847, %get3A_848] {strides = array<i32>} : memref<32x128xf32, #tpu.memory_space<vmem>>, vector<1x16xf32>,
    %get3A_850 = vector.shape_cast %get3A_849 : vector<1x16xf32> to vector<16xf32>
    %swap3A_851 = arith.constant 9 : i32
    %swap3A_852 = arith.index_cast %swap3A_851 : i32 to index
    %swap3A_853 = arith.constant 80 : index
    %swap3A_854 = tpu.vector_load %arg7[%swap3A_852, %swap3A_853] {strides = array<i32>} : memref<32x256xf32, #tpu.memory_space<vmem>>, vector<1x16xf32>,
    %swap3A_855 = vector.shape_cast %swap3A_854 : vector<1x16xf32> to vector<16xf32>
    %swap3A_856 = vector.shape_cast %get3A_850 : vector<16xf32> to vector<1x16xf32>
    tpu.vector_store %arg7[%swap3A_852, %swap3A_853], %swap3A_856 {strides = array<i32>} : memref<32x256xf32, #tpu.memory_space<vmem>>, vector<1x16xf32>,
    %get3A_857 = arith.constant 9 : i32
    %get3A_858 = arith.index_cast %get3A_857 : i32 to index
    %get3A_859 = arith.constant 96 : index
    %get3A_860 = tpu.vector_load %arg5[%get3A_858, %get3A_859] {strides = array<i32>} : memref<32x128xf32, #tpu.memory_space<vmem>>, vector<1x16xf32>,
    %get3A_861 = vector.shape_cast %get3A_860 : vector<1x16xf32> to vector<16xf32>
    %swap3A_862 = arith.constant 9 : i32
    %swap3A_863 = arith.index_cast %swap3A_862 : i32 to index
    %swap3A_864 = arith.constant 96 : index
    %swap3A_865 = tpu.vector_load %arg7[%swap3A_863, %swap3A_864] {strides = array<i32>} : memref<32x256xf32, #tpu.memory_space<vmem>>, vector<1x16xf32>,
    %swap3A_866 = vector.shape_cast %swap3A_865 : vector<1x16xf32> to vector<16xf32>
    %swap3A_867 = vector.shape_cast %get3A_861 : vector<16xf32> to vector<1x16xf32>
    tpu.vector_store %arg7[%swap3A_863, %swap3A_864], %swap3A_867 {strides = array<i32>} : memref<32x256xf32, #tpu.memory_space<vmem>>, vector<1x16xf32>,
    %get3A_868 = arith.constant 9 : i32
    %get3A_869 = arith.index_cast %get3A_868 : i32 to index
    %get3A_870 = arith.constant 112 : index
    %get3A_871 = tpu.vector_load %arg5[%get3A_869, %get3A_870] {strides = array<i32>} : memref<32x128xf32, #tpu.memory_space<vmem>>, vector<1x16xf32>,
    %get3A_872 = vector.shape_cast %get3A_871 : vector<1x16xf32> to vector<16xf32>
    %swap3A_873 = arith.constant 9 : i32
    %swap3A_874 = arith.index_cast %swap3A_873 : i32 to index
    %swap3A_875 = arith.constant 112 : index
    %swap3A_876 = tpu.vector_load %arg7[%swap3A_874, %swap3A_875] {strides = array<i32>} : memref<32x256xf32, #tpu.memory_space<vmem>>, vector<1x16xf32>,
    %swap3A_877 = vector.shape_cast %swap3A_876 : vector<1x16xf32> to vector<16xf32>
    %swap3A_878 = vector.shape_cast %get3A_872 : vector<16xf32> to vector<1x16xf32>
    tpu.vector_store %arg7[%swap3A_874, %swap3A_875], %swap3A_878 {strides = array<i32>} : memref<32x256xf32, #tpu.memory_space<vmem>>, vector<1x16xf32>,
    %get3A_879 = arith.constant 10 : i32
    %get3A_880 = arith.index_cast %get3A_879 : i32 to index
    %get3A_881 = arith.constant 0 : index
    %get3A_882 = tpu.vector_load %arg5[%get3A_880, %get3A_881] {strides = array<i32>} : memref<32x128xf32, #tpu.memory_space<vmem>>, vector<1x16xf32>,
    %get3A_883 = vector.shape_cast %get3A_882 : vector<1x16xf32> to vector<16xf32>
    %swap3A_884 = arith.constant 10 : i32
    %swap3A_885 = arith.index_cast %swap3A_884 : i32 to index
    %swap3A_886 = arith.constant 0 : index
    %swap3A_887 = tpu.vector_load %arg7[%swap3A_885, %swap3A_886] {strides = array<i32>} : memref<32x256xf32, #tpu.memory_space<vmem>>, vector<1x16xf32>,
    %swap3A_888 = vector.shape_cast %swap3A_887 : vector<1x16xf32> to vector<16xf32>
    %swap3A_889 = vector.shape_cast %get3A_883 : vector<16xf32> to vector<1x16xf32>
    tpu.vector_store %arg7[%swap3A_885, %swap3A_886], %swap3A_889 {strides = array<i32>} : memref<32x256xf32, #tpu.memory_space<vmem>>, vector<1x16xf32>,
    %get3A_890 = arith.constant 10 : i32
    %get3A_891 = arith.index_cast %get3A_890 : i32 to index
    %get3A_892 = arith.constant 16 : index
    %get3A_893 = tpu.vector_load %arg5[%get3A_891, %get3A_892] {strides = array<i32>} : memref<32x128xf32, #tpu.memory_space<vmem>>, vector<1x16xf32>,
    %get3A_894 = vector.shape_cast %get3A_893 : vector<1x16xf32> to vector<16xf32>
    %swap3A_895 = arith.constant 10 : i32
    %swap3A_896 = arith.index_cast %swap3A_895 : i32 to index
    %swap3A_897 = arith.constant 16 : index
    %swap3A_898 = tpu.vector_load %arg7[%swap3A_896, %swap3A_897] {strides = array<i32>} : memref<32x256xf32, #tpu.memory_space<vmem>>, vector<1x16xf32>,
    %swap3A_899 = vector.shape_cast %swap3A_898 : vector<1x16xf32> to vector<16xf32>
    %swap3A_900 = vector.shape_cast %get3A_894 : vector<16xf32> to vector<1x16xf32>
    tpu.vector_store %arg7[%swap3A_896, %swap3A_897], %swap3A_900 {strides = array<i32>} : memref<32x256xf32, #tpu.memory_space<vmem>>, vector<1x16xf32>,
    %get3A_901 = arith.constant 10 : i32
    %get3A_902 = arith.index_cast %get3A_901 : i32 to index
    %get3A_903 = arith.constant 32 : index
    %get3A_904 = tpu.vector_load %arg5[%get3A_902, %get3A_903] {strides = array<i32>} : memref<32x128xf32, #tpu.memory_space<vmem>>, vector<1x16xf32>,
    %get3A_905 = vector.shape_cast %get3A_904 : vector<1x16xf32> to vector<16xf32>
    %swap3A_906 = arith.constant 10 : i32
    %swap3A_907 = arith.index_cast %swap3A_906 : i32 to index
    %swap3A_908 = arith.constant 32 : index
    %swap3A_909 = tpu.vector_load %arg7[%swap3A_907, %swap3A_908] {strides = array<i32>} : memref<32x256xf32, #tpu.memory_space<vmem>>, vector<1x16xf32>,
    %swap3A_910 = vector.shape_cast %swap3A_909 : vector<1x16xf32> to vector<16xf32>
    %swap3A_911 = vector.shape_cast %get3A_905 : vector<16xf32> to vector<1x16xf32>
    tpu.vector_store %arg7[%swap3A_907, %swap3A_908], %swap3A_911 {strides = array<i32>} : memref<32x256xf32, #tpu.memory_space<vmem>>, vector<1x16xf32>,
    %get3A_912 = arith.constant 10 : i32
    %get3A_913 = arith.index_cast %get3A_912 : i32 to index
    %get3A_914 = arith.constant 48 : index
    %get3A_915 = tpu.vector_load %arg5[%get3A_913, %get3A_914] {strides = array<i32>} : memref<32x128xf32, #tpu.memory_space<vmem>>, vector<1x16xf32>,
    %get3A_916 = vector.shape_cast %get3A_915 : vector<1x16xf32> to vector<16xf32>
    %swap3A_917 = arith.constant 10 : i32
    %swap3A_918 = arith.index_cast %swap3A_917 : i32 to index
    %swap3A_919 = arith.constant 48 : index
    %swap3A_920 = tpu.vector_load %arg7[%swap3A_918, %swap3A_919] {strides = array<i32>} : memref<32x256xf32, #tpu.memory_space<vmem>>, vector<1x16xf32>,
    %swap3A_921 = vector.shape_cast %swap3A_920 : vector<1x16xf32> to vector<16xf32>
    %swap3A_922 = vector.shape_cast %get3A_916 : vector<16xf32> to vector<1x16xf32>
    tpu.vector_store %arg7[%swap3A_918, %swap3A_919], %swap3A_922 {strides = array<i32>} : memref<32x256xf32, #tpu.memory_space<vmem>>, vector<1x16xf32>,
    %get3A_923 = arith.constant 10 : i32
    %get3A_924 = arith.index_cast %get3A_923 : i32 to index
    %get3A_925 = arith.constant 64 : index
    %get3A_926 = tpu.vector_load %arg5[%get3A_924, %get3A_925] {strides = array<i32>} : memref<32x128xf32, #tpu.memory_space<vmem>>, vector<1x16xf32>,
    %get3A_927 = vector.shape_cast %get3A_926 : vector<1x16xf32> to vector<16xf32>
    %swap3A_928 = arith.constant 10 : i32
    %swap3A_929 = arith.index_cast %swap3A_928 : i32 to index
    %swap3A_930 = arith.constant 64 : index
    %swap3A_931 = tpu.vector_load %arg7[%swap3A_929, %swap3A_930] {strides = array<i32>} : memref<32x256xf32, #tpu.memory_space<vmem>>, vector<1x16xf32>,
    %swap3A_932 = vector.shape_cast %swap3A_931 : vector<1x16xf32> to vector<16xf32>
    %swap3A_933 = vector.shape_cast %get3A_927 : vector<16xf32> to vector<1x16xf32>
    tpu.vector_store %arg7[%swap3A_929, %swap3A_930], %swap3A_933 {strides = array<i32>} : memref<32x256xf32, #tpu.memory_space<vmem>>, vector<1x16xf32>,
    %get3A_934 = arith.constant 10 : i32
    %get3A_935 = arith.index_cast %get3A_934 : i32 to index
    %get3A_936 = arith.constant 80 : index
    %get3A_937 = tpu.vector_load %arg5[%get3A_935, %get3A_936] {strides = array<i32>} : memref<32x128xf32, #tpu.memory_space<vmem>>, vector<1x16xf32>,
    %get3A_938 = vector.shape_cast %get3A_937 : vector<1x16xf32> to vector<16xf32>
    %swap3A_939 = arith.constant 10 : i32
    %swap3A_940 = arith.index_cast %swap3A_939 : i32 to index
    %swap3A_941 = arith.constant 80 : index
    %swap3A_942 = tpu.vector_load %arg7[%swap3A_940, %swap3A_941] {strides = array<i32>} : memref<32x256xf32, #tpu.memory_space<vmem>>, vector<1x16xf32>,
    %swap3A_943 = vector.shape_cast %swap3A_942 : vector<1x16xf32> to vector<16xf32>
    %swap3A_944 = vector.shape_cast %get3A_938 : vector<16xf32> to vector<1x16xf32>
    tpu.vector_store %arg7[%swap3A_940, %swap3A_941], %swap3A_944 {strides = array<i32>} : memref<32x256xf32, #tpu.memory_space<vmem>>, vector<1x16xf32>,
    %get3A_945 = arith.constant 10 : i32
    %get3A_946 = arith.index_cast %get3A_945 : i32 to index
    %get3A_947 = arith.constant 96 : index
    %get3A_948 = tpu.vector_load %arg5[%get3A_946, %get3A_947] {strides = array<i32>} : memref<32x128xf32, #tpu.memory_space<vmem>>, vector<1x16xf32>,
    %get3A_949 = vector.shape_cast %get3A_948 : vector<1x16xf32> to vector<16xf32>
    %swap3A_950 = arith.constant 10 : i32
    %swap3A_951 = arith.index_cast %swap3A_950 : i32 to index
    %swap3A_952 = arith.constant 96 : index
    %swap3A_953 = tpu.vector_load %arg7[%swap3A_951, %swap3A_952] {strides = array<i32>} : memref<32x256xf32, #tpu.memory_space<vmem>>, vector<1x16xf32>,
    %swap3A_954 = vector.shape_cast %swap3A_953 : vector<1x16xf32> to vector<16xf32>
    %swap3A_955 = vector.shape_cast %get3A_949 : vector<16xf32> to vector<1x16xf32>
    tpu.vector_store %arg7[%swap3A_951, %swap3A_952], %swap3A_955 {strides = array<i32>} : memref<32x256xf32, #tpu.memory_space<vmem>>, vector<1x16xf32>,
    %get3A_956 = arith.constant 10 : i32
    %get3A_957 = arith.index_cast %get3A_956 : i32 to index
    %get3A_958 = arith.constant 112 : index
    %get3A_959 = tpu.vector_load %arg5[%get3A_957, %get3A_958] {strides = array<i32>} : memref<32x128xf32, #tpu.memory_space<vmem>>, vector<1x16xf32>,
    %get3A_960 = vector.shape_cast %get3A_959 : vector<1x16xf32> to vector<16xf32>
    %swap3A_961 = arith.constant 10 : i32
    %swap3A_962 = arith.index_cast %swap3A_961 : i32 to index
    %swap3A_963 = arith.constant 112 : index
    %swap3A_964 = tpu.vector_load %arg7[%swap3A_962, %swap3A_963] {strides = array<i32>} : memref<32x256xf32, #tpu.memory_space<vmem>>, vector<1x16xf32>,
    %swap3A_965 = vector.shape_cast %swap3A_964 : vector<1x16xf32> to vector<16xf32>
    %swap3A_966 = vector.shape_cast %get3A_960 : vector<16xf32> to vector<1x16xf32>
    tpu.vector_store %arg7[%swap3A_962, %swap3A_963], %swap3A_966 {strides = array<i32>} : memref<32x256xf32, #tpu.memory_space<vmem>>, vector<1x16xf32>,
    %get3A_967 = arith.constant 11 : i32
    %get3A_968 = arith.index_cast %get3A_967 : i32 to index
    %get3A_969 = arith.constant 0 : index
    %get3A_970 = tpu.vector_load %arg5[%get3A_968, %get3A_969] {strides = array<i32>} : memref<32x128xf32, #tpu.memory_space<vmem>>, vector<1x16xf32>,
    %get3A_971 = vector.shape_cast %get3A_970 : vector<1x16xf32> to vector<16xf32>
    %swap3A_972 = arith.constant 11 : i32
    %swap3A_973 = arith.index_cast %swap3A_972 : i32 to index
    %swap3A_974 = arith.constant 0 : index
    %swap3A_975 = tpu.vector_load %arg7[%swap3A_973, %swap3A_974] {strides = array<i32>} : memref<32x256xf32, #tpu.memory_space<vmem>>, vector<1x16xf32>,
    %swap3A_976 = vector.shape_cast %swap3A_975 : vector<1x16xf32> to vector<16xf32>
    %swap3A_977 = vector.shape_cast %get3A_971 : vector<16xf32> to vector<1x16xf32>
    tpu.vector_store %arg7[%swap3A_973, %swap3A_974], %swap3A_977 {strides = array<i32>} : memref<32x256xf32, #tpu.memory_space<vmem>>, vector<1x16xf32>,
    %get3A_978 = arith.constant 11 : i32
    %get3A_979 = arith.index_cast %get3A_978 : i32 to index
    %get3A_980 = arith.constant 16 : index
    %get3A_981 = tpu.vector_load %arg5[%get3A_979, %get3A_980] {strides = array<i32>} : memref<32x128xf32, #tpu.memory_space<vmem>>, vector<1x16xf32>,
    %get3A_982 = vector.shape_cast %get3A_981 : vector<1x16xf32> to vector<16xf32>
    %swap3A_983 = arith.constant 11 : i32
    %swap3A_984 = arith.index_cast %swap3A_983 : i32 to index
    %swap3A_985 = arith.constant 16 : index
    %swap3A_986 = tpu.vector_load %arg7[%swap3A_984, %swap3A_985] {strides = array<i32>} : memref<32x256xf32, #tpu.memory_space<vmem>>, vector<1x16xf32>,
    %swap3A_987 = vector.shape_cast %swap3A_986 : vector<1x16xf32> to vector<16xf32>
    %swap3A_988 = vector.shape_cast %get3A_982 : vector<16xf32> to vector<1x16xf32>
    tpu.vector_store %arg7[%swap3A_984, %swap3A_985], %swap3A_988 {strides = array<i32>} : memref<32x256xf32, #tpu.memory_space<vmem>>, vector<1x16xf32>,
    %get3A_989 = arith.constant 11 : i32
    %get3A_990 = arith.index_cast %get3A_989 : i32 to index
    %get3A_991 = arith.constant 32 : index
    %get3A_992 = tpu.vector_load %arg5[%get3A_990, %get3A_991] {strides = array<i32>} : memref<32x128xf32, #tpu.memory_space<vmem>>, vector<1x16xf32>,
    %get3A_993 = vector.shape_cast %get3A_992 : vector<1x16xf32> to vector<16xf32>
    %swap3A_994 = arith.constant 11 : i32
    %swap3A_995 = arith.index_cast %swap3A_994 : i32 to index
    %swap3A_996 = arith.constant 32 : index
    %swap3A_997 = tpu.vector_load %arg7[%swap3A_995, %swap3A_996] {strides = array<i32>} : memref<32x256xf32, #tpu.memory_space<vmem>>, vector<1x16xf32>,
    %swap3A_998 = vector.shape_cast %swap3A_997 : vector<1x16xf32> to vector<16xf32>
    %swap3A_999 = vector.shape_cast %get3A_993 : vector<16xf32> to vector<1x16xf32>
    tpu.vector_store %arg7[%swap3A_995, %swap3A_996], %swap3A_999 {strides = array<i32>} : memref<32x256xf32, #tpu.memory_space<vmem>>, vector<1x16xf32>,
    %get3A_1000 = arith.constant 11 : i32
    %get3A_1001 = arith.index_cast %get3A_1000 : i32 to index
    %get3A_1002 = arith.constant 48 : index
    %get3A_1003 = tpu.vector_load %arg5[%get3A_1001, %get3A_1002] {strides = array<i32>} : memref<32x128xf32, #tpu.memory_space<vmem>>, vector<1x16xf32>,
    %get3A_1004 = vector.shape_cast %get3A_1003 : vector<1x16xf32> to vector<16xf32>
    %swap3A_1005 = arith.constant 11 : i32
    %swap3A_1006 = arith.index_cast %swap3A_1005 : i32 to index
    %swap3A_1007 = arith.constant 48 : index
    %swap3A_1008 = tpu.vector_load %arg7[%swap3A_1006, %swap3A_1007] {strides = array<i32>} : memref<32x256xf32, #tpu.memory_space<vmem>>, vector<1x16xf32>,
    %swap3A_1009 = vector.shape_cast %swap3A_1008 : vector<1x16xf32> to vector<16xf32>
    %swap3A_1010 = vector.shape_cast %get3A_1004 : vector<16xf32> to vector<1x16xf32>
    tpu.vector_store %arg7[%swap3A_1006, %swap3A_1007], %swap3A_1010 {strides = array<i32>} : memref<32x256xf32, #tpu.memory_space<vmem>>, vector<1x16xf32>,
    %get3A_1011 = arith.constant 11 : i32
    %get3A_1012 = arith.index_cast %get3A_1011 : i32 to index
    %get3A_1013 = arith.constant 64 : index
    %get3A_1014 = tpu.vector_load %arg5[%get3A_1012, %get3A_1013] {strides = array<i32>} : memref<32x128xf32, #tpu.memory_space<vmem>>, vector<1x16xf32>,
    %get3A_1015 = vector.shape_cast %get3A_1014 : vector<1x16xf32> to vector<16xf32>
    %swap3A_1016 = arith.constant 11 : i32
    %swap3A_1017 = arith.index_cast %swap3A_1016 : i32 to index
    %swap3A_1018 = arith.constant 64 : index
    %swap3A_1019 = tpu.vector_load %arg7[%swap3A_1017, %swap3A_1018] {strides = array<i32>} : memref<32x256xf32, #tpu.memory_space<vmem>>, vector<1x16xf32>,
    %swap3A_1020 = vector.shape_cast %swap3A_1019 : vector<1x16xf32> to vector<16xf32>
    %swap3A_1021 = vector.shape_cast %get3A_1015 : vector<16xf32> to vector<1x16xf32>
    tpu.vector_store %arg7[%swap3A_1017, %swap3A_1018], %swap3A_1021 {strides = array<i32>} : memref<32x256xf32, #tpu.memory_space<vmem>>, vector<1x16xf32>,
    %get3A_1022 = arith.constant 11 : i32
    %get3A_1023 = arith.index_cast %get3A_1022 : i32 to index
    %get3A_1024 = arith.constant 80 : index
    %get3A_1025 = tpu.vector_load %arg5[%get3A_1023, %get3A_1024] {strides = array<i32>} : memref<32x128xf32, #tpu.memory_space<vmem>>, vector<1x16xf32>,
    %get3A_1026 = vector.shape_cast %get3A_1025 : vector<1x16xf32> to vector<16xf32>
    %swap3A_1027 = arith.constant 11 : i32
    %swap3A_1028 = arith.index_cast %swap3A_1027 : i32 to index
    %swap3A_1029 = arith.constant 80 : index
    %swap3A_1030 = tpu.vector_load %arg7[%swap3A_1028, %swap3A_1029] {strides = array<i32>} : memref<32x256xf32, #tpu.memory_space<vmem>>, vector<1x16xf32>,
    %swap3A_1031 = vector.shape_cast %swap3A_1030 : vector<1x16xf32> to vector<16xf32>
    %swap3A_1032 = vector.shape_cast %get3A_1026 : vector<16xf32> to vector<1x16xf32>
    tpu.vector_store %arg7[%swap3A_1028, %swap3A_1029], %swap3A_1032 {strides = array<i32>} : memref<32x256xf32, #tpu.memory_space<vmem>>, vector<1x16xf32>,
    %get3A_1033 = arith.constant 11 : i32
    %get3A_1034 = arith.index_cast %get3A_1033 : i32 to index
    %get3A_1035 = arith.constant 96 : index
    %get3A_1036 = tpu.vector_load %arg5[%get3A_1034, %get3A_1035] {strides = array<i32>} : memref<32x128xf32, #tpu.memory_space<vmem>>, vector<1x16xf32>,
    %get3A_1037 = vector.shape_cast %get3A_1036 : vector<1x16xf32> to vector<16xf32>
    %swap3A_1038 = arith.constant 11 : i32
    %swap3A_1039 = arith.index_cast %swap3A_1038 : i32 to index
    %swap3A_1040 = arith.constant 96 : index
    %swap3A_1041 = tpu.vector_load %arg7[%swap3A_1039, %swap3A_1040] {strides = array<i32>} : memref<32x256xf32, #tpu.memory_space<vmem>>, vector<1x16xf32>,
    %swap3A_1042 = vector.shape_cast %swap3A_1041 : vector<1x16xf32> to vector<16xf32>
    %swap3A_1043 = vector.shape_cast %get3A_1037 : vector<16xf32> to vector<1x16xf32>
    tpu.vector_store %arg7[%swap3A_1039, %swap3A_1040], %swap3A_1043 {strides = array<i32>} : memref<32x256xf32, #tpu.memory_space<vmem>>, vector<1x16xf32>,
    %get3A_1044 = arith.constant 11 : i32
    %get3A_1045 = arith.index_cast %get3A_1044 : i32 to index
    %get3A_1046 = arith.constant 112 : index
    %get3A_1047 = tpu.vector_load %arg5[%get3A_1045, %get3A_1046] {strides = array<i32>} : memref<32x128xf32, #tpu.memory_space<vmem>>, vector<1x16xf32>,
    %get3A_1048 = vector.shape_cast %get3A_1047 : vector<1x16xf32> to vector<16xf32>
    %swap3A_1049 = arith.constant 11 : i32
    %swap3A_1050 = arith.index_cast %swap3A_1049 : i32 to index
    %swap3A_1051 = arith.constant 112 : index
    %swap3A_1052 = tpu.vector_load %arg7[%swap3A_1050, %swap3A_1051] {strides = array<i32>} : memref<32x256xf32, #tpu.memory_space<vmem>>, vector<1x16xf32>,
    %swap3A_1053 = vector.shape_cast %swap3A_1052 : vector<1x16xf32> to vector<16xf32>
    %swap3A_1054 = vector.shape_cast %get3A_1048 : vector<16xf32> to vector<1x16xf32>
    tpu.vector_store %arg7[%swap3A_1050, %swap3A_1051], %swap3A_1054 {strides = array<i32>} : memref<32x256xf32, #tpu.memory_space<vmem>>, vector<1x16xf32>,
    %get3A_1055 = arith.constant 12 : i32
    %get3A_1056 = arith.index_cast %get3A_1055 : i32 to index
    %get3A_1057 = arith.constant 0 : index
    %get3A_1058 = tpu.vector_load %arg5[%get3A_1056, %get3A_1057] {strides = array<i32>} : memref<32x128xf32, #tpu.memory_space<vmem>>, vector<1x16xf32>,
    %get3A_1059 = vector.shape_cast %get3A_1058 : vector<1x16xf32> to vector<16xf32>
    %swap3A_1060 = arith.constant 12 : i32
    %swap3A_1061 = arith.index_cast %swap3A_1060 : i32 to index
    %swap3A_1062 = arith.constant 0 : index
    %swap3A_1063 = tpu.vector_load %arg7[%swap3A_1061, %swap3A_1062] {strides = array<i32>} : memref<32x256xf32, #tpu.memory_space<vmem>>, vector<1x16xf32>,
    %swap3A_1064 = vector.shape_cast %swap3A_1063 : vector<1x16xf32> to vector<16xf32>
    %swap3A_1065 = vector.shape_cast %get3A_1059 : vector<16xf32> to vector<1x16xf32>
    tpu.vector_store %arg7[%swap3A_1061, %swap3A_1062], %swap3A_1065 {strides = array<i32>} : memref<32x256xf32, #tpu.memory_space<vmem>>, vector<1x16xf32>,
    %get3A_1066 = arith.constant 12 : i32
    %get3A_1067 = arith.index_cast %get3A_1066 : i32 to index
    %get3A_1068 = arith.constant 16 : index
    %get3A_1069 = tpu.vector_load %arg5[%get3A_1067, %get3A_1068] {strides = array<i32>} : memref<32x128xf32, #tpu.memory_space<vmem>>, vector<1x16xf32>,
    %get3A_1070 = vector.shape_cast %get3A_1069 : vector<1x16xf32> to vector<16xf32>
    %swap3A_1071 = arith.constant 12 : i32
    %swap3A_1072 = arith.index_cast %swap3A_1071 : i32 to index
    %swap3A_1073 = arith.constant 16 : index
    %swap3A_1074 = tpu.vector_load %arg7[%swap3A_1072, %swap3A_1073] {strides = array<i32>} : memref<32x256xf32, #tpu.memory_space<vmem>>, vector<1x16xf32>,
    %swap3A_1075 = vector.shape_cast %swap3A_1074 : vector<1x16xf32> to vector<16xf32>
    %swap3A_1076 = vector.shape_cast %get3A_1070 : vector<16xf32> to vector<1x16xf32>
    tpu.vector_store %arg7[%swap3A_1072, %swap3A_1073], %swap3A_1076 {strides = array<i32>} : memref<32x256xf32, #tpu.memory_space<vmem>>, vector<1x16xf32>,
    %get3A_1077 = arith.constant 12 : i32
    %get3A_1078 = arith.index_cast %get3A_1077 : i32 to index
    %get3A_1079 = arith.constant 32 : index
    %get3A_1080 = tpu.vector_load %arg5[%get3A_1078, %get3A_1079] {strides = array<i32>} : memref<32x128xf32, #tpu.memory_space<vmem>>, vector<1x16xf32>,
    %get3A_1081 = vector.shape_cast %get3A_1080 : vector<1x16xf32> to vector<16xf32>
    %swap3A_1082 = arith.constant 12 : i32
    %swap3A_1083 = arith.index_cast %swap3A_1082 : i32 to index
    %swap3A_1084 = arith.constant 32 : index
    %swap3A_1085 = tpu.vector_load %arg7[%swap3A_1083, %swap3A_1084] {strides = array<i32>} : memref<32x256xf32, #tpu.memory_space<vmem>>, vector<1x16xf32>,
    %swap3A_1086 = vector.shape_cast %swap3A_1085 : vector<1x16xf32> to vector<16xf32>
    %swap3A_1087 = vector.shape_cast %get3A_1081 : vector<16xf32> to vector<1x16xf32>
    tpu.vector_store %arg7[%swap3A_1083, %swap3A_1084], %swap3A_1087 {strides = array<i32>} : memref<32x256xf32, #tpu.memory_space<vmem>>, vector<1x16xf32>,
    %get3A_1088 = arith.constant 12 : i32
    %get3A_1089 = arith.index_cast %get3A_1088 : i32 to index
    %get3A_1090 = arith.constant 48 : index
    %get3A_1091 = tpu.vector_load %arg5[%get3A_1089, %get3A_1090] {strides = array<i32>} : memref<32x128xf32, #tpu.memory_space<vmem>>, vector<1x16xf32>,
    %get3A_1092 = vector.shape_cast %get3A_1091 : vector<1x16xf32> to vector<16xf32>
    %swap3A_1093 = arith.constant 12 : i32
    %swap3A_1094 = arith.index_cast %swap3A_1093 : i32 to index
    %swap3A_1095 = arith.constant 48 : index
    %swap3A_1096 = tpu.vector_load %arg7[%swap3A_1094, %swap3A_1095] {strides = array<i32>} : memref<32x256xf32, #tpu.memory_space<vmem>>, vector<1x16xf32>,
    %swap3A_1097 = vector.shape_cast %swap3A_1096 : vector<1x16xf32> to vector<16xf32>
    %swap3A_1098 = vector.shape_cast %get3A_1092 : vector<16xf32> to vector<1x16xf32>
    tpu.vector_store %arg7[%swap3A_1094, %swap3A_1095], %swap3A_1098 {strides = array<i32>} : memref<32x256xf32, #tpu.memory_space<vmem>>, vector<1x16xf32>,
    %get3A_1099 = arith.constant 12 : i32
    %get3A_1100 = arith.index_cast %get3A_1099 : i32 to index
    %get3A_1101 = arith.constant 64 : index
    %get3A_1102 = tpu.vector_load %arg5[%get3A_1100, %get3A_1101] {strides = array<i32>} : memref<32x128xf32, #tpu.memory_space<vmem>>, vector<1x16xf32>,
    %get3A_1103 = vector.shape_cast %get3A_1102 : vector<1x16xf32> to vector<16xf32>
    %swap3A_1104 = arith.constant 12 : i32
    %swap3A_1105 = arith.index_cast %swap3A_1104 : i32 to index
    %swap3A_1106 = arith.constant 64 : index
    %swap3A_1107 = tpu.vector_load %arg7[%swap3A_1105, %swap3A_1106] {strides = array<i32>} : memref<32x256xf32, #tpu.memory_space<vmem>>, vector<1x16xf32>,
    %swap3A_1108 = vector.shape_cast %swap3A_1107 : vector<1x16xf32> to vector<16xf32>
    %swap3A_1109 = vector.shape_cast %get3A_1103 : vector<16xf32> to vector<1x16xf32>
    tpu.vector_store %arg7[%swap3A_1105, %swap3A_1106], %swap3A_1109 {strides = array<i32>} : memref<32x256xf32, #tpu.memory_space<vmem>>, vector<1x16xf32>,
    %get3A_1110 = arith.constant 12 : i32
    %get3A_1111 = arith.index_cast %get3A_1110 : i32 to index
    %get3A_1112 = arith.constant 80 : index
    %get3A_1113 = tpu.vector_load %arg5[%get3A_1111, %get3A_1112] {strides = array<i32>} : memref<32x128xf32, #tpu.memory_space<vmem>>, vector<1x16xf32>,
    %get3A_1114 = vector.shape_cast %get3A_1113 : vector<1x16xf32> to vector<16xf32>
    %swap3A_1115 = arith.constant 12 : i32
    %swap3A_1116 = arith.index_cast %swap3A_1115 : i32 to index
    %swap3A_1117 = arith.constant 80 : index
    %swap3A_1118 = tpu.vector_load %arg7[%swap3A_1116, %swap3A_1117] {strides = array<i32>} : memref<32x256xf32, #tpu.memory_space<vmem>>, vector<1x16xf32>,
    %swap3A_1119 = vector.shape_cast %swap3A_1118 : vector<1x16xf32> to vector<16xf32>
    %swap3A_1120 = vector.shape_cast %get3A_1114 : vector<16xf32> to vector<1x16xf32>
    tpu.vector_store %arg7[%swap3A_1116, %swap3A_1117], %swap3A_1120 {strides = array<i32>} : memref<32x256xf32, #tpu.memory_space<vmem>>, vector<1x16xf32>,
    %get3A_1121 = arith.constant 12 : i32
    %get3A_1122 = arith.index_cast %get3A_1121 : i32 to index
    %get3A_1123 = arith.constant 96 : index
    %get3A_1124 = tpu.vector_load %arg5[%get3A_1122, %get3A_1123] {strides = array<i32>} : memref<32x128xf32, #tpu.memory_space<vmem>>, vector<1x16xf32>,
    %get3A_1125 = vector.shape_cast %get3A_1124 : vector<1x16xf32> to vector<16xf32>
    %swap3A_1126 = arith.constant 12 : i32
    %swap3A_1127 = arith.index_cast %swap3A_1126 : i32 to index
    %swap3A_1128 = arith.constant 96 : index
    %swap3A_1129 = tpu.vector_load %arg7[%swap3A_1127, %swap3A_1128] {strides = array<i32>} : memref<32x256xf32, #tpu.memory_space<vmem>>, vector<1x16xf32>,
    %swap3A_1130 = vector.shape_cast %swap3A_1129 : vector<1x16xf32> to vector<16xf32>
    %swap3A_1131 = vector.shape_cast %get3A_1125 : vector<16xf32> to vector<1x16xf32>
    tpu.vector_store %arg7[%swap3A_1127, %swap3A_1128], %swap3A_1131 {strides = array<i32>} : memref<32x256xf32, #tpu.memory_space<vmem>>, vector<1x16xf32>,
    %get3A_1132 = arith.constant 12 : i32
    %get3A_1133 = arith.index_cast %get3A_1132 : i32 to index
    %get3A_1134 = arith.constant 112 : index
    %get3A_1135 = tpu.vector_load %arg5[%get3A_1133, %get3A_1134] {strides = array<i32>} : memref<32x128xf32, #tpu.memory_space<vmem>>, vector<1x16xf32>,
    %get3A_1136 = vector.shape_cast %get3A_1135 : vector<1x16xf32> to vector<16xf32>
    %swap3A_1137 = arith.constant 12 : i32
    %swap3A_1138 = arith.index_cast %swap3A_1137 : i32 to index
    %swap3A_1139 = arith.constant 112 : index
    %swap3A_1140 = tpu.vector_load %arg7[%swap3A_1138, %swap3A_1139] {strides = array<i32>} : memref<32x256xf32, #tpu.memory_space<vmem>>, vector<1x16xf32>,
    %swap3A_1141 = vector.shape_cast %swap3A_1140 : vector<1x16xf32> to vector<16xf32>
    %swap3A_1142 = vector.shape_cast %get3A_1136 : vector<16xf32> to vector<1x16xf32>
    tpu.vector_store %arg7[%swap3A_1138, %swap3A_1139], %swap3A_1142 {strides = array<i32>} : memref<32x256xf32, #tpu.memory_space<vmem>>, vector<1x16xf32>,
    %get3A_1143 = arith.constant 13 : i32
    %get3A_1144 = arith.index_cast %get3A_1143 : i32 to index
    %get3A_1145 = arith.constant 0 : index
    %get3A_1146 = tpu.vector_load %arg5[%get3A_1144, %get3A_1145] {strides = array<i32>} : memref<32x128xf32, #tpu.memory_space<vmem>>, vector<1x16xf32>,
    %get3A_1147 = vector.shape_cast %get3A_1146 : vector<1x16xf32> to vector<16xf32>
    %swap3A_1148 = arith.constant 13 : i32
    %swap3A_1149 = arith.index_cast %swap3A_1148 : i32 to index
    %swap3A_1150 = arith.constant 0 : index
    %swap3A_1151 = tpu.vector_load %arg7[%swap3A_1149, %swap3A_1150] {strides = array<i32>} : memref<32x256xf32, #tpu.memory_space<vmem>>, vector<1x16xf32>,
    %swap3A_1152 = vector.shape_cast %swap3A_1151 : vector<1x16xf32> to vector<16xf32>
    %swap3A_1153 = vector.shape_cast %get3A_1147 : vector<16xf32> to vector<1x16xf32>
    tpu.vector_store %arg7[%swap3A_1149, %swap3A_1150], %swap3A_1153 {strides = array<i32>} : memref<32x256xf32, #tpu.memory_space<vmem>>, vector<1x16xf32>,
    %get3A_1154 = arith.constant 13 : i32
    %get3A_1155 = arith.index_cast %get3A_1154 : i32 to index
    %get3A_1156 = arith.constant 16 : index
    %get3A_1157 = tpu.vector_load %arg5[%get3A_1155, %get3A_1156] {strides = array<i32>} : memref<32x128xf32, #tpu.memory_space<vmem>>, vector<1x16xf32>,
    %get3A_1158 = vector.shape_cast %get3A_1157 : vector<1x16xf32> to vector<16xf32>
    %swap3A_1159 = arith.constant 13 : i32
    %swap3A_1160 = arith.index_cast %swap3A_1159 : i32 to index
    %swap3A_1161 = arith.constant 16 : index
    %swap3A_1162 = tpu.vector_load %arg7[%swap3A_1160, %swap3A_1161] {strides = array<i32>} : memref<32x256xf32, #tpu.memory_space<vmem>>, vector<1x16xf32>,
    %swap3A_1163 = vector.shape_cast %swap3A_1162 : vector<1x16xf32> to vector<16xf32>
    %swap3A_1164 = vector.shape_cast %get3A_1158 : vector<16xf32> to vector<1x16xf32>
    tpu.vector_store %arg7[%swap3A_1160, %swap3A_1161], %swap3A_1164 {strides = array<i32>} : memref<32x256xf32, #tpu.memory_space<vmem>>, vector<1x16xf32>,
    %get3A_1165 = arith.constant 13 : i32
    %get3A_1166 = arith.index_cast %get3A_1165 : i32 to index
    %get3A_1167 = arith.constant 32 : index
    %get3A_1168 = tpu.vector_load %arg5[%get3A_1166, %get3A_1167] {strides = array<i32>} : memref<32x128xf32, #tpu.memory_space<vmem>>, vector<1x16xf32>,
    %get3A_1169 = vector.shape_cast %get3A_1168 : vector<1x16xf32> to vector<16xf32>
    %swap3A_1170 = arith.constant 13 : i32
    %swap3A_1171 = arith.index_cast %swap3A_1170 : i32 to index
    %swap3A_1172 = arith.constant 32 : index
    %swap3A_1173 = tpu.vector_load %arg7[%swap3A_1171, %swap3A_1172] {strides = array<i32>} : memref<32x256xf32, #tpu.memory_space<vmem>>, vector<1x16xf32>,
    %swap3A_1174 = vector.shape_cast %swap3A_1173 : vector<1x16xf32> to vector<16xf32>
    %swap3A_1175 = vector.shape_cast %get3A_1169 : vector<16xf32> to vector<1x16xf32>
    tpu.vector_store %arg7[%swap3A_1171, %swap3A_1172], %swap3A_1175 {strides = array<i32>} : memref<32x256xf32, #tpu.memory_space<vmem>>, vector<1x16xf32>,
    %get3A_1176 = arith.constant 13 : i32
    %get3A_1177 = arith.index_cast %get3A_1176 : i32 to index
    %get3A_1178 = arith.constant 48 : index
    %get3A_1179 = tpu.vector_load %arg5[%get3A_1177, %get3A_1178] {strides = array<i32>} : memref<32x128xf32, #tpu.memory_space<vmem>>, vector<1x16xf32>,
    %get3A_1180 = vector.shape_cast %get3A_1179 : vector<1x16xf32> to vector<16xf32>
    %swap3A_1181 = arith.constant 13 : i32
    %swap3A_1182 = arith.index_cast %swap3A_1181 : i32 to index
    %swap3A_1183 = arith.constant 48 : index
    %swap3A_1184 = tpu.vector_load %arg7[%swap3A_1182, %swap3A_1183] {strides = array<i32>} : memref<32x256xf32, #tpu.memory_space<vmem>>, vector<1x16xf32>,
    %swap3A_1185 = vector.shape_cast %swap3A_1184 : vector<1x16xf32> to vector<16xf32>
    %swap3A_1186 = vector.shape_cast %get3A_1180 : vector<16xf32> to vector<1x16xf32>
    tpu.vector_store %arg7[%swap3A_1182, %swap3A_1183], %swap3A_1186 {strides = array<i32>} : memref<32x256xf32, #tpu.memory_space<vmem>>, vector<1x16xf32>,
    %get3A_1187 = arith.constant 13 : i32
    %get3A_1188 = arith.index_cast %get3A_1187 : i32 to index
    %get3A_1189 = arith.constant 64 : index
    %get3A_1190 = tpu.vector_load %arg5[%get3A_1188, %get3A_1189] {strides = array<i32>} : memref<32x128xf32, #tpu.memory_space<vmem>>, vector<1x16xf32>,
    %get3A_1191 = vector.shape_cast %get3A_1190 : vector<1x16xf32> to vector<16xf32>
    %swap3A_1192 = arith.constant 13 : i32
    %swap3A_1193 = arith.index_cast %swap3A_1192 : i32 to index
    %swap3A_1194 = arith.constant 64 : index
    %swap3A_1195 = tpu.vector_load %arg7[%swap3A_1193, %swap3A_1194] {strides = array<i32>} : memref<32x256xf32, #tpu.memory_space<vmem>>, vector<1x16xf32>,
    %swap3A_1196 = vector.shape_cast %swap3A_1195 : vector<1x16xf32> to vector<16xf32>
    %swap3A_1197 = vector.shape_cast %get3A_1191 : vector<16xf32> to vector<1x16xf32>
    tpu.vector_store %arg7[%swap3A_1193, %swap3A_1194], %swap3A_1197 {strides = array<i32>} : memref<32x256xf32, #tpu.memory_space<vmem>>, vector<1x16xf32>,
    %get3A_1198 = arith.constant 13 : i32
    %get3A_1199 = arith.index_cast %get3A_1198 : i32 to index
    %get3A_1200 = arith.constant 80 : index
    %get3A_1201 = tpu.vector_load %arg5[%get3A_1199, %get3A_1200] {strides = array<i32>} : memref<32x128xf32, #tpu.memory_space<vmem>>, vector<1x16xf32>,
    %get3A_1202 = vector.shape_cast %get3A_1201 : vector<1x16xf32> to vector<16xf32>
    %swap3A_1203 = arith.constant 13 : i32
    %swap3A_1204 = arith.index_cast %swap3A_1203 : i32 to index
    %swap3A_1205 = arith.constant 80 : index
    %swap3A_1206 = tpu.vector_load %arg7[%swap3A_1204, %swap3A_1205] {strides = array<i32>} : memref<32x256xf32, #tpu.memory_space<vmem>>, vector<1x16xf32>,
    %swap3A_1207 = vector.shape_cast %swap3A_1206 : vector<1x16xf32> to vector<16xf32>
    %swap3A_1208 = vector.shape_cast %get3A_1202 : vector<16xf32> to vector<1x16xf32>
    tpu.vector_store %arg7[%swap3A_1204, %swap3A_1205], %swap3A_1208 {strides = array<i32>} : memref<32x256xf32, #tpu.memory_space<vmem>>, vector<1x16xf32>,
    %get3A_1209 = arith.constant 13 : i32
    %get3A_1210 = arith.index_cast %get3A_1209 : i32 to index
    %get3A_1211 = arith.constant 96 : index
    %get3A_1212 = tpu.vector_load %arg5[%get3A_1210, %get3A_1211] {strides = array<i32>} : memref<32x128xf32, #tpu.memory_space<vmem>>, vector<1x16xf32>,
    %get3A_1213 = vector.shape_cast %get3A_1212 : vector<1x16xf32> to vector<16xf32>
    %swap3A_1214 = arith.constant 13 : i32
    %swap3A_1215 = arith.index_cast %swap3A_1214 : i32 to index
    %swap3A_1216 = arith.constant 96 : index
    %swap3A_1217 = tpu.vector_load %arg7[%swap3A_1215, %swap3A_1216] {strides = array<i32>} : memref<32x256xf32, #tpu.memory_space<vmem>>, vector<1x16xf32>,
    %swap3A_1218 = vector.shape_cast %swap3A_1217 : vector<1x16xf32> to vector<16xf32>
    %swap3A_1219 = vector.shape_cast %get3A_1213 : vector<16xf32> to vector<1x16xf32>
    tpu.vector_store %arg7[%swap3A_1215, %swap3A_1216], %swap3A_1219 {strides = array<i32>} : memref<32x256xf32, #tpu.memory_space<vmem>>, vector<1x16xf32>,
    %get3A_1220 = arith.constant 13 : i32
    %get3A_1221 = arith.index_cast %get3A_1220 : i32 to index
    %get3A_1222 = arith.constant 112 : index
    %get3A_1223 = tpu.vector_load %arg5[%get3A_1221, %get3A_1222] {strides = array<i32>} : memref<32x128xf32, #tpu.memory_space<vmem>>, vector<1x16xf32>,
    %get3A_1224 = vector.shape_cast %get3A_1223 : vector<1x16xf32> to vector<16xf32>
    %swap3A_1225 = arith.constant 13 : i32
    %swap3A_1226 = arith.index_cast %swap3A_1225 : i32 to index
    %swap3A_1227 = arith.constant 112 : index
    %swap3A_1228 = tpu.vector_load %arg7[%swap3A_1226, %swap3A_1227] {strides = array<i32>} : memref<32x256xf32, #tpu.memory_space<vmem>>, vector<1x16xf32>,
    %swap3A_1229 = vector.shape_cast %swap3A_1228 : vector<1x16xf32> to vector<16xf32>
    %swap3A_1230 = vector.shape_cast %get3A_1224 : vector<16xf32> to vector<1x16xf32>
    tpu.vector_store %arg7[%swap3A_1226, %swap3A_1227], %swap3A_1230 {strides = array<i32>} : memref<32x256xf32, #tpu.memory_space<vmem>>, vector<1x16xf32>,
    %get3A_1231 = arith.constant 14 : i32
    %get3A_1232 = arith.index_cast %get3A_1231 : i32 to index
    %get3A_1233 = arith.constant 0 : index
    %get3A_1234 = tpu.vector_load %arg5[%get3A_1232, %get3A_1233] {strides = array<i32>} : memref<32x128xf32, #tpu.memory_space<vmem>>, vector<1x16xf32>,
    %get3A_1235 = vector.shape_cast %get3A_1234 : vector<1x16xf32> to vector<16xf32>
    %swap3A_1236 = arith.constant 14 : i32
    %swap3A_1237 = arith.index_cast %swap3A_1236 : i32 to index
    %swap3A_1238 = arith.constant 0 : index
    %swap3A_1239 = tpu.vector_load %arg7[%swap3A_1237, %swap3A_1238] {strides = array<i32>} : memref<32x256xf32, #tpu.memory_space<vmem>>, vector<1x16xf32>,
    %swap3A_1240 = vector.shape_cast %swap3A_1239 : vector<1x16xf32> to vector<16xf32>
    %swap3A_1241 = vector.shape_cast %get3A_1235 : vector<16xf32> to vector<1x16xf32>
    tpu.vector_store %arg7[%swap3A_1237, %swap3A_1238], %swap3A_1241 {strides = array<i32>} : memref<32x256xf32, #tpu.memory_space<vmem>>, vector<1x16xf32>,
    %get3A_1242 = arith.constant 14 : i32
    %get3A_1243 = arith.index_cast %get3A_1242 : i32 to index
    %get3A_1244 = arith.constant 16 : index
    %get3A_1245 = tpu.vector_load %arg5[%get3A_1243, %get3A_1244] {strides = array<i32>} : memref<32x128xf32, #tpu.memory_space<vmem>>, vector<1x16xf32>,
    %get3A_1246 = vector.shape_cast %get3A_1245 : vector<1x16xf32> to vector<16xf32>
    %swap3A_1247 = arith.constant 14 : i32
    %swap3A_1248 = arith.index_cast %swap3A_1247 : i32 to index
    %swap3A_1249 = arith.constant 16 : index
    %swap3A_1250 = tpu.vector_load %arg7[%swap3A_1248, %swap3A_1249] {strides = array<i32>} : memref<32x256xf32, #tpu.memory_space<vmem>>, vector<1x16xf32>,
    %swap3A_1251 = vector.shape_cast %swap3A_1250 : vector<1x16xf32> to vector<16xf32>
    %swap3A_1252 = vector.shape_cast %get3A_1246 : vector<16xf32> to vector<1x16xf32>
    tpu.vector_store %arg7[%swap3A_1248, %swap3A_1249], %swap3A_1252 {strides = array<i32>} : memref<32x256xf32, #tpu.memory_space<vmem>>, vector<1x16xf32>,
    %get3A_1253 = arith.constant 14 : i32
    %get3A_1254 = arith.index_cast %get3A_1253 : i32 to index
    %get3A_1255 = arith.constant 32 : index
    %get3A_1256 = tpu.vector_load %arg5[%get3A_1254, %get3A_1255] {strides = array<i32>} : memref<32x128xf32, #tpu.memory_space<vmem>>, vector<1x16xf32>,
    %get3A_1257 = vector.shape_cast %get3A_1256 : vector<1x16xf32> to vector<16xf32>
    %swap3A_1258 = arith.constant 14 : i32
    %swap3A_1259 = arith.index_cast %swap3A_1258 : i32 to index
    %swap3A_1260 = arith.constant 32 : index
    %swap3A_1261 = tpu.vector_load %arg7[%swap3A_1259, %swap3A_1260] {strides = array<i32>} : memref<32x256xf32, #tpu.memory_space<vmem>>, vector<1x16xf32>,
    %swap3A_1262 = vector.shape_cast %swap3A_1261 : vector<1x16xf32> to vector<16xf32>
    %swap3A_1263 = vector.shape_cast %get3A_1257 : vector<16xf32> to vector<1x16xf32>
    tpu.vector_store %arg7[%swap3A_1259, %swap3A_1260], %swap3A_1263 {strides = array<i32>} : memref<32x256xf32, #tpu.memory_space<vmem>>, vector<1x16xf32>,
    %get3A_1264 = arith.constant 14 : i32
    %get3A_1265 = arith.index_cast %get3A_1264 : i32 to index
    %get3A_1266 = arith.constant 48 : index
    %get3A_1267 = tpu.vector_load %arg5[%get3A_1265, %get3A_1266] {strides = array<i32>} : memref<32x128xf32, #tpu.memory_space<vmem>>, vector<1x16xf32>,
    %get3A_1268 = vector.shape_cast %get3A_1267 : vector<1x16xf32> to vector<16xf32>
    %swap3A_1269 = arith.constant 14 : i32
    %swap3A_1270 = arith.index_cast %swap3A_1269 : i32 to index
    %swap3A_1271 = arith.constant 48 : index
    %swap3A_1272 = tpu.vector_load %arg7[%swap3A_1270, %swap3A_1271] {strides = array<i32>} : memref<32x256xf32, #tpu.memory_space<vmem>>, vector<1x16xf32>,
    %swap3A_1273 = vector.shape_cast %swap3A_1272 : vector<1x16xf32> to vector<16xf32>
    %swap3A_1274 = vector.shape_cast %get3A_1268 : vector<16xf32> to vector<1x16xf32>
    tpu.vector_store %arg7[%swap3A_1270, %swap3A_1271], %swap3A_1274 {strides = array<i32>} : memref<32x256xf32, #tpu.memory_space<vmem>>, vector<1x16xf32>,
    %get3A_1275 = arith.constant 14 : i32
    %get3A_1276 = arith.index_cast %get3A_1275 : i32 to index
    %get3A_1277 = arith.constant 64 : index
    %get3A_1278 = tpu.vector_load %arg5[%get3A_1276, %get3A_1277] {strides = array<i32>} : memref<32x128xf32, #tpu.memory_space<vmem>>, vector<1x16xf32>,
    %get3A_1279 = vector.shape_cast %get3A_1278 : vector<1x16xf32> to vector<16xf32>
    %swap3A_1280 = arith.constant 14 : i32
    %swap3A_1281 = arith.index_cast %swap3A_1280 : i32 to index
    %swap3A_1282 = arith.constant 64 : index
    %swap3A_1283 = tpu.vector_load %arg7[%swap3A_1281, %swap3A_1282] {strides = array<i32>} : memref<32x256xf32, #tpu.memory_space<vmem>>, vector<1x16xf32>,
    %swap3A_1284 = vector.shape_cast %swap3A_1283 : vector<1x16xf32> to vector<16xf32>
    %swap3A_1285 = vector.shape_cast %get3A_1279 : vector<16xf32> to vector<1x16xf32>
    tpu.vector_store %arg7[%swap3A_1281, %swap3A_1282], %swap3A_1285 {strides = array<i32>} : memref<32x256xf32, #tpu.memory_space<vmem>>, vector<1x16xf32>,
    %get3A_1286 = arith.constant 14 : i32
    %get3A_1287 = arith.index_cast %get3A_1286 : i32 to index
    %get3A_1288 = arith.constant 80 : index
    %get3A_1289 = tpu.vector_load %arg5[%get3A_1287, %get3A_1288] {strides = array<i32>} : memref<32x128xf32, #tpu.memory_space<vmem>>, vector<1x16xf32>,
    %get3A_1290 = vector.shape_cast %get3A_1289 : vector<1x16xf32> to vector<16xf32>
    %swap3A_1291 = arith.constant 14 : i32
    %swap3A_1292 = arith.index_cast %swap3A_1291 : i32 to index
    %swap3A_1293 = arith.constant 80 : index
    %swap3A_1294 = tpu.vector_load %arg7[%swap3A_1292, %swap3A_1293] {strides = array<i32>} : memref<32x256xf32, #tpu.memory_space<vmem>>, vector<1x16xf32>,
    %swap3A_1295 = vector.shape_cast %swap3A_1294 : vector<1x16xf32> to vector<16xf32>
    %swap3A_1296 = vector.shape_cast %get3A_1290 : vector<16xf32> to vector<1x16xf32>
    tpu.vector_store %arg7[%swap3A_1292, %swap3A_1293], %swap3A_1296 {strides = array<i32>} : memref<32x256xf32, #tpu.memory_space<vmem>>, vector<1x16xf32>,
    %get3A_1297 = arith.constant 14 : i32
    %get3A_1298 = arith.index_cast %get3A_1297 : i32 to index
    %get3A_1299 = arith.constant 96 : index
    %get3A_1300 = tpu.vector_load %arg5[%get3A_1298, %get3A_1299] {strides = array<i32>} : memref<32x128xf32, #tpu.memory_space<vmem>>, vector<1x16xf32>,
    %get3A_1301 = vector.shape_cast %get3A_1300 : vector<1x16xf32> to vector<16xf32>
    %swap3A_1302 = arith.constant 14 : i32
    %swap3A_1303 = arith.index_cast %swap3A_1302 : i32 to index
    %swap3A_1304 = arith.constant 96 : index
    %swap3A_1305 = tpu.vector_load %arg7[%swap3A_1303, %swap3A_1304] {strides = array<i32>} : memref<32x256xf32, #tpu.memory_space<vmem>>, vector<1x16xf32>,
    %swap3A_1306 = vector.shape_cast %swap3A_1305 : vector<1x16xf32> to vector<16xf32>
    %swap3A_1307 = vector.shape_cast %get3A_1301 : vector<16xf32> to vector<1x16xf32>
    tpu.vector_store %arg7[%swap3A_1303, %swap3A_1304], %swap3A_1307 {strides = array<i32>} : memref<32x256xf32, #tpu.memory_space<vmem>>, vector<1x16xf32>,
    %get3A_1308 = arith.constant 14 : i32
    %get3A_1309 = arith.index_cast %get3A_1308 : i32 to index
    %get3A_1310 = arith.constant 112 : index
    %get3A_1311 = tpu.vector_load %arg5[%get3A_1309, %get3A_1310] {strides = array<i32>} : memref<32x128xf32, #tpu.memory_space<vmem>>, vector<1x16xf32>,
    %get3A_1312 = vector.shape_cast %get3A_1311 : vector<1x16xf32> to vector<16xf32>
    %swap3A_1313 = arith.constant 14 : i32
    %swap3A_1314 = arith.index_cast %swap3A_1313 : i32 to index
    %swap3A_1315 = arith.constant 112 : index
    %swap3A_1316 = tpu.vector_load %arg7[%swap3A_1314, %swap3A_1315] {strides = array<i32>} : memref<32x256xf32, #tpu.memory_space<vmem>>, vector<1x16xf32>,
    %swap3A_1317 = vector.shape_cast %swap3A_1316 : vector<1x16xf32> to vector<16xf32>
    %swap3A_1318 = vector.shape_cast %get3A_1312 : vector<16xf32> to vector<1x16xf32>
    tpu.vector_store %arg7[%swap3A_1314, %swap3A_1315], %swap3A_1318 {strides = array<i32>} : memref<32x256xf32, #tpu.memory_space<vmem>>, vector<1x16xf32>,
    %get3A_1319 = arith.constant 15 : i32
    %get3A_1320 = arith.index_cast %get3A_1319 : i32 to index
    %get3A_1321 = arith.constant 0 : index
    %get3A_1322 = tpu.vector_load %arg5[%get3A_1320, %get3A_1321] {strides = array<i32>} : memref<32x128xf32, #tpu.memory_space<vmem>>, vector<1x16xf32>,
    %get3A_1323 = vector.shape_cast %get3A_1322 : vector<1x16xf32> to vector<16xf32>
    %swap3A_1324 = arith.constant 15 : i32
    %swap3A_1325 = arith.index_cast %swap3A_1324 : i32 to index
    %swap3A_1326 = arith.constant 0 : index
    %swap3A_1327 = tpu.vector_load %arg7[%swap3A_1325, %swap3A_1326] {strides = array<i32>} : memref<32x256xf32, #tpu.memory_space<vmem>>, vector<1x16xf32>,
    %swap3A_1328 = vector.shape_cast %swap3A_1327 : vector<1x16xf32> to vector<16xf32>
    %swap3A_1329 = vector.shape_cast %get3A_1323 : vector<16xf32> to vector<1x16xf32>
    tpu.vector_store %arg7[%swap3A_1325, %swap3A_1326], %swap3A_1329 {strides = array<i32>} : memref<32x256xf32, #tpu.memory_space<vmem>>, vector<1x16xf32>,
    %get3A_1330 = arith.constant 15 : i32
    %get3A_1331 = arith.index_cast %get3A_1330 : i32 to index
    %get3A_1332 = arith.constant 16 : index
    %get3A_1333 = tpu.vector_load %arg5[%get3A_1331, %get3A_1332] {strides = array<i32>} : memref<32x128xf32, #tpu.memory_space<vmem>>, vector<1x16xf32>,
    %get3A_1334 = vector.shape_cast %get3A_1333 : vector<1x16xf32> to vector<16xf32>
    %swap3A_1335 = arith.constant 15 : i32
    %swap3A_1336 = arith.index_cast %swap3A_1335 : i32 to index
    %swap3A_1337 = arith.constant 16 : index
    %swap3A_1338 = tpu.vector_load %arg7[%swap3A_1336, %swap3A_1337] {strides = array<i32>} : memref<32x256xf32, #tpu.memory_space<vmem>>, vector<1x16xf32>,
    %swap3A_1339 = vector.shape_cast %swap3A_1338 : vector<1x16xf32> to vector<16xf32>
    %swap3A_1340 = vector.shape_cast %get3A_1334 : vector<16xf32> to vector<1x16xf32>
    tpu.vector_store %arg7[%swap3A_1336, %swap3A_1337], %swap3A_1340 {strides = array<i32>} : memref<32x256xf32, #tpu.memory_space<vmem>>, vector<1x16xf32>,
    %get3A_1341 = arith.constant 15 : i32
    %get3A_1342 = arith.index_cast %get3A_1341 : i32 to index
    %get3A_1343 = arith.constant 32 : index
    %get3A_1344 = tpu.vector_load %arg5[%get3A_1342, %get3A_1343] {strides = array<i32>} : memref<32x128xf32, #tpu.memory_space<vmem>>, vector<1x16xf32>,
    %get3A_1345 = vector.shape_cast %get3A_1344 : vector<1x16xf32> to vector<16xf32>
    %swap3A_1346 = arith.constant 15 : i32
    %swap3A_1347 = arith.index_cast %swap3A_1346 : i32 to index
    %swap3A_1348 = arith.constant 32 : index
    %swap3A_1349 = tpu.vector_load %arg7[%swap3A_1347, %swap3A_1348] {strides = array<i32>} : memref<32x256xf32, #tpu.memory_space<vmem>>, vector<1x16xf32>,
    %swap3A_1350 = vector.shape_cast %swap3A_1349 : vector<1x16xf32> to vector<16xf32>
    %swap3A_1351 = vector.shape_cast %get3A_1345 : vector<16xf32> to vector<1x16xf32>
    tpu.vector_store %arg7[%swap3A_1347, %swap3A_1348], %swap3A_1351 {strides = array<i32>} : memref<32x256xf32, #tpu.memory_space<vmem>>, vector<1x16xf32>,
    %get3A_1352 = arith.constant 15 : i32
    %get3A_1353 = arith.index_cast %get3A_1352 : i32 to index
    %get3A_1354 = arith.constant 48 : index
    %get3A_1355 = tpu.vector_load %arg5[%get3A_1353, %get3A_1354] {strides = array<i32>} : memref<32x128xf32, #tpu.memory_space<vmem>>, vector<1x16xf32>,
    %get3A_1356 = vector.shape_cast %get3A_1355 : vector<1x16xf32> to vector<16xf32>
    %swap3A_1357 = arith.constant 15 : i32
    %swap3A_1358 = arith.index_cast %swap3A_1357 : i32 to index
    %swap3A_1359 = arith.constant 48 : index
    %swap3A_1360 = tpu.vector_load %arg7[%swap3A_1358, %swap3A_1359] {strides = array<i32>} : memref<32x256xf32, #tpu.memory_space<vmem>>, vector<1x16xf32>,
    %swap3A_1361 = vector.shape_cast %swap3A_1360 : vector<1x16xf32> to vector<16xf32>
    %swap3A_1362 = vector.shape_cast %get3A_1356 : vector<16xf32> to vector<1x16xf32>
    tpu.vector_store %arg7[%swap3A_1358, %swap3A_1359], %swap3A_1362 {strides = array<i32>} : memref<32x256xf32, #tpu.memory_space<vmem>>, vector<1x16xf32>,
    %get3A_1363 = arith.constant 15 : i32
    %get3A_1364 = arith.index_cast %get3A_1363 : i32 to index
    %get3A_1365 = arith.constant 64 : index
    %get3A_1366 = tpu.vector_load %arg5[%get3A_1364, %get3A_1365] {strides = array<i32>} : memref<32x128xf32, #tpu.memory_space<vmem>>, vector<1x16xf32>,
    %get3A_1367 = vector.shape_cast %get3A_1366 : vector<1x16xf32> to vector<16xf32>
    %swap3A_1368 = arith.constant 15 : i32
    %swap3A_1369 = arith.index_cast %swap3A_1368 : i32 to index
    %swap3A_1370 = arith.constant 64 : index
    %swap3A_1371 = tpu.vector_load %arg7[%swap3A_1369, %swap3A_1370] {strides = array<i32>} : memref<32x256xf32, #tpu.memory_space<vmem>>, vector<1x16xf32>,
    %swap3A_1372 = vector.shape_cast %swap3A_1371 : vector<1x16xf32> to vector<16xf32>
    %swap3A_1373 = vector.shape_cast %get3A_1367 : vector<16xf32> to vector<1x16xf32>
    tpu.vector_store %arg7[%swap3A_1369, %swap3A_1370], %swap3A_1373 {strides = array<i32>} : memref<32x256xf32, #tpu.memory_space<vmem>>, vector<1x16xf32>,
    %get3A_1374 = arith.constant 15 : i32
    %get3A_1375 = arith.index_cast %get3A_1374 : i32 to index
    %get3A_1376 = arith.constant 80 : index
    %get3A_1377 = tpu.vector_load %arg5[%get3A_1375, %get3A_1376] {strides = array<i32>} : memref<32x128xf32, #tpu.memory_space<vmem>>, vector<1x16xf32>,
    %get3A_1378 = vector.shape_cast %get3A_1377 : vector<1x16xf32> to vector<16xf32>
    %swap3A_1379 = arith.constant 15 : i32
    %swap3A_1380 = arith.index_cast %swap3A_1379 : i32 to index
    %swap3A_1381 = arith.constant 80 : index
    %swap3A_1382 = tpu.vector_load %arg7[%swap3A_1380, %swap3A_1381] {strides = array<i32>} : memref<32x256xf32, #tpu.memory_space<vmem>>, vector<1x16xf32>,
    %swap3A_1383 = vector.shape_cast %swap3A_1382 : vector<1x16xf32> to vector<16xf32>
    %swap3A_1384 = vector.shape_cast %get3A_1378 : vector<16xf32> to vector<1x16xf32>
    tpu.vector_store %arg7[%swap3A_1380, %swap3A_1381], %swap3A_1384 {strides = array<i32>} : memref<32x256xf32, #tpu.memory_space<vmem>>, vector<1x16xf32>,
    %get3A_1385 = arith.constant 15 : i32
    %get3A_1386 = arith.index_cast %get3A_1385 : i32 to index
    %get3A_1387 = arith.constant 96 : index
    %get3A_1388 = tpu.vector_load %arg5[%get3A_1386, %get3A_1387] {strides = array<i32>} : memref<32x128xf32, #tpu.memory_space<vmem>>, vector<1x16xf32>,
    %get3A_1389 = vector.shape_cast %get3A_1388 : vector<1x16xf32> to vector<16xf32>
    %swap3A_1390 = arith.constant 15 : i32
    %swap3A_1391 = arith.index_cast %swap3A_1390 : i32 to index
    %swap3A_1392 = arith.constant 96 : index
    %swap3A_1393 = tpu.vector_load %arg7[%swap3A_1391, %swap3A_1392] {strides = array<i32>} : memref<32x256xf32, #tpu.memory_space<vmem>>, vector<1x16xf32>,
    %swap3A_1394 = vector.shape_cast %swap3A_1393 : vector<1x16xf32> to vector<16xf32>
    %swap3A_1395 = vector.shape_cast %get3A_1389 : vector<16xf32> to vector<1x16xf32>
    tpu.vector_store %arg7[%swap3A_1391, %swap3A_1392], %swap3A_1395 {strides = array<i32>} : memref<32x256xf32, #tpu.memory_space<vmem>>, vector<1x16xf32>,
    %get3A_1396 = arith.constant 15 : i32
    %get3A_1397 = arith.index_cast %get3A_1396 : i32 to index
    %get3A_1398 = arith.constant 112 : index
    %get3A_1399 = tpu.vector_load %arg5[%get3A_1397, %get3A_1398] {strides = array<i32>} : memref<32x128xf32, #tpu.memory_space<vmem>>, vector<1x16xf32>,
    %get3A_1400 = vector.shape_cast %get3A_1399 : vector<1x16xf32> to vector<16xf32>
    %swap3A_1401 = arith.constant 15 : i32
    %swap3A_1402 = arith.index_cast %swap3A_1401 : i32 to index
    %swap3A_1403 = arith.constant 112 : index
    %swap3A_1404 = tpu.vector_load %arg7[%swap3A_1402, %swap3A_1403] {strides = array<i32>} : memref<32x256xf32, #tpu.memory_space<vmem>>, vector<1x16xf32>,
    %swap3A_1405 = vector.shape_cast %swap3A_1404 : vector<1x16xf32> to vector<16xf32>
    %swap3A_1406 = vector.shape_cast %get3A_1400 : vector<16xf32> to vector<1x16xf32>
    tpu.vector_store %arg7[%swap3A_1402, %swap3A_1403], %swap3A_1406 {strides = array<i32>} : memref<32x256xf32, #tpu.memory_space<vmem>>, vector<1x16xf32>,
    %get3A_1407 = arith.constant 16 : i32
    %get3A_1408 = arith.index_cast %get3A_1407 : i32 to index
    %get3A_1409 = arith.constant 0 : index
    %get3A_1410 = tpu.vector_load %arg5[%get3A_1408, %get3A_1409] {strides = array<i32>} : memref<32x128xf32, #tpu.memory_space<vmem>>, vector<1x16xf32>,
    %get3A_1411 = vector.shape_cast %get3A_1410 : vector<1x16xf32> to vector<16xf32>
    %swap3A_1412 = arith.constant 16 : i32
    %swap3A_1413 = arith.index_cast %swap3A_1412 : i32 to index
    %swap3A_1414 = arith.constant 0 : index
    %swap3A_1415 = tpu.vector_load %arg7[%swap3A_1413, %swap3A_1414] {strides = array<i32>} : memref<32x256xf32, #tpu.memory_space<vmem>>, vector<1x16xf32>,
    %swap3A_1416 = vector.shape_cast %swap3A_1415 : vector<1x16xf32> to vector<16xf32>
    %swap3A_1417 = vector.shape_cast %get3A_1411 : vector<16xf32> to vector<1x16xf32>
    tpu.vector_store %arg7[%swap3A_1413, %swap3A_1414], %swap3A_1417 {strides = array<i32>} : memref<32x256xf32, #tpu.memory_space<vmem>>, vector<1x16xf32>,
    %get3A_1418 = arith.constant 16 : i32
    %get3A_1419 = arith.index_cast %get3A_1418 : i32 to index
    %get3A_1420 = arith.constant 16 : index
    %get3A_1421 = tpu.vector_load %arg5[%get3A_1419, %get3A_1420] {strides = array<i32>} : memref<32x128xf32, #tpu.memory_space<vmem>>, vector<1x16xf32>,
    %get3A_1422 = vector.shape_cast %get3A_1421 : vector<1x16xf32> to vector<16xf32>
    %swap3A_1423 = arith.constant 16 : i32
    %swap3A_1424 = arith.index_cast %swap3A_1423 : i32 to index
    %swap3A_1425 = arith.constant 16 : index
    %swap3A_1426 = tpu.vector_load %arg7[%swap3A_1424, %swap3A_1425] {strides = array<i32>} : memref<32x256xf32, #tpu.memory_space<vmem>>, vector<1x16xf32>,
    %swap3A_1427 = vector.shape_cast %swap3A_1426 : vector<1x16xf32> to vector<16xf32>
    %swap3A_1428 = vector.shape_cast %get3A_1422 : vector<16xf32> to vector<1x16xf32>
    tpu.vector_store %arg7[%swap3A_1424, %swap3A_1425], %swap3A_1428 {strides = array<i32>} : memref<32x256xf32, #tpu.memory_space<vmem>>, vector<1x16xf32>,
    %get3A_1429 = arith.constant 16 : i32
    %get3A_1430 = arith.index_cast %get3A_1429 : i32 to index
    %get3A_1431 = arith.constant 32 : index
    %get3A_1432 = tpu.vector_load %arg5[%get3A_1430, %get3A_1431] {strides = array<i32>} : memref<32x128xf32, #tpu.memory_space<vmem>>, vector<1x16xf32>,
    %get3A_1433 = vector.shape_cast %get3A_1432 : vector<1x16xf32> to vector<16xf32>
    %swap3A_1434 = arith.constant 16 : i32
    %swap3A_1435 = arith.index_cast %swap3A_1434 : i32 to index
    %swap3A_1436 = arith.constant 32 : index
    %swap3A_1437 = tpu.vector_load %arg7[%swap3A_1435, %swap3A_1436] {strides = array<i32>} : memref<32x256xf32, #tpu.memory_space<vmem>>, vector<1x16xf32>,
    %swap3A_1438 = vector.shape_cast %swap3A_1437 : vector<1x16xf32> to vector<16xf32>
    %swap3A_1439 = vector.shape_cast %get3A_1433 : vector<16xf32> to vector<1x16xf32>
    tpu.vector_store %arg7[%swap3A_1435, %swap3A_1436], %swap3A_1439 {strides = array<i32>} : memref<32x256xf32, #tpu.memory_space<vmem>>, vector<1x16xf32>,
    %get3A_1440 = arith.constant 16 : i32
    %get3A_1441 = arith.index_cast %get3A_1440 : i32 to index
    %get3A_1442 = arith.constant 48 : index
    %get3A_1443 = tpu.vector_load %arg5[%get3A_1441, %get3A_1442] {strides = array<i32>} : memref<32x128xf32, #tpu.memory_space<vmem>>, vector<1x16xf32>,
    %get3A_1444 = vector.shape_cast %get3A_1443 : vector<1x16xf32> to vector<16xf32>
    %swap3A_1445 = arith.constant 16 : i32
    %swap3A_1446 = arith.index_cast %swap3A_1445 : i32 to index
    %swap3A_1447 = arith.constant 48 : index
    %swap3A_1448 = tpu.vector_load %arg7[%swap3A_1446, %swap3A_1447] {strides = array<i32>} : memref<32x256xf32, #tpu.memory_space<vmem>>, vector<1x16xf32>,
    %swap3A_1449 = vector.shape_cast %swap3A_1448 : vector<1x16xf32> to vector<16xf32>
    %swap3A_1450 = vector.shape_cast %get3A_1444 : vector<16xf32> to vector<1x16xf32>
    tpu.vector_store %arg7[%swap3A_1446, %swap3A_1447], %swap3A_1450 {strides = array<i32>} : memref<32x256xf32, #tpu.memory_space<vmem>>, vector<1x16xf32>,
    %get3A_1451 = arith.constant 16 : i32
    %get3A_1452 = arith.index_cast %get3A_1451 : i32 to index
    %get3A_1453 = arith.constant 64 : index
    %get3A_1454 = tpu.vector_load %arg5[%get3A_1452, %get3A_1453] {strides = array<i32>} : memref<32x128xf32, #tpu.memory_space<vmem>>, vector<1x16xf32>,
    %get3A_1455 = vector.shape_cast %get3A_1454 : vector<1x16xf32> to vector<16xf32>
    %swap3A_1456 = arith.constant 16 : i32
    %swap3A_1457 = arith.index_cast %swap3A_1456 : i32 to index
    %swap3A_1458 = arith.constant 64 : index
    %swap3A_1459 = tpu.vector_load %arg7[%swap3A_1457, %swap3A_1458] {strides = array<i32>} : memref<32x256xf32, #tpu.memory_space<vmem>>, vector<1x16xf32>,
    %swap3A_1460 = vector.shape_cast %swap3A_1459 : vector<1x16xf32> to vector<16xf32>
    %swap3A_1461 = vector.shape_cast %get3A_1455 : vector<16xf32> to vector<1x16xf32>
    tpu.vector_store %arg7[%swap3A_1457, %swap3A_1458], %swap3A_1461 {strides = array<i32>} : memref<32x256xf32, #tpu.memory_space<vmem>>, vector<1x16xf32>,
    %get3A_1462 = arith.constant 16 : i32
    %get3A_1463 = arith.index_cast %get3A_1462 : i32 to index
    %get3A_1464 = arith.constant 80 : index
    %get3A_1465 = tpu.vector_load %arg5[%get3A_1463, %get3A_1464] {strides = array<i32>} : memref<32x128xf32, #tpu.memory_space<vmem>>, vector<1x16xf32>,
    %get3A_1466 = vector.shape_cast %get3A_1465 : vector<1x16xf32> to vector<16xf32>
    %swap3A_1467 = arith.constant 16 : i32
    %swap3A_1468 = arith.index_cast %swap3A_1467 : i32 to index
    %swap3A_1469 = arith.constant 80 : index
    %swap3A_1470 = tpu.vector_load %arg7[%swap3A_1468, %swap3A_1469] {strides = array<i32>} : memref<32x256xf32, #tpu.memory_space<vmem>>, vector<1x16xf32>,
    %swap3A_1471 = vector.shape_cast %swap3A_1470 : vector<1x16xf32> to vector<16xf32>
    %swap3A_1472 = vector.shape_cast %get3A_1466 : vector<16xf32> to vector<1x16xf32>
    tpu.vector_store %arg7[%swap3A_1468, %swap3A_1469], %swap3A_1472 {strides = array<i32>} : memref<32x256xf32, #tpu.memory_space<vmem>>, vector<1x16xf32>,
    %get3A_1473 = arith.constant 16 : i32
    %get3A_1474 = arith.index_cast %get3A_1473 : i32 to index
    %get3A_1475 = arith.constant 96 : index
    %get3A_1476 = tpu.vector_load %arg5[%get3A_1474, %get3A_1475] {strides = array<i32>} : memref<32x128xf32, #tpu.memory_space<vmem>>, vector<1x16xf32>,
    %get3A_1477 = vector.shape_cast %get3A_1476 : vector<1x16xf32> to vector<16xf32>
    %swap3A_1478 = arith.constant 16 : i32
    %swap3A_1479 = arith.index_cast %swap3A_1478 : i32 to index
    %swap3A_1480 = arith.constant 96 : index
    %swap3A_1481 = tpu.vector_load %arg7[%swap3A_1479, %swap3A_1480] {strides = array<i32>} : memref<32x256xf32, #tpu.memory_space<vmem>>, vector<1x16xf32>,
    %swap3A_1482 = vector.shape_cast %swap3A_1481 : vector<1x16xf32> to vector<16xf32>
    %swap3A_1483 = vector.shape_cast %get3A_1477 : vector<16xf32> to vector<1x16xf32>
    tpu.vector_store %arg7[%swap3A_1479, %swap3A_1480], %swap3A_1483 {strides = array<i32>} : memref<32x256xf32, #tpu.memory_space<vmem>>, vector<1x16xf32>,
    %get3A_1484 = arith.constant 16 : i32
    %get3A_1485 = arith.index_cast %get3A_1484 : i32 to index
    %get3A_1486 = arith.constant 112 : index
    %get3A_1487 = tpu.vector_load %arg5[%get3A_1485, %get3A_1486] {strides = array<i32>} : memref<32x128xf32, #tpu.memory_space<vmem>>, vector<1x16xf32>,
    %get3A_1488 = vector.shape_cast %get3A_1487 : vector<1x16xf32> to vector<16xf32>
    %swap3A_1489 = arith.constant 16 : i32
    %swap3A_1490 = arith.index_cast %swap3A_1489 : i32 to index
    %swap3A_1491 = arith.constant 112 : index
    %swap3A_1492 = tpu.vector_load %arg7[%swap3A_1490, %swap3A_1491] {strides = array<i32>} : memref<32x256xf32, #tpu.memory_space<vmem>>, vector<1x16xf32>,
    %swap3A_1493 = vector.shape_cast %swap3A_1492 : vector<1x16xf32> to vector<16xf32>
    %swap3A_1494 = vector.shape_cast %get3A_1488 : vector<16xf32> to vector<1x16xf32>
    tpu.vector_store %arg7[%swap3A_1490, %swap3A_1491], %swap3A_1494 {strides = array<i32>} : memref<32x256xf32, #tpu.memory_space<vmem>>, vector<1x16xf32>,
    %get3A_1495 = arith.constant 17 : i32
    %get3A_1496 = arith.index_cast %get3A_1495 : i32 to index
    %get3A_1497 = arith.constant 0 : index
    %get3A_1498 = tpu.vector_load %arg5[%get3A_1496, %get3A_1497] {strides = array<i32>} : memref<32x128xf32, #tpu.memory_space<vmem>>, vector<1x16xf32>,
    %get3A_1499 = vector.shape_cast %get3A_1498 : vector<1x16xf32> to vector<16xf32>
    %swap3A_1500 = arith.constant 17 : i32
    %swap3A_1501 = arith.index_cast %swap3A_1500 : i32 to index
    %swap3A_1502 = arith.constant 0 : index
    %swap3A_1503 = tpu.vector_load %arg7[%swap3A_1501, %swap3A_1502] {strides = array<i32>} : memref<32x256xf32, #tpu.memory_space<vmem>>, vector<1x16xf32>,
    %swap3A_1504 = vector.shape_cast %swap3A_1503 : vector<1x16xf32> to vector<16xf32>
    %swap3A_1505 = vector.shape_cast %get3A_1499 : vector<16xf32> to vector<1x16xf32>
    tpu.vector_store %arg7[%swap3A_1501, %swap3A_1502], %swap3A_1505 {strides = array<i32>} : memref<32x256xf32, #tpu.memory_space<vmem>>, vector<1x16xf32>,
    %get3A_1506 = arith.constant 17 : i32
    %get3A_1507 = arith.index_cast %get3A_1506 : i32 to index
    %get3A_1508 = arith.constant 16 : index
    %get3A_1509 = tpu.vector_load %arg5[%get3A_1507, %get3A_1508] {strides = array<i32>} : memref<32x128xf32, #tpu.memory_space<vmem>>, vector<1x16xf32>,
    %get3A_1510 = vector.shape_cast %get3A_1509 : vector<1x16xf32> to vector<16xf32>
    %swap3A_1511 = arith.constant 17 : i32
    %swap3A_1512 = arith.index_cast %swap3A_1511 : i32 to index
    %swap3A_1513 = arith.constant 16 : index
    %swap3A_1514 = tpu.vector_load %arg7[%swap3A_1512, %swap3A_1513] {strides = array<i32>} : memref<32x256xf32, #tpu.memory_space<vmem>>, vector<1x16xf32>,
    %swap3A_1515 = vector.shape_cast %swap3A_1514 : vector<1x16xf32> to vector<16xf32>
    %swap3A_1516 = vector.shape_cast %get3A_1510 : vector<16xf32> to vector<1x16xf32>
    tpu.vector_store %arg7[%swap3A_1512, %swap3A_1513], %swap3A_1516 {strides = array<i32>} : memref<32x256xf32, #tpu.memory_space<vmem>>, vector<1x16xf32>,
    %get3A_1517 = arith.constant 17 : i32
    %get3A_1518 = arith.index_cast %get3A_1517 : i32 to index
    %get3A_1519 = arith.constant 32 : index
    %get3A_1520 = tpu.vector_load %arg5[%get3A_1518, %get3A_1519] {strides = array<i32>} : memref<32x128xf32, #tpu.memory_space<vmem>>, vector<1x16xf32>,
    %get3A_1521 = vector.shape_cast %get3A_1520 : vector<1x16xf32> to vector<16xf32>
    %swap3A_1522 = arith.constant 17 : i32
    %swap3A_1523 = arith.index_cast %swap3A_1522 : i32 to index
    %swap3A_1524 = arith.constant 32 : index
    %swap3A_1525 = tpu.vector_load %arg7[%swap3A_1523, %swap3A_1524] {strides = array<i32>} : memref<32x256xf32, #tpu.memory_space<vmem>>, vector<1x16xf32>,
    %swap3A_1526 = vector.shape_cast %swap3A_1525 : vector<1x16xf32> to vector<16xf32>
    %swap3A_1527 = vector.shape_cast %get3A_1521 : vector<16xf32> to vector<1x16xf32>
    tpu.vector_store %arg7[%swap3A_1523, %swap3A_1524], %swap3A_1527 {strides = array<i32>} : memref<32x256xf32, #tpu.memory_space<vmem>>, vector<1x16xf32>,
    %get3A_1528 = arith.constant 17 : i32
    %get3A_1529 = arith.index_cast %get3A_1528 : i32 to index
    %get3A_1530 = arith.constant 48 : index
    %get3A_1531 = tpu.vector_load %arg5[%get3A_1529, %get3A_1530] {strides = array<i32>} : memref<32x128xf32, #tpu.memory_space<vmem>>, vector<1x16xf32>,
    %get3A_1532 = vector.shape_cast %get3A_1531 : vector<1x16xf32> to vector<16xf32>
    %swap3A_1533 = arith.constant 17 : i32
    %swap3A_1534 = arith.index_cast %swap3A_1533 : i32 to index
    %swap3A_1535 = arith.constant 48 : index
    %swap3A_1536 = tpu.vector_load %arg7[%swap3A_1534, %swap3A_1535] {strides = array<i32>} : memref<32x256xf32, #tpu.memory_space<vmem>>, vector<1x16xf32>,
    %swap3A_1537 = vector.shape_cast %swap3A_1536 : vector<1x16xf32> to vector<16xf32>
    %swap3A_1538 = vector.shape_cast %get3A_1532 : vector<16xf32> to vector<1x16xf32>
    tpu.vector_store %arg7[%swap3A_1534, %swap3A_1535], %swap3A_1538 {strides = array<i32>} : memref<32x256xf32, #tpu.memory_space<vmem>>, vector<1x16xf32>,
    %get3A_1539 = arith.constant 17 : i32
    %get3A_1540 = arith.index_cast %get3A_1539 : i32 to index
    %get3A_1541 = arith.constant 64 : index
    %get3A_1542 = tpu.vector_load %arg5[%get3A_1540, %get3A_1541] {strides = array<i32>} : memref<32x128xf32, #tpu.memory_space<vmem>>, vector<1x16xf32>,
    %get3A_1543 = vector.shape_cast %get3A_1542 : vector<1x16xf32> to vector<16xf32>
    %swap3A_1544 = arith.constant 17 : i32
    %swap3A_1545 = arith.index_cast %swap3A_1544 : i32 to index
    %swap3A_1546 = arith.constant 64 : index
    %swap3A_1547 = tpu.vector_load %arg7[%swap3A_1545, %swap3A_1546] {strides = array<i32>} : memref<32x256xf32, #tpu.memory_space<vmem>>, vector<1x16xf32>,
    %swap3A_1548 = vector.shape_cast %swap3A_1547 : vector<1x16xf32> to vector<16xf32>
    %swap3A_1549 = vector.shape_cast %get3A_1543 : vector<16xf32> to vector<1x16xf32>
    tpu.vector_store %arg7[%swap3A_1545, %swap3A_1546], %swap3A_1549 {strides = array<i32>} : memref<32x256xf32, #tpu.memory_space<vmem>>, vector<1x16xf32>,
    %get3A_1550 = arith.constant 17 : i32
    %get3A_1551 = arith.index_cast %get3A_1550 : i32 to index
    %get3A_1552 = arith.constant 80 : index
    %get3A_1553 = tpu.vector_load %arg5[%get3A_1551, %get3A_1552] {strides = array<i32>} : memref<32x128xf32, #tpu.memory_space<vmem>>, vector<1x16xf32>,
    %get3A_1554 = vector.shape_cast %get3A_1553 : vector<1x16xf32> to vector<16xf32>
    %swap3A_1555 = arith.constant 17 : i32
    %swap3A_1556 = arith.index_cast %swap3A_1555 : i32 to index
    %swap3A_1557 = arith.constant 80 : index
    %swap3A_1558 = tpu.vector_load %arg7[%swap3A_1556, %swap3A_1557] {strides = array<i32>} : memref<32x256xf32, #tpu.memory_space<vmem>>, vector<1x16xf32>,
    %swap3A_1559 = vector.shape_cast %swap3A_1558 : vector<1x16xf32> to vector<16xf32>
    %swap3A_1560 = vector.shape_cast %get3A_1554 : vector<16xf32> to vector<1x16xf32>
    tpu.vector_store %arg7[%swap3A_1556, %swap3A_1557], %swap3A_1560 {strides = array<i32>} : memref<32x256xf32, #tpu.memory_space<vmem>>, vector<1x16xf32>,
    %get3A_1561 = arith.constant 17 : i32
    %get3A_1562 = arith.index_cast %get3A_1561 : i32 to index
    %get3A_1563 = arith.constant 96 : index
    %get3A_1564 = tpu.vector_load %arg5[%get3A_1562, %get3A_1563] {strides = array<i32>} : memref<32x128xf32, #tpu.memory_space<vmem>>, vector<1x16xf32>,
    %get3A_1565 = vector.shape_cast %get3A_1564 : vector<1x16xf32> to vector<16xf32>
    %swap3A_1566 = arith.constant 17 : i32
    %swap3A_1567 = arith.index_cast %swap3A_1566 : i32 to index
    %swap3A_1568 = arith.constant 96 : index
    %swap3A_1569 = tpu.vector_load %arg7[%swap3A_1567, %swap3A_1568] {strides = array<i32>} : memref<32x256xf32, #tpu.memory_space<vmem>>, vector<1x16xf32>,
    %swap3A_1570 = vector.shape_cast %swap3A_1569 : vector<1x16xf32> to vector<16xf32>
    %swap3A_1571 = vector.shape_cast %get3A_1565 : vector<16xf32> to vector<1x16xf32>
    tpu.vector_store %arg7[%swap3A_1567, %swap3A_1568], %swap3A_1571 {strides = array<i32>} : memref<32x256xf32, #tpu.memory_space<vmem>>, vector<1x16xf32>,
    %get3A_1572 = arith.constant 17 : i32
    %get3A_1573 = arith.index_cast %get3A_1572 : i32 to index
    %get3A_1574 = arith.constant 112 : index
    %get3A_1575 = tpu.vector_load %arg5[%get3A_1573, %get3A_1574] {strides = array<i32>} : memref<32x128xf32, #tpu.memory_space<vmem>>, vector<1x16xf32>,
    %get3A_1576 = vector.shape_cast %get3A_1575 : vector<1x16xf32> to vector<16xf32>
    %swap3A_1577 = arith.constant 17 : i32
    %swap3A_1578 = arith.index_cast %swap3A_1577 : i32 to index
    %swap3A_1579 = arith.constant 112 : index
    %swap3A_1580 = tpu.vector_load %arg7[%swap3A_1578, %swap3A_1579] {strides = array<i32>} : memref<32x256xf32, #tpu.memory_space<vmem>>, vector<1x16xf32>,
    %swap3A_1581 = vector.shape_cast %swap3A_1580 : vector<1x16xf32> to vector<16xf32>
    %swap3A_1582 = vector.shape_cast %get3A_1576 : vector<16xf32> to vector<1x16xf32>
    tpu.vector_store %arg7[%swap3A_1578, %swap3A_1579], %swap3A_1582 {strides = array<i32>} : memref<32x256xf32, #tpu.memory_space<vmem>>, vector<1x16xf32>,
    %get3A_1583 = arith.constant 18 : i32
    %get3A_1584 = arith.index_cast %get3A_1583 : i32 to index
    %get3A_1585 = arith.constant 0 : index
    %get3A_1586 = tpu.vector_load %arg5[%get3A_1584, %get3A_1585] {strides = array<i32>} : memref<32x128xf32, #tpu.memory_space<vmem>>, vector<1x16xf32>,
    %get3A_1587 = vector.shape_cast %get3A_1586 : vector<1x16xf32> to vector<16xf32>
    %swap3A_1588 = arith.constant 18 : i32
    %swap3A_1589 = arith.index_cast %swap3A_1588 : i32 to index
    %swap3A_1590 = arith.constant 0 : index
    %swap3A_1591 = tpu.vector_load %arg7[%swap3A_1589, %swap3A_1590] {strides = array<i32>} : memref<32x256xf32, #tpu.memory_space<vmem>>, vector<1x16xf32>,
    %swap3A_1592 = vector.shape_cast %swap3A_1591 : vector<1x16xf32> to vector<16xf32>
    %swap3A_1593 = vector.shape_cast %get3A_1587 : vector<16xf32> to vector<1x16xf32>
    tpu.vector_store %arg7[%swap3A_1589, %swap3A_1590], %swap3A_1593 {strides = array<i32>} : memref<32x256xf32, #tpu.memory_space<vmem>>, vector<1x16xf32>,
    %get3A_1594 = arith.constant 18 : i32
    %get3A_1595 = arith.index_cast %get3A_1594 : i32 to index
    %get3A_1596 = arith.constant 16 : index
    %get3A_1597 = tpu.vector_load %arg5[%get3A_1595, %get3A_1596] {strides = array<i32>} : memref<32x128xf32, #tpu.memory_space<vmem>>, vector<1x16xf32>,
    %get3A_1598 = vector.shape_cast %get3A_1597 : vector<1x16xf32> to vector<16xf32>
    %swap3A_1599 = arith.constant 18 : i32
    %swap3A_1600 = arith.index_cast %swap3A_1599 : i32 to index
    %swap3A_1601 = arith.constant 16 : index
    %swap3A_1602 = tpu.vector_load %arg7[%swap3A_1600, %swap3A_1601] {strides = array<i32>} : memref<32x256xf32, #tpu.memory_space<vmem>>, vector<1x16xf32>,
    %swap3A_1603 = vector.shape_cast %swap3A_1602 : vector<1x16xf32> to vector<16xf32>
    %swap3A_1604 = vector.shape_cast %get3A_1598 : vector<16xf32> to vector<1x16xf32>
    tpu.vector_store %arg7[%swap3A_1600, %swap3A_1601], %swap3A_1604 {strides = array<i32>} : memref<32x256xf32, #tpu.memory_space<vmem>>, vector<1x16xf32>,
    %get3A_1605 = arith.constant 18 : i32
    %get3A_1606 = arith.index_cast %get3A_1605 : i32 to index
    %get3A_1607 = arith.constant 32 : index
    %get3A_1608 = tpu.vector_load %arg5[%get3A_1606, %get3A_1607] {strides = array<i32>} : memref<32x128xf32, #tpu.memory_space<vmem>>, vector<1x16xf32>,
    %get3A_1609 = vector.shape_cast %get3A_1608 : vector<1x16xf32> to vector<16xf32>
    %swap3A_1610 = arith.constant 18 : i32
    %swap3A_1611 = arith.index_cast %swap3A_1610 : i32 to index
    %swap3A_1612 = arith.constant 32 : index
    %swap3A_1613 = tpu.vector_load %arg7[%swap3A_1611, %swap3A_1612] {strides = array<i32>} : memref<32x256xf32, #tpu.memory_space<vmem>>, vector<1x16xf32>,
    %swap3A_1614 = vector.shape_cast %swap3A_1613 : vector<1x16xf32> to vector<16xf32>
    %swap3A_1615 = vector.shape_cast %get3A_1609 : vector<16xf32> to vector<1x16xf32>
    tpu.vector_store %arg7[%swap3A_1611, %swap3A_1612], %swap3A_1615 {strides = array<i32>} : memref<32x256xf32, #tpu.memory_space<vmem>>, vector<1x16xf32>,
    %get3A_1616 = arith.constant 18 : i32
    %get3A_1617 = arith.index_cast %get3A_1616 : i32 to index
    %get3A_1618 = arith.constant 48 : index
    %get3A_1619 = tpu.vector_load %arg5[%get3A_1617, %get3A_1618] {strides = array<i32>} : memref<32x128xf32, #tpu.memory_space<vmem>>, vector<1x16xf32>,
    %get3A_1620 = vector.shape_cast %get3A_1619 : vector<1x16xf32> to vector<16xf32>
    %swap3A_1621 = arith.constant 18 : i32
    %swap3A_1622 = arith.index_cast %swap3A_1621 : i32 to index
    %swap3A_1623 = arith.constant 48 : index
    %swap3A_1624 = tpu.vector_load %arg7[%swap3A_1622, %swap3A_1623] {strides = array<i32>} : memref<32x256xf32, #tpu.memory_space<vmem>>, vector<1x16xf32>,
    %swap3A_1625 = vector.shape_cast %swap3A_1624 : vector<1x16xf32> to vector<16xf32>
    %swap3A_1626 = vector.shape_cast %get3A_1620 : vector<16xf32> to vector<1x16xf32>
    tpu.vector_store %arg7[%swap3A_1622, %swap3A_1623], %swap3A_1626 {strides = array<i32>} : memref<32x256xf32, #tpu.memory_space<vmem>>, vector<1x16xf32>,
    %get3A_1627 = arith.constant 18 : i32
    %get3A_1628 = arith.index_cast %get3A_1627 : i32 to index
    %get3A_1629 = arith.constant 64 : index
    %get3A_1630 = tpu.vector_load %arg5[%get3A_1628, %get3A_1629] {strides = array<i32>} : memref<32x128xf32, #tpu.memory_space<vmem>>, vector<1x16xf32>,
    %get3A_1631 = vector.shape_cast %get3A_1630 : vector<1x16xf32> to vector<16xf32>
    %swap3A_1632 = arith.constant 18 : i32
    %swap3A_1633 = arith.index_cast %swap3A_1632 : i32 to index
    %swap3A_1634 = arith.constant 64 : index
    %swap3A_1635 = tpu.vector_load %arg7[%swap3A_1633, %swap3A_1634] {strides = array<i32>} : memref<32x256xf32, #tpu.memory_space<vmem>>, vector<1x16xf32>,
    %swap3A_1636 = vector.shape_cast %swap3A_1635 : vector<1x16xf32> to vector<16xf32>
    %swap3A_1637 = vector.shape_cast %get3A_1631 : vector<16xf32> to vector<1x16xf32>
    tpu.vector_store %arg7[%swap3A_1633, %swap3A_1634], %swap3A_1637 {strides = array<i32>} : memref<32x256xf32, #tpu.memory_space<vmem>>, vector<1x16xf32>,
    %get3A_1638 = arith.constant 18 : i32
    %get3A_1639 = arith.index_cast %get3A_1638 : i32 to index
    %get3A_1640 = arith.constant 80 : index
    %get3A_1641 = tpu.vector_load %arg5[%get3A_1639, %get3A_1640] {strides = array<i32>} : memref<32x128xf32, #tpu.memory_space<vmem>>, vector<1x16xf32>,
    %get3A_1642 = vector.shape_cast %get3A_1641 : vector<1x16xf32> to vector<16xf32>
    %swap3A_1643 = arith.constant 18 : i32
    %swap3A_1644 = arith.index_cast %swap3A_1643 : i32 to index
    %swap3A_1645 = arith.constant 80 : index
    %swap3A_1646 = tpu.vector_load %arg7[%swap3A_1644, %swap3A_1645] {strides = array<i32>} : memref<32x256xf32, #tpu.memory_space<vmem>>, vector<1x16xf32>,
    %swap3A_1647 = vector.shape_cast %swap3A_1646 : vector<1x16xf32> to vector<16xf32>
    %swap3A_1648 = vector.shape_cast %get3A_1642 : vector<16xf32> to vector<1x16xf32>
    tpu.vector_store %arg7[%swap3A_1644, %swap3A_1645], %swap3A_1648 {strides = array<i32>} : memref<32x256xf32, #tpu.memory_space<vmem>>, vector<1x16xf32>,
    %get3A_1649 = arith.constant 18 : i32
    %get3A_1650 = arith.index_cast %get3A_1649 : i32 to index
    %get3A_1651 = arith.constant 96 : index
    %get3A_1652 = tpu.vector_load %arg5[%get3A_1650, %get3A_1651] {strides = array<i32>} : memref<32x128xf32, #tpu.memory_space<vmem>>, vector<1x16xf32>,
    %get3A_1653 = vector.shape_cast %get3A_1652 : vector<1x16xf32> to vector<16xf32>
    %swap3A_1654 = arith.constant 18 : i32
    %swap3A_1655 = arith.index_cast %swap3A_1654 : i32 to index
    %swap3A_1656 = arith.constant 96 : index
    %swap3A_1657 = tpu.vector_load %arg7[%swap3A_1655, %swap3A_1656] {strides = array<i32>} : memref<32x256xf32, #tpu.memory_space<vmem>>, vector<1x16xf32>,
    %swap3A_1658 = vector.shape_cast %swap3A_1657 : vector<1x16xf32> to vector<16xf32>
    %swap3A_1659 = vector.shape_cast %get3A_1653 : vector<16xf32> to vector<1x16xf32>
    tpu.vector_store %arg7[%swap3A_1655, %swap3A_1656], %swap3A_1659 {strides = array<i32>} : memref<32x256xf32, #tpu.memory_space<vmem>>, vector<1x16xf32>,
    %get3A_1660 = arith.constant 18 : i32
    %get3A_1661 = arith.index_cast %get3A_1660 : i32 to index
    %get3A_1662 = arith.constant 112 : index
    %get3A_1663 = tpu.vector_load %arg5[%get3A_1661, %get3A_1662] {strides = array<i32>} : memref<32x128xf32, #tpu.memory_space<vmem>>, vector<1x16xf32>,
    %get3A_1664 = vector.shape_cast %get3A_1663 : vector<1x16xf32> to vector<16xf32>
    %swap3A_1665 = arith.constant 18 : i32
    %swap3A_1666 = arith.index_cast %swap3A_1665 : i32 to index
    %swap3A_1667 = arith.constant 112 : index
    %swap3A_1668 = tpu.vector_load %arg7[%swap3A_1666, %swap3A_1667] {strides = array<i32>} : memref<32x256xf32, #tpu.memory_space<vmem>>, vector<1x16xf32>,
    %swap3A_1669 = vector.shape_cast %swap3A_1668 : vector<1x16xf32> to vector<16xf32>
    %swap3A_1670 = vector.shape_cast %get3A_1664 : vector<16xf32> to vector<1x16xf32>
    tpu.vector_store %arg7[%swap3A_1666, %swap3A_1667], %swap3A_1670 {strides = array<i32>} : memref<32x256xf32, #tpu.memory_space<vmem>>, vector<1x16xf32>,
    %get3A_1671 = arith.constant 19 : i32
    %get3A_1672 = arith.index_cast %get3A_1671 : i32 to index
    %get3A_1673 = arith.constant 0 : index
    %get3A_1674 = tpu.vector_load %arg5[%get3A_1672, %get3A_1673] {strides = array<i32>} : memref<32x128xf32, #tpu.memory_space<vmem>>, vector<1x16xf32>,
    %get3A_1675 = vector.shape_cast %get3A_1674 : vector<1x16xf32> to vector<16xf32>
    %swap3A_1676 = arith.constant 19 : i32
    %swap3A_1677 = arith.index_cast %swap3A_1676 : i32 to index
    %swap3A_1678 = arith.constant 0 : index
    %swap3A_1679 = tpu.vector_load %arg7[%swap3A_1677, %swap3A_1678] {strides = array<i32>} : memref<32x256xf32, #tpu.memory_space<vmem>>, vector<1x16xf32>,
    %swap3A_1680 = vector.shape_cast %swap3A_1679 : vector<1x16xf32> to vector<16xf32>
    %swap3A_1681 = vector.shape_cast %get3A_1675 : vector<16xf32> to vector<1x16xf32>
    tpu.vector_store %arg7[%swap3A_1677, %swap3A_1678], %swap3A_1681 {strides = array<i32>} : memref<32x256xf32, #tpu.memory_space<vmem>>, vector<1x16xf32>,
    %get3A_1682 = arith.constant 19 : i32
    %get3A_1683 = arith.index_cast %get3A_1682 : i32 to index
    %get3A_1684 = arith.constant 16 : index
    %get3A_1685 = tpu.vector_load %arg5[%get3A_1683, %get3A_1684] {strides = array<i32>} : memref<32x128xf32, #tpu.memory_space<vmem>>, vector<1x16xf32>,
    %get3A_1686 = vector.shape_cast %get3A_1685 : vector<1x16xf32> to vector<16xf32>
    %swap3A_1687 = arith.constant 19 : i32
    %swap3A_1688 = arith.index_cast %swap3A_1687 : i32 to index
    %swap3A_1689 = arith.constant 16 : index
    %swap3A_1690 = tpu.vector_load %arg7[%swap3A_1688, %swap3A_1689] {strides = array<i32>} : memref<32x256xf32, #tpu.memory_space<vmem>>, vector<1x16xf32>,
    %swap3A_1691 = vector.shape_cast %swap3A_1690 : vector<1x16xf32> to vector<16xf32>
    %swap3A_1692 = vector.shape_cast %get3A_1686 : vector<16xf32> to vector<1x16xf32>
    tpu.vector_store %arg7[%swap3A_1688, %swap3A_1689], %swap3A_1692 {strides = array<i32>} : memref<32x256xf32, #tpu.memory_space<vmem>>, vector<1x16xf32>,
    %get3A_1693 = arith.constant 19 : i32
    %get3A_1694 = arith.index_cast %get3A_1693 : i32 to index
    %get3A_1695 = arith.constant 32 : index
    %get3A_1696 = tpu.vector_load %arg5[%get3A_1694, %get3A_1695] {strides = array<i32>} : memref<32x128xf32, #tpu.memory_space<vmem>>, vector<1x16xf32>,
    %get3A_1697 = vector.shape_cast %get3A_1696 : vector<1x16xf32> to vector<16xf32>
    %swap3A_1698 = arith.constant 19 : i32
    %swap3A_1699 = arith.index_cast %swap3A_1698 : i32 to index
    %swap3A_1700 = arith.constant 32 : index
    %swap3A_1701 = tpu.vector_load %arg7[%swap3A_1699, %swap3A_1700] {strides = array<i32>} : memref<32x256xf32, #tpu.memory_space<vmem>>, vector<1x16xf32>,
    %swap3A_1702 = vector.shape_cast %swap3A_1701 : vector<1x16xf32> to vector<16xf32>
    %swap3A_1703 = vector.shape_cast %get3A_1697 : vector<16xf32> to vector<1x16xf32>
    tpu.vector_store %arg7[%swap3A_1699, %swap3A_1700], %swap3A_1703 {strides = array<i32>} : memref<32x256xf32, #tpu.memory_space<vmem>>, vector<1x16xf32>,
    %get3A_1704 = arith.constant 19 : i32
    %get3A_1705 = arith.index_cast %get3A_1704 : i32 to index
    %get3A_1706 = arith.constant 48 : index
    %get3A_1707 = tpu.vector_load %arg5[%get3A_1705, %get3A_1706] {strides = array<i32>} : memref<32x128xf32, #tpu.memory_space<vmem>>, vector<1x16xf32>,
    %get3A_1708 = vector.shape_cast %get3A_1707 : vector<1x16xf32> to vector<16xf32>
    %swap3A_1709 = arith.constant 19 : i32
    %swap3A_1710 = arith.index_cast %swap3A_1709 : i32 to index
    %swap3A_1711 = arith.constant 48 : index
    %swap3A_1712 = tpu.vector_load %arg7[%swap3A_1710, %swap3A_1711] {strides = array<i32>} : memref<32x256xf32, #tpu.memory_space<vmem>>, vector<1x16xf32>,
    %swap3A_1713 = vector.shape_cast %swap3A_1712 : vector<1x16xf32> to vector<16xf32>
    %swap3A_1714 = vector.shape_cast %get3A_1708 : vector<16xf32> to vector<1x16xf32>
    tpu.vector_store %arg7[%swap3A_1710, %swap3A_1711], %swap3A_1714 {strides = array<i32>} : memref<32x256xf32, #tpu.memory_space<vmem>>, vector<1x16xf32>,
    %get3A_1715 = arith.constant 19 : i32
    %get3A_1716 = arith.index_cast %get3A_1715 : i32 to index
    %get3A_1717 = arith.constant 64 : index
    %get3A_1718 = tpu.vector_load %arg5[%get3A_1716, %get3A_1717] {strides = array<i32>} : memref<32x128xf32, #tpu.memory_space<vmem>>, vector<1x16xf32>,
    %get3A_1719 = vector.shape_cast %get3A_1718 : vector<1x16xf32> to vector<16xf32>
    %swap3A_1720 = arith.constant 19 : i32
    %swap3A_1721 = arith.index_cast %swap3A_1720 : i32 to index
    %swap3A_1722 = arith.constant 64 : index
    %swap3A_1723 = tpu.vector_load %arg7[%swap3A_1721, %swap3A_1722] {strides = array<i32>} : memref<32x256xf32, #tpu.memory_space<vmem>>, vector<1x16xf32>,
    %swap3A_1724 = vector.shape_cast %swap3A_1723 : vector<1x16xf32> to vector<16xf32>
    %swap3A_1725 = vector.shape_cast %get3A_1719 : vector<16xf32> to vector<1x16xf32>
    tpu.vector_store %arg7[%swap3A_1721, %swap3A_1722], %swap3A_1725 {strides = array<i32>} : memref<32x256xf32, #tpu.memory_space<vmem>>, vector<1x16xf32>,
    %get3A_1726 = arith.constant 19 : i32
    %get3A_1727 = arith.index_cast %get3A_1726 : i32 to index
    %get3A_1728 = arith.constant 80 : index
    %get3A_1729 = tpu.vector_load %arg5[%get3A_1727, %get3A_1728] {strides = array<i32>} : memref<32x128xf32, #tpu.memory_space<vmem>>, vector<1x16xf32>,
    %get3A_1730 = vector.shape_cast %get3A_1729 : vector<1x16xf32> to vector<16xf32>
    %swap3A_1731 = arith.constant 19 : i32
    %swap3A_1732 = arith.index_cast %swap3A_1731 : i32 to index
    %swap3A_1733 = arith.constant 80 : index
    %swap3A_1734 = tpu.vector_load %arg7[%swap3A_1732, %swap3A_1733] {strides = array<i32>} : memref<32x256xf32, #tpu.memory_space<vmem>>, vector<1x16xf32>,
    %swap3A_1735 = vector.shape_cast %swap3A_1734 : vector<1x16xf32> to vector<16xf32>
    %swap3A_1736 = vector.shape_cast %get3A_1730 : vector<16xf32> to vector<1x16xf32>
    tpu.vector_store %arg7[%swap3A_1732, %swap3A_1733], %swap3A_1736 {strides = array<i32>} : memref<32x256xf32, #tpu.memory_space<vmem>>, vector<1x16xf32>,
    %get3A_1737 = arith.constant 19 : i32
    %get3A_1738 = arith.index_cast %get3A_1737 : i32 to index
    %get3A_1739 = arith.constant 96 : index
    %get3A_1740 = tpu.vector_load %arg5[%get3A_1738, %get3A_1739] {strides = array<i32>} : memref<32x128xf32, #tpu.memory_space<vmem>>, vector<1x16xf32>,
    %get3A_1741 = vector.shape_cast %get3A_1740 : vector<1x16xf32> to vector<16xf32>
    %swap3A_1742 = arith.constant 19 : i32
    %swap3A_1743 = arith.index_cast %swap3A_1742 : i32 to index
    %swap3A_1744 = arith.constant 96 : index
    %swap3A_1745 = tpu.vector_load %arg7[%swap3A_1743, %swap3A_1744] {strides = array<i32>} : memref<32x256xf32, #tpu.memory_space<vmem>>, vector<1x16xf32>,
    %swap3A_1746 = vector.shape_cast %swap3A_1745 : vector<1x16xf32> to vector<16xf32>
    %swap3A_1747 = vector.shape_cast %get3A_1741 : vector<16xf32> to vector<1x16xf32>
    tpu.vector_store %arg7[%swap3A_1743, %swap3A_1744], %swap3A_1747 {strides = array<i32>} : memref<32x256xf32, #tpu.memory_space<vmem>>, vector<1x16xf32>,
    %get3A_1748 = arith.constant 19 : i32
    %get3A_1749 = arith.index_cast %get3A_1748 : i32 to index
    %get3A_1750 = arith.constant 112 : index
    %get3A_1751 = tpu.vector_load %arg5[%get3A_1749, %get3A_1750] {strides = array<i32>} : memref<32x128xf32, #tpu.memory_space<vmem>>, vector<1x16xf32>,
    %get3A_1752 = vector.shape_cast %get3A_1751 : vector<1x16xf32> to vector<16xf32>
    %swap3A_1753 = arith.constant 19 : i32
    %swap3A_1754 = arith.index_cast %swap3A_1753 : i32 to index
    %swap3A_1755 = arith.constant 112 : index
    %swap3A_1756 = tpu.vector_load %arg7[%swap3A_1754, %swap3A_1755] {strides = array<i32>} : memref<32x256xf32, #tpu.memory_space<vmem>>, vector<1x16xf32>,
    %swap3A_1757 = vector.shape_cast %swap3A_1756 : vector<1x16xf32> to vector<16xf32>
    %swap3A_1758 = vector.shape_cast %get3A_1752 : vector<16xf32> to vector<1x16xf32>
    tpu.vector_store %arg7[%swap3A_1754, %swap3A_1755], %swap3A_1758 {strides = array<i32>} : memref<32x256xf32, #tpu.memory_space<vmem>>, vector<1x16xf32>,
    %get3A_1759 = arith.constant 20 : i32
    %get3A_1760 = arith.index_cast %get3A_1759 : i32 to index
    %get3A_1761 = arith.constant 0 : index
    %get3A_1762 = tpu.vector_load %arg5[%get3A_1760, %get3A_1761] {strides = array<i32>} : memref<32x128xf32, #tpu.memory_space<vmem>>, vector<1x16xf32>,
    %get3A_1763 = vector.shape_cast %get3A_1762 : vector<1x16xf32> to vector<16xf32>
    %swap3A_1764 = arith.constant 20 : i32
    %swap3A_1765 = arith.index_cast %swap3A_1764 : i32 to index
    %swap3A_1766 = arith.constant 0 : index
    %swap3A_1767 = tpu.vector_load %arg7[%swap3A_1765, %swap3A_1766] {strides = array<i32>} : memref<32x256xf32, #tpu.memory_space<vmem>>, vector<1x16xf32>,
    %swap3A_1768 = vector.shape_cast %swap3A_1767 : vector<1x16xf32> to vector<16xf32>
    %swap3A_1769 = vector.shape_cast %get3A_1763 : vector<16xf32> to vector<1x16xf32>
    tpu.vector_store %arg7[%swap3A_1765, %swap3A_1766], %swap3A_1769 {strides = array<i32>} : memref<32x256xf32, #tpu.memory_space<vmem>>, vector<1x16xf32>,
    %get3A_1770 = arith.constant 20 : i32
    %get3A_1771 = arith.index_cast %get3A_1770 : i32 to index
    %get3A_1772 = arith.constant 16 : index
    %get3A_1773 = tpu.vector_load %arg5[%get3A_1771, %get3A_1772] {strides = array<i32>} : memref<32x128xf32, #tpu.memory_space<vmem>>, vector<1x16xf32>,
    %get3A_1774 = vector.shape_cast %get3A_1773 : vector<1x16xf32> to vector<16xf32>
    %swap3A_1775 = arith.constant 20 : i32
    %swap3A_1776 = arith.index_cast %swap3A_1775 : i32 to index
    %swap3A_1777 = arith.constant 16 : index
    %swap3A_1778 = tpu.vector_load %arg7[%swap3A_1776, %swap3A_1777] {strides = array<i32>} : memref<32x256xf32, #tpu.memory_space<vmem>>, vector<1x16xf32>,
    %swap3A_1779 = vector.shape_cast %swap3A_1778 : vector<1x16xf32> to vector<16xf32>
    %swap3A_1780 = vector.shape_cast %get3A_1774 : vector<16xf32> to vector<1x16xf32>
    tpu.vector_store %arg7[%swap3A_1776, %swap3A_1777], %swap3A_1780 {strides = array<i32>} : memref<32x256xf32, #tpu.memory_space<vmem>>, vector<1x16xf32>,
    %get3A_1781 = arith.constant 20 : i32
    %get3A_1782 = arith.index_cast %get3A_1781 : i32 to index
    %get3A_1783 = arith.constant 32 : index
    %get3A_1784 = tpu.vector_load %arg5[%get3A_1782, %get3A_1783] {strides = array<i32>} : memref<32x128xf32, #tpu.memory_space<vmem>>, vector<1x16xf32>,
    %get3A_1785 = vector.shape_cast %get3A_1784 : vector<1x16xf32> to vector<16xf32>
    %swap3A_1786 = arith.constant 20 : i32
    %swap3A_1787 = arith.index_cast %swap3A_1786 : i32 to index
    %swap3A_1788 = arith.constant 32 : index
    %swap3A_1789 = tpu.vector_load %arg7[%swap3A_1787, %swap3A_1788] {strides = array<i32>} : memref<32x256xf32, #tpu.memory_space<vmem>>, vector<1x16xf32>,
    %swap3A_1790 = vector.shape_cast %swap3A_1789 : vector<1x16xf32> to vector<16xf32>
    %swap3A_1791 = vector.shape_cast %get3A_1785 : vector<16xf32> to vector<1x16xf32>
    tpu.vector_store %arg7[%swap3A_1787, %swap3A_1788], %swap3A_1791 {strides = array<i32>} : memref<32x256xf32, #tpu.memory_space<vmem>>, vector<1x16xf32>,
    %get3A_1792 = arith.constant 20 : i32
    %get3A_1793 = arith.index_cast %get3A_1792 : i32 to index
    %get3A_1794 = arith.constant 48 : index
    %get3A_1795 = tpu.vector_load %arg5[%get3A_1793, %get3A_1794] {strides = array<i32>} : memref<32x128xf32, #tpu.memory_space<vmem>>, vector<1x16xf32>,
    %get3A_1796 = vector.shape_cast %get3A_1795 : vector<1x16xf32> to vector<16xf32>
    %swap3A_1797 = arith.constant 20 : i32
    %swap3A_1798 = arith.index_cast %swap3A_1797 : i32 to index
    %swap3A_1799 = arith.constant 48 : index
    %swap3A_1800 = tpu.vector_load %arg7[%swap3A_1798, %swap3A_1799] {strides = array<i32>} : memref<32x256xf32, #tpu.memory_space<vmem>>, vector<1x16xf32>,
    %swap3A_1801 = vector.shape_cast %swap3A_1800 : vector<1x16xf32> to vector<16xf32>
    %swap3A_1802 = vector.shape_cast %get3A_1796 : vector<16xf32> to vector<1x16xf32>
    tpu.vector_store %arg7[%swap3A_1798, %swap3A_1799], %swap3A_1802 {strides = array<i32>} : memref<32x256xf32, #tpu.memory_space<vmem>>, vector<1x16xf32>,
    %get3A_1803 = arith.constant 20 : i32
    %get3A_1804 = arith.index_cast %get3A_1803 : i32 to index
    %get3A_1805 = arith.constant 64 : index
    %get3A_1806 = tpu.vector_load %arg5[%get3A_1804, %get3A_1805] {strides = array<i32>} : memref<32x128xf32, #tpu.memory_space<vmem>>, vector<1x16xf32>,
    %get3A_1807 = vector.shape_cast %get3A_1806 : vector<1x16xf32> to vector<16xf32>
    %swap3A_1808 = arith.constant 20 : i32
    %swap3A_1809 = arith.index_cast %swap3A_1808 : i32 to index
    %swap3A_1810 = arith.constant 64 : index
    %swap3A_1811 = tpu.vector_load %arg7[%swap3A_1809, %swap3A_1810] {strides = array<i32>} : memref<32x256xf32, #tpu.memory_space<vmem>>, vector<1x16xf32>,
    %swap3A_1812 = vector.shape_cast %swap3A_1811 : vector<1x16xf32> to vector<16xf32>
    %swap3A_1813 = vector.shape_cast %get3A_1807 : vector<16xf32> to vector<1x16xf32>
    tpu.vector_store %arg7[%swap3A_1809, %swap3A_1810], %swap3A_1813 {strides = array<i32>} : memref<32x256xf32, #tpu.memory_space<vmem>>, vector<1x16xf32>,
    %get3A_1814 = arith.constant 20 : i32
    %get3A_1815 = arith.index_cast %get3A_1814 : i32 to index
    %get3A_1816 = arith.constant 80 : index
    %get3A_1817 = tpu.vector_load %arg5[%get3A_1815, %get3A_1816] {strides = array<i32>} : memref<32x128xf32, #tpu.memory_space<vmem>>, vector<1x16xf32>,
    %get3A_1818 = vector.shape_cast %get3A_1817 : vector<1x16xf32> to vector<16xf32>
    %swap3A_1819 = arith.constant 20 : i32
    %swap3A_1820 = arith.index_cast %swap3A_1819 : i32 to index
    %swap3A_1821 = arith.constant 80 : index
    %swap3A_1822 = tpu.vector_load %arg7[%swap3A_1820, %swap3A_1821] {strides = array<i32>} : memref<32x256xf32, #tpu.memory_space<vmem>>, vector<1x16xf32>,
    %swap3A_1823 = vector.shape_cast %swap3A_1822 : vector<1x16xf32> to vector<16xf32>
    %swap3A_1824 = vector.shape_cast %get3A_1818 : vector<16xf32> to vector<1x16xf32>
    tpu.vector_store %arg7[%swap3A_1820, %swap3A_1821], %swap3A_1824 {strides = array<i32>} : memref<32x256xf32, #tpu.memory_space<vmem>>, vector<1x16xf32>,
    %get3A_1825 = arith.constant 20 : i32
    %get3A_1826 = arith.index_cast %get3A_1825 : i32 to index
    %get3A_1827 = arith.constant 96 : index
    %get3A_1828 = tpu.vector_load %arg5[%get3A_1826, %get3A_1827] {strides = array<i32>} : memref<32x128xf32, #tpu.memory_space<vmem>>, vector<1x16xf32>,
    %get3A_1829 = vector.shape_cast %get3A_1828 : vector<1x16xf32> to vector<16xf32>
    %swap3A_1830 = arith.constant 20 : i32
    %swap3A_1831 = arith.index_cast %swap3A_1830 : i32 to index
    %swap3A_1832 = arith.constant 96 : index
    %swap3A_1833 = tpu.vector_load %arg7[%swap3A_1831, %swap3A_1832] {strides = array<i32>} : memref<32x256xf32, #tpu.memory_space<vmem>>, vector<1x16xf32>,
    %swap3A_1834 = vector.shape_cast %swap3A_1833 : vector<1x16xf32> to vector<16xf32>
    %swap3A_1835 = vector.shape_cast %get3A_1829 : vector<16xf32> to vector<1x16xf32>
    tpu.vector_store %arg7[%swap3A_1831, %swap3A_1832], %swap3A_1835 {strides = array<i32>} : memref<32x256xf32, #tpu.memory_space<vmem>>, vector<1x16xf32>,
    %get3A_1836 = arith.constant 20 : i32
    %get3A_1837 = arith.index_cast %get3A_1836 : i32 to index
    %get3A_1838 = arith.constant 112 : index
    %get3A_1839 = tpu.vector_load %arg5[%get3A_1837, %get3A_1838] {strides = array<i32>} : memref<32x128xf32, #tpu.memory_space<vmem>>, vector<1x16xf32>,
    %get3A_1840 = vector.shape_cast %get3A_1839 : vector<1x16xf32> to vector<16xf32>
    %swap3A_1841 = arith.constant 20 : i32
    %swap3A_1842 = arith.index_cast %swap3A_1841 : i32 to index
    %swap3A_1843 = arith.constant 112 : index
    %swap3A_1844 = tpu.vector_load %arg7[%swap3A_1842, %swap3A_1843] {strides = array<i32>} : memref<32x256xf32, #tpu.memory_space<vmem>>, vector<1x16xf32>,
    %swap3A_1845 = vector.shape_cast %swap3A_1844 : vector<1x16xf32> to vector<16xf32>
    %swap3A_1846 = vector.shape_cast %get3A_1840 : vector<16xf32> to vector<1x16xf32>
    tpu.vector_store %arg7[%swap3A_1842, %swap3A_1843], %swap3A_1846 {strides = array<i32>} : memref<32x256xf32, #tpu.memory_space<vmem>>, vector<1x16xf32>,
    %get3A_1847 = arith.constant 21 : i32
    %get3A_1848 = arith.index_cast %get3A_1847 : i32 to index
    %get3A_1849 = arith.constant 0 : index
    %get3A_1850 = tpu.vector_load %arg5[%get3A_1848, %get3A_1849] {strides = array<i32>} : memref<32x128xf32, #tpu.memory_space<vmem>>, vector<1x16xf32>,
    %get3A_1851 = vector.shape_cast %get3A_1850 : vector<1x16xf32> to vector<16xf32>
    %swap3A_1852 = arith.constant 21 : i32
    %swap3A_1853 = arith.index_cast %swap3A_1852 : i32 to index
    %swap3A_1854 = arith.constant 0 : index
    %swap3A_1855 = tpu.vector_load %arg7[%swap3A_1853, %swap3A_1854] {strides = array<i32>} : memref<32x256xf32, #tpu.memory_space<vmem>>, vector<1x16xf32>,
    %swap3A_1856 = vector.shape_cast %swap3A_1855 : vector<1x16xf32> to vector<16xf32>
    %swap3A_1857 = vector.shape_cast %get3A_1851 : vector<16xf32> to vector<1x16xf32>
    tpu.vector_store %arg7[%swap3A_1853, %swap3A_1854], %swap3A_1857 {strides = array<i32>} : memref<32x256xf32, #tpu.memory_space<vmem>>, vector<1x16xf32>,
    %get3A_1858 = arith.constant 21 : i32
    %get3A_1859 = arith.index_cast %get3A_1858 : i32 to index
    %get3A_1860 = arith.constant 16 : index
    %get3A_1861 = tpu.vector_load %arg5[%get3A_1859, %get3A_1860] {strides = array<i32>} : memref<32x128xf32, #tpu.memory_space<vmem>>, vector<1x16xf32>,
    %get3A_1862 = vector.shape_cast %get3A_1861 : vector<1x16xf32> to vector<16xf32>
    %swap3A_1863 = arith.constant 21 : i32
    %swap3A_1864 = arith.index_cast %swap3A_1863 : i32 to index
    %swap3A_1865 = arith.constant 16 : index
    %swap3A_1866 = tpu.vector_load %arg7[%swap3A_1864, %swap3A_1865] {strides = array<i32>} : memref<32x256xf32, #tpu.memory_space<vmem>>, vector<1x16xf32>,
    %swap3A_1867 = vector.shape_cast %swap3A_1866 : vector<1x16xf32> to vector<16xf32>
    %swap3A_1868 = vector.shape_cast %get3A_1862 : vector<16xf32> to vector<1x16xf32>
    tpu.vector_store %arg7[%swap3A_1864, %swap3A_1865], %swap3A_1868 {strides = array<i32>} : memref<32x256xf32, #tpu.memory_space<vmem>>, vector<1x16xf32>,
    %get3A_1869 = arith.constant 21 : i32
    %get3A_1870 = arith.index_cast %get3A_1869 : i32 to index
    %get3A_1871 = arith.constant 32 : index
    %get3A_1872 = tpu.vector_load %arg5[%get3A_1870, %get3A_1871] {strides = array<i32>} : memref<32x128xf32, #tpu.memory_space<vmem>>, vector<1x16xf32>,
    %get3A_1873 = vector.shape_cast %get3A_1872 : vector<1x16xf32> to vector<16xf32>
    %swap3A_1874 = arith.constant 21 : i32
    %swap3A_1875 = arith.index_cast %swap3A_1874 : i32 to index
    %swap3A_1876 = arith.constant 32 : index
    %swap3A_1877 = tpu.vector_load %arg7[%swap3A_1875, %swap3A_1876] {strides = array<i32>} : memref<32x256xf32, #tpu.memory_space<vmem>>, vector<1x16xf32>,
    %swap3A_1878 = vector.shape_cast %swap3A_1877 : vector<1x16xf32> to vector<16xf32>
    %swap3A_1879 = vector.shape_cast %get3A_1873 : vector<16xf32> to vector<1x16xf32>
    tpu.vector_store %arg7[%swap3A_1875, %swap3A_1876], %swap3A_1879 {strides = array<i32>} : memref<32x256xf32, #tpu.memory_space<vmem>>, vector<1x16xf32>,
    %get3A_1880 = arith.constant 21 : i32
    %get3A_1881 = arith.index_cast %get3A_1880 : i32 to index
    %get3A_1882 = arith.constant 48 : index
    %get3A_1883 = tpu.vector_load %arg5[%get3A_1881, %get3A_1882] {strides = array<i32>} : memref<32x128xf32, #tpu.memory_space<vmem>>, vector<1x16xf32>,
    %get3A_1884 = vector.shape_cast %get3A_1883 : vector<1x16xf32> to vector<16xf32>
    %swap3A_1885 = arith.constant 21 : i32
    %swap3A_1886 = arith.index_cast %swap3A_1885 : i32 to index
    %swap3A_1887 = arith.constant 48 : index
    %swap3A_1888 = tpu.vector_load %arg7[%swap3A_1886, %swap3A_1887] {strides = array<i32>} : memref<32x256xf32, #tpu.memory_space<vmem>>, vector<1x16xf32>,
    %swap3A_1889 = vector.shape_cast %swap3A_1888 : vector<1x16xf32> to vector<16xf32>
    %swap3A_1890 = vector.shape_cast %get3A_1884 : vector<16xf32> to vector<1x16xf32>
    tpu.vector_store %arg7[%swap3A_1886, %swap3A_1887], %swap3A_1890 {strides = array<i32>} : memref<32x256xf32, #tpu.memory_space<vmem>>, vector<1x16xf32>,
    %get3A_1891 = arith.constant 21 : i32
    %get3A_1892 = arith.index_cast %get3A_1891 : i32 to index
    %get3A_1893 = arith.constant 64 : index
    %get3A_1894 = tpu.vector_load %arg5[%get3A_1892, %get3A_1893] {strides = array<i32>} : memref<32x128xf32, #tpu.memory_space<vmem>>, vector<1x16xf32>,
    %get3A_1895 = vector.shape_cast %get3A_1894 : vector<1x16xf32> to vector<16xf32>
    %swap3A_1896 = arith.constant 21 : i32
    %swap3A_1897 = arith.index_cast %swap3A_1896 : i32 to index
    %swap3A_1898 = arith.constant 64 : index
    %swap3A_1899 = tpu.vector_load %arg7[%swap3A_1897, %swap3A_1898] {strides = array<i32>} : memref<32x256xf32, #tpu.memory_space<vmem>>, vector<1x16xf32>,
    %swap3A_1900 = vector.shape_cast %swap3A_1899 : vector<1x16xf32> to vector<16xf32>
    %swap3A_1901 = vector.shape_cast %get3A_1895 : vector<16xf32> to vector<1x16xf32>
    tpu.vector_store %arg7[%swap3A_1897, %swap3A_1898], %swap3A_1901 {strides = array<i32>} : memref<32x256xf32, #tpu.memory_space<vmem>>, vector<1x16xf32>,
    %get3A_1902 = arith.constant 21 : i32
    %get3A_1903 = arith.index_cast %get3A_1902 : i32 to index
    %get3A_1904 = arith.constant 80 : index
    %get3A_1905 = tpu.vector_load %arg5[%get3A_1903, %get3A_1904] {strides = array<i32>} : memref<32x128xf32, #tpu.memory_space<vmem>>, vector<1x16xf32>,
    %get3A_1906 = vector.shape_cast %get3A_1905 : vector<1x16xf32> to vector<16xf32>
    %swap3A_1907 = arith.constant 21 : i32
    %swap3A_1908 = arith.index_cast %swap3A_1907 : i32 to index
    %swap3A_1909 = arith.constant 80 : index
    %swap3A_1910 = tpu.vector_load %arg7[%swap3A_1908, %swap3A_1909] {strides = array<i32>} : memref<32x256xf32, #tpu.memory_space<vmem>>, vector<1x16xf32>,
    %swap3A_1911 = vector.shape_cast %swap3A_1910 : vector<1x16xf32> to vector<16xf32>
    %swap3A_1912 = vector.shape_cast %get3A_1906 : vector<16xf32> to vector<1x16xf32>
    tpu.vector_store %arg7[%swap3A_1908, %swap3A_1909], %swap3A_1912 {strides = array<i32>} : memref<32x256xf32, #tpu.memory_space<vmem>>, vector<1x16xf32>,
    %get3A_1913 = arith.constant 21 : i32
    %get3A_1914 = arith.index_cast %get3A_1913 : i32 to index
    %get3A_1915 = arith.constant 96 : index
    %get3A_1916 = tpu.vector_load %arg5[%get3A_1914, %get3A_1915] {strides = array<i32>} : memref<32x128xf32, #tpu.memory_space<vmem>>, vector<1x16xf32>,
    %get3A_1917 = vector.shape_cast %get3A_1916 : vector<1x16xf32> to vector<16xf32>
    %swap3A_1918 = arith.constant 21 : i32
    %swap3A_1919 = arith.index_cast %swap3A_1918 : i32 to index
    %swap3A_1920 = arith.constant 96 : index
    %swap3A_1921 = tpu.vector_load %arg7[%swap3A_1919, %swap3A_1920] {strides = array<i32>} : memref<32x256xf32, #tpu.memory_space<vmem>>, vector<1x16xf32>,
    %swap3A_1922 = vector.shape_cast %swap3A_1921 : vector<1x16xf32> to vector<16xf32>
    %swap3A_1923 = vector.shape_cast %get3A_1917 : vector<16xf32> to vector<1x16xf32>
    tpu.vector_store %arg7[%swap3A_1919, %swap3A_1920], %swap3A_1923 {strides = array<i32>} : memref<32x256xf32, #tpu.memory_space<vmem>>, vector<1x16xf32>,
    %get3A_1924 = arith.constant 21 : i32
    %get3A_1925 = arith.index_cast %get3A_1924 : i32 to index
    %get3A_1926 = arith.constant 112 : index
    %get3A_1927 = tpu.vector_load %arg5[%get3A_1925, %get3A_1926] {strides = array<i32>} : memref<32x128xf32, #tpu.memory_space<vmem>>, vector<1x16xf32>,
    %get3A_1928 = vector.shape_cast %get3A_1927 : vector<1x16xf32> to vector<16xf32>
    %swap3A_1929 = arith.constant 21 : i32
    %swap3A_1930 = arith.index_cast %swap3A_1929 : i32 to index
    %swap3A_1931 = arith.constant 112 : index
    %swap3A_1932 = tpu.vector_load %arg7[%swap3A_1930, %swap3A_1931] {strides = array<i32>} : memref<32x256xf32, #tpu.memory_space<vmem>>, vector<1x16xf32>,
    %swap3A_1933 = vector.shape_cast %swap3A_1932 : vector<1x16xf32> to vector<16xf32>
    %swap3A_1934 = vector.shape_cast %get3A_1928 : vector<16xf32> to vector<1x16xf32>
    tpu.vector_store %arg7[%swap3A_1930, %swap3A_1931], %swap3A_1934 {strides = array<i32>} : memref<32x256xf32, #tpu.memory_space<vmem>>, vector<1x16xf32>,
    %get3A_1935 = arith.constant 22 : i32
    %get3A_1936 = arith.index_cast %get3A_1935 : i32 to index
    %get3A_1937 = arith.constant 0 : index
    %get3A_1938 = tpu.vector_load %arg5[%get3A_1936, %get3A_1937] {strides = array<i32>} : memref<32x128xf32, #tpu.memory_space<vmem>>, vector<1x16xf32>,
    %get3A_1939 = vector.shape_cast %get3A_1938 : vector<1x16xf32> to vector<16xf32>
    %swap3A_1940 = arith.constant 22 : i32
    %swap3A_1941 = arith.index_cast %swap3A_1940 : i32 to index
    %swap3A_1942 = arith.constant 0 : index
    %swap3A_1943 = tpu.vector_load %arg7[%swap3A_1941, %swap3A_1942] {strides = array<i32>} : memref<32x256xf32, #tpu.memory_space<vmem>>, vector<1x16xf32>,
    %swap3A_1944 = vector.shape_cast %swap3A_1943 : vector<1x16xf32> to vector<16xf32>
    %swap3A_1945 = vector.shape_cast %get3A_1939 : vector<16xf32> to vector<1x16xf32>
    tpu.vector_store %arg7[%swap3A_1941, %swap3A_1942], %swap3A_1945 {strides = array<i32>} : memref<32x256xf32, #tpu.memory_space<vmem>>, vector<1x16xf32>,
    %get3A_1946 = arith.constant 22 : i32
    %get3A_1947 = arith.index_cast %get3A_1946 : i32 to index
    %get3A_1948 = arith.constant 16 : index
    %get3A_1949 = tpu.vector_load %arg5[%get3A_1947, %get3A_1948] {strides = array<i32>} : memref<32x128xf32, #tpu.memory_space<vmem>>, vector<1x16xf32>,
    %get3A_1950 = vector.shape_cast %get3A_1949 : vector<1x16xf32> to vector<16xf32>
    %swap3A_1951 = arith.constant 22 : i32
    %swap3A_1952 = arith.index_cast %swap3A_1951 : i32 to index
    %swap3A_1953 = arith.constant 16 : index
    %swap3A_1954 = tpu.vector_load %arg7[%swap3A_1952, %swap3A_1953] {strides = array<i32>} : memref<32x256xf32, #tpu.memory_space<vmem>>, vector<1x16xf32>,
    %swap3A_1955 = vector.shape_cast %swap3A_1954 : vector<1x16xf32> to vector<16xf32>
    %swap3A_1956 = vector.shape_cast %get3A_1950 : vector<16xf32> to vector<1x16xf32>
    tpu.vector_store %arg7[%swap3A_1952, %swap3A_1953], %swap3A_1956 {strides = array<i32>} : memref<32x256xf32, #tpu.memory_space<vmem>>, vector<1x16xf32>,
    %get3A_1957 = arith.constant 22 : i32
    %get3A_1958 = arith.index_cast %get3A_1957 : i32 to index
    %get3A_1959 = arith.constant 32 : index
    %get3A_1960 = tpu.vector_load %arg5[%get3A_1958, %get3A_1959] {strides = array<i32>} : memref<32x128xf32, #tpu.memory_space<vmem>>, vector<1x16xf32>,
    %get3A_1961 = vector.shape_cast %get3A_1960 : vector<1x16xf32> to vector<16xf32>
    %swap3A_1962 = arith.constant 22 : i32
    %swap3A_1963 = arith.index_cast %swap3A_1962 : i32 to index
    %swap3A_1964 = arith.constant 32 : index
    %swap3A_1965 = tpu.vector_load %arg7[%swap3A_1963, %swap3A_1964] {strides = array<i32>} : memref<32x256xf32, #tpu.memory_space<vmem>>, vector<1x16xf32>,
    %swap3A_1966 = vector.shape_cast %swap3A_1965 : vector<1x16xf32> to vector<16xf32>
    %swap3A_1967 = vector.shape_cast %get3A_1961 : vector<16xf32> to vector<1x16xf32>
    tpu.vector_store %arg7[%swap3A_1963, %swap3A_1964], %swap3A_1967 {strides = array<i32>} : memref<32x256xf32, #tpu.memory_space<vmem>>, vector<1x16xf32>,
    %get3A_1968 = arith.constant 22 : i32
    %get3A_1969 = arith.index_cast %get3A_1968 : i32 to index
    %get3A_1970 = arith.constant 48 : index
    %get3A_1971 = tpu.vector_load %arg5[%get3A_1969, %get3A_1970] {strides = array<i32>} : memref<32x128xf32, #tpu.memory_space<vmem>>, vector<1x16xf32>,
    %get3A_1972 = vector.shape_cast %get3A_1971 : vector<1x16xf32> to vector<16xf32>
    %swap3A_1973 = arith.constant 22 : i32
    %swap3A_1974 = arith.index_cast %swap3A_1973 : i32 to index
    %swap3A_1975 = arith.constant 48 : index
    %swap3A_1976 = tpu.vector_load %arg7[%swap3A_1974, %swap3A_1975] {strides = array<i32>} : memref<32x256xf32, #tpu.memory_space<vmem>>, vector<1x16xf32>,
    %swap3A_1977 = vector.shape_cast %swap3A_1976 : vector<1x16xf32> to vector<16xf32>
    %swap3A_1978 = vector.shape_cast %get3A_1972 : vector<16xf32> to vector<1x16xf32>
    tpu.vector_store %arg7[%swap3A_1974, %swap3A_1975], %swap3A_1978 {strides = array<i32>} : memref<32x256xf32, #tpu.memory_space<vmem>>, vector<1x16xf32>,
    %get3A_1979 = arith.constant 22 : i32
    %get3A_1980 = arith.index_cast %get3A_1979 : i32 to index
    %get3A_1981 = arith.constant 64 : index
    %get3A_1982 = tpu.vector_load %arg5[%get3A_1980, %get3A_1981] {strides = array<i32>} : memref<32x128xf32, #tpu.memory_space<vmem>>, vector<1x16xf32>,
    %get3A_1983 = vector.shape_cast %get3A_1982 : vector<1x16xf32> to vector<16xf32>
    %swap3A_1984 = arith.constant 22 : i32
    %swap3A_1985 = arith.index_cast %swap3A_1984 : i32 to index
    %swap3A_1986 = arith.constant 64 : index
    %swap3A_1987 = tpu.vector_load %arg7[%swap3A_1985, %swap3A_1986] {strides = array<i32>} : memref<32x256xf32, #tpu.memory_space<vmem>>, vector<1x16xf32>,
    %swap3A_1988 = vector.shape_cast %swap3A_1987 : vector<1x16xf32> to vector<16xf32>
    %swap3A_1989 = vector.shape_cast %get3A_1983 : vector<16xf32> to vector<1x16xf32>
    tpu.vector_store %arg7[%swap3A_1985, %swap3A_1986], %swap3A_1989 {strides = array<i32>} : memref<32x256xf32, #tpu.memory_space<vmem>>, vector<1x16xf32>,
    %get3A_1990 = arith.constant 22 : i32
    %get3A_1991 = arith.index_cast %get3A_1990 : i32 to index
    %get3A_1992 = arith.constant 80 : index
    %get3A_1993 = tpu.vector_load %arg5[%get3A_1991, %get3A_1992] {strides = array<i32>} : memref<32x128xf32, #tpu.memory_space<vmem>>, vector<1x16xf32>,
    %get3A_1994 = vector.shape_cast %get3A_1993 : vector<1x16xf32> to vector<16xf32>
    %swap3A_1995 = arith.constant 22 : i32
    %swap3A_1996 = arith.index_cast %swap3A_1995 : i32 to index
    %swap3A_1997 = arith.constant 80 : index
    %swap3A_1998 = tpu.vector_load %arg7[%swap3A_1996, %swap3A_1997] {strides = array<i32>} : memref<32x256xf32, #tpu.memory_space<vmem>>, vector<1x16xf32>,
    %swap3A_1999 = vector.shape_cast %swap3A_1998 : vector<1x16xf32> to vector<16xf32>
    %swap3A_2000 = vector.shape_cast %get3A_1994 : vector<16xf32> to vector<1x16xf32>
    tpu.vector_store %arg7[%swap3A_1996, %swap3A_1997], %swap3A_2000 {strides = array<i32>} : memref<32x256xf32, #tpu.memory_space<vmem>>, vector<1x16xf32>,
    %get3A_2001 = arith.constant 22 : i32
    %get3A_2002 = arith.index_cast %get3A_2001 : i32 to index
    %get3A_2003 = arith.constant 96 : index
    %get3A_2004 = tpu.vector_load %arg5[%get3A_2002, %get3A_2003] {strides = array<i32>} : memref<32x128xf32, #tpu.memory_space<vmem>>, vector<1x16xf32>,
    %get3A_2005 = vector.shape_cast %get3A_2004 : vector<1x16xf32> to vector<16xf32>
    %swap3A_2006 = arith.constant 22 : i32
    %swap3A_2007 = arith.index_cast %swap3A_2006 : i32 to index
    %swap3A_2008 = arith.constant 96 : index
    %swap3A_2009 = tpu.vector_load %arg7[%swap3A_2007, %swap3A_2008] {strides = array<i32>} : memref<32x256xf32, #tpu.memory_space<vmem>>, vector<1x16xf32>,
    %swap3A_2010 = vector.shape_cast %swap3A_2009 : vector<1x16xf32> to vector<16xf32>
    %swap3A_2011 = vector.shape_cast %get3A_2005 : vector<16xf32> to vector<1x16xf32>
    tpu.vector_store %arg7[%swap3A_2007, %swap3A_2008], %swap3A_2011 {strides = array<i32>} : memref<32x256xf32, #tpu.memory_space<vmem>>, vector<1x16xf32>,
    %get3A_2012 = arith.constant 22 : i32
    %get3A_2013 = arith.index_cast %get3A_2012 : i32 to index
    %get3A_2014 = arith.constant 112 : index
    %get3A_2015 = tpu.vector_load %arg5[%get3A_2013, %get3A_2014] {strides = array<i32>} : memref<32x128xf32, #tpu.memory_space<vmem>>, vector<1x16xf32>,
    %get3A_2016 = vector.shape_cast %get3A_2015 : vector<1x16xf32> to vector<16xf32>
    %swap3A_2017 = arith.constant 22 : i32
    %swap3A_2018 = arith.index_cast %swap3A_2017 : i32 to index
    %swap3A_2019 = arith.constant 112 : index
    %swap3A_2020 = tpu.vector_load %arg7[%swap3A_2018, %swap3A_2019] {strides = array<i32>} : memref<32x256xf32, #tpu.memory_space<vmem>>, vector<1x16xf32>,
    %swap3A_2021 = vector.shape_cast %swap3A_2020 : vector<1x16xf32> to vector<16xf32>
    %swap3A_2022 = vector.shape_cast %get3A_2016 : vector<16xf32> to vector<1x16xf32>
    tpu.vector_store %arg7[%swap3A_2018, %swap3A_2019], %swap3A_2022 {strides = array<i32>} : memref<32x256xf32, #tpu.memory_space<vmem>>, vector<1x16xf32>,
    %get3A_2023 = arith.constant 23 : i32
    %get3A_2024 = arith.index_cast %get3A_2023 : i32 to index
    %get3A_2025 = arith.constant 0 : index
    %get3A_2026 = tpu.vector_load %arg5[%get3A_2024, %get3A_2025] {strides = array<i32>} : memref<32x128xf32, #tpu.memory_space<vmem>>, vector<1x16xf32>,
    %get3A_2027 = vector.shape_cast %get3A_2026 : vector<1x16xf32> to vector<16xf32>
    %swap3A_2028 = arith.constant 23 : i32
    %swap3A_2029 = arith.index_cast %swap3A_2028 : i32 to index
    %swap3A_2030 = arith.constant 0 : index
    %swap3A_2031 = tpu.vector_load %arg7[%swap3A_2029, %swap3A_2030] {strides = array<i32>} : memref<32x256xf32, #tpu.memory_space<vmem>>, vector<1x16xf32>,
    %swap3A_2032 = vector.shape_cast %swap3A_2031 : vector<1x16xf32> to vector<16xf32>
    %swap3A_2033 = vector.shape_cast %get3A_2027 : vector<16xf32> to vector<1x16xf32>
    tpu.vector_store %arg7[%swap3A_2029, %swap3A_2030], %swap3A_2033 {strides = array<i32>} : memref<32x256xf32, #tpu.memory_space<vmem>>, vector<1x16xf32>,
    %get3A_2034 = arith.constant 23 : i32
    %get3A_2035 = arith.index_cast %get3A_2034 : i32 to index
    %get3A_2036 = arith.constant 16 : index
    %get3A_2037 = tpu.vector_load %arg5[%get3A_2035, %get3A_2036] {strides = array<i32>} : memref<32x128xf32, #tpu.memory_space<vmem>>, vector<1x16xf32>,
    %get3A_2038 = vector.shape_cast %get3A_2037 : vector<1x16xf32> to vector<16xf32>
    %swap3A_2039 = arith.constant 23 : i32
    %swap3A_2040 = arith.index_cast %swap3A_2039 : i32 to index
    %swap3A_2041 = arith.constant 16 : index
    %swap3A_2042 = tpu.vector_load %arg7[%swap3A_2040, %swap3A_2041] {strides = array<i32>} : memref<32x256xf32, #tpu.memory_space<vmem>>, vector<1x16xf32>,
    %swap3A_2043 = vector.shape_cast %swap3A_2042 : vector<1x16xf32> to vector<16xf32>
    %swap3A_2044 = vector.shape_cast %get3A_2038 : vector<16xf32> to vector<1x16xf32>
    tpu.vector_store %arg7[%swap3A_2040, %swap3A_2041], %swap3A_2044 {strides = array<i32>} : memref<32x256xf32, #tpu.memory_space<vmem>>, vector<1x16xf32>,
    %get3A_2045 = arith.constant 23 : i32
    %get3A_2046 = arith.index_cast %get3A_2045 : i32 to index
    %get3A_2047 = arith.constant 32 : index
    %get3A_2048 = tpu.vector_load %arg5[%get3A_2046, %get3A_2047] {strides = array<i32>} : memref<32x128xf32, #tpu.memory_space<vmem>>, vector<1x16xf32>,
    %get3A_2049 = vector.shape_cast %get3A_2048 : vector<1x16xf32> to vector<16xf32>
    %swap3A_2050 = arith.constant 23 : i32
    %swap3A_2051 = arith.index_cast %swap3A_2050 : i32 to index
    %swap3A_2052 = arith.constant 32 : index
    %swap3A_2053 = tpu.vector_load %arg7[%swap3A_2051, %swap3A_2052] {strides = array<i32>} : memref<32x256xf32, #tpu.memory_space<vmem>>, vector<1x16xf32>,
    %swap3A_2054 = vector.shape_cast %swap3A_2053 : vector<1x16xf32> to vector<16xf32>
    %swap3A_2055 = vector.shape_cast %get3A_2049 : vector<16xf32> to vector<1x16xf32>
    tpu.vector_store %arg7[%swap3A_2051, %swap3A_2052], %swap3A_2055 {strides = array<i32>} : memref<32x256xf32, #tpu.memory_space<vmem>>, vector<1x16xf32>,
    %get3A_2056 = arith.constant 23 : i32
    %get3A_2057 = arith.index_cast %get3A_2056 : i32 to index
    %get3A_2058 = arith.constant 48 : index
    %get3A_2059 = tpu.vector_load %arg5[%get3A_2057, %get3A_2058] {strides = array<i32>} : memref<32x128xf32, #tpu.memory_space<vmem>>, vector<1x16xf32>,
    %get3A_2060 = vector.shape_cast %get3A_2059 : vector<1x16xf32> to vector<16xf32>
    %swap3A_2061 = arith.constant 23 : i32
    %swap3A_2062 = arith.index_cast %swap3A_2061 : i32 to index
    %swap3A_2063 = arith.constant 48 : index
    %swap3A_2064 = tpu.vector_load %arg7[%swap3A_2062, %swap3A_2063] {strides = array<i32>} : memref<32x256xf32, #tpu.memory_space<vmem>>, vector<1x16xf32>,
    %swap3A_2065 = vector.shape_cast %swap3A_2064 : vector<1x16xf32> to vector<16xf32>
    %swap3A_2066 = vector.shape_cast %get3A_2060 : vector<16xf32> to vector<1x16xf32>
    tpu.vector_store %arg7[%swap3A_2062, %swap3A_2063], %swap3A_2066 {strides = array<i32>} : memref<32x256xf32, #tpu.memory_space<vmem>>, vector<1x16xf32>,
    %get3A_2067 = arith.constant 23 : i32
    %get3A_2068 = arith.index_cast %get3A_2067 : i32 to index
    %get3A_2069 = arith.constant 64 : index
    %get3A_2070 = tpu.vector_load %arg5[%get3A_2068, %get3A_2069] {strides = array<i32>} : memref<32x128xf32, #tpu.memory_space<vmem>>, vector<1x16xf32>,
    %get3A_2071 = vector.shape_cast %get3A_2070 : vector<1x16xf32> to vector<16xf32>
    %swap3A_2072 = arith.constant 23 : i32
    %swap3A_2073 = arith.index_cast %swap3A_2072 : i32 to index
    %swap3A_2074 = arith.constant 64 : index
    %swap3A_2075 = tpu.vector_load %arg7[%swap3A_2073, %swap3A_2074] {strides = array<i32>} : memref<32x256xf32, #tpu.memory_space<vmem>>, vector<1x16xf32>,
    %swap3A_2076 = vector.shape_cast %swap3A_2075 : vector<1x16xf32> to vector<16xf32>
    %swap3A_2077 = vector.shape_cast %get3A_2071 : vector<16xf32> to vector<1x16xf32>
    tpu.vector_store %arg7[%swap3A_2073, %swap3A_2074], %swap3A_2077 {strides = array<i32>} : memref<32x256xf32, #tpu.memory_space<vmem>>, vector<1x16xf32>,
    %get3A_2078 = arith.constant 23 : i32
    %get3A_2079 = arith.index_cast %get3A_2078 : i32 to index
    %get3A_2080 = arith.constant 80 : index
    %get3A_2081 = tpu.vector_load %arg5[%get3A_2079, %get3A_2080] {strides = array<i32>} : memref<32x128xf32, #tpu.memory_space<vmem>>, vector<1x16xf32>,
    %get3A_2082 = vector.shape_cast %get3A_2081 : vector<1x16xf32> to vector<16xf32>
    %swap3A_2083 = arith.constant 23 : i32
    %swap3A_2084 = arith.index_cast %swap3A_2083 : i32 to index
    %swap3A_2085 = arith.constant 80 : index
    %swap3A_2086 = tpu.vector_load %arg7[%swap3A_2084, %swap3A_2085] {strides = array<i32>} : memref<32x256xf32, #tpu.memory_space<vmem>>, vector<1x16xf32>,
    %swap3A_2087 = vector.shape_cast %swap3A_2086 : vector<1x16xf32> to vector<16xf32>
    %swap3A_2088 = vector.shape_cast %get3A_2082 : vector<16xf32> to vector<1x16xf32>
    tpu.vector_store %arg7[%swap3A_2084, %swap3A_2085], %swap3A_2088 {strides = array<i32>} : memref<32x256xf32, #tpu.memory_space<vmem>>, vector<1x16xf32>,
    %get3A_2089 = arith.constant 23 : i32
    %get3A_2090 = arith.index_cast %get3A_2089 : i32 to index
    %get3A_2091 = arith.constant 96 : index
    %get3A_2092 = tpu.vector_load %arg5[%get3A_2090, %get3A_2091] {strides = array<i32>} : memref<32x128xf32, #tpu.memory_space<vmem>>, vector<1x16xf32>,
    %get3A_2093 = vector.shape_cast %get3A_2092 : vector<1x16xf32> to vector<16xf32>
    %swap3A_2094 = arith.constant 23 : i32
    %swap3A_2095 = arith.index_cast %swap3A_2094 : i32 to index
    %swap3A_2096 = arith.constant 96 : index
    %swap3A_2097 = tpu.vector_load %arg7[%swap3A_2095, %swap3A_2096] {strides = array<i32>} : memref<32x256xf32, #tpu.memory_space<vmem>>, vector<1x16xf32>,
    %swap3A_2098 = vector.shape_cast %swap3A_2097 : vector<1x16xf32> to vector<16xf32>
    %swap3A_2099 = vector.shape_cast %get3A_2093 : vector<16xf32> to vector<1x16xf32>
    tpu.vector_store %arg7[%swap3A_2095, %swap3A_2096], %swap3A_2099 {strides = array<i32>} : memref<32x256xf32, #tpu.memory_space<vmem>>, vector<1x16xf32>,
    %get3A_2100 = arith.constant 23 : i32
    %get3A_2101 = arith.index_cast %get3A_2100 : i32 to index
    %get3A_2102 = arith.constant 112 : index
    %get3A_2103 = tpu.vector_load %arg5[%get3A_2101, %get3A_2102] {strides = array<i32>} : memref<32x128xf32, #tpu.memory_space<vmem>>, vector<1x16xf32>,
    %get3A_2104 = vector.shape_cast %get3A_2103 : vector<1x16xf32> to vector<16xf32>
    %swap3A_2105 = arith.constant 23 : i32
    %swap3A_2106 = arith.index_cast %swap3A_2105 : i32 to index
    %swap3A_2107 = arith.constant 112 : index
    %swap3A_2108 = tpu.vector_load %arg7[%swap3A_2106, %swap3A_2107] {strides = array<i32>} : memref<32x256xf32, #tpu.memory_space<vmem>>, vector<1x16xf32>,
    %swap3A_2109 = vector.shape_cast %swap3A_2108 : vector<1x16xf32> to vector<16xf32>
    %swap3A_2110 = vector.shape_cast %get3A_2104 : vector<16xf32> to vector<1x16xf32>
    tpu.vector_store %arg7[%swap3A_2106, %swap3A_2107], %swap3A_2110 {strides = array<i32>} : memref<32x256xf32, #tpu.memory_space<vmem>>, vector<1x16xf32>,
    %get3A_2111 = arith.constant 24 : i32
    %get3A_2112 = arith.index_cast %get3A_2111 : i32 to index
    %get3A_2113 = arith.constant 0 : index
    %get3A_2114 = tpu.vector_load %arg5[%get3A_2112, %get3A_2113] {strides = array<i32>} : memref<32x128xf32, #tpu.memory_space<vmem>>, vector<1x16xf32>,
    %get3A_2115 = vector.shape_cast %get3A_2114 : vector<1x16xf32> to vector<16xf32>
    %swap3A_2116 = arith.constant 24 : i32
    %swap3A_2117 = arith.index_cast %swap3A_2116 : i32 to index
    %swap3A_2118 = arith.constant 0 : index
    %swap3A_2119 = tpu.vector_load %arg7[%swap3A_2117, %swap3A_2118] {strides = array<i32>} : memref<32x256xf32, #tpu.memory_space<vmem>>, vector<1x16xf32>,
    %swap3A_2120 = vector.shape_cast %swap3A_2119 : vector<1x16xf32> to vector<16xf32>
    %swap3A_2121 = vector.shape_cast %get3A_2115 : vector<16xf32> to vector<1x16xf32>
    tpu.vector_store %arg7[%swap3A_2117, %swap3A_2118], %swap3A_2121 {strides = array<i32>} : memref<32x256xf32, #tpu.memory_space<vmem>>, vector<1x16xf32>,
    %get3A_2122 = arith.constant 24 : i32
    %get3A_2123 = arith.index_cast %get3A_2122 : i32 to index
    %get3A_2124 = arith.constant 16 : index
    %get3A_2125 = tpu.vector_load %arg5[%get3A_2123, %get3A_2124] {strides = array<i32>} : memref<32x128xf32, #tpu.memory_space<vmem>>, vector<1x16xf32>,
    %get3A_2126 = vector.shape_cast %get3A_2125 : vector<1x16xf32> to vector<16xf32>
    %swap3A_2127 = arith.constant 24 : i32
    %swap3A_2128 = arith.index_cast %swap3A_2127 : i32 to index
    %swap3A_2129 = arith.constant 16 : index
    %swap3A_2130 = tpu.vector_load %arg7[%swap3A_2128, %swap3A_2129] {strides = array<i32>} : memref<32x256xf32, #tpu.memory_space<vmem>>, vector<1x16xf32>,
    %swap3A_2131 = vector.shape_cast %swap3A_2130 : vector<1x16xf32> to vector<16xf32>
    %swap3A_2132 = vector.shape_cast %get3A_2126 : vector<16xf32> to vector<1x16xf32>
    tpu.vector_store %arg7[%swap3A_2128, %swap3A_2129], %swap3A_2132 {strides = array<i32>} : memref<32x256xf32, #tpu.memory_space<vmem>>, vector<1x16xf32>,
    %get3A_2133 = arith.constant 24 : i32
    %get3A_2134 = arith.index_cast %get3A_2133 : i32 to index
    %get3A_2135 = arith.constant 32 : index
    %get3A_2136 = tpu.vector_load %arg5[%get3A_2134, %get3A_2135] {strides = array<i32>} : memref<32x128xf32, #tpu.memory_space<vmem>>, vector<1x16xf32>,
    %get3A_2137 = vector.shape_cast %get3A_2136 : vector<1x16xf32> to vector<16xf32>
    %swap3A_2138 = arith.constant 24 : i32
    %swap3A_2139 = arith.index_cast %swap3A_2138 : i32 to index
    %swap3A_2140 = arith.constant 32 : index
    %swap3A_2141 = tpu.vector_load %arg7[%swap3A_2139, %swap3A_2140] {strides = array<i32>} : memref<32x256xf32, #tpu.memory_space<vmem>>, vector<1x16xf32>,
    %swap3A_2142 = vector.shape_cast %swap3A_2141 : vector<1x16xf32> to vector<16xf32>
    %swap3A_2143 = vector.shape_cast %get3A_2137 : vector<16xf32> to vector<1x16xf32>
    tpu.vector_store %arg7[%swap3A_2139, %swap3A_2140], %swap3A_2143 {strides = array<i32>} : memref<32x256xf32, #tpu.memory_space<vmem>>, vector<1x16xf32>,
    %get3A_2144 = arith.constant 24 : i32
    %get3A_2145 = arith.index_cast %get3A_2144 : i32 to index
    %get3A_2146 = arith.constant 48 : index
    %get3A_2147 = tpu.vector_load %arg5[%get3A_2145, %get3A_2146] {strides = array<i32>} : memref<32x128xf32, #tpu.memory_space<vmem>>, vector<1x16xf32>,
    %get3A_2148 = vector.shape_cast %get3A_2147 : vector<1x16xf32> to vector<16xf32>
    %swap3A_2149 = arith.constant 24 : i32
    %swap3A_2150 = arith.index_cast %swap3A_2149 : i32 to index
    %swap3A_2151 = arith.constant 48 : index
    %swap3A_2152 = tpu.vector_load %arg7[%swap3A_2150, %swap3A_2151] {strides = array<i32>} : memref<32x256xf32, #tpu.memory_space<vmem>>, vector<1x16xf32>,
    %swap3A_2153 = vector.shape_cast %swap3A_2152 : vector<1x16xf32> to vector<16xf32>
    %swap3A_2154 = vector.shape_cast %get3A_2148 : vector<16xf32> to vector<1x16xf32>
    tpu.vector_store %arg7[%swap3A_2150, %swap3A_2151], %swap3A_2154 {strides = array<i32>} : memref<32x256xf32, #tpu.memory_space<vmem>>, vector<1x16xf32>,
    %get3A_2155 = arith.constant 24 : i32
    %get3A_2156 = arith.index_cast %get3A_2155 : i32 to index
    %get3A_2157 = arith.constant 64 : index
    %get3A_2158 = tpu.vector_load %arg5[%get3A_2156, %get3A_2157] {strides = array<i32>} : memref<32x128xf32, #tpu.memory_space<vmem>>, vector<1x16xf32>,
    %get3A_2159 = vector.shape_cast %get3A_2158 : vector<1x16xf32> to vector<16xf32>
    %swap3A_2160 = arith.constant 24 : i32
    %swap3A_2161 = arith.index_cast %swap3A_2160 : i32 to index
    %swap3A_2162 = arith.constant 64 : index
    %swap3A_2163 = tpu.vector_load %arg7[%swap3A_2161, %swap3A_2162] {strides = array<i32>} : memref<32x256xf32, #tpu.memory_space<vmem>>, vector<1x16xf32>,
    %swap3A_2164 = vector.shape_cast %swap3A_2163 : vector<1x16xf32> to vector<16xf32>
    %swap3A_2165 = vector.shape_cast %get3A_2159 : vector<16xf32> to vector<1x16xf32>
    tpu.vector_store %arg7[%swap3A_2161, %swap3A_2162], %swap3A_2165 {strides = array<i32>} : memref<32x256xf32, #tpu.memory_space<vmem>>, vector<1x16xf32>,
    %get3A_2166 = arith.constant 24 : i32
    %get3A_2167 = arith.index_cast %get3A_2166 : i32 to index
    %get3A_2168 = arith.constant 80 : index
    %get3A_2169 = tpu.vector_load %arg5[%get3A_2167, %get3A_2168] {strides = array<i32>} : memref<32x128xf32, #tpu.memory_space<vmem>>, vector<1x16xf32>,
    %get3A_2170 = vector.shape_cast %get3A_2169 : vector<1x16xf32> to vector<16xf32>
    %swap3A_2171 = arith.constant 24 : i32
    %swap3A_2172 = arith.index_cast %swap3A_2171 : i32 to index
    %swap3A_2173 = arith.constant 80 : index
    %swap3A_2174 = tpu.vector_load %arg7[%swap3A_2172, %swap3A_2173] {strides = array<i32>} : memref<32x256xf32, #tpu.memory_space<vmem>>, vector<1x16xf32>,
    %swap3A_2175 = vector.shape_cast %swap3A_2174 : vector<1x16xf32> to vector<16xf32>
    %swap3A_2176 = vector.shape_cast %get3A_2170 : vector<16xf32> to vector<1x16xf32>
    tpu.vector_store %arg7[%swap3A_2172, %swap3A_2173], %swap3A_2176 {strides = array<i32>} : memref<32x256xf32, #tpu.memory_space<vmem>>, vector<1x16xf32>,
    %get3A_2177 = arith.constant 24 : i32
    %get3A_2178 = arith.index_cast %get3A_2177 : i32 to index
    %get3A_2179 = arith.constant 96 : index
    %get3A_2180 = tpu.vector_load %arg5[%get3A_2178, %get3A_2179] {strides = array<i32>} : memref<32x128xf32, #tpu.memory_space<vmem>>, vector<1x16xf32>,
    %get3A_2181 = vector.shape_cast %get3A_2180 : vector<1x16xf32> to vector<16xf32>
    %swap3A_2182 = arith.constant 24 : i32
    %swap3A_2183 = arith.index_cast %swap3A_2182 : i32 to index
    %swap3A_2184 = arith.constant 96 : index
    %swap3A_2185 = tpu.vector_load %arg7[%swap3A_2183, %swap3A_2184] {strides = array<i32>} : memref<32x256xf32, #tpu.memory_space<vmem>>, vector<1x16xf32>,
    %swap3A_2186 = vector.shape_cast %swap3A_2185 : vector<1x16xf32> to vector<16xf32>
    %swap3A_2187 = vector.shape_cast %get3A_2181 : vector<16xf32> to vector<1x16xf32>
    tpu.vector_store %arg7[%swap3A_2183, %swap3A_2184], %swap3A_2187 {strides = array<i32>} : memref<32x256xf32, #tpu.memory_space<vmem>>, vector<1x16xf32>,
    %get3A_2188 = arith.constant 24 : i32
    %get3A_2189 = arith.index_cast %get3A_2188 : i32 to index
    %get3A_2190 = arith.constant 112 : index
    %get3A_2191 = tpu.vector_load %arg5[%get3A_2189, %get3A_2190] {strides = array<i32>} : memref<32x128xf32, #tpu.memory_space<vmem>>, vector<1x16xf32>,
    %get3A_2192 = vector.shape_cast %get3A_2191 : vector<1x16xf32> to vector<16xf32>
    %swap3A_2193 = arith.constant 24 : i32
    %swap3A_2194 = arith.index_cast %swap3A_2193 : i32 to index
    %swap3A_2195 = arith.constant 112 : index
    %swap3A_2196 = tpu.vector_load %arg7[%swap3A_2194, %swap3A_2195] {strides = array<i32>} : memref<32x256xf32, #tpu.memory_space<vmem>>, vector<1x16xf32>,
    %swap3A_2197 = vector.shape_cast %swap3A_2196 : vector<1x16xf32> to vector<16xf32>
    %swap3A_2198 = vector.shape_cast %get3A_2192 : vector<16xf32> to vector<1x16xf32>
    tpu.vector_store %arg7[%swap3A_2194, %swap3A_2195], %swap3A_2198 {strides = array<i32>} : memref<32x256xf32, #tpu.memory_space<vmem>>, vector<1x16xf32>,
    %get3A_2199 = arith.constant 25 : i32
    %get3A_2200 = arith.index_cast %get3A_2199 : i32 to index
    %get3A_2201 = arith.constant 0 : index
    %get3A_2202 = tpu.vector_load %arg5[%get3A_2200, %get3A_2201] {strides = array<i32>} : memref<32x128xf32, #tpu.memory_space<vmem>>, vector<1x16xf32>,
    %get3A_2203 = vector.shape_cast %get3A_2202 : vector<1x16xf32> to vector<16xf32>
    %swap3A_2204 = arith.constant 25 : i32
    %swap3A_2205 = arith.index_cast %swap3A_2204 : i32 to index
    %swap3A_2206 = arith.constant 0 : index
    %swap3A_2207 = tpu.vector_load %arg7[%swap3A_2205, %swap3A_2206] {strides = array<i32>} : memref<32x256xf32, #tpu.memory_space<vmem>>, vector<1x16xf32>,
    %swap3A_2208 = vector.shape_cast %swap3A_2207 : vector<1x16xf32> to vector<16xf32>
    %swap3A_2209 = vector.shape_cast %get3A_2203 : vector<16xf32> to vector<1x16xf32>
    tpu.vector_store %arg7[%swap3A_2205, %swap3A_2206], %swap3A_2209 {strides = array<i32>} : memref<32x256xf32, #tpu.memory_space<vmem>>, vector<1x16xf32>,
    %get3A_2210 = arith.constant 25 : i32
    %get3A_2211 = arith.index_cast %get3A_2210 : i32 to index
    %get3A_2212 = arith.constant 16 : index
    %get3A_2213 = tpu.vector_load %arg5[%get3A_2211, %get3A_2212] {strides = array<i32>} : memref<32x128xf32, #tpu.memory_space<vmem>>, vector<1x16xf32>,
    %get3A_2214 = vector.shape_cast %get3A_2213 : vector<1x16xf32> to vector<16xf32>
    %swap3A_2215 = arith.constant 25 : i32
    %swap3A_2216 = arith.index_cast %swap3A_2215 : i32 to index
    %swap3A_2217 = arith.constant 16 : index
    %swap3A_2218 = tpu.vector_load %arg7[%swap3A_2216, %swap3A_2217] {strides = array<i32>} : memref<32x256xf32, #tpu.memory_space<vmem>>, vector<1x16xf32>,
    %swap3A_2219 = vector.shape_cast %swap3A_2218 : vector<1x16xf32> to vector<16xf32>
    %swap3A_2220 = vector.shape_cast %get3A_2214 : vector<16xf32> to vector<1x16xf32>
    tpu.vector_store %arg7[%swap3A_2216, %swap3A_2217], %swap3A_2220 {strides = array<i32>} : memref<32x256xf32, #tpu.memory_space<vmem>>, vector<1x16xf32>,
    %get3A_2221 = arith.constant 25 : i32
    %get3A_2222 = arith.index_cast %get3A_2221 : i32 to index
    %get3A_2223 = arith.constant 32 : index
    %get3A_2224 = tpu.vector_load %arg5[%get3A_2222, %get3A_2223] {strides = array<i32>} : memref<32x128xf32, #tpu.memory_space<vmem>>, vector<1x16xf32>,
    %get3A_2225 = vector.shape_cast %get3A_2224 : vector<1x16xf32> to vector<16xf32>
    %swap3A_2226 = arith.constant 25 : i32
    %swap3A_2227 = arith.index_cast %swap3A_2226 : i32 to index
    %swap3A_2228 = arith.constant 32 : index
    %swap3A_2229 = tpu.vector_load %arg7[%swap3A_2227, %swap3A_2228] {strides = array<i32>} : memref<32x256xf32, #tpu.memory_space<vmem>>, vector<1x16xf32>,
    %swap3A_2230 = vector.shape_cast %swap3A_2229 : vector<1x16xf32> to vector<16xf32>
    %swap3A_2231 = vector.shape_cast %get3A_2225 : vector<16xf32> to vector<1x16xf32>
    tpu.vector_store %arg7[%swap3A_2227, %swap3A_2228], %swap3A_2231 {strides = array<i32>} : memref<32x256xf32, #tpu.memory_space<vmem>>, vector<1x16xf32>,
    %get3A_2232 = arith.constant 25 : i32
    %get3A_2233 = arith.index_cast %get3A_2232 : i32 to index
    %get3A_2234 = arith.constant 48 : index
    %get3A_2235 = tpu.vector_load %arg5[%get3A_2233, %get3A_2234] {strides = array<i32>} : memref<32x128xf32, #tpu.memory_space<vmem>>, vector<1x16xf32>,
    %get3A_2236 = vector.shape_cast %get3A_2235 : vector<1x16xf32> to vector<16xf32>
    %swap3A_2237 = arith.constant 25 : i32
    %swap3A_2238 = arith.index_cast %swap3A_2237 : i32 to index
    %swap3A_2239 = arith.constant 48 : index
    %swap3A_2240 = tpu.vector_load %arg7[%swap3A_2238, %swap3A_2239] {strides = array<i32>} : memref<32x256xf32, #tpu.memory_space<vmem>>, vector<1x16xf32>,
    %swap3A_2241 = vector.shape_cast %swap3A_2240 : vector<1x16xf32> to vector<16xf32>
    %swap3A_2242 = vector.shape_cast %get3A_2236 : vector<16xf32> to vector<1x16xf32>
    tpu.vector_store %arg7[%swap3A_2238, %swap3A_2239], %swap3A_2242 {strides = array<i32>} : memref<32x256xf32, #tpu.memory_space<vmem>>, vector<1x16xf32>,
    %get3A_2243 = arith.constant 25 : i32
    %get3A_2244 = arith.index_cast %get3A_2243 : i32 to index
    %get3A_2245 = arith.constant 64 : index
    %get3A_2246 = tpu.vector_load %arg5[%get3A_2244, %get3A_2245] {strides = array<i32>} : memref<32x128xf32, #tpu.memory_space<vmem>>, vector<1x16xf32>,
    %get3A_2247 = vector.shape_cast %get3A_2246 : vector<1x16xf32> to vector<16xf32>
    %swap3A_2248 = arith.constant 25 : i32
    %swap3A_2249 = arith.index_cast %swap3A_2248 : i32 to index
    %swap3A_2250 = arith.constant 64 : index
    %swap3A_2251 = tpu.vector_load %arg7[%swap3A_2249, %swap3A_2250] {strides = array<i32>} : memref<32x256xf32, #tpu.memory_space<vmem>>, vector<1x16xf32>,
    %swap3A_2252 = vector.shape_cast %swap3A_2251 : vector<1x16xf32> to vector<16xf32>
    %swap3A_2253 = vector.shape_cast %get3A_2247 : vector<16xf32> to vector<1x16xf32>
    tpu.vector_store %arg7[%swap3A_2249, %swap3A_2250], %swap3A_2253 {strides = array<i32>} : memref<32x256xf32, #tpu.memory_space<vmem>>, vector<1x16xf32>,
    %get3A_2254 = arith.constant 25 : i32
    %get3A_2255 = arith.index_cast %get3A_2254 : i32 to index
    %get3A_2256 = arith.constant 80 : index
    %get3A_2257 = tpu.vector_load %arg5[%get3A_2255, %get3A_2256] {strides = array<i32>} : memref<32x128xf32, #tpu.memory_space<vmem>>, vector<1x16xf32>,
    %get3A_2258 = vector.shape_cast %get3A_2257 : vector<1x16xf32> to vector<16xf32>
    %swap3A_2259 = arith.constant 25 : i32
    %swap3A_2260 = arith.index_cast %swap3A_2259 : i32 to index
    %swap3A_2261 = arith.constant 80 : index
    %swap3A_2262 = tpu.vector_load %arg7[%swap3A_2260, %swap3A_2261] {strides = array<i32>} : memref<32x256xf32, #tpu.memory_space<vmem>>, vector<1x16xf32>,
    %swap3A_2263 = vector.shape_cast %swap3A_2262 : vector<1x16xf32> to vector<16xf32>
    %swap3A_2264 = vector.shape_cast %get3A_2258 : vector<16xf32> to vector<1x16xf32>
    tpu.vector_store %arg7[%swap3A_2260, %swap3A_2261], %swap3A_2264 {strides = array<i32>} : memref<32x256xf32, #tpu.memory_space<vmem>>, vector<1x16xf32>,
    %get3A_2265 = arith.constant 25 : i32
    %get3A_2266 = arith.index_cast %get3A_2265 : i32 to index
    %get3A_2267 = arith.constant 96 : index
    %get3A_2268 = tpu.vector_load %arg5[%get3A_2266, %get3A_2267] {strides = array<i32>} : memref<32x128xf32, #tpu.memory_space<vmem>>, vector<1x16xf32>,
    %get3A_2269 = vector.shape_cast %get3A_2268 : vector<1x16xf32> to vector<16xf32>
    %swap3A_2270 = arith.constant 25 : i32
    %swap3A_2271 = arith.index_cast %swap3A_2270 : i32 to index
    %swap3A_2272 = arith.constant 96 : index
    %swap3A_2273 = tpu.vector_load %arg7[%swap3A_2271, %swap3A_2272] {strides = array<i32>} : memref<32x256xf32, #tpu.memory_space<vmem>>, vector<1x16xf32>,
    %swap3A_2274 = vector.shape_cast %swap3A_2273 : vector<1x16xf32> to vector<16xf32>
    %swap3A_2275 = vector.shape_cast %get3A_2269 : vector<16xf32> to vector<1x16xf32>
    tpu.vector_store %arg7[%swap3A_2271, %swap3A_2272], %swap3A_2275 {strides = array<i32>} : memref<32x256xf32, #tpu.memory_space<vmem>>, vector<1x16xf32>,
    %get3A_2276 = arith.constant 25 : i32
    %get3A_2277 = arith.index_cast %get3A_2276 : i32 to index
    %get3A_2278 = arith.constant 112 : index
    %get3A_2279 = tpu.vector_load %arg5[%get3A_2277, %get3A_2278] {strides = array<i32>} : memref<32x128xf32, #tpu.memory_space<vmem>>, vector<1x16xf32>,
    %get3A_2280 = vector.shape_cast %get3A_2279 : vector<1x16xf32> to vector<16xf32>
    %swap3A_2281 = arith.constant 25 : i32
    %swap3A_2282 = arith.index_cast %swap3A_2281 : i32 to index
    %swap3A_2283 = arith.constant 112 : index
    %swap3A_2284 = tpu.vector_load %arg7[%swap3A_2282, %swap3A_2283] {strides = array<i32>} : memref<32x256xf32, #tpu.memory_space<vmem>>, vector<1x16xf32>,
    %swap3A_2285 = vector.shape_cast %swap3A_2284 : vector<1x16xf32> to vector<16xf32>
    %swap3A_2286 = vector.shape_cast %get3A_2280 : vector<16xf32> to vector<1x16xf32>
    tpu.vector_store %arg7[%swap3A_2282, %swap3A_2283], %swap3A_2286 {strides = array<i32>} : memref<32x256xf32, #tpu.memory_space<vmem>>, vector<1x16xf32>,
    %get3A_2287 = arith.constant 26 : i32
    %get3A_2288 = arith.index_cast %get3A_2287 : i32 to index
    %get3A_2289 = arith.constant 0 : index
    %get3A_2290 = tpu.vector_load %arg5[%get3A_2288, %get3A_2289] {strides = array<i32>} : memref<32x128xf32, #tpu.memory_space<vmem>>, vector<1x16xf32>,
    %get3A_2291 = vector.shape_cast %get3A_2290 : vector<1x16xf32> to vector<16xf32>
    %swap3A_2292 = arith.constant 26 : i32
    %swap3A_2293 = arith.index_cast %swap3A_2292 : i32 to index
    %swap3A_2294 = arith.constant 0 : index
    %swap3A_2295 = tpu.vector_load %arg7[%swap3A_2293, %swap3A_2294] {strides = array<i32>} : memref<32x256xf32, #tpu.memory_space<vmem>>, vector<1x16xf32>,
    %swap3A_2296 = vector.shape_cast %swap3A_2295 : vector<1x16xf32> to vector<16xf32>
    %swap3A_2297 = vector.shape_cast %get3A_2291 : vector<16xf32> to vector<1x16xf32>
    tpu.vector_store %arg7[%swap3A_2293, %swap3A_2294], %swap3A_2297 {strides = array<i32>} : memref<32x256xf32, #tpu.memory_space<vmem>>, vector<1x16xf32>,
    %get3A_2298 = arith.constant 26 : i32
    %get3A_2299 = arith.index_cast %get3A_2298 : i32 to index
    %get3A_2300 = arith.constant 16 : index
    %get3A_2301 = tpu.vector_load %arg5[%get3A_2299, %get3A_2300] {strides = array<i32>} : memref<32x128xf32, #tpu.memory_space<vmem>>, vector<1x16xf32>,
    %get3A_2302 = vector.shape_cast %get3A_2301 : vector<1x16xf32> to vector<16xf32>
    %swap3A_2303 = arith.constant 26 : i32
    %swap3A_2304 = arith.index_cast %swap3A_2303 : i32 to index
    %swap3A_2305 = arith.constant 16 : index
    %swap3A_2306 = tpu.vector_load %arg7[%swap3A_2304, %swap3A_2305] {strides = array<i32>} : memref<32x256xf32, #tpu.memory_space<vmem>>, vector<1x16xf32>,
    %swap3A_2307 = vector.shape_cast %swap3A_2306 : vector<1x16xf32> to vector<16xf32>
    %swap3A_2308 = vector.shape_cast %get3A_2302 : vector<16xf32> to vector<1x16xf32>
    tpu.vector_store %arg7[%swap3A_2304, %swap3A_2305], %swap3A_2308 {strides = array<i32>} : memref<32x256xf32, #tpu.memory_space<vmem>>, vector<1x16xf32>,
    %get3A_2309 = arith.constant 26 : i32
    %get3A_2310 = arith.index_cast %get3A_2309 : i32 to index
    %get3A_2311 = arith.constant 32 : index
    %get3A_2312 = tpu.vector_load %arg5[%get3A_2310, %get3A_2311] {strides = array<i32>} : memref<32x128xf32, #tpu.memory_space<vmem>>, vector<1x16xf32>,
    %get3A_2313 = vector.shape_cast %get3A_2312 : vector<1x16xf32> to vector<16xf32>
    %swap3A_2314 = arith.constant 26 : i32
    %swap3A_2315 = arith.index_cast %swap3A_2314 : i32 to index
    %swap3A_2316 = arith.constant 32 : index
    %swap3A_2317 = tpu.vector_load %arg7[%swap3A_2315, %swap3A_2316] {strides = array<i32>} : memref<32x256xf32, #tpu.memory_space<vmem>>, vector<1x16xf32>,
    %swap3A_2318 = vector.shape_cast %swap3A_2317 : vector<1x16xf32> to vector<16xf32>
    %swap3A_2319 = vector.shape_cast %get3A_2313 : vector<16xf32> to vector<1x16xf32>
    tpu.vector_store %arg7[%swap3A_2315, %swap3A_2316], %swap3A_2319 {strides = array<i32>} : memref<32x256xf32, #tpu.memory_space<vmem>>, vector<1x16xf32>,
    %get3A_2320 = arith.constant 26 : i32
    %get3A_2321 = arith.index_cast %get3A_2320 : i32 to index
    %get3A_2322 = arith.constant 48 : index
    %get3A_2323 = tpu.vector_load %arg5[%get3A_2321, %get3A_2322] {strides = array<i32>} : memref<32x128xf32, #tpu.memory_space<vmem>>, vector<1x16xf32>,
    %get3A_2324 = vector.shape_cast %get3A_2323 : vector<1x16xf32> to vector<16xf32>
    %swap3A_2325 = arith.constant 26 : i32
    %swap3A_2326 = arith.index_cast %swap3A_2325 : i32 to index
    %swap3A_2327 = arith.constant 48 : index
    %swap3A_2328 = tpu.vector_load %arg7[%swap3A_2326, %swap3A_2327] {strides = array<i32>} : memref<32x256xf32, #tpu.memory_space<vmem>>, vector<1x16xf32>,
    %swap3A_2329 = vector.shape_cast %swap3A_2328 : vector<1x16xf32> to vector<16xf32>
    %swap3A_2330 = vector.shape_cast %get3A_2324 : vector<16xf32> to vector<1x16xf32>
    tpu.vector_store %arg7[%swap3A_2326, %swap3A_2327], %swap3A_2330 {strides = array<i32>} : memref<32x256xf32, #tpu.memory_space<vmem>>, vector<1x16xf32>,
    %get3A_2331 = arith.constant 26 : i32
    %get3A_2332 = arith.index_cast %get3A_2331 : i32 to index
    %get3A_2333 = arith.constant 64 : index
    %get3A_2334 = tpu.vector_load %arg5[%get3A_2332, %get3A_2333] {strides = array<i32>} : memref<32x128xf32, #tpu.memory_space<vmem>>, vector<1x16xf32>,
    %get3A_2335 = vector.shape_cast %get3A_2334 : vector<1x16xf32> to vector<16xf32>
    %swap3A_2336 = arith.constant 26 : i32
    %swap3A_2337 = arith.index_cast %swap3A_2336 : i32 to index
    %swap3A_2338 = arith.constant 64 : index
    %swap3A_2339 = tpu.vector_load %arg7[%swap3A_2337, %swap3A_2338] {strides = array<i32>} : memref<32x256xf32, #tpu.memory_space<vmem>>, vector<1x16xf32>,
    %swap3A_2340 = vector.shape_cast %swap3A_2339 : vector<1x16xf32> to vector<16xf32>
    %swap3A_2341 = vector.shape_cast %get3A_2335 : vector<16xf32> to vector<1x16xf32>
    tpu.vector_store %arg7[%swap3A_2337, %swap3A_2338], %swap3A_2341 {strides = array<i32>} : memref<32x256xf32, #tpu.memory_space<vmem>>, vector<1x16xf32>,
    %get3A_2342 = arith.constant 26 : i32
    %get3A_2343 = arith.index_cast %get3A_2342 : i32 to index
    %get3A_2344 = arith.constant 80 : index
    %get3A_2345 = tpu.vector_load %arg5[%get3A_2343, %get3A_2344] {strides = array<i32>} : memref<32x128xf32, #tpu.memory_space<vmem>>, vector<1x16xf32>,
    %get3A_2346 = vector.shape_cast %get3A_2345 : vector<1x16xf32> to vector<16xf32>
    %swap3A_2347 = arith.constant 26 : i32
    %swap3A_2348 = arith.index_cast %swap3A_2347 : i32 to index
    %swap3A_2349 = arith.constant 80 : index
    %swap3A_2350 = tpu.vector_load %arg7[%swap3A_2348, %swap3A_2349] {strides = array<i32>} : memref<32x256xf32, #tpu.memory_space<vmem>>, vector<1x16xf32>,
    %swap3A_2351 = vector.shape_cast %swap3A_2350 : vector<1x16xf32> to vector<16xf32>
    %swap3A_2352 = vector.shape_cast %get3A_2346 : vector<16xf32> to vector<1x16xf32>
    tpu.vector_store %arg7[%swap3A_2348, %swap3A_2349], %swap3A_2352 {strides = array<i32>} : memref<32x256xf32, #tpu.memory_space<vmem>>, vector<1x16xf32>,
    %get3A_2353 = arith.constant 26 : i32
    %get3A_2354 = arith.index_cast %get3A_2353 : i32 to index
    %get3A_2355 = arith.constant 96 : index
    %get3A_2356 = tpu.vector_load %arg5[%get3A_2354, %get3A_2355] {strides = array<i32>} : memref<32x128xf32, #tpu.memory_space<vmem>>, vector<1x16xf32>,
    %get3A_2357 = vector.shape_cast %get3A_2356 : vector<1x16xf32> to vector<16xf32>
    %swap3A_2358 = arith.constant 26 : i32
    %swap3A_2359 = arith.index_cast %swap3A_2358 : i32 to index
    %swap3A_2360 = arith.constant 96 : index
    %swap3A_2361 = tpu.vector_load %arg7[%swap3A_2359, %swap3A_2360] {strides = array<i32>} : memref<32x256xf32, #tpu.memory_space<vmem>>, vector<1x16xf32>,
    %swap3A_2362 = vector.shape_cast %swap3A_2361 : vector<1x16xf32> to vector<16xf32>
    %swap3A_2363 = vector.shape_cast %get3A_2357 : vector<16xf32> to vector<1x16xf32>
    tpu.vector_store %arg7[%swap3A_2359, %swap3A_2360], %swap3A_2363 {strides = array<i32>} : memref<32x256xf32, #tpu.memory_space<vmem>>, vector<1x16xf32>,
    %get3A_2364 = arith.constant 26 : i32
    %get3A_2365 = arith.index_cast %get3A_2364 : i32 to index
    %get3A_2366 = arith.constant 112 : index
    %get3A_2367 = tpu.vector_load %arg5[%get3A_2365, %get3A_2366] {strides = array<i32>} : memref<32x128xf32, #tpu.memory_space<vmem>>, vector<1x16xf32>,
    %get3A_2368 = vector.shape_cast %get3A_2367 : vector<1x16xf32> to vector<16xf32>
    %swap3A_2369 = arith.constant 26 : i32
    %swap3A_2370 = arith.index_cast %swap3A_2369 : i32 to index
    %swap3A_2371 = arith.constant 112 : index
    %swap3A_2372 = tpu.vector_load %arg7[%swap3A_2370, %swap3A_2371] {strides = array<i32>} : memref<32x256xf32, #tpu.memory_space<vmem>>, vector<1x16xf32>,
    %swap3A_2373 = vector.shape_cast %swap3A_2372 : vector<1x16xf32> to vector<16xf32>
    %swap3A_2374 = vector.shape_cast %get3A_2368 : vector<16xf32> to vector<1x16xf32>
    tpu.vector_store %arg7[%swap3A_2370, %swap3A_2371], %swap3A_2374 {strides = array<i32>} : memref<32x256xf32, #tpu.memory_space<vmem>>, vector<1x16xf32>,
    %get3A_2375 = arith.constant 27 : i32
    %get3A_2376 = arith.index_cast %get3A_2375 : i32 to index
    %get3A_2377 = arith.constant 0 : index
    %get3A_2378 = tpu.vector_load %arg5[%get3A_2376, %get3A_2377] {strides = array<i32>} : memref<32x128xf32, #tpu.memory_space<vmem>>, vector<1x16xf32>,
    %get3A_2379 = vector.shape_cast %get3A_2378 : vector<1x16xf32> to vector<16xf32>
    %swap3A_2380 = arith.constant 27 : i32
    %swap3A_2381 = arith.index_cast %swap3A_2380 : i32 to index
    %swap3A_2382 = arith.constant 0 : index
    %swap3A_2383 = tpu.vector_load %arg7[%swap3A_2381, %swap3A_2382] {strides = array<i32>} : memref<32x256xf32, #tpu.memory_space<vmem>>, vector<1x16xf32>,
    %swap3A_2384 = vector.shape_cast %swap3A_2383 : vector<1x16xf32> to vector<16xf32>
    %swap3A_2385 = vector.shape_cast %get3A_2379 : vector<16xf32> to vector<1x16xf32>
    tpu.vector_store %arg7[%swap3A_2381, %swap3A_2382], %swap3A_2385 {strides = array<i32>} : memref<32x256xf32, #tpu.memory_space<vmem>>, vector<1x16xf32>,
    %get3A_2386 = arith.constant 27 : i32
    %get3A_2387 = arith.index_cast %get3A_2386 : i32 to index
    %get3A_2388 = arith.constant 16 : index
    %get3A_2389 = tpu.vector_load %arg5[%get3A_2387, %get3A_2388] {strides = array<i32>} : memref<32x128xf32, #tpu.memory_space<vmem>>, vector<1x16xf32>,
    %get3A_2390 = vector.shape_cast %get3A_2389 : vector<1x16xf32> to vector<16xf32>
    %swap3A_2391 = arith.constant 27 : i32
    %swap3A_2392 = arith.index_cast %swap3A_2391 : i32 to index
    %swap3A_2393 = arith.constant 16 : index
    %swap3A_2394 = tpu.vector_load %arg7[%swap3A_2392, %swap3A_2393] {strides = array<i32>} : memref<32x256xf32, #tpu.memory_space<vmem>>, vector<1x16xf32>,
    %swap3A_2395 = vector.shape_cast %swap3A_2394 : vector<1x16xf32> to vector<16xf32>
    %swap3A_2396 = vector.shape_cast %get3A_2390 : vector<16xf32> to vector<1x16xf32>
    tpu.vector_store %arg7[%swap3A_2392, %swap3A_2393], %swap3A_2396 {strides = array<i32>} : memref<32x256xf32, #tpu.memory_space<vmem>>, vector<1x16xf32>,
    %get3A_2397 = arith.constant 27 : i32
    %get3A_2398 = arith.index_cast %get3A_2397 : i32 to index
    %get3A_2399 = arith.constant 32 : index
    %get3A_2400 = tpu.vector_load %arg5[%get3A_2398, %get3A_2399] {strides = array<i32>} : memref<32x128xf32, #tpu.memory_space<vmem>>, vector<1x16xf32>,
    %get3A_2401 = vector.shape_cast %get3A_2400 : vector<1x16xf32> to vector<16xf32>
    %swap3A_2402 = arith.constant 27 : i32
    %swap3A_2403 = arith.index_cast %swap3A_2402 : i32 to index
    %swap3A_2404 = arith.constant 32 : index
    %swap3A_2405 = tpu.vector_load %arg7[%swap3A_2403, %swap3A_2404] {strides = array<i32>} : memref<32x256xf32, #tpu.memory_space<vmem>>, vector<1x16xf32>,
    %swap3A_2406 = vector.shape_cast %swap3A_2405 : vector<1x16xf32> to vector<16xf32>
    %swap3A_2407 = vector.shape_cast %get3A_2401 : vector<16xf32> to vector<1x16xf32>
    tpu.vector_store %arg7[%swap3A_2403, %swap3A_2404], %swap3A_2407 {strides = array<i32>} : memref<32x256xf32, #tpu.memory_space<vmem>>, vector<1x16xf32>,
    %get3A_2408 = arith.constant 27 : i32
    %get3A_2409 = arith.index_cast %get3A_2408 : i32 to index
    %get3A_2410 = arith.constant 48 : index
    %get3A_2411 = tpu.vector_load %arg5[%get3A_2409, %get3A_2410] {strides = array<i32>} : memref<32x128xf32, #tpu.memory_space<vmem>>, vector<1x16xf32>,
    %get3A_2412 = vector.shape_cast %get3A_2411 : vector<1x16xf32> to vector<16xf32>
    %swap3A_2413 = arith.constant 27 : i32
    %swap3A_2414 = arith.index_cast %swap3A_2413 : i32 to index
    %swap3A_2415 = arith.constant 48 : index
    %swap3A_2416 = tpu.vector_load %arg7[%swap3A_2414, %swap3A_2415] {strides = array<i32>} : memref<32x256xf32, #tpu.memory_space<vmem>>, vector<1x16xf32>,
    %swap3A_2417 = vector.shape_cast %swap3A_2416 : vector<1x16xf32> to vector<16xf32>
    %swap3A_2418 = vector.shape_cast %get3A_2412 : vector<16xf32> to vector<1x16xf32>
    tpu.vector_store %arg7[%swap3A_2414, %swap3A_2415], %swap3A_2418 {strides = array<i32>} : memref<32x256xf32, #tpu.memory_space<vmem>>, vector<1x16xf32>,
    %get3A_2419 = arith.constant 27 : i32
    %get3A_2420 = arith.index_cast %get3A_2419 : i32 to index
    %get3A_2421 = arith.constant 64 : index
    %get3A_2422 = tpu.vector_load %arg5[%get3A_2420, %get3A_2421] {strides = array<i32>} : memref<32x128xf32, #tpu.memory_space<vmem>>, vector<1x16xf32>,
    %get3A_2423 = vector.shape_cast %get3A_2422 : vector<1x16xf32> to vector<16xf32>
    %swap3A_2424 = arith.constant 27 : i32
    %swap3A_2425 = arith.index_cast %swap3A_2424 : i32 to index
    %swap3A_2426 = arith.constant 64 : index
    %swap3A_2427 = tpu.vector_load %arg7[%swap3A_2425, %swap3A_2426] {strides = array<i32>} : memref<32x256xf32, #tpu.memory_space<vmem>>, vector<1x16xf32>,
    %swap3A_2428 = vector.shape_cast %swap3A_2427 : vector<1x16xf32> to vector<16xf32>
    %swap3A_2429 = vector.shape_cast %get3A_2423 : vector<16xf32> to vector<1x16xf32>
    tpu.vector_store %arg7[%swap3A_2425, %swap3A_2426], %swap3A_2429 {strides = array<i32>} : memref<32x256xf32, #tpu.memory_space<vmem>>, vector<1x16xf32>,
    %get3A_2430 = arith.constant 27 : i32
    %get3A_2431 = arith.index_cast %get3A_2430 : i32 to index
    %get3A_2432 = arith.constant 80 : index
    %get3A_2433 = tpu.vector_load %arg5[%get3A_2431, %get3A_2432] {strides = array<i32>} : memref<32x128xf32, #tpu.memory_space<vmem>>, vector<1x16xf32>,
    %get3A_2434 = vector.shape_cast %get3A_2433 : vector<1x16xf32> to vector<16xf32>
    %swap3A_2435 = arith.constant 27 : i32
    %swap3A_2436 = arith.index_cast %swap3A_2435 : i32 to index
    %swap3A_2437 = arith.constant 80 : index
    %swap3A_2438 = tpu.vector_load %arg7[%swap3A_2436, %swap3A_2437] {strides = array<i32>} : memref<32x256xf32, #tpu.memory_space<vmem>>, vector<1x16xf32>,
    %swap3A_2439 = vector.shape_cast %swap3A_2438 : vector<1x16xf32> to vector<16xf32>
    %swap3A_2440 = vector.shape_cast %get3A_2434 : vector<16xf32> to vector<1x16xf32>
    tpu.vector_store %arg7[%swap3A_2436, %swap3A_2437], %swap3A_2440 {strides = array<i32>} : memref<32x256xf32, #tpu.memory_space<vmem>>, vector<1x16xf32>,
    %get3A_2441 = arith.constant 27 : i32
    %get3A_2442 = arith.index_cast %get3A_2441 : i32 to index
    %get3A_2443 = arith.constant 96 : index
    %get3A_2444 = tpu.vector_load %arg5[%get3A_2442, %get3A_2443] {strides = array<i32>} : memref<32x128xf32, #tpu.memory_space<vmem>>, vector<1x16xf32>,
    %get3A_2445 = vector.shape_cast %get3A_2444 : vector<1x16xf32> to vector<16xf32>
    %swap3A_2446 = arith.constant 27 : i32
    %swap3A_2447 = arith.index_cast %swap3A_2446 : i32 to index
    %swap3A_2448 = arith.constant 96 : index
    %swap3A_2449 = tpu.vector_load %arg7[%swap3A_2447, %swap3A_2448] {strides = array<i32>} : memref<32x256xf32, #tpu.memory_space<vmem>>, vector<1x16xf32>,
    %swap3A_2450 = vector.shape_cast %swap3A_2449 : vector<1x16xf32> to vector<16xf32>
    %swap3A_2451 = vector.shape_cast %get3A_2445 : vector<16xf32> to vector<1x16xf32>
    tpu.vector_store %arg7[%swap3A_2447, %swap3A_2448], %swap3A_2451 {strides = array<i32>} : memref<32x256xf32, #tpu.memory_space<vmem>>, vector<1x16xf32>,
    %get3A_2452 = arith.constant 27 : i32
    %get3A_2453 = arith.index_cast %get3A_2452 : i32 to index
    %get3A_2454 = arith.constant 112 : index
    %get3A_2455 = tpu.vector_load %arg5[%get3A_2453, %get3A_2454] {strides = array<i32>} : memref<32x128xf32, #tpu.memory_space<vmem>>, vector<1x16xf32>,
    %get3A_2456 = vector.shape_cast %get3A_2455 : vector<1x16xf32> to vector<16xf32>
    %swap3A_2457 = arith.constant 27 : i32
    %swap3A_2458 = arith.index_cast %swap3A_2457 : i32 to index
    %swap3A_2459 = arith.constant 112 : index
    %swap3A_2460 = tpu.vector_load %arg7[%swap3A_2458, %swap3A_2459] {strides = array<i32>} : memref<32x256xf32, #tpu.memory_space<vmem>>, vector<1x16xf32>,
    %swap3A_2461 = vector.shape_cast %swap3A_2460 : vector<1x16xf32> to vector<16xf32>
    %swap3A_2462 = vector.shape_cast %get3A_2456 : vector<16xf32> to vector<1x16xf32>
    tpu.vector_store %arg7[%swap3A_2458, %swap3A_2459], %swap3A_2462 {strides = array<i32>} : memref<32x256xf32, #tpu.memory_space<vmem>>, vector<1x16xf32>,
    %get3A_2463 = arith.constant 28 : i32
    %get3A_2464 = arith.index_cast %get3A_2463 : i32 to index
    %get3A_2465 = arith.constant 0 : index
    %get3A_2466 = tpu.vector_load %arg5[%get3A_2464, %get3A_2465] {strides = array<i32>} : memref<32x128xf32, #tpu.memory_space<vmem>>, vector<1x16xf32>,
    %get3A_2467 = vector.shape_cast %get3A_2466 : vector<1x16xf32> to vector<16xf32>
    %swap3A_2468 = arith.constant 28 : i32
    %swap3A_2469 = arith.index_cast %swap3A_2468 : i32 to index
    %swap3A_2470 = arith.constant 0 : index
    %swap3A_2471 = tpu.vector_load %arg7[%swap3A_2469, %swap3A_2470] {strides = array<i32>} : memref<32x256xf32, #tpu.memory_space<vmem>>, vector<1x16xf32>,
    %swap3A_2472 = vector.shape_cast %swap3A_2471 : vector<1x16xf32> to vector<16xf32>
    %swap3A_2473 = vector.shape_cast %get3A_2467 : vector<16xf32> to vector<1x16xf32>
    tpu.vector_store %arg7[%swap3A_2469, %swap3A_2470], %swap3A_2473 {strides = array<i32>} : memref<32x256xf32, #tpu.memory_space<vmem>>, vector<1x16xf32>,
    %get3A_2474 = arith.constant 28 : i32
    %get3A_2475 = arith.index_cast %get3A_2474 : i32 to index
    %get3A_2476 = arith.constant 16 : index
    %get3A_2477 = tpu.vector_load %arg5[%get3A_2475, %get3A_2476] {strides = array<i32>} : memref<32x128xf32, #tpu.memory_space<vmem>>, vector<1x16xf32>,
    %get3A_2478 = vector.shape_cast %get3A_2477 : vector<1x16xf32> to vector<16xf32>
    %swap3A_2479 = arith.constant 28 : i32
    %swap3A_2480 = arith.index_cast %swap3A_2479 : i32 to index
    %swap3A_2481 = arith.constant 16 : index
    %swap3A_2482 = tpu.vector_load %arg7[%swap3A_2480, %swap3A_2481] {strides = array<i32>} : memref<32x256xf32, #tpu.memory_space<vmem>>, vector<1x16xf32>,
    %swap3A_2483 = vector.shape_cast %swap3A_2482 : vector<1x16xf32> to vector<16xf32>
    %swap3A_2484 = vector.shape_cast %get3A_2478 : vector<16xf32> to vector<1x16xf32>
    tpu.vector_store %arg7[%swap3A_2480, %swap3A_2481], %swap3A_2484 {strides = array<i32>} : memref<32x256xf32, #tpu.memory_space<vmem>>, vector<1x16xf32>,
    %get3A_2485 = arith.constant 28 : i32
    %get3A_2486 = arith.index_cast %get3A_2485 : i32 to index
    %get3A_2487 = arith.constant 32 : index
    %get3A_2488 = tpu.vector_load %arg5[%get3A_2486, %get3A_2487] {strides = array<i32>} : memref<32x128xf32, #tpu.memory_space<vmem>>, vector<1x16xf32>,
    %get3A_2489 = vector.shape_cast %get3A_2488 : vector<1x16xf32> to vector<16xf32>
    %swap3A_2490 = arith.constant 28 : i32
    %swap3A_2491 = arith.index_cast %swap3A_2490 : i32 to index
    %swap3A_2492 = arith.constant 32 : index
    %swap3A_2493 = tpu.vector_load %arg7[%swap3A_2491, %swap3A_2492] {strides = array<i32>} : memref<32x256xf32, #tpu.memory_space<vmem>>, vector<1x16xf32>,
    %swap3A_2494 = vector.shape_cast %swap3A_2493 : vector<1x16xf32> to vector<16xf32>
    %swap3A_2495 = vector.shape_cast %get3A_2489 : vector<16xf32> to vector<1x16xf32>
    tpu.vector_store %arg7[%swap3A_2491, %swap3A_2492], %swap3A_2495 {strides = array<i32>} : memref<32x256xf32, #tpu.memory_space<vmem>>, vector<1x16xf32>,
    %get3A_2496 = arith.constant 28 : i32
    %get3A_2497 = arith.index_cast %get3A_2496 : i32 to index
    %get3A_2498 = arith.constant 48 : index
    %get3A_2499 = tpu.vector_load %arg5[%get3A_2497, %get3A_2498] {strides = array<i32>} : memref<32x128xf32, #tpu.memory_space<vmem>>, vector<1x16xf32>,
    %get3A_2500 = vector.shape_cast %get3A_2499 : vector<1x16xf32> to vector<16xf32>
    %swap3A_2501 = arith.constant 28 : i32
    %swap3A_2502 = arith.index_cast %swap3A_2501 : i32 to index
    %swap3A_2503 = arith.constant 48 : index
    %swap3A_2504 = tpu.vector_load %arg7[%swap3A_2502, %swap3A_2503] {strides = array<i32>} : memref<32x256xf32, #tpu.memory_space<vmem>>, vector<1x16xf32>,
    %swap3A_2505 = vector.shape_cast %swap3A_2504 : vector<1x16xf32> to vector<16xf32>
    %swap3A_2506 = vector.shape_cast %get3A_2500 : vector<16xf32> to vector<1x16xf32>
    tpu.vector_store %arg7[%swap3A_2502, %swap3A_2503], %swap3A_2506 {strides = array<i32>} : memref<32x256xf32, #tpu.memory_space<vmem>>, vector<1x16xf32>,
    %get3A_2507 = arith.constant 28 : i32
    %get3A_2508 = arith.index_cast %get3A_2507 : i32 to index
    %get3A_2509 = arith.constant 64 : index
    %get3A_2510 = tpu.vector_load %arg5[%get3A_2508, %get3A_2509] {strides = array<i32>} : memref<32x128xf32, #tpu.memory_space<vmem>>, vector<1x16xf32>,
    %get3A_2511 = vector.shape_cast %get3A_2510 : vector<1x16xf32> to vector<16xf32>
    %swap3A_2512 = arith.constant 28 : i32
    %swap3A_2513 = arith.index_cast %swap3A_2512 : i32 to index
    %swap3A_2514 = arith.constant 64 : index
    %swap3A_2515 = tpu.vector_load %arg7[%swap3A_2513, %swap3A_2514] {strides = array<i32>} : memref<32x256xf32, #tpu.memory_space<vmem>>, vector<1x16xf32>,
    %swap3A_2516 = vector.shape_cast %swap3A_2515 : vector<1x16xf32> to vector<16xf32>
    %swap3A_2517 = vector.shape_cast %get3A_2511 : vector<16xf32> to vector<1x16xf32>
    tpu.vector_store %arg7[%swap3A_2513, %swap3A_2514], %swap3A_2517 {strides = array<i32>} : memref<32x256xf32, #tpu.memory_space<vmem>>, vector<1x16xf32>,
    %get3A_2518 = arith.constant 28 : i32
    %get3A_2519 = arith.index_cast %get3A_2518 : i32 to index
    %get3A_2520 = arith.constant 80 : index
    %get3A_2521 = tpu.vector_load %arg5[%get3A_2519, %get3A_2520] {strides = array<i32>} : memref<32x128xf32, #tpu.memory_space<vmem>>, vector<1x16xf32>,
    %get3A_2522 = vector.shape_cast %get3A_2521 : vector<1x16xf32> to vector<16xf32>
    %swap3A_2523 = arith.constant 28 : i32
    %swap3A_2524 = arith.index_cast %swap3A_2523 : i32 to index
    %swap3A_2525 = arith.constant 80 : index
    %swap3A_2526 = tpu.vector_load %arg7[%swap3A_2524, %swap3A_2525] {strides = array<i32>} : memref<32x256xf32, #tpu.memory_space<vmem>>, vector<1x16xf32>,
    %swap3A_2527 = vector.shape_cast %swap3A_2526 : vector<1x16xf32> to vector<16xf32>
    %swap3A_2528 = vector.shape_cast %get3A_2522 : vector<16xf32> to vector<1x16xf32>
    tpu.vector_store %arg7[%swap3A_2524, %swap3A_2525], %swap3A_2528 {strides = array<i32>} : memref<32x256xf32, #tpu.memory_space<vmem>>, vector<1x16xf32>,
    %get3A_2529 = arith.constant 28 : i32
    %get3A_2530 = arith.index_cast %get3A_2529 : i32 to index
    %get3A_2531 = arith.constant 96 : index
    %get3A_2532 = tpu.vector_load %arg5[%get3A_2530, %get3A_2531] {strides = array<i32>} : memref<32x128xf32, #tpu.memory_space<vmem>>, vector<1x16xf32>,
    %get3A_2533 = vector.shape_cast %get3A_2532 : vector<1x16xf32> to vector<16xf32>
    %swap3A_2534 = arith.constant 28 : i32
    %swap3A_2535 = arith.index_cast %swap3A_2534 : i32 to index
    %swap3A_2536 = arith.constant 96 : index
    %swap3A_2537 = tpu.vector_load %arg7[%swap3A_2535, %swap3A_2536] {strides = array<i32>} : memref<32x256xf32, #tpu.memory_space<vmem>>, vector<1x16xf32>,
    %swap3A_2538 = vector.shape_cast %swap3A_2537 : vector<1x16xf32> to vector<16xf32>
    %swap3A_2539 = vector.shape_cast %get3A_2533 : vector<16xf32> to vector<1x16xf32>
    tpu.vector_store %arg7[%swap3A_2535, %swap3A_2536], %swap3A_2539 {strides = array<i32>} : memref<32x256xf32, #tpu.memory_space<vmem>>, vector<1x16xf32>,
    %get3A_2540 = arith.constant 28 : i32
    %get3A_2541 = arith.index_cast %get3A_2540 : i32 to index
    %get3A_2542 = arith.constant 112 : index
    %get3A_2543 = tpu.vector_load %arg5[%get3A_2541, %get3A_2542] {strides = array<i32>} : memref<32x128xf32, #tpu.memory_space<vmem>>, vector<1x16xf32>,
    %get3A_2544 = vector.shape_cast %get3A_2543 : vector<1x16xf32> to vector<16xf32>
    %swap3A_2545 = arith.constant 28 : i32
    %swap3A_2546 = arith.index_cast %swap3A_2545 : i32 to index
    %swap3A_2547 = arith.constant 112 : index
    %swap3A_2548 = tpu.vector_load %arg7[%swap3A_2546, %swap3A_2547] {strides = array<i32>} : memref<32x256xf32, #tpu.memory_space<vmem>>, vector<1x16xf32>,
    %swap3A_2549 = vector.shape_cast %swap3A_2548 : vector<1x16xf32> to vector<16xf32>
    %swap3A_2550 = vector.shape_cast %get3A_2544 : vector<16xf32> to vector<1x16xf32>
    tpu.vector_store %arg7[%swap3A_2546, %swap3A_2547], %swap3A_2550 {strides = array<i32>} : memref<32x256xf32, #tpu.memory_space<vmem>>, vector<1x16xf32>,
    %get3A_2551 = arith.constant 29 : i32
    %get3A_2552 = arith.index_cast %get3A_2551 : i32 to index
    %get3A_2553 = arith.constant 0 : index
    %get3A_2554 = tpu.vector_load %arg5[%get3A_2552, %get3A_2553] {strides = array<i32>} : memref<32x128xf32, #tpu.memory_space<vmem>>, vector<1x16xf32>,
    %get3A_2555 = vector.shape_cast %get3A_2554 : vector<1x16xf32> to vector<16xf32>
    %swap3A_2556 = arith.constant 29 : i32
    %swap3A_2557 = arith.index_cast %swap3A_2556 : i32 to index
    %swap3A_2558 = arith.constant 0 : index
    %swap3A_2559 = tpu.vector_load %arg7[%swap3A_2557, %swap3A_2558] {strides = array<i32>} : memref<32x256xf32, #tpu.memory_space<vmem>>, vector<1x16xf32>,
    %swap3A_2560 = vector.shape_cast %swap3A_2559 : vector<1x16xf32> to vector<16xf32>
    %swap3A_2561 = vector.shape_cast %get3A_2555 : vector<16xf32> to vector<1x16xf32>
    tpu.vector_store %arg7[%swap3A_2557, %swap3A_2558], %swap3A_2561 {strides = array<i32>} : memref<32x256xf32, #tpu.memory_space<vmem>>, vector<1x16xf32>,
    %get3A_2562 = arith.constant 29 : i32
    %get3A_2563 = arith.index_cast %get3A_2562 : i32 to index
    %get3A_2564 = arith.constant 16 : index
    %get3A_2565 = tpu.vector_load %arg5[%get3A_2563, %get3A_2564] {strides = array<i32>} : memref<32x128xf32, #tpu.memory_space<vmem>>, vector<1x16xf32>,
    %get3A_2566 = vector.shape_cast %get3A_2565 : vector<1x16xf32> to vector<16xf32>
    %swap3A_2567 = arith.constant 29 : i32
    %swap3A_2568 = arith.index_cast %swap3A_2567 : i32 to index
    %swap3A_2569 = arith.constant 16 : index
    %swap3A_2570 = tpu.vector_load %arg7[%swap3A_2568, %swap3A_2569] {strides = array<i32>} : memref<32x256xf32, #tpu.memory_space<vmem>>, vector<1x16xf32>,
    %swap3A_2571 = vector.shape_cast %swap3A_2570 : vector<1x16xf32> to vector<16xf32>
    %swap3A_2572 = vector.shape_cast %get3A_2566 : vector<16xf32> to vector<1x16xf32>
    tpu.vector_store %arg7[%swap3A_2568, %swap3A_2569], %swap3A_2572 {strides = array<i32>} : memref<32x256xf32, #tpu.memory_space<vmem>>, vector<1x16xf32>,
    %get3A_2573 = arith.constant 29 : i32
    %get3A_2574 = arith.index_cast %get3A_2573 : i32 to index
    %get3A_2575 = arith.constant 32 : index
    %get3A_2576 = tpu.vector_load %arg5[%get3A_2574, %get3A_2575] {strides = array<i32>} : memref<32x128xf32, #tpu.memory_space<vmem>>, vector<1x16xf32>,
    %get3A_2577 = vector.shape_cast %get3A_2576 : vector<1x16xf32> to vector<16xf32>
    %swap3A_2578 = arith.constant 29 : i32
    %swap3A_2579 = arith.index_cast %swap3A_2578 : i32 to index
    %swap3A_2580 = arith.constant 32 : index
    %swap3A_2581 = tpu.vector_load %arg7[%swap3A_2579, %swap3A_2580] {strides = array<i32>} : memref<32x256xf32, #tpu.memory_space<vmem>>, vector<1x16xf32>,
    %swap3A_2582 = vector.shape_cast %swap3A_2581 : vector<1x16xf32> to vector<16xf32>
    %swap3A_2583 = vector.shape_cast %get3A_2577 : vector<16xf32> to vector<1x16xf32>
    tpu.vector_store %arg7[%swap3A_2579, %swap3A_2580], %swap3A_2583 {strides = array<i32>} : memref<32x256xf32, #tpu.memory_space<vmem>>, vector<1x16xf32>,
    %get3A_2584 = arith.constant 29 : i32
    %get3A_2585 = arith.index_cast %get3A_2584 : i32 to index
    %get3A_2586 = arith.constant 48 : index
    %get3A_2587 = tpu.vector_load %arg5[%get3A_2585, %get3A_2586] {strides = array<i32>} : memref<32x128xf32, #tpu.memory_space<vmem>>, vector<1x16xf32>,
    %get3A_2588 = vector.shape_cast %get3A_2587 : vector<1x16xf32> to vector<16xf32>
    %swap3A_2589 = arith.constant 29 : i32
    %swap3A_2590 = arith.index_cast %swap3A_2589 : i32 to index
    %swap3A_2591 = arith.constant 48 : index
    %swap3A_2592 = tpu.vector_load %arg7[%swap3A_2590, %swap3A_2591] {strides = array<i32>} : memref<32x256xf32, #tpu.memory_space<vmem>>, vector<1x16xf32>,
    %swap3A_2593 = vector.shape_cast %swap3A_2592 : vector<1x16xf32> to vector<16xf32>
    %swap3A_2594 = vector.shape_cast %get3A_2588 : vector<16xf32> to vector<1x16xf32>
    tpu.vector_store %arg7[%swap3A_2590, %swap3A_2591], %swap3A_2594 {strides = array<i32>} : memref<32x256xf32, #tpu.memory_space<vmem>>, vector<1x16xf32>,
    %get3A_2595 = arith.constant 29 : i32
    %get3A_2596 = arith.index_cast %get3A_2595 : i32 to index
    %get3A_2597 = arith.constant 64 : index
    %get3A_2598 = tpu.vector_load %arg5[%get3A_2596, %get3A_2597] {strides = array<i32>} : memref<32x128xf32, #tpu.memory_space<vmem>>, vector<1x16xf32>,
    %get3A_2599 = vector.shape_cast %get3A_2598 : vector<1x16xf32> to vector<16xf32>
    %swap3A_2600 = arith.constant 29 : i32
    %swap3A_2601 = arith.index_cast %swap3A_2600 : i32 to index
    %swap3A_2602 = arith.constant 64 : index
    %swap3A_2603 = tpu.vector_load %arg7[%swap3A_2601, %swap3A_2602] {strides = array<i32>} : memref<32x256xf32, #tpu.memory_space<vmem>>, vector<1x16xf32>,
    %swap3A_2604 = vector.shape_cast %swap3A_2603 : vector<1x16xf32> to vector<16xf32>
    %swap3A_2605 = vector.shape_cast %get3A_2599 : vector<16xf32> to vector<1x16xf32>
    tpu.vector_store %arg7[%swap3A_2601, %swap3A_2602], %swap3A_2605 {strides = array<i32>} : memref<32x256xf32, #tpu.memory_space<vmem>>, vector<1x16xf32>,
    %get3A_2606 = arith.constant 29 : i32
    %get3A_2607 = arith.index_cast %get3A_2606 : i32 to index
    %get3A_2608 = arith.constant 80 : index
    %get3A_2609 = tpu.vector_load %arg5[%get3A_2607, %get3A_2608] {strides = array<i32>} : memref<32x128xf32, #tpu.memory_space<vmem>>, vector<1x16xf32>,
    %get3A_2610 = vector.shape_cast %get3A_2609 : vector<1x16xf32> to vector<16xf32>
    %swap3A_2611 = arith.constant 29 : i32
    %swap3A_2612 = arith.index_cast %swap3A_2611 : i32 to index
    %swap3A_2613 = arith.constant 80 : index
    %swap3A_2614 = tpu.vector_load %arg7[%swap3A_2612, %swap3A_2613] {strides = array<i32>} : memref<32x256xf32, #tpu.memory_space<vmem>>, vector<1x16xf32>,
    %swap3A_2615 = vector.shape_cast %swap3A_2614 : vector<1x16xf32> to vector<16xf32>
    %swap3A_2616 = vector.shape_cast %get3A_2610 : vector<16xf32> to vector<1x16xf32>
    tpu.vector_store %arg7[%swap3A_2612, %swap3A_2613], %swap3A_2616 {strides = array<i32>} : memref<32x256xf32, #tpu.memory_space<vmem>>, vector<1x16xf32>,
    %get3A_2617 = arith.constant 29 : i32
    %get3A_2618 = arith.index_cast %get3A_2617 : i32 to index
    %get3A_2619 = arith.constant 96 : index
    %get3A_2620 = tpu.vector_load %arg5[%get3A_2618, %get3A_2619] {strides = array<i32>} : memref<32x128xf32, #tpu.memory_space<vmem>>, vector<1x16xf32>,
    %get3A_2621 = vector.shape_cast %get3A_2620 : vector<1x16xf32> to vector<16xf32>
    %swap3A_2622 = arith.constant 29 : i32
    %swap3A_2623 = arith.index_cast %swap3A_2622 : i32 to index
    %swap3A_2624 = arith.constant 96 : index
    %swap3A_2625 = tpu.vector_load %arg7[%swap3A_2623, %swap3A_2624] {strides = array<i32>} : memref<32x256xf32, #tpu.memory_space<vmem>>, vector<1x16xf32>,
    %swap3A_2626 = vector.shape_cast %swap3A_2625 : vector<1x16xf32> to vector<16xf32>
    %swap3A_2627 = vector.shape_cast %get3A_2621 : vector<16xf32> to vector<1x16xf32>
    tpu.vector_store %arg7[%swap3A_2623, %swap3A_2624], %swap3A_2627 {strides = array<i32>} : memref<32x256xf32, #tpu.memory_space<vmem>>, vector<1x16xf32>,
    %get3A_2628 = arith.constant 29 : i32
    %get3A_2629 = arith.index_cast %get3A_2628 : i32 to index
    %get3A_2630 = arith.constant 112 : index
    %get3A_2631 = tpu.vector_load %arg5[%get3A_2629, %get3A_2630] {strides = array<i32>} : memref<32x128xf32, #tpu.memory_space<vmem>>, vector<1x16xf32>,
    %get3A_2632 = vector.shape_cast %get3A_2631 : vector<1x16xf32> to vector<16xf32>
    %swap3A_2633 = arith.constant 29 : i32
    %swap3A_2634 = arith.index_cast %swap3A_2633 : i32 to index
    %swap3A_2635 = arith.constant 112 : index
    %swap3A_2636 = tpu.vector_load %arg7[%swap3A_2634, %swap3A_2635] {strides = array<i32>} : memref<32x256xf32, #tpu.memory_space<vmem>>, vector<1x16xf32>,
    %swap3A_2637 = vector.shape_cast %swap3A_2636 : vector<1x16xf32> to vector<16xf32>
    %swap3A_2638 = vector.shape_cast %get3A_2632 : vector<16xf32> to vector<1x16xf32>
    tpu.vector_store %arg7[%swap3A_2634, %swap3A_2635], %swap3A_2638 {strides = array<i32>} : memref<32x256xf32, #tpu.memory_space<vmem>>, vector<1x16xf32>,
    %get3A_2639 = arith.constant 30 : i32
    %get3A_2640 = arith.index_cast %get3A_2639 : i32 to index
    %get3A_2641 = arith.constant 0 : index
    %get3A_2642 = tpu.vector_load %arg5[%get3A_2640, %get3A_2641] {strides = array<i32>} : memref<32x128xf32, #tpu.memory_space<vmem>>, vector<1x16xf32>,
    %get3A_2643 = vector.shape_cast %get3A_2642 : vector<1x16xf32> to vector<16xf32>
    %swap3A_2644 = arith.constant 30 : i32
    %swap3A_2645 = arith.index_cast %swap3A_2644 : i32 to index
    %swap3A_2646 = arith.constant 0 : index
    %swap3A_2647 = tpu.vector_load %arg7[%swap3A_2645, %swap3A_2646] {strides = array<i32>} : memref<32x256xf32, #tpu.memory_space<vmem>>, vector<1x16xf32>,
    %swap3A_2648 = vector.shape_cast %swap3A_2647 : vector<1x16xf32> to vector<16xf32>
    %swap3A_2649 = vector.shape_cast %get3A_2643 : vector<16xf32> to vector<1x16xf32>
    tpu.vector_store %arg7[%swap3A_2645, %swap3A_2646], %swap3A_2649 {strides = array<i32>} : memref<32x256xf32, #tpu.memory_space<vmem>>, vector<1x16xf32>,
    %get3A_2650 = arith.constant 30 : i32
    %get3A_2651 = arith.index_cast %get3A_2650 : i32 to index
    %get3A_2652 = arith.constant 16 : index
    %get3A_2653 = tpu.vector_load %arg5[%get3A_2651, %get3A_2652] {strides = array<i32>} : memref<32x128xf32, #tpu.memory_space<vmem>>, vector<1x16xf32>,
    %get3A_2654 = vector.shape_cast %get3A_2653 : vector<1x16xf32> to vector<16xf32>
    %swap3A_2655 = arith.constant 30 : i32
    %swap3A_2656 = arith.index_cast %swap3A_2655 : i32 to index
    %swap3A_2657 = arith.constant 16 : index
    %swap3A_2658 = tpu.vector_load %arg7[%swap3A_2656, %swap3A_2657] {strides = array<i32>} : memref<32x256xf32, #tpu.memory_space<vmem>>, vector<1x16xf32>,
    %swap3A_2659 = vector.shape_cast %swap3A_2658 : vector<1x16xf32> to vector<16xf32>
    %swap3A_2660 = vector.shape_cast %get3A_2654 : vector<16xf32> to vector<1x16xf32>
    tpu.vector_store %arg7[%swap3A_2656, %swap3A_2657], %swap3A_2660 {strides = array<i32>} : memref<32x256xf32, #tpu.memory_space<vmem>>, vector<1x16xf32>,
    %get3A_2661 = arith.constant 30 : i32
    %get3A_2662 = arith.index_cast %get3A_2661 : i32 to index
    %get3A_2663 = arith.constant 32 : index
    %get3A_2664 = tpu.vector_load %arg5[%get3A_2662, %get3A_2663] {strides = array<i32>} : memref<32x128xf32, #tpu.memory_space<vmem>>, vector<1x16xf32>,
    %get3A_2665 = vector.shape_cast %get3A_2664 : vector<1x16xf32> to vector<16xf32>
    %swap3A_2666 = arith.constant 30 : i32
    %swap3A_2667 = arith.index_cast %swap3A_2666 : i32 to index
    %swap3A_2668 = arith.constant 32 : index
    %swap3A_2669 = tpu.vector_load %arg7[%swap3A_2667, %swap3A_2668] {strides = array<i32>} : memref<32x256xf32, #tpu.memory_space<vmem>>, vector<1x16xf32>,
    %swap3A_2670 = vector.shape_cast %swap3A_2669 : vector<1x16xf32> to vector<16xf32>
    %swap3A_2671 = vector.shape_cast %get3A_2665 : vector<16xf32> to vector<1x16xf32>
    tpu.vector_store %arg7[%swap3A_2667, %swap3A_2668], %swap3A_2671 {strides = array<i32>} : memref<32x256xf32, #tpu.memory_space<vmem>>, vector<1x16xf32>,
    %get3A_2672 = arith.constant 30 : i32
    %get3A_2673 = arith.index_cast %get3A_2672 : i32 to index
    %get3A_2674 = arith.constant 48 : index
    %get3A_2675 = tpu.vector_load %arg5[%get3A_2673, %get3A_2674] {strides = array<i32>} : memref<32x128xf32, #tpu.memory_space<vmem>>, vector<1x16xf32>,
    %get3A_2676 = vector.shape_cast %get3A_2675 : vector<1x16xf32> to vector<16xf32>
    %swap3A_2677 = arith.constant 30 : i32
    %swap3A_2678 = arith.index_cast %swap3A_2677 : i32 to index
    %swap3A_2679 = arith.constant 48 : index
    %swap3A_2680 = tpu.vector_load %arg7[%swap3A_2678, %swap3A_2679] {strides = array<i32>} : memref<32x256xf32, #tpu.memory_space<vmem>>, vector<1x16xf32>,
    %swap3A_2681 = vector.shape_cast %swap3A_2680 : vector<1x16xf32> to vector<16xf32>
    %swap3A_2682 = vector.shape_cast %get3A_2676 : vector<16xf32> to vector<1x16xf32>
    tpu.vector_store %arg7[%swap3A_2678, %swap3A_2679], %swap3A_2682 {strides = array<i32>} : memref<32x256xf32, #tpu.memory_space<vmem>>, vector<1x16xf32>,
    %get3A_2683 = arith.constant 30 : i32
    %get3A_2684 = arith.index_cast %get3A_2683 : i32 to index
    %get3A_2685 = arith.constant 64 : index
    %get3A_2686 = tpu.vector_load %arg5[%get3A_2684, %get3A_2685] {strides = array<i32>} : memref<32x128xf32, #tpu.memory_space<vmem>>, vector<1x16xf32>,
    %get3A_2687 = vector.shape_cast %get3A_2686 : vector<1x16xf32> to vector<16xf32>
    %swap3A_2688 = arith.constant 30 : i32
    %swap3A_2689 = arith.index_cast %swap3A_2688 : i32 to index
    %swap3A_2690 = arith.constant 64 : index
    %swap3A_2691 = tpu.vector_load %arg7[%swap3A_2689, %swap3A_2690] {strides = array<i32>} : memref<32x256xf32, #tpu.memory_space<vmem>>, vector<1x16xf32>,
    %swap3A_2692 = vector.shape_cast %swap3A_2691 : vector<1x16xf32> to vector<16xf32>
    %swap3A_2693 = vector.shape_cast %get3A_2687 : vector<16xf32> to vector<1x16xf32>
    tpu.vector_store %arg7[%swap3A_2689, %swap3A_2690], %swap3A_2693 {strides = array<i32>} : memref<32x256xf32, #tpu.memory_space<vmem>>, vector<1x16xf32>,
    %get3A_2694 = arith.constant 30 : i32
    %get3A_2695 = arith.index_cast %get3A_2694 : i32 to index
    %get3A_2696 = arith.constant 80 : index
    %get3A_2697 = tpu.vector_load %arg5[%get3A_2695, %get3A_2696] {strides = array<i32>} : memref<32x128xf32, #tpu.memory_space<vmem>>, vector<1x16xf32>,
    %get3A_2698 = vector.shape_cast %get3A_2697 : vector<1x16xf32> to vector<16xf32>
    %swap3A_2699 = arith.constant 30 : i32
    %swap3A_2700 = arith.index_cast %swap3A_2699 : i32 to index
    %swap3A_2701 = arith.constant 80 : index
    %swap3A_2702 = tpu.vector_load %arg7[%swap3A_2700, %swap3A_2701] {strides = array<i32>} : memref<32x256xf32, #tpu.memory_space<vmem>>, vector<1x16xf32>,
    %swap3A_2703 = vector.shape_cast %swap3A_2702 : vector<1x16xf32> to vector<16xf32>
    %swap3A_2704 = vector.shape_cast %get3A_2698 : vector<16xf32> to vector<1x16xf32>
    tpu.vector_store %arg7[%swap3A_2700, %swap3A_2701], %swap3A_2704 {strides = array<i32>} : memref<32x256xf32, #tpu.memory_space<vmem>>, vector<1x16xf32>,
    %get3A_2705 = arith.constant 30 : i32
    %get3A_2706 = arith.index_cast %get3A_2705 : i32 to index
    %get3A_2707 = arith.constant 96 : index
    %get3A_2708 = tpu.vector_load %arg5[%get3A_2706, %get3A_2707] {strides = array<i32>} : memref<32x128xf32, #tpu.memory_space<vmem>>, vector<1x16xf32>,
    %get3A_2709 = vector.shape_cast %get3A_2708 : vector<1x16xf32> to vector<16xf32>
    %swap3A_2710 = arith.constant 30 : i32
    %swap3A_2711 = arith.index_cast %swap3A_2710 : i32 to index
    %swap3A_2712 = arith.constant 96 : index
    %swap3A_2713 = tpu.vector_load %arg7[%swap3A_2711, %swap3A_2712] {strides = array<i32>} : memref<32x256xf32, #tpu.memory_space<vmem>>, vector<1x16xf32>,
    %swap3A_2714 = vector.shape_cast %swap3A_2713 : vector<1x16xf32> to vector<16xf32>
    %swap3A_2715 = vector.shape_cast %get3A_2709 : vector<16xf32> to vector<1x16xf32>
    tpu.vector_store %arg7[%swap3A_2711, %swap3A_2712], %swap3A_2715 {strides = array<i32>} : memref<32x256xf32, #tpu.memory_space<vmem>>, vector<1x16xf32>,
    %get3A_2716 = arith.constant 30 : i32
    %get3A_2717 = arith.index_cast %get3A_2716 : i32 to index
    %get3A_2718 = arith.constant 112 : index
    %get3A_2719 = tpu.vector_load %arg5[%get3A_2717, %get3A_2718] {strides = array<i32>} : memref<32x128xf32, #tpu.memory_space<vmem>>, vector<1x16xf32>,
    %get3A_2720 = vector.shape_cast %get3A_2719 : vector<1x16xf32> to vector<16xf32>
    %swap3A_2721 = arith.constant 30 : i32
    %swap3A_2722 = arith.index_cast %swap3A_2721 : i32 to index
    %swap3A_2723 = arith.constant 112 : index
    %swap3A_2724 = tpu.vector_load %arg7[%swap3A_2722, %swap3A_2723] {strides = array<i32>} : memref<32x256xf32, #tpu.memory_space<vmem>>, vector<1x16xf32>,
    %swap3A_2725 = vector.shape_cast %swap3A_2724 : vector<1x16xf32> to vector<16xf32>
    %swap3A_2726 = vector.shape_cast %get3A_2720 : vector<16xf32> to vector<1x16xf32>
    tpu.vector_store %arg7[%swap3A_2722, %swap3A_2723], %swap3A_2726 {strides = array<i32>} : memref<32x256xf32, #tpu.memory_space<vmem>>, vector<1x16xf32>,
    %get3A_2727 = arith.constant 31 : i32
    %get3A_2728 = arith.index_cast %get3A_2727 : i32 to index
    %get3A_2729 = arith.constant 0 : index
    %get3A_2730 = tpu.vector_load %arg5[%get3A_2728, %get3A_2729] {strides = array<i32>} : memref<32x128xf32, #tpu.memory_space<vmem>>, vector<1x16xf32>,
    %get3A_2731 = vector.shape_cast %get3A_2730 : vector<1x16xf32> to vector<16xf32>
    %swap3A_2732 = arith.constant 31 : i32
    %swap3A_2733 = arith.index_cast %swap3A_2732 : i32 to index
    %swap3A_2734 = arith.constant 0 : index
    %swap3A_2735 = tpu.vector_load %arg7[%swap3A_2733, %swap3A_2734] {strides = array<i32>} : memref<32x256xf32, #tpu.memory_space<vmem>>, vector<1x16xf32>,
    %swap3A_2736 = vector.shape_cast %swap3A_2735 : vector<1x16xf32> to vector<16xf32>
    %swap3A_2737 = vector.shape_cast %get3A_2731 : vector<16xf32> to vector<1x16xf32>
    tpu.vector_store %arg7[%swap3A_2733, %swap3A_2734], %swap3A_2737 {strides = array<i32>} : memref<32x256xf32, #tpu.memory_space<vmem>>, vector<1x16xf32>,
    %get3A_2738 = arith.constant 31 : i32
    %get3A_2739 = arith.index_cast %get3A_2738 : i32 to index
    %get3A_2740 = arith.constant 16 : index
    %get3A_2741 = tpu.vector_load %arg5[%get3A_2739, %get3A_2740] {strides = array<i32>} : memref<32x128xf32, #tpu.memory_space<vmem>>, vector<1x16xf32>,
    %get3A_2742 = vector.shape_cast %get3A_2741 : vector<1x16xf32> to vector<16xf32>
    %swap3A_2743 = arith.constant 31 : i32
    %swap3A_2744 = arith.index_cast %swap3A_2743 : i32 to index
    %swap3A_2745 = arith.constant 16 : index
    %swap3A_2746 = tpu.vector_load %arg7[%swap3A_2744, %swap3A_2745] {strides = array<i32>} : memref<32x256xf32, #tpu.memory_space<vmem>>, vector<1x16xf32>,
    %swap3A_2747 = vector.shape_cast %swap3A_2746 : vector<1x16xf32> to vector<16xf32>
    %swap3A_2748 = vector.shape_cast %get3A_2742 : vector<16xf32> to vector<1x16xf32>
    tpu.vector_store %arg7[%swap3A_2744, %swap3A_2745], %swap3A_2748 {strides = array<i32>} : memref<32x256xf32, #tpu.memory_space<vmem>>, vector<1x16xf32>,
    %get3A_2749 = arith.constant 31 : i32
    %get3A_2750 = arith.index_cast %get3A_2749 : i32 to index
    %get3A_2751 = arith.constant 32 : index
    %get3A_2752 = tpu.vector_load %arg5[%get3A_2750, %get3A_2751] {strides = array<i32>} : memref<32x128xf32, #tpu.memory_space<vmem>>, vector<1x16xf32>,
    %get3A_2753 = vector.shape_cast %get3A_2752 : vector<1x16xf32> to vector<16xf32>
    %swap3A_2754 = arith.constant 31 : i32
    %swap3A_2755 = arith.index_cast %swap3A_2754 : i32 to index
    %swap3A_2756 = arith.constant 32 : index
    %swap3A_2757 = tpu.vector_load %arg7[%swap3A_2755, %swap3A_2756] {strides = array<i32>} : memref<32x256xf32, #tpu.memory_space<vmem>>, vector<1x16xf32>,
    %swap3A_2758 = vector.shape_cast %swap3A_2757 : vector<1x16xf32> to vector<16xf32>
    %swap3A_2759 = vector.shape_cast %get3A_2753 : vector<16xf32> to vector<1x16xf32>
    tpu.vector_store %arg7[%swap3A_2755, %swap3A_2756], %swap3A_2759 {strides = array<i32>} : memref<32x256xf32, #tpu.memory_space<vmem>>, vector<1x16xf32>,
    %get3A_2760 = arith.constant 31 : i32
    %get3A_2761 = arith.index_cast %get3A_2760 : i32 to index
    %get3A_2762 = arith.constant 48 : index
    %get3A_2763 = tpu.vector_load %arg5[%get3A_2761, %get3A_2762] {strides = array<i32>} : memref<32x128xf32, #tpu.memory_space<vmem>>, vector<1x16xf32>,
    %get3A_2764 = vector.shape_cast %get3A_2763 : vector<1x16xf32> to vector<16xf32>
    %swap3A_2765 = arith.constant 31 : i32
    %swap3A_2766 = arith.index_cast %swap3A_2765 : i32 to index
    %swap3A_2767 = arith.constant 48 : index
    %swap3A_2768 = tpu.vector_load %arg7[%swap3A_2766, %swap3A_2767] {strides = array<i32>} : memref<32x256xf32, #tpu.memory_space<vmem>>, vector<1x16xf32>,
    %swap3A_2769 = vector.shape_cast %swap3A_2768 : vector<1x16xf32> to vector<16xf32>
    %swap3A_2770 = vector.shape_cast %get3A_2764 : vector<16xf32> to vector<1x16xf32>
    tpu.vector_store %arg7[%swap3A_2766, %swap3A_2767], %swap3A_2770 {strides = array<i32>} : memref<32x256xf32, #tpu.memory_space<vmem>>, vector<1x16xf32>,
    %get3A_2771 = arith.constant 31 : i32
    %get3A_2772 = arith.index_cast %get3A_2771 : i32 to index
    %get3A_2773 = arith.constant 64 : index
    %get3A_2774 = tpu.vector_load %arg5[%get3A_2772, %get3A_2773] {strides = array<i32>} : memref<32x128xf32, #tpu.memory_space<vmem>>, vector<1x16xf32>,
    %get3A_2775 = vector.shape_cast %get3A_2774 : vector<1x16xf32> to vector<16xf32>
    %swap3A_2776 = arith.constant 31 : i32
    %swap3A_2777 = arith.index_cast %swap3A_2776 : i32 to index
    %swap3A_2778 = arith.constant 64 : index
    %swap3A_2779 = tpu.vector_load %arg7[%swap3A_2777, %swap3A_2778] {strides = array<i32>} : memref<32x256xf32, #tpu.memory_space<vmem>>, vector<1x16xf32>,
    %swap3A_2780 = vector.shape_cast %swap3A_2779 : vector<1x16xf32> to vector<16xf32>
    %swap3A_2781 = vector.shape_cast %get3A_2775 : vector<16xf32> to vector<1x16xf32>
    tpu.vector_store %arg7[%swap3A_2777, %swap3A_2778], %swap3A_2781 {strides = array<i32>} : memref<32x256xf32, #tpu.memory_space<vmem>>, vector<1x16xf32>,
    %get3A_2782 = arith.constant 31 : i32
    %get3A_2783 = arith.index_cast %get3A_2782 : i32 to index
    %get3A_2784 = arith.constant 80 : index
    %get3A_2785 = tpu.vector_load %arg5[%get3A_2783, %get3A_2784] {strides = array<i32>} : memref<32x128xf32, #tpu.memory_space<vmem>>, vector<1x16xf32>,
    %get3A_2786 = vector.shape_cast %get3A_2785 : vector<1x16xf32> to vector<16xf32>
    %swap3A_2787 = arith.constant 31 : i32
    %swap3A_2788 = arith.index_cast %swap3A_2787 : i32 to index
    %swap3A_2789 = arith.constant 80 : index
    %swap3A_2790 = tpu.vector_load %arg7[%swap3A_2788, %swap3A_2789] {strides = array<i32>} : memref<32x256xf32, #tpu.memory_space<vmem>>, vector<1x16xf32>,
    %swap3A_2791 = vector.shape_cast %swap3A_2790 : vector<1x16xf32> to vector<16xf32>
    %swap3A_2792 = vector.shape_cast %get3A_2786 : vector<16xf32> to vector<1x16xf32>
    tpu.vector_store %arg7[%swap3A_2788, %swap3A_2789], %swap3A_2792 {strides = array<i32>} : memref<32x256xf32, #tpu.memory_space<vmem>>, vector<1x16xf32>,
    %get3A_2793 = arith.constant 31 : i32
    %get3A_2794 = arith.index_cast %get3A_2793 : i32 to index
    %get3A_2795 = arith.constant 96 : index
    %get3A_2796 = tpu.vector_load %arg5[%get3A_2794, %get3A_2795] {strides = array<i32>} : memref<32x128xf32, #tpu.memory_space<vmem>>, vector<1x16xf32>,
    %get3A_2797 = vector.shape_cast %get3A_2796 : vector<1x16xf32> to vector<16xf32>
    %swap3A_2798 = arith.constant 31 : i32
    %swap3A_2799 = arith.index_cast %swap3A_2798 : i32 to index
    %swap3A_2800 = arith.constant 96 : index
    %swap3A_2801 = tpu.vector_load %arg7[%swap3A_2799, %swap3A_2800] {strides = array<i32>} : memref<32x256xf32, #tpu.memory_space<vmem>>, vector<1x16xf32>,
    %swap3A_2802 = vector.shape_cast %swap3A_2801 : vector<1x16xf32> to vector<16xf32>
    %swap3A_2803 = vector.shape_cast %get3A_2797 : vector<16xf32> to vector<1x16xf32>
    tpu.vector_store %arg7[%swap3A_2799, %swap3A_2800], %swap3A_2803 {strides = array<i32>} : memref<32x256xf32, #tpu.memory_space<vmem>>, vector<1x16xf32>,
    %get3A_2804 = arith.constant 31 : i32
    %get3A_2805 = arith.index_cast %get3A_2804 : i32 to index
    %get3A_2806 = arith.constant 112 : index
    %get3A_2807 = tpu.vector_load %arg5[%get3A_2805, %get3A_2806] {strides = array<i32>} : memref<32x128xf32, #tpu.memory_space<vmem>>, vector<1x16xf32>,
    %get3A_2808 = vector.shape_cast %get3A_2807 : vector<1x16xf32> to vector<16xf32>
    %swap3A_2809 = arith.constant 31 : i32
    %swap3A_2810 = arith.index_cast %swap3A_2809 : i32 to index
    %swap3A_2811 = arith.constant 112 : index
    %swap3A_2812 = tpu.vector_load %arg7[%swap3A_2810, %swap3A_2811] {strides = array<i32>} : memref<32x256xf32, #tpu.memory_space<vmem>>, vector<1x16xf32>,
    %swap3A_2813 = vector.shape_cast %swap3A_2812 : vector<1x16xf32> to vector<16xf32>
    %swap3A_2814 = vector.shape_cast %get3A_2808 : vector<16xf32> to vector<1x16xf32>
    tpu.vector_store %arg7[%swap3A_2810, %swap3A_2811], %swap3A_2814 {strides = array<i32>} : memref<32x256xf32, #tpu.memory_space<vmem>>, vector<1x16xf32>,
    %get3A_2815 = arith.index_cast %add3A : i32 to index
    %get3A_2816 = arith.constant 0 : index
    %get3A_2817 = tpu.vector_load %arg6[%get3A_2815, %get3A_2816] {strides = array<i32>} : memref<32x128xf32, #tpu.memory_space<vmem>>, vector<1x16xf32>,
    %get3A_2818 = vector.shape_cast %get3A_2817 : vector<1x16xf32> to vector<16xf32>
    %swap3A_2819 = arith.constant 0 : i32
    %swap3A_2820 = arith.index_cast %swap3A_2819 : i32 to index
    %swap3A_2821 = arith.constant 128 : index
    %swap3A_2822 = tpu.vector_load %arg7[%swap3A_2820, %swap3A_2821] {strides = array<i32>} : memref<32x256xf32, #tpu.memory_space<vmem>>, vector<1x16xf32>,
    %swap3A_2823 = vector.shape_cast %swap3A_2822 : vector<1x16xf32> to vector<16xf32>
    %swap3A_2824 = vector.shape_cast %get3A_2818 : vector<16xf32> to vector<1x16xf32>
    tpu.vector_store %arg7[%swap3A_2820, %swap3A_2821], %swap3A_2824 {strides = array<i32>} : memref<32x256xf32, #tpu.memory_space<vmem>>, vector<1x16xf32>,
    %swap3A_2825 = arith.constant 1 : i32
    %swap3A_2826 = arith.index_cast %swap3A_2825 : i32 to index
    %swap3A_2827 = arith.constant 128 : index
    %swap3A_2828 = tpu.vector_load %arg7[%swap3A_2826, %swap3A_2827] {strides = array<i32>} : memref<32x256xf32, #tpu.memory_space<vmem>>, vector<1x16xf32>,
    %swap3A_2829 = vector.shape_cast %swap3A_2828 : vector<1x16xf32> to vector<16xf32>
    %swap3A_2830 = vector.shape_cast %get3A_2818 : vector<16xf32> to vector<1x16xf32>
    tpu.vector_store %arg7[%swap3A_2826, %swap3A_2827], %swap3A_2830 {strides = array<i32>} : memref<32x256xf32, #tpu.memory_space<vmem>>, vector<1x16xf32>,
    %swap3A_2831 = arith.constant 2 : i32
    %swap3A_2832 = arith.index_cast %swap3A_2831 : i32 to index
    %swap3A_2833 = arith.constant 128 : index
    %swap3A_2834 = tpu.vector_load %arg7[%swap3A_2832, %swap3A_2833] {strides = array<i32>} : memref<32x256xf32, #tpu.memory_space<vmem>>, vector<1x16xf32>,
    %swap3A_2835 = vector.shape_cast %swap3A_2834 : vector<1x16xf32> to vector<16xf32>
    %swap3A_2836 = vector.shape_cast %get3A_2818 : vector<16xf32> to vector<1x16xf32>
    tpu.vector_store %arg7[%swap3A_2832, %swap3A_2833], %swap3A_2836 {strides = array<i32>} : memref<32x256xf32, #tpu.memory_space<vmem>>, vector<1x16xf32>,
    %swap3A_2837 = arith.constant 3 : i32
    %swap3A_2838 = arith.index_cast %swap3A_2837 : i32 to index
    %swap3A_2839 = arith.constant 128 : index
    %swap3A_2840 = tpu.vector_load %arg7[%swap3A_2838, %swap3A_2839] {strides = array<i32>} : memref<32x256xf32, #tpu.memory_space<vmem>>, vector<1x16xf32>,
    %swap3A_2841 = vector.shape_cast %swap3A_2840 : vector<1x16xf32> to vector<16xf32>
    %swap3A_2842 = vector.shape_cast %get3A_2818 : vector<16xf32> to vector<1x16xf32>
    tpu.vector_store %arg7[%swap3A_2838, %swap3A_2839], %swap3A_2842 {strides = array<i32>} : memref<32x256xf32, #tpu.memory_space<vmem>>, vector<1x16xf32>,
    %swap3A_2843 = arith.constant 4 : i32
    %swap3A_2844 = arith.index_cast %swap3A_2843 : i32 to index
    %swap3A_2845 = arith.constant 128 : index
    %swap3A_2846 = tpu.vector_load %arg7[%swap3A_2844, %swap3A_2845] {strides = array<i32>} : memref<32x256xf32, #tpu.memory_space<vmem>>, vector<1x16xf32>,
    %swap3A_2847 = vector.shape_cast %swap3A_2846 : vector<1x16xf32> to vector<16xf32>
    %swap3A_2848 = vector.shape_cast %get3A_2818 : vector<16xf32> to vector<1x16xf32>
    tpu.vector_store %arg7[%swap3A_2844, %swap3A_2845], %swap3A_2848 {strides = array<i32>} : memref<32x256xf32, #tpu.memory_space<vmem>>, vector<1x16xf32>,
    %swap3A_2849 = arith.constant 5 : i32
    %swap3A_2850 = arith.index_cast %swap3A_2849 : i32 to index
    %swap3A_2851 = arith.constant 128 : index
    %swap3A_2852 = tpu.vector_load %arg7[%swap3A_2850, %swap3A_2851] {strides = array<i32>} : memref<32x256xf32, #tpu.memory_space<vmem>>, vector<1x16xf32>,
    %swap3A_2853 = vector.shape_cast %swap3A_2852 : vector<1x16xf32> to vector<16xf32>
    %swap3A_2854 = vector.shape_cast %get3A_2818 : vector<16xf32> to vector<1x16xf32>
    tpu.vector_store %arg7[%swap3A_2850, %swap3A_2851], %swap3A_2854 {strides = array<i32>} : memref<32x256xf32, #tpu.memory_space<vmem>>, vector<1x16xf32>,
    %swap3A_2855 = arith.constant 6 : i32
    %swap3A_2856 = arith.index_cast %swap3A_2855 : i32 to index
    %swap3A_2857 = arith.constant 128 : index
    %swap3A_2858 = tpu.vector_load %arg7[%swap3A_2856, %swap3A_2857] {strides = array<i32>} : memref<32x256xf32, #tpu.memory_space<vmem>>, vector<1x16xf32>,
    %swap3A_2859 = vector.shape_cast %swap3A_2858 : vector<1x16xf32> to vector<16xf32>
    %swap3A_2860 = vector.shape_cast %get3A_2818 : vector<16xf32> to vector<1x16xf32>
    tpu.vector_store %arg7[%swap3A_2856, %swap3A_2857], %swap3A_2860 {strides = array<i32>} : memref<32x256xf32, #tpu.memory_space<vmem>>, vector<1x16xf32>,
    %swap3A_2861 = arith.constant 7 : i32
    %swap3A_2862 = arith.index_cast %swap3A_2861 : i32 to index
    %swap3A_2863 = arith.constant 128 : index
    %swap3A_2864 = tpu.vector_load %arg7[%swap3A_2862, %swap3A_2863] {strides = array<i32>} : memref<32x256xf32, #tpu.memory_space<vmem>>, vector<1x16xf32>,
    %swap3A_2865 = vector.shape_cast %swap3A_2864 : vector<1x16xf32> to vector<16xf32>
    %swap3A_2866 = vector.shape_cast %get3A_2818 : vector<16xf32> to vector<1x16xf32>
    tpu.vector_store %arg7[%swap3A_2862, %swap3A_2863], %swap3A_2866 {strides = array<i32>} : memref<32x256xf32, #tpu.memory_space<vmem>>, vector<1x16xf32>,
    %swap3A_2867 = arith.constant 8 : i32
    %swap3A_2868 = arith.index_cast %swap3A_2867 : i32 to index
    %swap3A_2869 = arith.constant 128 : index
    %swap3A_2870 = tpu.vector_load %arg7[%swap3A_2868, %swap3A_2869] {strides = array<i32>} : memref<32x256xf32, #tpu.memory_space<vmem>>, vector<1x16xf32>,
    %swap3A_2871 = vector.shape_cast %swap3A_2870 : vector<1x16xf32> to vector<16xf32>
    %swap3A_2872 = vector.shape_cast %get3A_2818 : vector<16xf32> to vector<1x16xf32>
    tpu.vector_store %arg7[%swap3A_2868, %swap3A_2869], %swap3A_2872 {strides = array<i32>} : memref<32x256xf32, #tpu.memory_space<vmem>>, vector<1x16xf32>,
    %swap3A_2873 = arith.constant 9 : i32
    %swap3A_2874 = arith.index_cast %swap3A_2873 : i32 to index
    %swap3A_2875 = arith.constant 128 : index
    %swap3A_2876 = tpu.vector_load %arg7[%swap3A_2874, %swap3A_2875] {strides = array<i32>} : memref<32x256xf32, #tpu.memory_space<vmem>>, vector<1x16xf32>,
    %swap3A_2877 = vector.shape_cast %swap3A_2876 : vector<1x16xf32> to vector<16xf32>
    %swap3A_2878 = vector.shape_cast %get3A_2818 : vector<16xf32> to vector<1x16xf32>
    tpu.vector_store %arg7[%swap3A_2874, %swap3A_2875], %swap3A_2878 {strides = array<i32>} : memref<32x256xf32, #tpu.memory_space<vmem>>, vector<1x16xf32>,
    %swap3A_2879 = arith.constant 10 : i32
    %swap3A_2880 = arith.index_cast %swap3A_2879 : i32 to index
    %swap3A_2881 = arith.constant 128 : index
    %swap3A_2882 = tpu.vector_load %arg7[%swap3A_2880, %swap3A_2881] {strides = array<i32>} : memref<32x256xf32, #tpu.memory_space<vmem>>, vector<1x16xf32>,
    %swap3A_2883 = vector.shape_cast %swap3A_2882 : vector<1x16xf32> to vector<16xf32>
    %swap3A_2884 = vector.shape_cast %get3A_2818 : vector<16xf32> to vector<1x16xf32>
    tpu.vector_store %arg7[%swap3A_2880, %swap3A_2881], %swap3A_2884 {strides = array<i32>} : memref<32x256xf32, #tpu.memory_space<vmem>>, vector<1x16xf32>,
    %swap3A_2885 = arith.constant 11 : i32
    %swap3A_2886 = arith.index_cast %swap3A_2885 : i32 to index
    %swap3A_2887 = arith.constant 128 : index
    %swap3A_2888 = tpu.vector_load %arg7[%swap3A_2886, %swap3A_2887] {strides = array<i32>} : memref<32x256xf32, #tpu.memory_space<vmem>>, vector<1x16xf32>,
    %swap3A_2889 = vector.shape_cast %swap3A_2888 : vector<1x16xf32> to vector<16xf32>
    %swap3A_2890 = vector.shape_cast %get3A_2818 : vector<16xf32> to vector<1x16xf32>
    tpu.vector_store %arg7[%swap3A_2886, %swap3A_2887], %swap3A_2890 {strides = array<i32>} : memref<32x256xf32, #tpu.memory_space<vmem>>, vector<1x16xf32>,
    %swap3A_2891 = arith.constant 12 : i32
    %swap3A_2892 = arith.index_cast %swap3A_2891 : i32 to index
    %swap3A_2893 = arith.constant 128 : index
    %swap3A_2894 = tpu.vector_load %arg7[%swap3A_2892, %swap3A_2893] {strides = array<i32>} : memref<32x256xf32, #tpu.memory_space<vmem>>, vector<1x16xf32>,
    %swap3A_2895 = vector.shape_cast %swap3A_2894 : vector<1x16xf32> to vector<16xf32>
    %swap3A_2896 = vector.shape_cast %get3A_2818 : vector<16xf32> to vector<1x16xf32>
    tpu.vector_store %arg7[%swap3A_2892, %swap3A_2893], %swap3A_2896 {strides = array<i32>} : memref<32x256xf32, #tpu.memory_space<vmem>>, vector<1x16xf32>,
    %swap3A_2897 = arith.constant 13 : i32
    %swap3A_2898 = arith.index_cast %swap3A_2897 : i32 to index
    %swap3A_2899 = arith.constant 128 : index
    %swap3A_2900 = tpu.vector_load %arg7[%swap3A_2898, %swap3A_2899] {strides = array<i32>} : memref<32x256xf32, #tpu.memory_space<vmem>>, vector<1x16xf32>,
    %swap3A_2901 = vector.shape_cast %swap3A_2900 : vector<1x16xf32> to vector<16xf32>
    %swap3A_2902 = vector.shape_cast %get3A_2818 : vector<16xf32> to vector<1x16xf32>
    tpu.vector_store %arg7[%swap3A_2898, %swap3A_2899], %swap3A_2902 {strides = array<i32>} : memref<32x256xf32, #tpu.memory_space<vmem>>, vector<1x16xf32>,
    %swap3A_2903 = arith.constant 14 : i32
    %swap3A_2904 = arith.index_cast %swap3A_2903 : i32 to index
    %swap3A_2905 = arith.constant 128 : index
    %swap3A_2906 = tpu.vector_load %arg7[%swap3A_2904, %swap3A_2905] {strides = array<i32>} : memref<32x256xf32, #tpu.memory_space<vmem>>, vector<1x16xf32>,
    %swap3A_2907 = vector.shape_cast %swap3A_2906 : vector<1x16xf32> to vector<16xf32>
    %swap3A_2908 = vector.shape_cast %get3A_2818 : vector<16xf32> to vector<1x16xf32>
    tpu.vector_store %arg7[%swap3A_2904, %swap3A_2905], %swap3A_2908 {strides = array<i32>} : memref<32x256xf32, #tpu.memory_space<vmem>>, vector<1x16xf32>,
    %swap3A_2909 = arith.constant 15 : i32
    %swap3A_2910 = arith.index_cast %swap3A_2909 : i32 to index
    %swap3A_2911 = arith.constant 128 : index
    %swap3A_2912 = tpu.vector_load %arg7[%swap3A_2910, %swap3A_2911] {strides = array<i32>} : memref<32x256xf32, #tpu.memory_space<vmem>>, vector<1x16xf32>,
    %swap3A_2913 = vector.shape_cast %swap3A_2912 : vector<1x16xf32> to vector<16xf32>
    %swap3A_2914 = vector.shape_cast %get3A_2818 : vector<16xf32> to vector<1x16xf32>
    tpu.vector_store %arg7[%swap3A_2910, %swap3A_2911], %swap3A_2914 {strides = array<i32>} : memref<32x256xf32, #tpu.memory_space<vmem>>, vector<1x16xf32>,
    %swap3A_2915 = arith.constant 16 : i32
    %swap3A_2916 = arith.index_cast %swap3A_2915 : i32 to index
    %swap3A_2917 = arith.constant 128 : index
    %swap3A_2918 = tpu.vector_load %arg7[%swap3A_2916, %swap3A_2917] {strides = array<i32>} : memref<32x256xf32, #tpu.memory_space<vmem>>, vector<1x16xf32>,
    %swap3A_2919 = vector.shape_cast %swap3A_2918 : vector<1x16xf32> to vector<16xf32>
    %swap3A_2920 = vector.shape_cast %get3A_2818 : vector<16xf32> to vector<1x16xf32>
    tpu.vector_store %arg7[%swap3A_2916, %swap3A_2917], %swap3A_2920 {strides = array<i32>} : memref<32x256xf32, #tpu.memory_space<vmem>>, vector<1x16xf32>,
    %swap3A_2921 = arith.constant 17 : i32
    %swap3A_2922 = arith.index_cast %swap3A_2921 : i32 to index
    %swap3A_2923 = arith.constant 128 : index
    %swap3A_2924 = tpu.vector_load %arg7[%swap3A_2922, %swap3A_2923] {strides = array<i32>} : memref<32x256xf32, #tpu.memory_space<vmem>>, vector<1x16xf32>,
    %swap3A_2925 = vector.shape_cast %swap3A_2924 : vector<1x16xf32> to vector<16xf32>
    %swap3A_2926 = vector.shape_cast %get3A_2818 : vector<16xf32> to vector<1x16xf32>
    tpu.vector_store %arg7[%swap3A_2922, %swap3A_2923], %swap3A_2926 {strides = array<i32>} : memref<32x256xf32, #tpu.memory_space<vmem>>, vector<1x16xf32>,
    %swap3A_2927 = arith.constant 18 : i32
    %swap3A_2928 = arith.index_cast %swap3A_2927 : i32 to index
    %swap3A_2929 = arith.constant 128 : index
    %swap3A_2930 = tpu.vector_load %arg7[%swap3A_2928, %swap3A_2929] {strides = array<i32>} : memref<32x256xf32, #tpu.memory_space<vmem>>, vector<1x16xf32>,
    %swap3A_2931 = vector.shape_cast %swap3A_2930 : vector<1x16xf32> to vector<16xf32>
    %swap3A_2932 = vector.shape_cast %get3A_2818 : vector<16xf32> to vector<1x16xf32>
    tpu.vector_store %arg7[%swap3A_2928, %swap3A_2929], %swap3A_2932 {strides = array<i32>} : memref<32x256xf32, #tpu.memory_space<vmem>>, vector<1x16xf32>,
    %swap3A_2933 = arith.constant 19 : i32
    %swap3A_2934 = arith.index_cast %swap3A_2933 : i32 to index
    %swap3A_2935 = arith.constant 128 : index
    %swap3A_2936 = tpu.vector_load %arg7[%swap3A_2934, %swap3A_2935] {strides = array<i32>} : memref<32x256xf32, #tpu.memory_space<vmem>>, vector<1x16xf32>,
    %swap3A_2937 = vector.shape_cast %swap3A_2936 : vector<1x16xf32> to vector<16xf32>
    %swap3A_2938 = vector.shape_cast %get3A_2818 : vector<16xf32> to vector<1x16xf32>
    tpu.vector_store %arg7[%swap3A_2934, %swap3A_2935], %swap3A_2938 {strides = array<i32>} : memref<32x256xf32, #tpu.memory_space<vmem>>, vector<1x16xf32>,
    %swap3A_2939 = arith.constant 20 : i32
    %swap3A_2940 = arith.index_cast %swap3A_2939 : i32 to index
    %swap3A_2941 = arith.constant 128 : index
    %swap3A_2942 = tpu.vector_load %arg7[%swap3A_2940, %swap3A_2941] {strides = array<i32>} : memref<32x256xf32, #tpu.memory_space<vmem>>, vector<1x16xf32>,
    %swap3A_2943 = vector.shape_cast %swap3A_2942 : vector<1x16xf32> to vector<16xf32>
    %swap3A_2944 = vector.shape_cast %get3A_2818 : vector<16xf32> to vector<1x16xf32>
    tpu.vector_store %arg7[%swap3A_2940, %swap3A_2941], %swap3A_2944 {strides = array<i32>} : memref<32x256xf32, #tpu.memory_space<vmem>>, vector<1x16xf32>,
    %swap3A_2945 = arith.constant 21 : i32
    %swap3A_2946 = arith.index_cast %swap3A_2945 : i32 to index
    %swap3A_2947 = arith.constant 128 : index
    %swap3A_2948 = tpu.vector_load %arg7[%swap3A_2946, %swap3A_2947] {strides = array<i32>} : memref<32x256xf32, #tpu.memory_space<vmem>>, vector<1x16xf32>,
    %swap3A_2949 = vector.shape_cast %swap3A_2948 : vector<1x16xf32> to vector<16xf32>
    %swap3A_2950 = vector.shape_cast %get3A_2818 : vector<16xf32> to vector<1x16xf32>
    tpu.vector_store %arg7[%swap3A_2946, %swap3A_2947], %swap3A_2950 {strides = array<i32>} : memref<32x256xf32, #tpu.memory_space<vmem>>, vector<1x16xf32>,
    %swap3A_2951 = arith.constant 22 : i32
    %swap3A_2952 = arith.index_cast %swap3A_2951 : i32 to index
    %swap3A_2953 = arith.constant 128 : index
    %swap3A_2954 = tpu.vector_load %arg7[%swap3A_2952, %swap3A_2953] {strides = array<i32>} : memref<32x256xf32, #tpu.memory_space<vmem>>, vector<1x16xf32>,
    %swap3A_2955 = vector.shape_cast %swap3A_2954 : vector<1x16xf32> to vector<16xf32>
    %swap3A_2956 = vector.shape_cast %get3A_2818 : vector<16xf32> to vector<1x16xf32>
    tpu.vector_store %arg7[%swap3A_2952, %swap3A_2953], %swap3A_2956 {strides = array<i32>} : memref<32x256xf32, #tpu.memory_space<vmem>>, vector<1x16xf32>,
    %swap3A_2957 = arith.constant 23 : i32
    %swap3A_2958 = arith.index_cast %swap3A_2957 : i32 to index
    %swap3A_2959 = arith.constant 128 : index
    %swap3A_2960 = tpu.vector_load %arg7[%swap3A_2958, %swap3A_2959] {strides = array<i32>} : memref<32x256xf32, #tpu.memory_space<vmem>>, vector<1x16xf32>,
    %swap3A_2961 = vector.shape_cast %swap3A_2960 : vector<1x16xf32> to vector<16xf32>
    %swap3A_2962 = vector.shape_cast %get3A_2818 : vector<16xf32> to vector<1x16xf32>
    tpu.vector_store %arg7[%swap3A_2958, %swap3A_2959], %swap3A_2962 {strides = array<i32>} : memref<32x256xf32, #tpu.memory_space<vmem>>, vector<1x16xf32>,
    %swap3A_2963 = arith.constant 24 : i32
    %swap3A_2964 = arith.index_cast %swap3A_2963 : i32 to index
    %swap3A_2965 = arith.constant 128 : index
    %swap3A_2966 = tpu.vector_load %arg7[%swap3A_2964, %swap3A_2965] {strides = array<i32>} : memref<32x256xf32, #tpu.memory_space<vmem>>, vector<1x16xf32>,
    %swap3A_2967 = vector.shape_cast %swap3A_2966 : vector<1x16xf32> to vector<16xf32>
    %swap3A_2968 = vector.shape_cast %get3A_2818 : vector<16xf32> to vector<1x16xf32>
    tpu.vector_store %arg7[%swap3A_2964, %swap3A_2965], %swap3A_2968 {strides = array<i32>} : memref<32x256xf32, #tpu.memory_space<vmem>>, vector<1x16xf32>,
    %swap3A_2969 = arith.constant 25 : i32
    %swap3A_2970 = arith.index_cast %swap3A_2969 : i32 to index
    %swap3A_2971 = arith.constant 128 : index
    %swap3A_2972 = tpu.vector_load %arg7[%swap3A_2970, %swap3A_2971] {strides = array<i32>} : memref<32x256xf32, #tpu.memory_space<vmem>>, vector<1x16xf32>,
    %swap3A_2973 = vector.shape_cast %swap3A_2972 : vector<1x16xf32> to vector<16xf32>
    %swap3A_2974 = vector.shape_cast %get3A_2818 : vector<16xf32> to vector<1x16xf32>
    tpu.vector_store %arg7[%swap3A_2970, %swap3A_2971], %swap3A_2974 {strides = array<i32>} : memref<32x256xf32, #tpu.memory_space<vmem>>, vector<1x16xf32>,
    %swap3A_2975 = arith.constant 26 : i32
    %swap3A_2976 = arith.index_cast %swap3A_2975 : i32 to index
    %swap3A_2977 = arith.constant 128 : index
    %swap3A_2978 = tpu.vector_load %arg7[%swap3A_2976, %swap3A_2977] {strides = array<i32>} : memref<32x256xf32, #tpu.memory_space<vmem>>, vector<1x16xf32>,
    %swap3A_2979 = vector.shape_cast %swap3A_2978 : vector<1x16xf32> to vector<16xf32>
    %swap3A_2980 = vector.shape_cast %get3A_2818 : vector<16xf32> to vector<1x16xf32>
    tpu.vector_store %arg7[%swap3A_2976, %swap3A_2977], %swap3A_2980 {strides = array<i32>} : memref<32x256xf32, #tpu.memory_space<vmem>>, vector<1x16xf32>,
    %swap3A_2981 = arith.constant 27 : i32
    %swap3A_2982 = arith.index_cast %swap3A_2981 : i32 to index
    %swap3A_2983 = arith.constant 128 : index
    %swap3A_2984 = tpu.vector_load %arg7[%swap3A_2982, %swap3A_2983] {strides = array<i32>} : memref<32x256xf32, #tpu.memory_space<vmem>>, vector<1x16xf32>,
    %swap3A_2985 = vector.shape_cast %swap3A_2984 : vector<1x16xf32> to vector<16xf32>
    %swap3A_2986 = vector.shape_cast %get3A_2818 : vector<16xf32> to vector<1x16xf32>
    tpu.vector_store %arg7[%swap3A_2982, %swap3A_2983], %swap3A_2986 {strides = array<i32>} : memref<32x256xf32, #tpu.memory_space<vmem>>, vector<1x16xf32>,
    %swap3A_2987 = arith.constant 28 : i32
    %swap3A_2988 = arith.index_cast %swap3A_2987 : i32 to index
    %swap3A_2989 = arith.constant 128 : index
    %swap3A_2990 = tpu.vector_load %arg7[%swap3A_2988, %swap3A_2989] {strides = array<i32>} : memref<32x256xf32, #tpu.memory_space<vmem>>, vector<1x16xf32>,
    %swap3A_2991 = vector.shape_cast %swap3A_2990 : vector<1x16xf32> to vector<16xf32>
    %swap3A_2992 = vector.shape_cast %get3A_2818 : vector<16xf32> to vector<1x16xf32>
    tpu.vector_store %arg7[%swap3A_2988, %swap3A_2989], %swap3A_2992 {strides = array<i32>} : memref<32x256xf32, #tpu.memory_space<vmem>>, vector<1x16xf32>,
    %swap3A_2993 = arith.constant 29 : i32
    %swap3A_2994 = arith.index_cast %swap3A_2993 : i32 to index
    %swap3A_2995 = arith.constant 128 : index
    %swap3A_2996 = tpu.vector_load %arg7[%swap3A_2994, %swap3A_2995] {strides = array<i32>} : memref<32x256xf32, #tpu.memory_space<vmem>>, vector<1x16xf32>,
    %swap3A_2997 = vector.shape_cast %swap3A_2996 : vector<1x16xf32> to vector<16xf32>
    %swap3A_2998 = vector.shape_cast %get3A_2818 : vector<16xf32> to vector<1x16xf32>
    tpu.vector_store %arg7[%swap3A_2994, %swap3A_2995], %swap3A_2998 {strides = array<i32>} : memref<32x256xf32, #tpu.memory_space<vmem>>, vector<1x16xf32>,
    %swap3A_2999 = arith.constant 30 : i32
    %swap3A_3000 = arith.index_cast %swap3A_2999 : i32 to index
    %swap3A_3001 = arith.constant 128 : index
    %swap3A_3002 = tpu.vector_load %arg7[%swap3A_3000, %swap3A_3001] {strides = array<i32>} : memref<32x256xf32, #tpu.memory_space<vmem>>, vector<1x16xf32>,
    %swap3A_3003 = vector.shape_cast %swap3A_3002 : vector<1x16xf32> to vector<16xf32>
    %swap3A_3004 = vector.shape_cast %get3A_2818 : vector<16xf32> to vector<1x16xf32>
    tpu.vector_store %arg7[%swap3A_3000, %swap3A_3001], %swap3A_3004 {strides = array<i32>} : memref<32x256xf32, #tpu.memory_space<vmem>>, vector<1x16xf32>,
    %swap3A_3005 = arith.constant 31 : i32
    %swap3A_3006 = arith.index_cast %swap3A_3005 : i32 to index
    %swap3A_3007 = arith.constant 128 : index
    %swap3A_3008 = tpu.vector_load %arg7[%swap3A_3006, %swap3A_3007] {strides = array<i32>} : memref<32x256xf32, #tpu.memory_space<vmem>>, vector<1x16xf32>,
    %swap3A_3009 = vector.shape_cast %swap3A_3008 : vector<1x16xf32> to vector<16xf32>
    %swap3A_3010 = vector.shape_cast %get3A_2818 : vector<16xf32> to vector<1x16xf32>
    tpu.vector_store %arg7[%swap3A_3006, %swap3A_3007], %swap3A_3010 {strides = array<i32>} : memref<32x256xf32, #tpu.memory_space<vmem>>, vector<1x16xf32>,
    %get3A_3011 = arith.index_cast %add3A : i32 to index
    %get3A_3012 = arith.constant 16 : index
    %get3A_3013 = tpu.vector_load %arg6[%get3A_3011, %get3A_3012] {strides = array<i32>} : memref<32x128xf32, #tpu.memory_space<vmem>>, vector<1x16xf32>,
    %get3A_3014 = vector.shape_cast %get3A_3013 : vector<1x16xf32> to vector<16xf32>
    %swap3A_3015 = arith.constant 0 : i32
    %swap3A_3016 = arith.index_cast %swap3A_3015 : i32 to index
    %swap3A_3017 = arith.constant 144 : index
    %swap3A_3018 = tpu.vector_load %arg7[%swap3A_3016, %swap3A_3017] {strides = array<i32>} : memref<32x256xf32, #tpu.memory_space<vmem>>, vector<1x16xf32>,
    %swap3A_3019 = vector.shape_cast %swap3A_3018 : vector<1x16xf32> to vector<16xf32>
    %swap3A_3020 = vector.shape_cast %get3A_3014 : vector<16xf32> to vector<1x16xf32>
    tpu.vector_store %arg7[%swap3A_3016, %swap3A_3017], %swap3A_3020 {strides = array<i32>} : memref<32x256xf32, #tpu.memory_space<vmem>>, vector<1x16xf32>,
    %swap3A_3021 = arith.constant 1 : i32
    %swap3A_3022 = arith.index_cast %swap3A_3021 : i32 to index
    %swap3A_3023 = arith.constant 144 : index
    %swap3A_3024 = tpu.vector_load %arg7[%swap3A_3022, %swap3A_3023] {strides = array<i32>} : memref<32x256xf32, #tpu.memory_space<vmem>>, vector<1x16xf32>,
    %swap3A_3025 = vector.shape_cast %swap3A_3024 : vector<1x16xf32> to vector<16xf32>
    %swap3A_3026 = vector.shape_cast %get3A_3014 : vector<16xf32> to vector<1x16xf32>
    tpu.vector_store %arg7[%swap3A_3022, %swap3A_3023], %swap3A_3026 {strides = array<i32>} : memref<32x256xf32, #tpu.memory_space<vmem>>, vector<1x16xf32>,
    %swap3A_3027 = arith.constant 2 : i32
    %swap3A_3028 = arith.index_cast %swap3A_3027 : i32 to index
    %swap3A_3029 = arith.constant 144 : index
    %swap3A_3030 = tpu.vector_load %arg7[%swap3A_3028, %swap3A_3029] {strides = array<i32>} : memref<32x256xf32, #tpu.memory_space<vmem>>, vector<1x16xf32>,
    %swap3A_3031 = vector.shape_cast %swap3A_3030 : vector<1x16xf32> to vector<16xf32>
    %swap3A_3032 = vector.shape_cast %get3A_3014 : vector<16xf32> to vector<1x16xf32>
    tpu.vector_store %arg7[%swap3A_3028, %swap3A_3029], %swap3A_3032 {strides = array<i32>} : memref<32x256xf32, #tpu.memory_space<vmem>>, vector<1x16xf32>,
    %swap3A_3033 = arith.constant 3 : i32
    %swap3A_3034 = arith.index_cast %swap3A_3033 : i32 to index
    %swap3A_3035 = arith.constant 144 : index
    %swap3A_3036 = tpu.vector_load %arg7[%swap3A_3034, %swap3A_3035] {strides = array<i32>} : memref<32x256xf32, #tpu.memory_space<vmem>>, vector<1x16xf32>,
    %swap3A_3037 = vector.shape_cast %swap3A_3036 : vector<1x16xf32> to vector<16xf32>
    %swap3A_3038 = vector.shape_cast %get3A_3014 : vector<16xf32> to vector<1x16xf32>
    tpu.vector_store %arg7[%swap3A_3034, %swap3A_3035], %swap3A_3038 {strides = array<i32>} : memref<32x256xf32, #tpu.memory_space<vmem>>, vector<1x16xf32>,
    %swap3A_3039 = arith.constant 4 : i32
    %swap3A_3040 = arith.index_cast %swap3A_3039 : i32 to index
    %swap3A_3041 = arith.constant 144 : index
    %swap3A_3042 = tpu.vector_load %arg7[%swap3A_3040, %swap3A_3041] {strides = array<i32>} : memref<32x256xf32, #tpu.memory_space<vmem>>, vector<1x16xf32>,
    %swap3A_3043 = vector.shape_cast %swap3A_3042 : vector<1x16xf32> to vector<16xf32>
    %swap3A_3044 = vector.shape_cast %get3A_3014 : vector<16xf32> to vector<1x16xf32>
    tpu.vector_store %arg7[%swap3A_3040, %swap3A_3041], %swap3A_3044 {strides = array<i32>} : memref<32x256xf32, #tpu.memory_space<vmem>>, vector<1x16xf32>,
    %swap3A_3045 = arith.constant 5 : i32
    %swap3A_3046 = arith.index_cast %swap3A_3045 : i32 to index
    %swap3A_3047 = arith.constant 144 : index
    %swap3A_3048 = tpu.vector_load %arg7[%swap3A_3046, %swap3A_3047] {strides = array<i32>} : memref<32x256xf32, #tpu.memory_space<vmem>>, vector<1x16xf32>,
    %swap3A_3049 = vector.shape_cast %swap3A_3048 : vector<1x16xf32> to vector<16xf32>
    %swap3A_3050 = vector.shape_cast %get3A_3014 : vector<16xf32> to vector<1x16xf32>
    tpu.vector_store %arg7[%swap3A_3046, %swap3A_3047], %swap3A_3050 {strides = array<i32>} : memref<32x256xf32, #tpu.memory_space<vmem>>, vector<1x16xf32>,
    %swap3A_3051 = arith.constant 6 : i32
    %swap3A_3052 = arith.index_cast %swap3A_3051 : i32 to index
    %swap3A_3053 = arith.constant 144 : index
    %swap3A_3054 = tpu.vector_load %arg7[%swap3A_3052, %swap3A_3053] {strides = array<i32>} : memref<32x256xf32, #tpu.memory_space<vmem>>, vector<1x16xf32>,
    %swap3A_3055 = vector.shape_cast %swap3A_3054 : vector<1x16xf32> to vector<16xf32>
    %swap3A_3056 = vector.shape_cast %get3A_3014 : vector<16xf32> to vector<1x16xf32>
    tpu.vector_store %arg7[%swap3A_3052, %swap3A_3053], %swap3A_3056 {strides = array<i32>} : memref<32x256xf32, #tpu.memory_space<vmem>>, vector<1x16xf32>,
    %swap3A_3057 = arith.constant 7 : i32
    %swap3A_3058 = arith.index_cast %swap3A_3057 : i32 to index
    %swap3A_3059 = arith.constant 144 : index
    %swap3A_3060 = tpu.vector_load %arg7[%swap3A_3058, %swap3A_3059] {strides = array<i32>} : memref<32x256xf32, #tpu.memory_space<vmem>>, vector<1x16xf32>,
    %swap3A_3061 = vector.shape_cast %swap3A_3060 : vector<1x16xf32> to vector<16xf32>
    %swap3A_3062 = vector.shape_cast %get3A_3014 : vector<16xf32> to vector<1x16xf32>
    tpu.vector_store %arg7[%swap3A_3058, %swap3A_3059], %swap3A_3062 {strides = array<i32>} : memref<32x256xf32, #tpu.memory_space<vmem>>, vector<1x16xf32>,
    %swap3A_3063 = arith.constant 8 : i32
    %swap3A_3064 = arith.index_cast %swap3A_3063 : i32 to index
    %swap3A_3065 = arith.constant 144 : index
    %swap3A_3066 = tpu.vector_load %arg7[%swap3A_3064, %swap3A_3065] {strides = array<i32>} : memref<32x256xf32, #tpu.memory_space<vmem>>, vector<1x16xf32>,
    %swap3A_3067 = vector.shape_cast %swap3A_3066 : vector<1x16xf32> to vector<16xf32>
    %swap3A_3068 = vector.shape_cast %get3A_3014 : vector<16xf32> to vector<1x16xf32>
    tpu.vector_store %arg7[%swap3A_3064, %swap3A_3065], %swap3A_3068 {strides = array<i32>} : memref<32x256xf32, #tpu.memory_space<vmem>>, vector<1x16xf32>,
    %swap3A_3069 = arith.constant 9 : i32
    %swap3A_3070 = arith.index_cast %swap3A_3069 : i32 to index
    %swap3A_3071 = arith.constant 144 : index
    %swap3A_3072 = tpu.vector_load %arg7[%swap3A_3070, %swap3A_3071] {strides = array<i32>} : memref<32x256xf32, #tpu.memory_space<vmem>>, vector<1x16xf32>,
    %swap3A_3073 = vector.shape_cast %swap3A_3072 : vector<1x16xf32> to vector<16xf32>
    %swap3A_3074 = vector.shape_cast %get3A_3014 : vector<16xf32> to vector<1x16xf32>
    tpu.vector_store %arg7[%swap3A_3070, %swap3A_3071], %swap3A_3074 {strides = array<i32>} : memref<32x256xf32, #tpu.memory_space<vmem>>, vector<1x16xf32>,
    %swap3A_3075 = arith.constant 10 : i32
    %swap3A_3076 = arith.index_cast %swap3A_3075 : i32 to index
    %swap3A_3077 = arith.constant 144 : index
    %swap3A_3078 = tpu.vector_load %arg7[%swap3A_3076, %swap3A_3077] {strides = array<i32>} : memref<32x256xf32, #tpu.memory_space<vmem>>, vector<1x16xf32>,
    %swap3A_3079 = vector.shape_cast %swap3A_3078 : vector<1x16xf32> to vector<16xf32>
    %swap3A_3080 = vector.shape_cast %get3A_3014 : vector<16xf32> to vector<1x16xf32>
    tpu.vector_store %arg7[%swap3A_3076, %swap3A_3077], %swap3A_3080 {strides = array<i32>} : memref<32x256xf32, #tpu.memory_space<vmem>>, vector<1x16xf32>,
    %swap3A_3081 = arith.constant 11 : i32
    %swap3A_3082 = arith.index_cast %swap3A_3081 : i32 to index
    %swap3A_3083 = arith.constant 144 : index
    %swap3A_3084 = tpu.vector_load %arg7[%swap3A_3082, %swap3A_3083] {strides = array<i32>} : memref<32x256xf32, #tpu.memory_space<vmem>>, vector<1x16xf32>,
    %swap3A_3085 = vector.shape_cast %swap3A_3084 : vector<1x16xf32> to vector<16xf32>
    %swap3A_3086 = vector.shape_cast %get3A_3014 : vector<16xf32> to vector<1x16xf32>
    tpu.vector_store %arg7[%swap3A_3082, %swap3A_3083], %swap3A_3086 {strides = array<i32>} : memref<32x256xf32, #tpu.memory_space<vmem>>, vector<1x16xf32>,
    %swap3A_3087 = arith.constant 12 : i32
    %swap3A_3088 = arith.index_cast %swap3A_3087 : i32 to index
    %swap3A_3089 = arith.constant 144 : index
    %swap3A_3090 = tpu.vector_load %arg7[%swap3A_3088, %swap3A_3089] {strides = array<i32>} : memref<32x256xf32, #tpu.memory_space<vmem>>, vector<1x16xf32>,
    %swap3A_3091 = vector.shape_cast %swap3A_3090 : vector<1x16xf32> to vector<16xf32>
    %swap3A_3092 = vector.shape_cast %get3A_3014 : vector<16xf32> to vector<1x16xf32>
    tpu.vector_store %arg7[%swap3A_3088, %swap3A_3089], %swap3A_3092 {strides = array<i32>} : memref<32x256xf32, #tpu.memory_space<vmem>>, vector<1x16xf32>,
    %swap3A_3093 = arith.constant 13 : i32
    %swap3A_3094 = arith.index_cast %swap3A_3093 : i32 to index
    %swap3A_3095 = arith.constant 144 : index
    %swap3A_3096 = tpu.vector_load %arg7[%swap3A_3094, %swap3A_3095] {strides = array<i32>} : memref<32x256xf32, #tpu.memory_space<vmem>>, vector<1x16xf32>,
    %swap3A_3097 = vector.shape_cast %swap3A_3096 : vector<1x16xf32> to vector<16xf32>
    %swap3A_3098 = vector.shape_cast %get3A_3014 : vector<16xf32> to vector<1x16xf32>
    tpu.vector_store %arg7[%swap3A_3094, %swap3A_3095], %swap3A_3098 {strides = array<i32>} : memref<32x256xf32, #tpu.memory_space<vmem>>, vector<1x16xf32>,
    %swap3A_3099 = arith.constant 14 : i32
    %swap3A_3100 = arith.index_cast %swap3A_3099 : i32 to index
    %swap3A_3101 = arith.constant 144 : index
    %swap3A_3102 = tpu.vector_load %arg7[%swap3A_3100, %swap3A_3101] {strides = array<i32>} : memref<32x256xf32, #tpu.memory_space<vmem>>, vector<1x16xf32>,
    %swap3A_3103 = vector.shape_cast %swap3A_3102 : vector<1x16xf32> to vector<16xf32>
    %swap3A_3104 = vector.shape_cast %get3A_3014 : vector<16xf32> to vector<1x16xf32>
    tpu.vector_store %arg7[%swap3A_3100, %swap3A_3101], %swap3A_3104 {strides = array<i32>} : memref<32x256xf32, #tpu.memory_space<vmem>>, vector<1x16xf32>,
    %swap3A_3105 = arith.constant 15 : i32
    %swap3A_3106 = arith.index_cast %swap3A_3105 : i32 to index
    %swap3A_3107 = arith.constant 144 : index
    %swap3A_3108 = tpu.vector_load %arg7[%swap3A_3106, %swap3A_3107] {strides = array<i32>} : memref<32x256xf32, #tpu.memory_space<vmem>>, vector<1x16xf32>,
    %swap3A_3109 = vector.shape_cast %swap3A_3108 : vector<1x16xf32> to vector<16xf32>
    %swap3A_3110 = vector.shape_cast %get3A_3014 : vector<16xf32> to vector<1x16xf32>
    tpu.vector_store %arg7[%swap3A_3106, %swap3A_3107], %swap3A_3110 {strides = array<i32>} : memref<32x256xf32, #tpu.memory_space<vmem>>, vector<1x16xf32>,
    %swap3A_3111 = arith.constant 16 : i32
    %swap3A_3112 = arith.index_cast %swap3A_3111 : i32 to index
    %swap3A_3113 = arith.constant 144 : index
    %swap3A_3114 = tpu.vector_load %arg7[%swap3A_3112, %swap3A_3113] {strides = array<i32>} : memref<32x256xf32, #tpu.memory_space<vmem>>, vector<1x16xf32>,
    %swap3A_3115 = vector.shape_cast %swap3A_3114 : vector<1x16xf32> to vector<16xf32>
    %swap3A_3116 = vector.shape_cast %get3A_3014 : vector<16xf32> to vector<1x16xf32>
    tpu.vector_store %arg7[%swap3A_3112, %swap3A_3113], %swap3A_3116 {strides = array<i32>} : memref<32x256xf32, #tpu.memory_space<vmem>>, vector<1x16xf32>,
    %swap3A_3117 = arith.constant 17 : i32
    %swap3A_3118 = arith.index_cast %swap3A_3117 : i32 to index
    %swap3A_3119 = arith.constant 144 : index
    %swap3A_3120 = tpu.vector_load %arg7[%swap3A_3118, %swap3A_3119] {strides = array<i32>} : memref<32x256xf32, #tpu.memory_space<vmem>>, vector<1x16xf32>,
    %swap3A_3121 = vector.shape_cast %swap3A_3120 : vector<1x16xf32> to vector<16xf32>
    %swap3A_3122 = vector.shape_cast %get3A_3014 : vector<16xf32> to vector<1x16xf32>
    tpu.vector_store %arg7[%swap3A_3118, %swap3A_3119], %swap3A_3122 {strides = array<i32>} : memref<32x256xf32, #tpu.memory_space<vmem>>, vector<1x16xf32>,
    %swap3A_3123 = arith.constant 18 : i32
    %swap3A_3124 = arith.index_cast %swap3A_3123 : i32 to index
    %swap3A_3125 = arith.constant 144 : index
    %swap3A_3126 = tpu.vector_load %arg7[%swap3A_3124, %swap3A_3125] {strides = array<i32>} : memref<32x256xf32, #tpu.memory_space<vmem>>, vector<1x16xf32>,
    %swap3A_3127 = vector.shape_cast %swap3A_3126 : vector<1x16xf32> to vector<16xf32>
    %swap3A_3128 = vector.shape_cast %get3A_3014 : vector<16xf32> to vector<1x16xf32>
    tpu.vector_store %arg7[%swap3A_3124, %swap3A_3125], %swap3A_3128 {strides = array<i32>} : memref<32x256xf32, #tpu.memory_space<vmem>>, vector<1x16xf32>,
    %swap3A_3129 = arith.constant 19 : i32
    %swap3A_3130 = arith.index_cast %swap3A_3129 : i32 to index
    %swap3A_3131 = arith.constant 144 : index
    %swap3A_3132 = tpu.vector_load %arg7[%swap3A_3130, %swap3A_3131] {strides = array<i32>} : memref<32x256xf32, #tpu.memory_space<vmem>>, vector<1x16xf32>,
    %swap3A_3133 = vector.shape_cast %swap3A_3132 : vector<1x16xf32> to vector<16xf32>
    %swap3A_3134 = vector.shape_cast %get3A_3014 : vector<16xf32> to vector<1x16xf32>
    tpu.vector_store %arg7[%swap3A_3130, %swap3A_3131], %swap3A_3134 {strides = array<i32>} : memref<32x256xf32, #tpu.memory_space<vmem>>, vector<1x16xf32>,
    %swap3A_3135 = arith.constant 20 : i32
    %swap3A_3136 = arith.index_cast %swap3A_3135 : i32 to index
    %swap3A_3137 = arith.constant 144 : index
    %swap3A_3138 = tpu.vector_load %arg7[%swap3A_3136, %swap3A_3137] {strides = array<i32>} : memref<32x256xf32, #tpu.memory_space<vmem>>, vector<1x16xf32>,
    %swap3A_3139 = vector.shape_cast %swap3A_3138 : vector<1x16xf32> to vector<16xf32>
    %swap3A_3140 = vector.shape_cast %get3A_3014 : vector<16xf32> to vector<1x16xf32>
    tpu.vector_store %arg7[%swap3A_3136, %swap3A_3137], %swap3A_3140 {strides = array<i32>} : memref<32x256xf32, #tpu.memory_space<vmem>>, vector<1x16xf32>,
    %swap3A_3141 = arith.constant 21 : i32
    %swap3A_3142 = arith.index_cast %swap3A_3141 : i32 to index
    %swap3A_3143 = arith.constant 144 : index
    %swap3A_3144 = tpu.vector_load %arg7[%swap3A_3142, %swap3A_3143] {strides = array<i32>} : memref<32x256xf32, #tpu.memory_space<vmem>>, vector<1x16xf32>,
    %swap3A_3145 = vector.shape_cast %swap3A_3144 : vector<1x16xf32> to vector<16xf32>
    %swap3A_3146 = vector.shape_cast %get3A_3014 : vector<16xf32> to vector<1x16xf32>
    tpu.vector_store %arg7[%swap3A_3142, %swap3A_3143], %swap3A_3146 {strides = array<i32>} : memref<32x256xf32, #tpu.memory_space<vmem>>, vector<1x16xf32>,
    %swap3A_3147 = arith.constant 22 : i32
    %swap3A_3148 = arith.index_cast %swap3A_3147 : i32 to index
    %swap3A_3149 = arith.constant 144 : index
    %swap3A_3150 = tpu.vector_load %arg7[%swap3A_3148, %swap3A_3149] {strides = array<i32>} : memref<32x256xf32, #tpu.memory_space<vmem>>, vector<1x16xf32>,
    %swap3A_3151 = vector.shape_cast %swap3A_3150 : vector<1x16xf32> to vector<16xf32>
    %swap3A_3152 = vector.shape_cast %get3A_3014 : vector<16xf32> to vector<1x16xf32>
    tpu.vector_store %arg7[%swap3A_3148, %swap3A_3149], %swap3A_3152 {strides = array<i32>} : memref<32x256xf32, #tpu.memory_space<vmem>>, vector<1x16xf32>,
    %swap3A_3153 = arith.constant 23 : i32
    %swap3A_3154 = arith.index_cast %swap3A_3153 : i32 to index
    %swap3A_3155 = arith.constant 144 : index
    %swap3A_3156 = tpu.vector_load %arg7[%swap3A_3154, %swap3A_3155] {strides = array<i32>} : memref<32x256xf32, #tpu.memory_space<vmem>>, vector<1x16xf32>,
    %swap3A_3157 = vector.shape_cast %swap3A_3156 : vector<1x16xf32> to vector<16xf32>
    %swap3A_3158 = vector.shape_cast %get3A_3014 : vector<16xf32> to vector<1x16xf32>
    tpu.vector_store %arg7[%swap3A_3154, %swap3A_3155], %swap3A_3158 {strides = array<i32>} : memref<32x256xf32, #tpu.memory_space<vmem>>, vector<1x16xf32>,
    %swap3A_3159 = arith.constant 24 : i32
    %swap3A_3160 = arith.index_cast %swap3A_3159 : i32 to index
    %swap3A_3161 = arith.constant 144 : index
    %swap3A_3162 = tpu.vector_load %arg7[%swap3A_3160, %swap3A_3161] {strides = array<i32>} : memref<32x256xf32, #tpu.memory_space<vmem>>, vector<1x16xf32>,
    %swap3A_3163 = vector.shape_cast %swap3A_3162 : vector<1x16xf32> to vector<16xf32>
    %swap3A_3164 = vector.shape_cast %get3A_3014 : vector<16xf32> to vector<1x16xf32>
    tpu.vector_store %arg7[%swap3A_3160, %swap3A_3161], %swap3A_3164 {strides = array<i32>} : memref<32x256xf32, #tpu.memory_space<vmem>>, vector<1x16xf32>,
    %swap3A_3165 = arith.constant 25 : i32
    %swap3A_3166 = arith.index_cast %swap3A_3165 : i32 to index
    %swap3A_3167 = arith.constant 144 : index
    %swap3A_3168 = tpu.vector_load %arg7[%swap3A_3166, %swap3A_3167] {strides = array<i32>} : memref<32x256xf32, #tpu.memory_space<vmem>>, vector<1x16xf32>,
    %swap3A_3169 = vector.shape_cast %swap3A_3168 : vector<1x16xf32> to vector<16xf32>
    %swap3A_3170 = vector.shape_cast %get3A_3014 : vector<16xf32> to vector<1x16xf32>
    tpu.vector_store %arg7[%swap3A_3166, %swap3A_3167], %swap3A_3170 {strides = array<i32>} : memref<32x256xf32, #tpu.memory_space<vmem>>, vector<1x16xf32>,
    %swap3A_3171 = arith.constant 26 : i32
    %swap3A_3172 = arith.index_cast %swap3A_3171 : i32 to index
    %swap3A_3173 = arith.constant 144 : index
    %swap3A_3174 = tpu.vector_load %arg7[%swap3A_3172, %swap3A_3173] {strides = array<i32>} : memref<32x256xf32, #tpu.memory_space<vmem>>, vector<1x16xf32>,
    %swap3A_3175 = vector.shape_cast %swap3A_3174 : vector<1x16xf32> to vector<16xf32>
    %swap3A_3176 = vector.shape_cast %get3A_3014 : vector<16xf32> to vector<1x16xf32>
    tpu.vector_store %arg7[%swap3A_3172, %swap3A_3173], %swap3A_3176 {strides = array<i32>} : memref<32x256xf32, #tpu.memory_space<vmem>>, vector<1x16xf32>,
    %swap3A_3177 = arith.constant 27 : i32
    %swap3A_3178 = arith.index_cast %swap3A_3177 : i32 to index
    %swap3A_3179 = arith.constant 144 : index
    %swap3A_3180 = tpu.vector_load %arg7[%swap3A_3178, %swap3A_3179] {strides = array<i32>} : memref<32x256xf32, #tpu.memory_space<vmem>>, vector<1x16xf32>,
    %swap3A_3181 = vector.shape_cast %swap3A_3180 : vector<1x16xf32> to vector<16xf32>
    %swap3A_3182 = vector.shape_cast %get3A_3014 : vector<16xf32> to vector<1x16xf32>
    tpu.vector_store %arg7[%swap3A_3178, %swap3A_3179], %swap3A_3182 {strides = array<i32>} : memref<32x256xf32, #tpu.memory_space<vmem>>, vector<1x16xf32>,
    %swap3A_3183 = arith.constant 28 : i32
    %swap3A_3184 = arith.index_cast %swap3A_3183 : i32 to index
    %swap3A_3185 = arith.constant 144 : index
    %swap3A_3186 = tpu.vector_load %arg7[%swap3A_3184, %swap3A_3185] {strides = array<i32>} : memref<32x256xf32, #tpu.memory_space<vmem>>, vector<1x16xf32>,
    %swap3A_3187 = vector.shape_cast %swap3A_3186 : vector<1x16xf32> to vector<16xf32>
    %swap3A_3188 = vector.shape_cast %get3A_3014 : vector<16xf32> to vector<1x16xf32>
    tpu.vector_store %arg7[%swap3A_3184, %swap3A_3185], %swap3A_3188 {strides = array<i32>} : memref<32x256xf32, #tpu.memory_space<vmem>>, vector<1x16xf32>,
    %swap3A_3189 = arith.constant 29 : i32
    %swap3A_3190 = arith.index_cast %swap3A_3189 : i32 to index
    %swap3A_3191 = arith.constant 144 : index
    %swap3A_3192 = tpu.vector_load %arg7[%swap3A_3190, %swap3A_3191] {strides = array<i32>} : memref<32x256xf32, #tpu.memory_space<vmem>>, vector<1x16xf32>,
    %swap3A_3193 = vector.shape_cast %swap3A_3192 : vector<1x16xf32> to vector<16xf32>
    %swap3A_3194 = vector.shape_cast %get3A_3014 : vector<16xf32> to vector<1x16xf32>
    tpu.vector_store %arg7[%swap3A_3190, %swap3A_3191], %swap3A_3194 {strides = array<i32>} : memref<32x256xf32, #tpu.memory_space<vmem>>, vector<1x16xf32>,
    %swap3A_3195 = arith.constant 30 : i32
    %swap3A_3196 = arith.index_cast %swap3A_3195 : i32 to index
    %swap3A_3197 = arith.constant 144 : index
    %swap3A_3198 = tpu.vector_load %arg7[%swap3A_3196, %swap3A_3197] {strides = array<i32>} : memref<32x256xf32, #tpu.memory_space<vmem>>, vector<1x16xf32>,
    %swap3A_3199 = vector.shape_cast %swap3A_3198 : vector<1x16xf32> to vector<16xf32>
    %swap3A_3200 = vector.shape_cast %get3A_3014 : vector<16xf32> to vector<1x16xf32>
    tpu.vector_store %arg7[%swap3A_3196, %swap3A_3197], %swap3A_3200 {strides = array<i32>} : memref<32x256xf32, #tpu.memory_space<vmem>>, vector<1x16xf32>,
    %swap3A_3201 = arith.constant 31 : i32
    %swap3A_3202 = arith.index_cast %swap3A_3201 : i32 to index
    %swap3A_3203 = arith.constant 144 : index
    %swap3A_3204 = tpu.vector_load %arg7[%swap3A_3202, %swap3A_3203] {strides = array<i32>} : memref<32x256xf32, #tpu.memory_space<vmem>>, vector<1x16xf32>,
    %swap3A_3205 = vector.shape_cast %swap3A_3204 : vector<1x16xf32> to vector<16xf32>
    %swap3A_3206 = vector.shape_cast %get3A_3014 : vector<16xf32> to vector<1x16xf32>
    tpu.vector_store %arg7[%swap3A_3202, %swap3A_3203], %swap3A_3206 {strides = array<i32>} : memref<32x256xf32, #tpu.memory_space<vmem>>, vector<1x16xf32>,
    %get3A_3207 = arith.index_cast %add3A : i32 to index
    %get3A_3208 = arith.constant 32 : index
    %get3A_3209 = tpu.vector_load %arg6[%get3A_3207, %get3A_3208] {strides = array<i32>} : memref<32x128xf32, #tpu.memory_space<vmem>>, vector<1x16xf32>,
    %get3A_3210 = vector.shape_cast %get3A_3209 : vector<1x16xf32> to vector<16xf32>
    %swap3A_3211 = arith.constant 0 : i32
    %swap3A_3212 = arith.index_cast %swap3A_3211 : i32 to index
    %swap3A_3213 = arith.constant 160 : index
    %swap3A_3214 = tpu.vector_load %arg7[%swap3A_3212, %swap3A_3213] {strides = array<i32>} : memref<32x256xf32, #tpu.memory_space<vmem>>, vector<1x16xf32>,
    %swap3A_3215 = vector.shape_cast %swap3A_3214 : vector<1x16xf32> to vector<16xf32>
    %swap3A_3216 = vector.shape_cast %get3A_3210 : vector<16xf32> to vector<1x16xf32>
    tpu.vector_store %arg7[%swap3A_3212, %swap3A_3213], %swap3A_3216 {strides = array<i32>} : memref<32x256xf32, #tpu.memory_space<vmem>>, vector<1x16xf32>,
    %swap3A_3217 = arith.constant 1 : i32
    %swap3A_3218 = arith.index_cast %swap3A_3217 : i32 to index
    %swap3A_3219 = arith.constant 160 : index
    %swap3A_3220 = tpu.vector_load %arg7[%swap3A_3218, %swap3A_3219] {strides = array<i32>} : memref<32x256xf32, #tpu.memory_space<vmem>>, vector<1x16xf32>,
    %swap3A_3221 = vector.shape_cast %swap3A_3220 : vector<1x16xf32> to vector<16xf32>
    %swap3A_3222 = vector.shape_cast %get3A_3210 : vector<16xf32> to vector<1x16xf32>
    tpu.vector_store %arg7[%swap3A_3218, %swap3A_3219], %swap3A_3222 {strides = array<i32>} : memref<32x256xf32, #tpu.memory_space<vmem>>, vector<1x16xf32>,
    %swap3A_3223 = arith.constant 2 : i32
    %swap3A_3224 = arith.index_cast %swap3A_3223 : i32 to index
    %swap3A_3225 = arith.constant 160 : index
    %swap3A_3226 = tpu.vector_load %arg7[%swap3A_3224, %swap3A_3225] {strides = array<i32>} : memref<32x256xf32, #tpu.memory_space<vmem>>, vector<1x16xf32>,
    %swap3A_3227 = vector.shape_cast %swap3A_3226 : vector<1x16xf32> to vector<16xf32>
    %swap3A_3228 = vector.shape_cast %get3A_3210 : vector<16xf32> to vector<1x16xf32>
    tpu.vector_store %arg7[%swap3A_3224, %swap3A_3225], %swap3A_3228 {strides = array<i32>} : memref<32x256xf32, #tpu.memory_space<vmem>>, vector<1x16xf32>,
    %swap3A_3229 = arith.constant 3 : i32
    %swap3A_3230 = arith.index_cast %swap3A_3229 : i32 to index
    %swap3A_3231 = arith.constant 160 : index
    %swap3A_3232 = tpu.vector_load %arg7[%swap3A_3230, %swap3A_3231] {strides = array<i32>} : memref<32x256xf32, #tpu.memory_space<vmem>>, vector<1x16xf32>,
    %swap3A_3233 = vector.shape_cast %swap3A_3232 : vector<1x16xf32> to vector<16xf32>
    %swap3A_3234 = vector.shape_cast %get3A_3210 : vector<16xf32> to vector<1x16xf32>
    tpu.vector_store %arg7[%swap3A_3230, %swap3A_3231], %swap3A_3234 {strides = array<i32>} : memref<32x256xf32, #tpu.memory_space<vmem>>, vector<1x16xf32>,
    %swap3A_3235 = arith.constant 4 : i32
    %swap3A_3236 = arith.index_cast %swap3A_3235 : i32 to index
    %swap3A_3237 = arith.constant 160 : index
    %swap3A_3238 = tpu.vector_load %arg7[%swap3A_3236, %swap3A_3237] {strides = array<i32>} : memref<32x256xf32, #tpu.memory_space<vmem>>, vector<1x16xf32>,
    %swap3A_3239 = vector.shape_cast %swap3A_3238 : vector<1x16xf32> to vector<16xf32>
    %swap3A_3240 = vector.shape_cast %get3A_3210 : vector<16xf32> to vector<1x16xf32>
    tpu.vector_store %arg7[%swap3A_3236, %swap3A_3237], %swap3A_3240 {strides = array<i32>} : memref<32x256xf32, #tpu.memory_space<vmem>>, vector<1x16xf32>,
    %swap3A_3241 = arith.constant 5 : i32
    %swap3A_3242 = arith.index_cast %swap3A_3241 : i32 to index
    %swap3A_3243 = arith.constant 160 : index
    %swap3A_3244 = tpu.vector_load %arg7[%swap3A_3242, %swap3A_3243] {strides = array<i32>} : memref<32x256xf32, #tpu.memory_space<vmem>>, vector<1x16xf32>,
    %swap3A_3245 = vector.shape_cast %swap3A_3244 : vector<1x16xf32> to vector<16xf32>
    %swap3A_3246 = vector.shape_cast %get3A_3210 : vector<16xf32> to vector<1x16xf32>
    tpu.vector_store %arg7[%swap3A_3242, %swap3A_3243], %swap3A_3246 {strides = array<i32>} : memref<32x256xf32, #tpu.memory_space<vmem>>, vector<1x16xf32>,
    %swap3A_3247 = arith.constant 6 : i32
    %swap3A_3248 = arith.index_cast %swap3A_3247 : i32 to index
    %swap3A_3249 = arith.constant 160 : index
    %swap3A_3250 = tpu.vector_load %arg7[%swap3A_3248, %swap3A_3249] {strides = array<i32>} : memref<32x256xf32, #tpu.memory_space<vmem>>, vector<1x16xf32>,
    %swap3A_3251 = vector.shape_cast %swap3A_3250 : vector<1x16xf32> to vector<16xf32>
    %swap3A_3252 = vector.shape_cast %get3A_3210 : vector<16xf32> to vector<1x16xf32>
    tpu.vector_store %arg7[%swap3A_3248, %swap3A_3249], %swap3A_3252 {strides = array<i32>} : memref<32x256xf32, #tpu.memory_space<vmem>>, vector<1x16xf32>,
    %swap3A_3253 = arith.constant 7 : i32
    %swap3A_3254 = arith.index_cast %swap3A_3253 : i32 to index
    %swap3A_3255 = arith.constant 160 : index
    %swap3A_3256 = tpu.vector_load %arg7[%swap3A_3254, %swap3A_3255] {strides = array<i32>} : memref<32x256xf32, #tpu.memory_space<vmem>>, vector<1x16xf32>,
    %swap3A_3257 = vector.shape_cast %swap3A_3256 : vector<1x16xf32> to vector<16xf32>
    %swap3A_3258 = vector.shape_cast %get3A_3210 : vector<16xf32> to vector<1x16xf32>
    tpu.vector_store %arg7[%swap3A_3254, %swap3A_3255], %swap3A_3258 {strides = array<i32>} : memref<32x256xf32, #tpu.memory_space<vmem>>, vector<1x16xf32>,
    %swap3A_3259 = arith.constant 8 : i32
    %swap3A_3260 = arith.index_cast %swap3A_3259 : i32 to index
    %swap3A_3261 = arith.constant 160 : index
    %swap3A_3262 = tpu.vector_load %arg7[%swap3A_3260, %swap3A_3261] {strides = array<i32>} : memref<32x256xf32, #tpu.memory_space<vmem>>, vector<1x16xf32>,
    %swap3A_3263 = vector.shape_cast %swap3A_3262 : vector<1x16xf32> to vector<16xf32>
    %swap3A_3264 = vector.shape_cast %get3A_3210 : vector<16xf32> to vector<1x16xf32>
    tpu.vector_store %arg7[%swap3A_3260, %swap3A_3261], %swap3A_3264 {strides = array<i32>} : memref<32x256xf32, #tpu.memory_space<vmem>>, vector<1x16xf32>,
    %swap3A_3265 = arith.constant 9 : i32
    %swap3A_3266 = arith.index_cast %swap3A_3265 : i32 to index
    %swap3A_3267 = arith.constant 160 : index
    %swap3A_3268 = tpu.vector_load %arg7[%swap3A_3266, %swap3A_3267] {strides = array<i32>} : memref<32x256xf32, #tpu.memory_space<vmem>>, vector<1x16xf32>,
    %swap3A_3269 = vector.shape_cast %swap3A_3268 : vector<1x16xf32> to vector<16xf32>
    %swap3A_3270 = vector.shape_cast %get3A_3210 : vector<16xf32> to vector<1x16xf32>
    tpu.vector_store %arg7[%swap3A_3266, %swap3A_3267], %swap3A_3270 {strides = array<i32>} : memref<32x256xf32, #tpu.memory_space<vmem>>, vector<1x16xf32>,
    %swap3A_3271 = arith.constant 10 : i32
    %swap3A_3272 = arith.index_cast %swap3A_3271 : i32 to index
    %swap3A_3273 = arith.constant 160 : index
    %swap3A_3274 = tpu.vector_load %arg7[%swap3A_3272, %swap3A_3273] {strides = array<i32>} : memref<32x256xf32, #tpu.memory_space<vmem>>, vector<1x16xf32>,
    %swap3A_3275 = vector.shape_cast %swap3A_3274 : vector<1x16xf32> to vector<16xf32>
    %swap3A_3276 = vector.shape_cast %get3A_3210 : vector<16xf32> to vector<1x16xf32>
    tpu.vector_store %arg7[%swap3A_3272, %swap3A_3273], %swap3A_3276 {strides = array<i32>} : memref<32x256xf32, #tpu.memory_space<vmem>>, vector<1x16xf32>,
    %swap3A_3277 = arith.constant 11 : i32
    %swap3A_3278 = arith.index_cast %swap3A_3277 : i32 to index
    %swap3A_3279 = arith.constant 160 : index
    %swap3A_3280 = tpu.vector_load %arg7[%swap3A_3278, %swap3A_3279] {strides = array<i32>} : memref<32x256xf32, #tpu.memory_space<vmem>>, vector<1x16xf32>,
    %swap3A_3281 = vector.shape_cast %swap3A_3280 : vector<1x16xf32> to vector<16xf32>
    %swap3A_3282 = vector.shape_cast %get3A_3210 : vector<16xf32> to vector<1x16xf32>
    tpu.vector_store %arg7[%swap3A_3278, %swap3A_3279], %swap3A_3282 {strides = array<i32>} : memref<32x256xf32, #tpu.memory_space<vmem>>, vector<1x16xf32>,
    %swap3A_3283 = arith.constant 12 : i32
    %swap3A_3284 = arith.index_cast %swap3A_3283 : i32 to index
    %swap3A_3285 = arith.constant 160 : index
    %swap3A_3286 = tpu.vector_load %arg7[%swap3A_3284, %swap3A_3285] {strides = array<i32>} : memref<32x256xf32, #tpu.memory_space<vmem>>, vector<1x16xf32>,
    %swap3A_3287 = vector.shape_cast %swap3A_3286 : vector<1x16xf32> to vector<16xf32>
    %swap3A_3288 = vector.shape_cast %get3A_3210 : vector<16xf32> to vector<1x16xf32>
    tpu.vector_store %arg7[%swap3A_3284, %swap3A_3285], %swap3A_3288 {strides = array<i32>} : memref<32x256xf32, #tpu.memory_space<vmem>>, vector<1x16xf32>,
    %swap3A_3289 = arith.constant 13 : i32
    %swap3A_3290 = arith.index_cast %swap3A_3289 : i32 to index
    %swap3A_3291 = arith.constant 160 : index
    %swap3A_3292 = tpu.vector_load %arg7[%swap3A_3290, %swap3A_3291] {strides = array<i32>} : memref<32x256xf32, #tpu.memory_space<vmem>>, vector<1x16xf32>,
    %swap3A_3293 = vector.shape_cast %swap3A_3292 : vector<1x16xf32> to vector<16xf32>
    %swap3A_3294 = vector.shape_cast %get3A_3210 : vector<16xf32> to vector<1x16xf32>
    tpu.vector_store %arg7[%swap3A_3290, %swap3A_3291], %swap3A_3294 {strides = array<i32>} : memref<32x256xf32, #tpu.memory_space<vmem>>, vector<1x16xf32>,
    %swap3A_3295 = arith.constant 14 : i32
    %swap3A_3296 = arith.index_cast %swap3A_3295 : i32 to index
    %swap3A_3297 = arith.constant 160 : index
    %swap3A_3298 = tpu.vector_load %arg7[%swap3A_3296, %swap3A_3297] {strides = array<i32>} : memref<32x256xf32, #tpu.memory_space<vmem>>, vector<1x16xf32>,
    %swap3A_3299 = vector.shape_cast %swap3A_3298 : vector<1x16xf32> to vector<16xf32>
    %swap3A_3300 = vector.shape_cast %get3A_3210 : vector<16xf32> to vector<1x16xf32>
    tpu.vector_store %arg7[%swap3A_3296, %swap3A_3297], %swap3A_3300 {strides = array<i32>} : memref<32x256xf32, #tpu.memory_space<vmem>>, vector<1x16xf32>,
    %swap3A_3301 = arith.constant 15 : i32
    %swap3A_3302 = arith.index_cast %swap3A_3301 : i32 to index
    %swap3A_3303 = arith.constant 160 : index
    %swap3A_3304 = tpu.vector_load %arg7[%swap3A_3302, %swap3A_3303] {strides = array<i32>} : memref<32x256xf32, #tpu.memory_space<vmem>>, vector<1x16xf32>,
    %swap3A_3305 = vector.shape_cast %swap3A_3304 : vector<1x16xf32> to vector<16xf32>
    %swap3A_3306 = vector.shape_cast %get3A_3210 : vector<16xf32> to vector<1x16xf32>
    tpu.vector_store %arg7[%swap3A_3302, %swap3A_3303], %swap3A_3306 {strides = array<i32>} : memref<32x256xf32, #tpu.memory_space<vmem>>, vector<1x16xf32>,
    %swap3A_3307 = arith.constant 16 : i32
    %swap3A_3308 = arith.index_cast %swap3A_3307 : i32 to index
    %swap3A_3309 = arith.constant 160 : index
    %swap3A_3310 = tpu.vector_load %arg7[%swap3A_3308, %swap3A_3309] {strides = array<i32>} : memref<32x256xf32, #tpu.memory_space<vmem>>, vector<1x16xf32>,
    %swap3A_3311 = vector.shape_cast %swap3A_3310 : vector<1x16xf32> to vector<16xf32>
    %swap3A_3312 = vector.shape_cast %get3A_3210 : vector<16xf32> to vector<1x16xf32>
    tpu.vector_store %arg7[%swap3A_3308, %swap3A_3309], %swap3A_3312 {strides = array<i32>} : memref<32x256xf32, #tpu.memory_space<vmem>>, vector<1x16xf32>,
    %swap3A_3313 = arith.constant 17 : i32
    %swap3A_3314 = arith.index_cast %swap3A_3313 : i32 to index
    %swap3A_3315 = arith.constant 160 : index
    %swap3A_3316 = tpu.vector_load %arg7[%swap3A_3314, %swap3A_3315] {strides = array<i32>} : memref<32x256xf32, #tpu.memory_space<vmem>>, vector<1x16xf32>,
    %swap3A_3317 = vector.shape_cast %swap3A_3316 : vector<1x16xf32> to vector<16xf32>
    %swap3A_3318 = vector.shape_cast %get3A_3210 : vector<16xf32> to vector<1x16xf32>
    tpu.vector_store %arg7[%swap3A_3314, %swap3A_3315], %swap3A_3318 {strides = array<i32>} : memref<32x256xf32, #tpu.memory_space<vmem>>, vector<1x16xf32>,
    %swap3A_3319 = arith.constant 18 : i32
    %swap3A_3320 = arith.index_cast %swap3A_3319 : i32 to index
    %swap3A_3321 = arith.constant 160 : index
    %swap3A_3322 = tpu.vector_load %arg7[%swap3A_3320, %swap3A_3321] {strides = array<i32>} : memref<32x256xf32, #tpu.memory_space<vmem>>, vector<1x16xf32>,
    %swap3A_3323 = vector.shape_cast %swap3A_3322 : vector<1x16xf32> to vector<16xf32>
    %swap3A_3324 = vector.shape_cast %get3A_3210 : vector<16xf32> to vector<1x16xf32>
    tpu.vector_store %arg7[%swap3A_3320, %swap3A_3321], %swap3A_3324 {strides = array<i32>} : memref<32x256xf32, #tpu.memory_space<vmem>>, vector<1x16xf32>,
    %swap3A_3325 = arith.constant 19 : i32
    %swap3A_3326 = arith.index_cast %swap3A_3325 : i32 to index
    %swap3A_3327 = arith.constant 160 : index
    %swap3A_3328 = tpu.vector_load %arg7[%swap3A_3326, %swap3A_3327] {strides = array<i32>} : memref<32x256xf32, #tpu.memory_space<vmem>>, vector<1x16xf32>,
    %swap3A_3329 = vector.shape_cast %swap3A_3328 : vector<1x16xf32> to vector<16xf32>
    %swap3A_3330 = vector.shape_cast %get3A_3210 : vector<16xf32> to vector<1x16xf32>
    tpu.vector_store %arg7[%swap3A_3326, %swap3A_3327], %swap3A_3330 {strides = array<i32>} : memref<32x256xf32, #tpu.memory_space<vmem>>, vector<1x16xf32>,
    %swap3A_3331 = arith.constant 20 : i32
    %swap3A_3332 = arith.index_cast %swap3A_3331 : i32 to index
    %swap3A_3333 = arith.constant 160 : index
    %swap3A_3334 = tpu.vector_load %arg7[%swap3A_3332, %swap3A_3333] {strides = array<i32>} : memref<32x256xf32, #tpu.memory_space<vmem>>, vector<1x16xf32>,
    %swap3A_3335 = vector.shape_cast %swap3A_3334 : vector<1x16xf32> to vector<16xf32>
    %swap3A_3336 = vector.shape_cast %get3A_3210 : vector<16xf32> to vector<1x16xf32>
    tpu.vector_store %arg7[%swap3A_3332, %swap3A_3333], %swap3A_3336 {strides = array<i32>} : memref<32x256xf32, #tpu.memory_space<vmem>>, vector<1x16xf32>,
    %swap3A_3337 = arith.constant 21 : i32
    %swap3A_3338 = arith.index_cast %swap3A_3337 : i32 to index
    %swap3A_3339 = arith.constant 160 : index
    %swap3A_3340 = tpu.vector_load %arg7[%swap3A_3338, %swap3A_3339] {strides = array<i32>} : memref<32x256xf32, #tpu.memory_space<vmem>>, vector<1x16xf32>,
    %swap3A_3341 = vector.shape_cast %swap3A_3340 : vector<1x16xf32> to vector<16xf32>
    %swap3A_3342 = vector.shape_cast %get3A_3210 : vector<16xf32> to vector<1x16xf32>
    tpu.vector_store %arg7[%swap3A_3338, %swap3A_3339], %swap3A_3342 {strides = array<i32>} : memref<32x256xf32, #tpu.memory_space<vmem>>, vector<1x16xf32>,
    %swap3A_3343 = arith.constant 22 : i32
    %swap3A_3344 = arith.index_cast %swap3A_3343 : i32 to index
    %swap3A_3345 = arith.constant 160 : index
    %swap3A_3346 = tpu.vector_load %arg7[%swap3A_3344, %swap3A_3345] {strides = array<i32>} : memref<32x256xf32, #tpu.memory_space<vmem>>, vector<1x16xf32>,
    %swap3A_3347 = vector.shape_cast %swap3A_3346 : vector<1x16xf32> to vector<16xf32>
    %swap3A_3348 = vector.shape_cast %get3A_3210 : vector<16xf32> to vector<1x16xf32>
    tpu.vector_store %arg7[%swap3A_3344, %swap3A_3345], %swap3A_3348 {strides = array<i32>} : memref<32x256xf32, #tpu.memory_space<vmem>>, vector<1x16xf32>,
    %swap3A_3349 = arith.constant 23 : i32
    %swap3A_3350 = arith.index_cast %swap3A_3349 : i32 to index
    %swap3A_3351 = arith.constant 160 : index
    %swap3A_3352 = tpu.vector_load %arg7[%swap3A_3350, %swap3A_3351] {strides = array<i32>} : memref<32x256xf32, #tpu.memory_space<vmem>>, vector<1x16xf32>,
    %swap3A_3353 = vector.shape_cast %swap3A_3352 : vector<1x16xf32> to vector<16xf32>
    %swap3A_3354 = vector.shape_cast %get3A_3210 : vector<16xf32> to vector<1x16xf32>
    tpu.vector_store %arg7[%swap3A_3350, %swap3A_3351], %swap3A_3354 {strides = array<i32>} : memref<32x256xf32, #tpu.memory_space<vmem>>, vector<1x16xf32>,
    %swap3A_3355 = arith.constant 24 : i32
    %swap3A_3356 = arith.index_cast %swap3A_3355 : i32 to index
    %swap3A_3357 = arith.constant 160 : index
    %swap3A_3358 = tpu.vector_load %arg7[%swap3A_3356, %swap3A_3357] {strides = array<i32>} : memref<32x256xf32, #tpu.memory_space<vmem>>, vector<1x16xf32>,
    %swap3A_3359 = vector.shape_cast %swap3A_3358 : vector<1x16xf32> to vector<16xf32>
    %swap3A_3360 = vector.shape_cast %get3A_3210 : vector<16xf32> to vector<1x16xf32>
    tpu.vector_store %arg7[%swap3A_3356, %swap3A_3357], %swap3A_3360 {strides = array<i32>} : memref<32x256xf32, #tpu.memory_space<vmem>>, vector<1x16xf32>,
    %swap3A_3361 = arith.constant 25 : i32
    %swap3A_3362 = arith.index_cast %swap3A_3361 : i32 to index
    %swap3A_3363 = arith.constant 160 : index
    %swap3A_3364 = tpu.vector_load %arg7[%swap3A_3362, %swap3A_3363] {strides = array<i32>} : memref<32x256xf32, #tpu.memory_space<vmem>>, vector<1x16xf32>,
    %swap3A_3365 = vector.shape_cast %swap3A_3364 : vector<1x16xf32> to vector<16xf32>
    %swap3A_3366 = vector.shape_cast %get3A_3210 : vector<16xf32> to vector<1x16xf32>
    tpu.vector_store %arg7[%swap3A_3362, %swap3A_3363], %swap3A_3366 {strides = array<i32>} : memref<32x256xf32, #tpu.memory_space<vmem>>, vector<1x16xf32>,
    %swap3A_3367 = arith.constant 26 : i32
    %swap3A_3368 = arith.index_cast %swap3A_3367 : i32 to index
    %swap3A_3369 = arith.constant 160 : index
    %swap3A_3370 = tpu.vector_load %arg7[%swap3A_3368, %swap3A_3369] {strides = array<i32>} : memref<32x256xf32, #tpu.memory_space<vmem>>, vector<1x16xf32>,
    %swap3A_3371 = vector.shape_cast %swap3A_3370 : vector<1x16xf32> to vector<16xf32>
    %swap3A_3372 = vector.shape_cast %get3A_3210 : vector<16xf32> to vector<1x16xf32>
    tpu.vector_store %arg7[%swap3A_3368, %swap3A_3369], %swap3A_3372 {strides = array<i32>} : memref<32x256xf32, #tpu.memory_space<vmem>>, vector<1x16xf32>,
    %swap3A_3373 = arith.constant 27 : i32
    %swap3A_3374 = arith.index_cast %swap3A_3373 : i32 to index
    %swap3A_3375 = arith.constant 160 : index
    %swap3A_3376 = tpu.vector_load %arg7[%swap3A_3374, %swap3A_3375] {strides = array<i32>} : memref<32x256xf32, #tpu.memory_space<vmem>>, vector<1x16xf32>,
    %swap3A_3377 = vector.shape_cast %swap3A_3376 : vector<1x16xf32> to vector<16xf32>
    %swap3A_3378 = vector.shape_cast %get3A_3210 : vector<16xf32> to vector<1x16xf32>
    tpu.vector_store %arg7[%swap3A_3374, %swap3A_3375], %swap3A_3378 {strides = array<i32>} : memref<32x256xf32, #tpu.memory_space<vmem>>, vector<1x16xf32>,
    %swap3A_3379 = arith.constant 28 : i32
    %swap3A_3380 = arith.index_cast %swap3A_3379 : i32 to index
    %swap3A_3381 = arith.constant 160 : index
    %swap3A_3382 = tpu.vector_load %arg7[%swap3A_3380, %swap3A_3381] {strides = array<i32>} : memref<32x256xf32, #tpu.memory_space<vmem>>, vector<1x16xf32>,
    %swap3A_3383 = vector.shape_cast %swap3A_3382 : vector<1x16xf32> to vector<16xf32>
    %swap3A_3384 = vector.shape_cast %get3A_3210 : vector<16xf32> to vector<1x16xf32>
    tpu.vector_store %arg7[%swap3A_3380, %swap3A_3381], %swap3A_3384 {strides = array<i32>} : memref<32x256xf32, #tpu.memory_space<vmem>>, vector<1x16xf32>,
    %swap3A_3385 = arith.constant 29 : i32
    %swap3A_3386 = arith.index_cast %swap3A_3385 : i32 to index
    %swap3A_3387 = arith.constant 160 : index
    %swap3A_3388 = tpu.vector_load %arg7[%swap3A_3386, %swap3A_3387] {strides = array<i32>} : memref<32x256xf32, #tpu.memory_space<vmem>>, vector<1x16xf32>,
    %swap3A_3389 = vector.shape_cast %swap3A_3388 : vector<1x16xf32> to vector<16xf32>
    %swap3A_3390 = vector.shape_cast %get3A_3210 : vector<16xf32> to vector<1x16xf32>
    tpu.vector_store %arg7[%swap3A_3386, %swap3A_3387], %swap3A_3390 {strides = array<i32>} : memref<32x256xf32, #tpu.memory_space<vmem>>, vector<1x16xf32>,
    %swap3A_3391 = arith.constant 30 : i32
    %swap3A_3392 = arith.index_cast %swap3A_3391 : i32 to index
    %swap3A_3393 = arith.constant 160 : index
    %swap3A_3394 = tpu.vector_load %arg7[%swap3A_3392, %swap3A_3393] {strides = array<i32>} : memref<32x256xf32, #tpu.memory_space<vmem>>, vector<1x16xf32>,
    %swap3A_3395 = vector.shape_cast %swap3A_3394 : vector<1x16xf32> to vector<16xf32>
    %swap3A_3396 = vector.shape_cast %get3A_3210 : vector<16xf32> to vector<1x16xf32>
    tpu.vector_store %arg7[%swap3A_3392, %swap3A_3393], %swap3A_3396 {strides = array<i32>} : memref<32x256xf32, #tpu.memory_space<vmem>>, vector<1x16xf32>,
    %swap3A_3397 = arith.constant 31 : i32
    %swap3A_3398 = arith.index_cast %swap3A_3397 : i32 to index
    %swap3A_3399 = arith.constant 160 : index
    %swap3A_3400 = tpu.vector_load %arg7[%swap3A_3398, %swap3A_3399] {strides = array<i32>} : memref<32x256xf32, #tpu.memory_space<vmem>>, vector<1x16xf32>,
    %swap3A_3401 = vector.shape_cast %swap3A_3400 : vector<1x16xf32> to vector<16xf32>
    %swap3A_3402 = vector.shape_cast %get3A_3210 : vector<16xf32> to vector<1x16xf32>
    tpu.vector_store %arg7[%swap3A_3398, %swap3A_3399], %swap3A_3402 {strides = array<i32>} : memref<32x256xf32, #tpu.memory_space<vmem>>, vector<1x16xf32>,
    %get3A_3403 = arith.index_cast %add3A : i32 to index
    %get3A_3404 = arith.constant 48 : index
    %get3A_3405 = tpu.vector_load %arg6[%get3A_3403, %get3A_3404] {strides = array<i32>} : memref<32x128xf32, #tpu.memory_space<vmem>>, vector<1x16xf32>,
    %get3A_3406 = vector.shape_cast %get3A_3405 : vector<1x16xf32> to vector<16xf32>
    %swap3A_3407 = arith.constant 0 : i32
    %swap3A_3408 = arith.index_cast %swap3A_3407 : i32 to index
    %swap3A_3409 = arith.constant 176 : index
    %swap3A_3410 = tpu.vector_load %arg7[%swap3A_3408, %swap3A_3409] {strides = array<i32>} : memref<32x256xf32, #tpu.memory_space<vmem>>, vector<1x16xf32>,
    %swap3A_3411 = vector.shape_cast %swap3A_3410 : vector<1x16xf32> to vector<16xf32>
    %swap3A_3412 = vector.shape_cast %get3A_3406 : vector<16xf32> to vector<1x16xf32>
    tpu.vector_store %arg7[%swap3A_3408, %swap3A_3409], %swap3A_3412 {strides = array<i32>} : memref<32x256xf32, #tpu.memory_space<vmem>>, vector<1x16xf32>,
    %swap3A_3413 = arith.constant 1 : i32
    %swap3A_3414 = arith.index_cast %swap3A_3413 : i32 to index
    %swap3A_3415 = arith.constant 176 : index
    %swap3A_3416 = tpu.vector_load %arg7[%swap3A_3414, %swap3A_3415] {strides = array<i32>} : memref<32x256xf32, #tpu.memory_space<vmem>>, vector<1x16xf32>,
    %swap3A_3417 = vector.shape_cast %swap3A_3416 : vector<1x16xf32> to vector<16xf32>
    %swap3A_3418 = vector.shape_cast %get3A_3406 : vector<16xf32> to vector<1x16xf32>
    tpu.vector_store %arg7[%swap3A_3414, %swap3A_3415], %swap3A_3418 {strides = array<i32>} : memref<32x256xf32, #tpu.memory_space<vmem>>, vector<1x16xf32>,
    %swap3A_3419 = arith.constant 2 : i32
    %swap3A_3420 = arith.index_cast %swap3A_3419 : i32 to index
    %swap3A_3421 = arith.constant 176 : index
    %swap3A_3422 = tpu.vector_load %arg7[%swap3A_3420, %swap3A_3421] {strides = array<i32>} : memref<32x256xf32, #tpu.memory_space<vmem>>, vector<1x16xf32>,
    %swap3A_3423 = vector.shape_cast %swap3A_3422 : vector<1x16xf32> to vector<16xf32>
    %swap3A_3424 = vector.shape_cast %get3A_3406 : vector<16xf32> to vector<1x16xf32>
    tpu.vector_store %arg7[%swap3A_3420, %swap3A_3421], %swap3A_3424 {strides = array<i32>} : memref<32x256xf32, #tpu.memory_space<vmem>>, vector<1x16xf32>,
    %swap3A_3425 = arith.constant 3 : i32
    %swap3A_3426 = arith.index_cast %swap3A_3425 : i32 to index
    %swap3A_3427 = arith.constant 176 : index
    %swap3A_3428 = tpu.vector_load %arg7[%swap3A_3426, %swap3A_3427] {strides = array<i32>} : memref<32x256xf32, #tpu.memory_space<vmem>>, vector<1x16xf32>,
    %swap3A_3429 = vector.shape_cast %swap3A_3428 : vector<1x16xf32> to vector<16xf32>
    %swap3A_3430 = vector.shape_cast %get3A_3406 : vector<16xf32> to vector<1x16xf32>
    tpu.vector_store %arg7[%swap3A_3426, %swap3A_3427], %swap3A_3430 {strides = array<i32>} : memref<32x256xf32, #tpu.memory_space<vmem>>, vector<1x16xf32>,
    %swap3A_3431 = arith.constant 4 : i32
    %swap3A_3432 = arith.index_cast %swap3A_3431 : i32 to index
    %swap3A_3433 = arith.constant 176 : index
    %swap3A_3434 = tpu.vector_load %arg7[%swap3A_3432, %swap3A_3433] {strides = array<i32>} : memref<32x256xf32, #tpu.memory_space<vmem>>, vector<1x16xf32>,
    %swap3A_3435 = vector.shape_cast %swap3A_3434 : vector<1x16xf32> to vector<16xf32>
    %swap3A_3436 = vector.shape_cast %get3A_3406 : vector<16xf32> to vector<1x16xf32>
    tpu.vector_store %arg7[%swap3A_3432, %swap3A_3433], %swap3A_3436 {strides = array<i32>} : memref<32x256xf32, #tpu.memory_space<vmem>>, vector<1x16xf32>,
    %swap3A_3437 = arith.constant 5 : i32
    %swap3A_3438 = arith.index_cast %swap3A_3437 : i32 to index
    %swap3A_3439 = arith.constant 176 : index
    %swap3A_3440 = tpu.vector_load %arg7[%swap3A_3438, %swap3A_3439] {strides = array<i32>} : memref<32x256xf32, #tpu.memory_space<vmem>>, vector<1x16xf32>,
    %swap3A_3441 = vector.shape_cast %swap3A_3440 : vector<1x16xf32> to vector<16xf32>
    %swap3A_3442 = vector.shape_cast %get3A_3406 : vector<16xf32> to vector<1x16xf32>
    tpu.vector_store %arg7[%swap3A_3438, %swap3A_3439], %swap3A_3442 {strides = array<i32>} : memref<32x256xf32, #tpu.memory_space<vmem>>, vector<1x16xf32>,
    %swap3A_3443 = arith.constant 6 : i32
    %swap3A_3444 = arith.index_cast %swap3A_3443 : i32 to index
    %swap3A_3445 = arith.constant 176 : index
    %swap3A_3446 = tpu.vector_load %arg7[%swap3A_3444, %swap3A_3445] {strides = array<i32>} : memref<32x256xf32, #tpu.memory_space<vmem>>, vector<1x16xf32>,
    %swap3A_3447 = vector.shape_cast %swap3A_3446 : vector<1x16xf32> to vector<16xf32>
    %swap3A_3448 = vector.shape_cast %get3A_3406 : vector<16xf32> to vector<1x16xf32>
    tpu.vector_store %arg7[%swap3A_3444, %swap3A_3445], %swap3A_3448 {strides = array<i32>} : memref<32x256xf32, #tpu.memory_space<vmem>>, vector<1x16xf32>,
    %swap3A_3449 = arith.constant 7 : i32
    %swap3A_3450 = arith.index_cast %swap3A_3449 : i32 to index
    %swap3A_3451 = arith.constant 176 : index
    %swap3A_3452 = tpu.vector_load %arg7[%swap3A_3450, %swap3A_3451] {strides = array<i32>} : memref<32x256xf32, #tpu.memory_space<vmem>>, vector<1x16xf32>,
    %swap3A_3453 = vector.shape_cast %swap3A_3452 : vector<1x16xf32> to vector<16xf32>
    %swap3A_3454 = vector.shape_cast %get3A_3406 : vector<16xf32> to vector<1x16xf32>
    tpu.vector_store %arg7[%swap3A_3450, %swap3A_3451], %swap3A_3454 {strides = array<i32>} : memref<32x256xf32, #tpu.memory_space<vmem>>, vector<1x16xf32>,
    %swap3A_3455 = arith.constant 8 : i32
    %swap3A_3456 = arith.index_cast %swap3A_3455 : i32 to index
    %swap3A_3457 = arith.constant 176 : index
    %swap3A_3458 = tpu.vector_load %arg7[%swap3A_3456, %swap3A_3457] {strides = array<i32>} : memref<32x256xf32, #tpu.memory_space<vmem>>, vector<1x16xf32>,
    %swap3A_3459 = vector.shape_cast %swap3A_3458 : vector<1x16xf32> to vector<16xf32>
    %swap3A_3460 = vector.shape_cast %get3A_3406 : vector<16xf32> to vector<1x16xf32>
    tpu.vector_store %arg7[%swap3A_3456, %swap3A_3457], %swap3A_3460 {strides = array<i32>} : memref<32x256xf32, #tpu.memory_space<vmem>>, vector<1x16xf32>,
    %swap3A_3461 = arith.constant 9 : i32
    %swap3A_3462 = arith.index_cast %swap3A_3461 : i32 to index
    %swap3A_3463 = arith.constant 176 : index
    %swap3A_3464 = tpu.vector_load %arg7[%swap3A_3462, %swap3A_3463] {strides = array<i32>} : memref<32x256xf32, #tpu.memory_space<vmem>>, vector<1x16xf32>,
    %swap3A_3465 = vector.shape_cast %swap3A_3464 : vector<1x16xf32> to vector<16xf32>
    %swap3A_3466 = vector.shape_cast %get3A_3406 : vector<16xf32> to vector<1x16xf32>
    tpu.vector_store %arg7[%swap3A_3462, %swap3A_3463], %swap3A_3466 {strides = array<i32>} : memref<32x256xf32, #tpu.memory_space<vmem>>, vector<1x16xf32>,
    %swap3A_3467 = arith.constant 10 : i32
    %swap3A_3468 = arith.index_cast %swap3A_3467 : i32 to index
    %swap3A_3469 = arith.constant 176 : index
    %swap3A_3470 = tpu.vector_load %arg7[%swap3A_3468, %swap3A_3469] {strides = array<i32>} : memref<32x256xf32, #tpu.memory_space<vmem>>, vector<1x16xf32>,
    %swap3A_3471 = vector.shape_cast %swap3A_3470 : vector<1x16xf32> to vector<16xf32>
    %swap3A_3472 = vector.shape_cast %get3A_3406 : vector<16xf32> to vector<1x16xf32>
    tpu.vector_store %arg7[%swap3A_3468, %swap3A_3469], %swap3A_3472 {strides = array<i32>} : memref<32x256xf32, #tpu.memory_space<vmem>>, vector<1x16xf32>,
    %swap3A_3473 = arith.constant 11 : i32
    %swap3A_3474 = arith.index_cast %swap3A_3473 : i32 to index
    %swap3A_3475 = arith.constant 176 : index
    %swap3A_3476 = tpu.vector_load %arg7[%swap3A_3474, %swap3A_3475] {strides = array<i32>} : memref<32x256xf32, #tpu.memory_space<vmem>>, vector<1x16xf32>,
    %swap3A_3477 = vector.shape_cast %swap3A_3476 : vector<1x16xf32> to vector<16xf32>
    %swap3A_3478 = vector.shape_cast %get3A_3406 : vector<16xf32> to vector<1x16xf32>
    tpu.vector_store %arg7[%swap3A_3474, %swap3A_3475], %swap3A_3478 {strides = array<i32>} : memref<32x256xf32, #tpu.memory_space<vmem>>, vector<1x16xf32>,
    %swap3A_3479 = arith.constant 12 : i32
    %swap3A_3480 = arith.index_cast %swap3A_3479 : i32 to index
    %swap3A_3481 = arith.constant 176 : index
    %swap3A_3482 = tpu.vector_load %arg7[%swap3A_3480, %swap3A_3481] {strides = array<i32>} : memref<32x256xf32, #tpu.memory_space<vmem>>, vector<1x16xf32>,
    %swap3A_3483 = vector.shape_cast %swap3A_3482 : vector<1x16xf32> to vector<16xf32>
    %swap3A_3484 = vector.shape_cast %get3A_3406 : vector<16xf32> to vector<1x16xf32>
    tpu.vector_store %arg7[%swap3A_3480, %swap3A_3481], %swap3A_3484 {strides = array<i32>} : memref<32x256xf32, #tpu.memory_space<vmem>>, vector<1x16xf32>,
    %swap3A_3485 = arith.constant 13 : i32
    %swap3A_3486 = arith.index_cast %swap3A_3485 : i32 to index
    %swap3A_3487 = arith.constant 176 : index
    %swap3A_3488 = tpu.vector_load %arg7[%swap3A_3486, %swap3A_3487] {strides = array<i32>} : memref<32x256xf32, #tpu.memory_space<vmem>>, vector<1x16xf32>,
    %swap3A_3489 = vector.shape_cast %swap3A_3488 : vector<1x16xf32> to vector<16xf32>
    %swap3A_3490 = vector.shape_cast %get3A_3406 : vector<16xf32> to vector<1x16xf32>
    tpu.vector_store %arg7[%swap3A_3486, %swap3A_3487], %swap3A_3490 {strides = array<i32>} : memref<32x256xf32, #tpu.memory_space<vmem>>, vector<1x16xf32>,
    %swap3A_3491 = arith.constant 14 : i32
    %swap3A_3492 = arith.index_cast %swap3A_3491 : i32 to index
    %swap3A_3493 = arith.constant 176 : index
    %swap3A_3494 = tpu.vector_load %arg7[%swap3A_3492, %swap3A_3493] {strides = array<i32>} : memref<32x256xf32, #tpu.memory_space<vmem>>, vector<1x16xf32>,
    %swap3A_3495 = vector.shape_cast %swap3A_3494 : vector<1x16xf32> to vector<16xf32>
    %swap3A_3496 = vector.shape_cast %get3A_3406 : vector<16xf32> to vector<1x16xf32>
    tpu.vector_store %arg7[%swap3A_3492, %swap3A_3493], %swap3A_3496 {strides = array<i32>} : memref<32x256xf32, #tpu.memory_space<vmem>>, vector<1x16xf32>,
    %swap3A_3497 = arith.constant 15 : i32
    %swap3A_3498 = arith.index_cast %swap3A_3497 : i32 to index
    %swap3A_3499 = arith.constant 176 : index
    %swap3A_3500 = tpu.vector_load %arg7[%swap3A_3498, %swap3A_3499] {strides = array<i32>} : memref<32x256xf32, #tpu.memory_space<vmem>>, vector<1x16xf32>,
    %swap3A_3501 = vector.shape_cast %swap3A_3500 : vector<1x16xf32> to vector<16xf32>
    %swap3A_3502 = vector.shape_cast %get3A_3406 : vector<16xf32> to vector<1x16xf32>
    tpu.vector_store %arg7[%swap3A_3498, %swap3A_3499], %swap3A_3502 {strides = array<i32>} : memref<32x256xf32, #tpu.memory_space<vmem>>, vector<1x16xf32>,
    %swap3A_3503 = arith.constant 16 : i32
    %swap3A_3504 = arith.index_cast %swap3A_3503 : i32 to index
    %swap3A_3505 = arith.constant 176 : index
    %swap3A_3506 = tpu.vector_load %arg7[%swap3A_3504, %swap3A_3505] {strides = array<i32>} : memref<32x256xf32, #tpu.memory_space<vmem>>, vector<1x16xf32>,
    %swap3A_3507 = vector.shape_cast %swap3A_3506 : vector<1x16xf32> to vector<16xf32>
    %swap3A_3508 = vector.shape_cast %get3A_3406 : vector<16xf32> to vector<1x16xf32>
    tpu.vector_store %arg7[%swap3A_3504, %swap3A_3505], %swap3A_3508 {strides = array<i32>} : memref<32x256xf32, #tpu.memory_space<vmem>>, vector<1x16xf32>,
    %swap3A_3509 = arith.constant 17 : i32
    %swap3A_3510 = arith.index_cast %swap3A_3509 : i32 to index
    %swap3A_3511 = arith.constant 176 : index
    %swap3A_3512 = tpu.vector_load %arg7[%swap3A_3510, %swap3A_3511] {strides = array<i32>} : memref<32x256xf32, #tpu.memory_space<vmem>>, vector<1x16xf32>,
    %swap3A_3513 = vector.shape_cast %swap3A_3512 : vector<1x16xf32> to vector<16xf32>
    %swap3A_3514 = vector.shape_cast %get3A_3406 : vector<16xf32> to vector<1x16xf32>
    tpu.vector_store %arg7[%swap3A_3510, %swap3A_3511], %swap3A_3514 {strides = array<i32>} : memref<32x256xf32, #tpu.memory_space<vmem>>, vector<1x16xf32>,
    %swap3A_3515 = arith.constant 18 : i32
    %swap3A_3516 = arith.index_cast %swap3A_3515 : i32 to index
    %swap3A_3517 = arith.constant 176 : index
    %swap3A_3518 = tpu.vector_load %arg7[%swap3A_3516, %swap3A_3517] {strides = array<i32>} : memref<32x256xf32, #tpu.memory_space<vmem>>, vector<1x16xf32>,
    %swap3A_3519 = vector.shape_cast %swap3A_3518 : vector<1x16xf32> to vector<16xf32>
    %swap3A_3520 = vector.shape_cast %get3A_3406 : vector<16xf32> to vector<1x16xf32>
    tpu.vector_store %arg7[%swap3A_3516, %swap3A_3517], %swap3A_3520 {strides = array<i32>} : memref<32x256xf32, #tpu.memory_space<vmem>>, vector<1x16xf32>,
    %swap3A_3521 = arith.constant 19 : i32
    %swap3A_3522 = arith.index_cast %swap3A_3521 : i32 to index
    %swap3A_3523 = arith.constant 176 : index
    %swap3A_3524 = tpu.vector_load %arg7[%swap3A_3522, %swap3A_3523] {strides = array<i32>} : memref<32x256xf32, #tpu.memory_space<vmem>>, vector<1x16xf32>,
    %swap3A_3525 = vector.shape_cast %swap3A_3524 : vector<1x16xf32> to vector<16xf32>
    %swap3A_3526 = vector.shape_cast %get3A_3406 : vector<16xf32> to vector<1x16xf32>
    tpu.vector_store %arg7[%swap3A_3522, %swap3A_3523], %swap3A_3526 {strides = array<i32>} : memref<32x256xf32, #tpu.memory_space<vmem>>, vector<1x16xf32>,
    %swap3A_3527 = arith.constant 20 : i32
    %swap3A_3528 = arith.index_cast %swap3A_3527 : i32 to index
    %swap3A_3529 = arith.constant 176 : index
    %swap3A_3530 = tpu.vector_load %arg7[%swap3A_3528, %swap3A_3529] {strides = array<i32>} : memref<32x256xf32, #tpu.memory_space<vmem>>, vector<1x16xf32>,
    %swap3A_3531 = vector.shape_cast %swap3A_3530 : vector<1x16xf32> to vector<16xf32>
    %swap3A_3532 = vector.shape_cast %get3A_3406 : vector<16xf32> to vector<1x16xf32>
    tpu.vector_store %arg7[%swap3A_3528, %swap3A_3529], %swap3A_3532 {strides = array<i32>} : memref<32x256xf32, #tpu.memory_space<vmem>>, vector<1x16xf32>,
    %swap3A_3533 = arith.constant 21 : i32
    %swap3A_3534 = arith.index_cast %swap3A_3533 : i32 to index
    %swap3A_3535 = arith.constant 176 : index
    %swap3A_3536 = tpu.vector_load %arg7[%swap3A_3534, %swap3A_3535] {strides = array<i32>} : memref<32x256xf32, #tpu.memory_space<vmem>>, vector<1x16xf32>,
    %swap3A_3537 = vector.shape_cast %swap3A_3536 : vector<1x16xf32> to vector<16xf32>
    %swap3A_3538 = vector.shape_cast %get3A_3406 : vector<16xf32> to vector<1x16xf32>
    tpu.vector_store %arg7[%swap3A_3534, %swap3A_3535], %swap3A_3538 {strides = array<i32>} : memref<32x256xf32, #tpu.memory_space<vmem>>, vector<1x16xf32>,
    %swap3A_3539 = arith.constant 22 : i32
    %swap3A_3540 = arith.index_cast %swap3A_3539 : i32 to index
    %swap3A_3541 = arith.constant 176 : index
    %swap3A_3542 = tpu.vector_load %arg7[%swap3A_3540, %swap3A_3541] {strides = array<i32>} : memref<32x256xf32, #tpu.memory_space<vmem>>, vector<1x16xf32>,
    %swap3A_3543 = vector.shape_cast %swap3A_3542 : vector<1x16xf32> to vector<16xf32>
    %swap3A_3544 = vector.shape_cast %get3A_3406 : vector<16xf32> to vector<1x16xf32>
    tpu.vector_store %arg7[%swap3A_3540, %swap3A_3541], %swap3A_3544 {strides = array<i32>} : memref<32x256xf32, #tpu.memory_space<vmem>>, vector<1x16xf32>,
    %swap3A_3545 = arith.constant 23 : i32
    %swap3A_3546 = arith.index_cast %swap3A_3545 : i32 to index
    %swap3A_3547 = arith.constant 176 : index
    %swap3A_3548 = tpu.vector_load %arg7[%swap3A_3546, %swap3A_3547] {strides = array<i32>} : memref<32x256xf32, #tpu.memory_space<vmem>>, vector<1x16xf32>,
    %swap3A_3549 = vector.shape_cast %swap3A_3548 : vector<1x16xf32> to vector<16xf32>
    %swap3A_3550 = vector.shape_cast %get3A_3406 : vector<16xf32> to vector<1x16xf32>
    tpu.vector_store %arg7[%swap3A_3546, %swap3A_3547], %swap3A_3550 {strides = array<i32>} : memref<32x256xf32, #tpu.memory_space<vmem>>, vector<1x16xf32>,
    %swap3A_3551 = arith.constant 24 : i32
    %swap3A_3552 = arith.index_cast %swap3A_3551 : i32 to index
    %swap3A_3553 = arith.constant 176 : index
    %swap3A_3554 = tpu.vector_load %arg7[%swap3A_3552, %swap3A_3553] {strides = array<i32>} : memref<32x256xf32, #tpu.memory_space<vmem>>, vector<1x16xf32>,
    %swap3A_3555 = vector.shape_cast %swap3A_3554 : vector<1x16xf32> to vector<16xf32>
    %swap3A_3556 = vector.shape_cast %get3A_3406 : vector<16xf32> to vector<1x16xf32>
    tpu.vector_store %arg7[%swap3A_3552, %swap3A_3553], %swap3A_3556 {strides = array<i32>} : memref<32x256xf32, #tpu.memory_space<vmem>>, vector<1x16xf32>,
    %swap3A_3557 = arith.constant 25 : i32
    %swap3A_3558 = arith.index_cast %swap3A_3557 : i32 to index
    %swap3A_3559 = arith.constant 176 : index
    %swap3A_3560 = tpu.vector_load %arg7[%swap3A_3558, %swap3A_3559] {strides = array<i32>} : memref<32x256xf32, #tpu.memory_space<vmem>>, vector<1x16xf32>,
    %swap3A_3561 = vector.shape_cast %swap3A_3560 : vector<1x16xf32> to vector<16xf32>
    %swap3A_3562 = vector.shape_cast %get3A_3406 : vector<16xf32> to vector<1x16xf32>
    tpu.vector_store %arg7[%swap3A_3558, %swap3A_3559], %swap3A_3562 {strides = array<i32>} : memref<32x256xf32, #tpu.memory_space<vmem>>, vector<1x16xf32>,
    %swap3A_3563 = arith.constant 26 : i32
    %swap3A_3564 = arith.index_cast %swap3A_3563 : i32 to index
    %swap3A_3565 = arith.constant 176 : index
    %swap3A_3566 = tpu.vector_load %arg7[%swap3A_3564, %swap3A_3565] {strides = array<i32>} : memref<32x256xf32, #tpu.memory_space<vmem>>, vector<1x16xf32>,
    %swap3A_3567 = vector.shape_cast %swap3A_3566 : vector<1x16xf32> to vector<16xf32>
    %swap3A_3568 = vector.shape_cast %get3A_3406 : vector<16xf32> to vector<1x16xf32>
    tpu.vector_store %arg7[%swap3A_3564, %swap3A_3565], %swap3A_3568 {strides = array<i32>} : memref<32x256xf32, #tpu.memory_space<vmem>>, vector<1x16xf32>,
    %swap3A_3569 = arith.constant 27 : i32
    %swap3A_3570 = arith.index_cast %swap3A_3569 : i32 to index
    %swap3A_3571 = arith.constant 176 : index
    %swap3A_3572 = tpu.vector_load %arg7[%swap3A_3570, %swap3A_3571] {strides = array<i32>} : memref<32x256xf32, #tpu.memory_space<vmem>>, vector<1x16xf32>,
    %swap3A_3573 = vector.shape_cast %swap3A_3572 : vector<1x16xf32> to vector<16xf32>
    %swap3A_3574 = vector.shape_cast %get3A_3406 : vector<16xf32> to vector<1x16xf32>
    tpu.vector_store %arg7[%swap3A_3570, %swap3A_3571], %swap3A_3574 {strides = array<i32>} : memref<32x256xf32, #tpu.memory_space<vmem>>, vector<1x16xf32>,
    %swap3A_3575 = arith.constant 28 : i32
    %swap3A_3576 = arith.index_cast %swap3A_3575 : i32 to index
    %swap3A_3577 = arith.constant 176 : index
    %swap3A_3578 = tpu.vector_load %arg7[%swap3A_3576, %swap3A_3577] {strides = array<i32>} : memref<32x256xf32, #tpu.memory_space<vmem>>, vector<1x16xf32>,
    %swap3A_3579 = vector.shape_cast %swap3A_3578 : vector<1x16xf32> to vector<16xf32>
    %swap3A_3580 = vector.shape_cast %get3A_3406 : vector<16xf32> to vector<1x16xf32>
    tpu.vector_store %arg7[%swap3A_3576, %swap3A_3577], %swap3A_3580 {strides = array<i32>} : memref<32x256xf32, #tpu.memory_space<vmem>>, vector<1x16xf32>,
    %swap3A_3581 = arith.constant 29 : i32
    %swap3A_3582 = arith.index_cast %swap3A_3581 : i32 to index
    %swap3A_3583 = arith.constant 176 : index
    %swap3A_3584 = tpu.vector_load %arg7[%swap3A_3582, %swap3A_3583] {strides = array<i32>} : memref<32x256xf32, #tpu.memory_space<vmem>>, vector<1x16xf32>,
    %swap3A_3585 = vector.shape_cast %swap3A_3584 : vector<1x16xf32> to vector<16xf32>
    %swap3A_3586 = vector.shape_cast %get3A_3406 : vector<16xf32> to vector<1x16xf32>
    tpu.vector_store %arg7[%swap3A_3582, %swap3A_3583], %swap3A_3586 {strides = array<i32>} : memref<32x256xf32, #tpu.memory_space<vmem>>, vector<1x16xf32>,
    %swap3A_3587 = arith.constant 30 : i32
    %swap3A_3588 = arith.index_cast %swap3A_3587 : i32 to index
    %swap3A_3589 = arith.constant 176 : index
    %swap3A_3590 = tpu.vector_load %arg7[%swap3A_3588, %swap3A_3589] {strides = array<i32>} : memref<32x256xf32, #tpu.memory_space<vmem>>, vector<1x16xf32>,
    %swap3A_3591 = vector.shape_cast %swap3A_3590 : vector<1x16xf32> to vector<16xf32>
    %swap3A_3592 = vector.shape_cast %get3A_3406 : vector<16xf32> to vector<1x16xf32>
    tpu.vector_store %arg7[%swap3A_3588, %swap3A_3589], %swap3A_3592 {strides = array<i32>} : memref<32x256xf32, #tpu.memory_space<vmem>>, vector<1x16xf32>,
    %swap3A_3593 = arith.constant 31 : i32
    %swap3A_3594 = arith.index_cast %swap3A_3593 : i32 to index
    %swap3A_3595 = arith.constant 176 : index
    %swap3A_3596 = tpu.vector_load %arg7[%swap3A_3594, %swap3A_3595] {strides = array<i32>} : memref<32x256xf32, #tpu.memory_space<vmem>>, vector<1x16xf32>,
    %swap3A_3597 = vector.shape_cast %swap3A_3596 : vector<1x16xf32> to vector<16xf32>
    %swap3A_3598 = vector.shape_cast %get3A_3406 : vector<16xf32> to vector<1x16xf32>
    tpu.vector_store %arg7[%swap3A_3594, %swap3A_3595], %swap3A_3598 {strides = array<i32>} : memref<32x256xf32, #tpu.memory_space<vmem>>, vector<1x16xf32>,
    %get3A_3599 = arith.index_cast %add3A : i32 to index
    %get3A_3600 = arith.constant 64 : index
    %get3A_3601 = tpu.vector_load %arg6[%get3A_3599, %get3A_3600] {strides = array<i32>} : memref<32x128xf32, #tpu.memory_space<vmem>>, vector<1x16xf32>,
    %get3A_3602 = vector.shape_cast %get3A_3601 : vector<1x16xf32> to vector<16xf32>
    %swap3A_3603 = arith.constant 0 : i32
    %swap3A_3604 = arith.index_cast %swap3A_3603 : i32 to index
    %swap3A_3605 = arith.constant 192 : index
    %swap3A_3606 = tpu.vector_load %arg7[%swap3A_3604, %swap3A_3605] {strides = array<i32>} : memref<32x256xf32, #tpu.memory_space<vmem>>, vector<1x16xf32>,
    %swap3A_3607 = vector.shape_cast %swap3A_3606 : vector<1x16xf32> to vector<16xf32>
    %swap3A_3608 = vector.shape_cast %get3A_3602 : vector<16xf32> to vector<1x16xf32>
    tpu.vector_store %arg7[%swap3A_3604, %swap3A_3605], %swap3A_3608 {strides = array<i32>} : memref<32x256xf32, #tpu.memory_space<vmem>>, vector<1x16xf32>,
    %swap3A_3609 = arith.constant 1 : i32
    %swap3A_3610 = arith.index_cast %swap3A_3609 : i32 to index
    %swap3A_3611 = arith.constant 192 : index
    %swap3A_3612 = tpu.vector_load %arg7[%swap3A_3610, %swap3A_3611] {strides = array<i32>} : memref<32x256xf32, #tpu.memory_space<vmem>>, vector<1x16xf32>,
    %swap3A_3613 = vector.shape_cast %swap3A_3612 : vector<1x16xf32> to vector<16xf32>
    %swap3A_3614 = vector.shape_cast %get3A_3602 : vector<16xf32> to vector<1x16xf32>
    tpu.vector_store %arg7[%swap3A_3610, %swap3A_3611], %swap3A_3614 {strides = array<i32>} : memref<32x256xf32, #tpu.memory_space<vmem>>, vector<1x16xf32>,
    %swap3A_3615 = arith.constant 2 : i32
    %swap3A_3616 = arith.index_cast %swap3A_3615 : i32 to index
    %swap3A_3617 = arith.constant 192 : index
    %swap3A_3618 = tpu.vector_load %arg7[%swap3A_3616, %swap3A_3617] {strides = array<i32>} : memref<32x256xf32, #tpu.memory_space<vmem>>, vector<1x16xf32>,
    %swap3A_3619 = vector.shape_cast %swap3A_3618 : vector<1x16xf32> to vector<16xf32>
    %swap3A_3620 = vector.shape_cast %get3A_3602 : vector<16xf32> to vector<1x16xf32>
    tpu.vector_store %arg7[%swap3A_3616, %swap3A_3617], %swap3A_3620 {strides = array<i32>} : memref<32x256xf32, #tpu.memory_space<vmem>>, vector<1x16xf32>,
    %swap3A_3621 = arith.constant 3 : i32
    %swap3A_3622 = arith.index_cast %swap3A_3621 : i32 to index
    %swap3A_3623 = arith.constant 192 : index
    %swap3A_3624 = tpu.vector_load %arg7[%swap3A_3622, %swap3A_3623] {strides = array<i32>} : memref<32x256xf32, #tpu.memory_space<vmem>>, vector<1x16xf32>,
    %swap3A_3625 = vector.shape_cast %swap3A_3624 : vector<1x16xf32> to vector<16xf32>
    %swap3A_3626 = vector.shape_cast %get3A_3602 : vector<16xf32> to vector<1x16xf32>
    tpu.vector_store %arg7[%swap3A_3622, %swap3A_3623], %swap3A_3626 {strides = array<i32>} : memref<32x256xf32, #tpu.memory_space<vmem>>, vector<1x16xf32>,
    %swap3A_3627 = arith.constant 4 : i32
    %swap3A_3628 = arith.index_cast %swap3A_3627 : i32 to index
    %swap3A_3629 = arith.constant 192 : index
    %swap3A_3630 = tpu.vector_load %arg7[%swap3A_3628, %swap3A_3629] {strides = array<i32>} : memref<32x256xf32, #tpu.memory_space<vmem>>, vector<1x16xf32>,
    %swap3A_3631 = vector.shape_cast %swap3A_3630 : vector<1x16xf32> to vector<16xf32>
    %swap3A_3632 = vector.shape_cast %get3A_3602 : vector<16xf32> to vector<1x16xf32>
    tpu.vector_store %arg7[%swap3A_3628, %swap3A_3629], %swap3A_3632 {strides = array<i32>} : memref<32x256xf32, #tpu.memory_space<vmem>>, vector<1x16xf32>,
    %swap3A_3633 = arith.constant 5 : i32
    %swap3A_3634 = arith.index_cast %swap3A_3633 : i32 to index
    %swap3A_3635 = arith.constant 192 : index
    %swap3A_3636 = tpu.vector_load %arg7[%swap3A_3634, %swap3A_3635] {strides = array<i32>} : memref<32x256xf32, #tpu.memory_space<vmem>>, vector<1x16xf32>,
    %swap3A_3637 = vector.shape_cast %swap3A_3636 : vector<1x16xf32> to vector<16xf32>
    %swap3A_3638 = vector.shape_cast %get3A_3602 : vector<16xf32> to vector<1x16xf32>
    tpu.vector_store %arg7[%swap3A_3634, %swap3A_3635], %swap3A_3638 {strides = array<i32>} : memref<32x256xf32, #tpu.memory_space<vmem>>, vector<1x16xf32>,
    %swap3A_3639 = arith.constant 6 : i32
    %swap3A_3640 = arith.index_cast %swap3A_3639 : i32 to index
    %swap3A_3641 = arith.constant 192 : index
    %swap3A_3642 = tpu.vector_load %arg7[%swap3A_3640, %swap3A_3641] {strides = array<i32>} : memref<32x256xf32, #tpu.memory_space<vmem>>, vector<1x16xf32>,
    %swap3A_3643 = vector.shape_cast %swap3A_3642 : vector<1x16xf32> to vector<16xf32>
    %swap3A_3644 = vector.shape_cast %get3A_3602 : vector<16xf32> to vector<1x16xf32>
    tpu.vector_store %arg7[%swap3A_3640, %swap3A_3641], %swap3A_3644 {strides = array<i32>} : memref<32x256xf32, #tpu.memory_space<vmem>>, vector<1x16xf32>,
    %swap3A_3645 = arith.constant 7 : i32
    %swap3A_3646 = arith.index_cast %swap3A_3645 : i32 to index
    %swap3A_3647 = arith.constant 192 : index
    %swap3A_3648 = tpu.vector_load %arg7[%swap3A_3646, %swap3A_3647] {strides = array<i32>} : memref<32x256xf32, #tpu.memory_space<vmem>>, vector<1x16xf32>,
    %swap3A_3649 = vector.shape_cast %swap3A_3648 : vector<1x16xf32> to vector<16xf32>
    %swap3A_3650 = vector.shape_cast %get3A_3602 : vector<16xf32> to vector<1x16xf32>
    tpu.vector_store %arg7[%swap3A_3646, %swap3A_3647], %swap3A_3650 {strides = array<i32>} : memref<32x256xf32, #tpu.memory_space<vmem>>, vector<1x16xf32>,
    %swap3A_3651 = arith.constant 8 : i32
    %swap3A_3652 = arith.index_cast %swap3A_3651 : i32 to index
    %swap3A_3653 = arith.constant 192 : index
    %swap3A_3654 = tpu.vector_load %arg7[%swap3A_3652, %swap3A_3653] {strides = array<i32>} : memref<32x256xf32, #tpu.memory_space<vmem>>, vector<1x16xf32>,
    %swap3A_3655 = vector.shape_cast %swap3A_3654 : vector<1x16xf32> to vector<16xf32>
    %swap3A_3656 = vector.shape_cast %get3A_3602 : vector<16xf32> to vector<1x16xf32>
    tpu.vector_store %arg7[%swap3A_3652, %swap3A_3653], %swap3A_3656 {strides = array<i32>} : memref<32x256xf32, #tpu.memory_space<vmem>>, vector<1x16xf32>,
    %swap3A_3657 = arith.constant 9 : i32
    %swap3A_3658 = arith.index_cast %swap3A_3657 : i32 to index
    %swap3A_3659 = arith.constant 192 : index
    %swap3A_3660 = tpu.vector_load %arg7[%swap3A_3658, %swap3A_3659] {strides = array<i32>} : memref<32x256xf32, #tpu.memory_space<vmem>>, vector<1x16xf32>,
    %swap3A_3661 = vector.shape_cast %swap3A_3660 : vector<1x16xf32> to vector<16xf32>
    %swap3A_3662 = vector.shape_cast %get3A_3602 : vector<16xf32> to vector<1x16xf32>
    tpu.vector_store %arg7[%swap3A_3658, %swap3A_3659], %swap3A_3662 {strides = array<i32>} : memref<32x256xf32, #tpu.memory_space<vmem>>, vector<1x16xf32>,
    %swap3A_3663 = arith.constant 10 : i32
    %swap3A_3664 = arith.index_cast %swap3A_3663 : i32 to index
    %swap3A_3665 = arith.constant 192 : index
    %swap3A_3666 = tpu.vector_load %arg7[%swap3A_3664, %swap3A_3665] {strides = array<i32>} : memref<32x256xf32, #tpu.memory_space<vmem>>, vector<1x16xf32>,
    %swap3A_3667 = vector.shape_cast %swap3A_3666 : vector<1x16xf32> to vector<16xf32>
    %swap3A_3668 = vector.shape_cast %get3A_3602 : vector<16xf32> to vector<1x16xf32>
    tpu.vector_store %arg7[%swap3A_3664, %swap3A_3665], %swap3A_3668 {strides = array<i32>} : memref<32x256xf32, #tpu.memory_space<vmem>>, vector<1x16xf32>,
    %swap3A_3669 = arith.constant 11 : i32
    %swap3A_3670 = arith.index_cast %swap3A_3669 : i32 to index
    %swap3A_3671 = arith.constant 192 : index
    %swap3A_3672 = tpu.vector_load %arg7[%swap3A_3670, %swap3A_3671] {strides = array<i32>} : memref<32x256xf32, #tpu.memory_space<vmem>>, vector<1x16xf32>,
    %swap3A_3673 = vector.shape_cast %swap3A_3672 : vector<1x16xf32> to vector<16xf32>
    %swap3A_3674 = vector.shape_cast %get3A_3602 : vector<16xf32> to vector<1x16xf32>
    tpu.vector_store %arg7[%swap3A_3670, %swap3A_3671], %swap3A_3674 {strides = array<i32>} : memref<32x256xf32, #tpu.memory_space<vmem>>, vector<1x16xf32>,
    %swap3A_3675 = arith.constant 12 : i32
    %swap3A_3676 = arith.index_cast %swap3A_3675 : i32 to index
    %swap3A_3677 = arith.constant 192 : index
    %swap3A_3678 = tpu.vector_load %arg7[%swap3A_3676, %swap3A_3677] {strides = array<i32>} : memref<32x256xf32, #tpu.memory_space<vmem>>, vector<1x16xf32>,
    %swap3A_3679 = vector.shape_cast %swap3A_3678 : vector<1x16xf32> to vector<16xf32>
    %swap3A_3680 = vector.shape_cast %get3A_3602 : vector<16xf32> to vector<1x16xf32>
    tpu.vector_store %arg7[%swap3A_3676, %swap3A_3677], %swap3A_3680 {strides = array<i32>} : memref<32x256xf32, #tpu.memory_space<vmem>>, vector<1x16xf32>,
    %swap3A_3681 = arith.constant 13 : i32
    %swap3A_3682 = arith.index_cast %swap3A_3681 : i32 to index
    %swap3A_3683 = arith.constant 192 : index
    %swap3A_3684 = tpu.vector_load %arg7[%swap3A_3682, %swap3A_3683] {strides = array<i32>} : memref<32x256xf32, #tpu.memory_space<vmem>>, vector<1x16xf32>,
    %swap3A_3685 = vector.shape_cast %swap3A_3684 : vector<1x16xf32> to vector<16xf32>
    %swap3A_3686 = vector.shape_cast %get3A_3602 : vector<16xf32> to vector<1x16xf32>
    tpu.vector_store %arg7[%swap3A_3682, %swap3A_3683], %swap3A_3686 {strides = array<i32>} : memref<32x256xf32, #tpu.memory_space<vmem>>, vector<1x16xf32>,
    %swap3A_3687 = arith.constant 14 : i32
    %swap3A_3688 = arith.index_cast %swap3A_3687 : i32 to index
    %swap3A_3689 = arith.constant 192 : index
    %swap3A_3690 = tpu.vector_load %arg7[%swap3A_3688, %swap3A_3689] {strides = array<i32>} : memref<32x256xf32, #tpu.memory_space<vmem>>, vector<1x16xf32>,
    %swap3A_3691 = vector.shape_cast %swap3A_3690 : vector<1x16xf32> to vector<16xf32>
    %swap3A_3692 = vector.shape_cast %get3A_3602 : vector<16xf32> to vector<1x16xf32>
    tpu.vector_store %arg7[%swap3A_3688, %swap3A_3689], %swap3A_3692 {strides = array<i32>} : memref<32x256xf32, #tpu.memory_space<vmem>>, vector<1x16xf32>,
    %swap3A_3693 = arith.constant 15 : i32
    %swap3A_3694 = arith.index_cast %swap3A_3693 : i32 to index
    %swap3A_3695 = arith.constant 192 : index
    %swap3A_3696 = tpu.vector_load %arg7[%swap3A_3694, %swap3A_3695] {strides = array<i32>} : memref<32x256xf32, #tpu.memory_space<vmem>>, vector<1x16xf32>,
    %swap3A_3697 = vector.shape_cast %swap3A_3696 : vector<1x16xf32> to vector<16xf32>
    %swap3A_3698 = vector.shape_cast %get3A_3602 : vector<16xf32> to vector<1x16xf32>
    tpu.vector_store %arg7[%swap3A_3694, %swap3A_3695], %swap3A_3698 {strides = array<i32>} : memref<32x256xf32, #tpu.memory_space<vmem>>, vector<1x16xf32>,
    %swap3A_3699 = arith.constant 16 : i32
    %swap3A_3700 = arith.index_cast %swap3A_3699 : i32 to index
    %swap3A_3701 = arith.constant 192 : index
    %swap3A_3702 = tpu.vector_load %arg7[%swap3A_3700, %swap3A_3701] {strides = array<i32>} : memref<32x256xf32, #tpu.memory_space<vmem>>, vector<1x16xf32>,
    %swap3A_3703 = vector.shape_cast %swap3A_3702 : vector<1x16xf32> to vector<16xf32>
    %swap3A_3704 = vector.shape_cast %get3A_3602 : vector<16xf32> to vector<1x16xf32>
    tpu.vector_store %arg7[%swap3A_3700, %swap3A_3701], %swap3A_3704 {strides = array<i32>} : memref<32x256xf32, #tpu.memory_space<vmem>>, vector<1x16xf32>,
    %swap3A_3705 = arith.constant 17 : i32
    %swap3A_3706 = arith.index_cast %swap3A_3705 : i32 to index
    %swap3A_3707 = arith.constant 192 : index
    %swap3A_3708 = tpu.vector_load %arg7[%swap3A_3706, %swap3A_3707] {strides = array<i32>} : memref<32x256xf32, #tpu.memory_space<vmem>>, vector<1x16xf32>,
    %swap3A_3709 = vector.shape_cast %swap3A_3708 : vector<1x16xf32> to vector<16xf32>
    %swap3A_3710 = vector.shape_cast %get3A_3602 : vector<16xf32> to vector<1x16xf32>
    tpu.vector_store %arg7[%swap3A_3706, %swap3A_3707], %swap3A_3710 {strides = array<i32>} : memref<32x256xf32, #tpu.memory_space<vmem>>, vector<1x16xf32>,
    %swap3A_3711 = arith.constant 18 : i32
    %swap3A_3712 = arith.index_cast %swap3A_3711 : i32 to index
    %swap3A_3713 = arith.constant 192 : index
    %swap3A_3714 = tpu.vector_load %arg7[%swap3A_3712, %swap3A_3713] {strides = array<i32>} : memref<32x256xf32, #tpu.memory_space<vmem>>, vector<1x16xf32>,
    %swap3A_3715 = vector.shape_cast %swap3A_3714 : vector<1x16xf32> to vector<16xf32>
    %swap3A_3716 = vector.shape_cast %get3A_3602 : vector<16xf32> to vector<1x16xf32>
    tpu.vector_store %arg7[%swap3A_3712, %swap3A_3713], %swap3A_3716 {strides = array<i32>} : memref<32x256xf32, #tpu.memory_space<vmem>>, vector<1x16xf32>,
    %swap3A_3717 = arith.constant 19 : i32
    %swap3A_3718 = arith.index_cast %swap3A_3717 : i32 to index
    %swap3A_3719 = arith.constant 192 : index
    %swap3A_3720 = tpu.vector_load %arg7[%swap3A_3718, %swap3A_3719] {strides = array<i32>} : memref<32x256xf32, #tpu.memory_space<vmem>>, vector<1x16xf32>,
    %swap3A_3721 = vector.shape_cast %swap3A_3720 : vector<1x16xf32> to vector<16xf32>
    %swap3A_3722 = vector.shape_cast %get3A_3602 : vector<16xf32> to vector<1x16xf32>
    tpu.vector_store %arg7[%swap3A_3718, %swap3A_3719], %swap3A_3722 {strides = array<i32>} : memref<32x256xf32, #tpu.memory_space<vmem>>, vector<1x16xf32>,
    %swap3A_3723 = arith.constant 20 : i32
    %swap3A_3724 = arith.index_cast %swap3A_3723 : i32 to index
    %swap3A_3725 = arith.constant 192 : index
    %swap3A_3726 = tpu.vector_load %arg7[%swap3A_3724, %swap3A_3725] {strides = array<i32>} : memref<32x256xf32, #tpu.memory_space<vmem>>, vector<1x16xf32>,
    %swap3A_3727 = vector.shape_cast %swap3A_3726 : vector<1x16xf32> to vector<16xf32>
    %swap3A_3728 = vector.shape_cast %get3A_3602 : vector<16xf32> to vector<1x16xf32>
    tpu.vector_store %arg7[%swap3A_3724, %swap3A_3725], %swap3A_3728 {strides = array<i32>} : memref<32x256xf32, #tpu.memory_space<vmem>>, vector<1x16xf32>,
    %swap3A_3729 = arith.constant 21 : i32
    %swap3A_3730 = arith.index_cast %swap3A_3729 : i32 to index
    %swap3A_3731 = arith.constant 192 : index
    %swap3A_3732 = tpu.vector_load %arg7[%swap3A_3730, %swap3A_3731] {strides = array<i32>} : memref<32x256xf32, #tpu.memory_space<vmem>>, vector<1x16xf32>,
    %swap3A_3733 = vector.shape_cast %swap3A_3732 : vector<1x16xf32> to vector<16xf32>
    %swap3A_3734 = vector.shape_cast %get3A_3602 : vector<16xf32> to vector<1x16xf32>
    tpu.vector_store %arg7[%swap3A_3730, %swap3A_3731], %swap3A_3734 {strides = array<i32>} : memref<32x256xf32, #tpu.memory_space<vmem>>, vector<1x16xf32>,
    %swap3A_3735 = arith.constant 22 : i32
    %swap3A_3736 = arith.index_cast %swap3A_3735 : i32 to index
    %swap3A_3737 = arith.constant 192 : index
    %swap3A_3738 = tpu.vector_load %arg7[%swap3A_3736, %swap3A_3737] {strides = array<i32>} : memref<32x256xf32, #tpu.memory_space<vmem>>, vector<1x16xf32>,
    %swap3A_3739 = vector.shape_cast %swap3A_3738 : vector<1x16xf32> to vector<16xf32>
    %swap3A_3740 = vector.shape_cast %get3A_3602 : vector<16xf32> to vector<1x16xf32>
    tpu.vector_store %arg7[%swap3A_3736, %swap3A_3737], %swap3A_3740 {strides = array<i32>} : memref<32x256xf32, #tpu.memory_space<vmem>>, vector<1x16xf32>,
    %swap3A_3741 = arith.constant 23 : i32
    %swap3A_3742 = arith.index_cast %swap3A_3741 : i32 to index
    %swap3A_3743 = arith.constant 192 : index
    %swap3A_3744 = tpu.vector_load %arg7[%swap3A_3742, %swap3A_3743] {strides = array<i32>} : memref<32x256xf32, #tpu.memory_space<vmem>>, vector<1x16xf32>,
    %swap3A_3745 = vector.shape_cast %swap3A_3744 : vector<1x16xf32> to vector<16xf32>
    %swap3A_3746 = vector.shape_cast %get3A_3602 : vector<16xf32> to vector<1x16xf32>
    tpu.vector_store %arg7[%swap3A_3742, %swap3A_3743], %swap3A_3746 {strides = array<i32>} : memref<32x256xf32, #tpu.memory_space<vmem>>, vector<1x16xf32>,
    %swap3A_3747 = arith.constant 24 : i32
    %swap3A_3748 = arith.index_cast %swap3A_3747 : i32 to index
    %swap3A_3749 = arith.constant 192 : index
    %swap3A_3750 = tpu.vector_load %arg7[%swap3A_3748, %swap3A_3749] {strides = array<i32>} : memref<32x256xf32, #tpu.memory_space<vmem>>, vector<1x16xf32>,
    %swap3A_3751 = vector.shape_cast %swap3A_3750 : vector<1x16xf32> to vector<16xf32>
    %swap3A_3752 = vector.shape_cast %get3A_3602 : vector<16xf32> to vector<1x16xf32>
    tpu.vector_store %arg7[%swap3A_3748, %swap3A_3749], %swap3A_3752 {strides = array<i32>} : memref<32x256xf32, #tpu.memory_space<vmem>>, vector<1x16xf32>,
    %swap3A_3753 = arith.constant 25 : i32
    %swap3A_3754 = arith.index_cast %swap3A_3753 : i32 to index
    %swap3A_3755 = arith.constant 192 : index
    %swap3A_3756 = tpu.vector_load %arg7[%swap3A_3754, %swap3A_3755] {strides = array<i32>} : memref<32x256xf32, #tpu.memory_space<vmem>>, vector<1x16xf32>,
    %swap3A_3757 = vector.shape_cast %swap3A_3756 : vector<1x16xf32> to vector<16xf32>
    %swap3A_3758 = vector.shape_cast %get3A_3602 : vector<16xf32> to vector<1x16xf32>
    tpu.vector_store %arg7[%swap3A_3754, %swap3A_3755], %swap3A_3758 {strides = array<i32>} : memref<32x256xf32, #tpu.memory_space<vmem>>, vector<1x16xf32>,
    %swap3A_3759 = arith.constant 26 : i32
    %swap3A_3760 = arith.index_cast %swap3A_3759 : i32 to index
    %swap3A_3761 = arith.constant 192 : index
    %swap3A_3762 = tpu.vector_load %arg7[%swap3A_3760, %swap3A_3761] {strides = array<i32>} : memref<32x256xf32, #tpu.memory_space<vmem>>, vector<1x16xf32>,
    %swap3A_3763 = vector.shape_cast %swap3A_3762 : vector<1x16xf32> to vector<16xf32>
    %swap3A_3764 = vector.shape_cast %get3A_3602 : vector<16xf32> to vector<1x16xf32>
    tpu.vector_store %arg7[%swap3A_3760, %swap3A_3761], %swap3A_3764 {strides = array<i32>} : memref<32x256xf32, #tpu.memory_space<vmem>>, vector<1x16xf32>,
    %swap3A_3765 = arith.constant 27 : i32
    %swap3A_3766 = arith.index_cast %swap3A_3765 : i32 to index
    %swap3A_3767 = arith.constant 192 : index
    %swap3A_3768 = tpu.vector_load %arg7[%swap3A_3766, %swap3A_3767] {strides = array<i32>} : memref<32x256xf32, #tpu.memory_space<vmem>>, vector<1x16xf32>,
    %swap3A_3769 = vector.shape_cast %swap3A_3768 : vector<1x16xf32> to vector<16xf32>
    %swap3A_3770 = vector.shape_cast %get3A_3602 : vector<16xf32> to vector<1x16xf32>
    tpu.vector_store %arg7[%swap3A_3766, %swap3A_3767], %swap3A_3770 {strides = array<i32>} : memref<32x256xf32, #tpu.memory_space<vmem>>, vector<1x16xf32>,
    %swap3A_3771 = arith.constant 28 : i32
    %swap3A_3772 = arith.index_cast %swap3A_3771 : i32 to index
    %swap3A_3773 = arith.constant 192 : index
    %swap3A_3774 = tpu.vector_load %arg7[%swap3A_3772, %swap3A_3773] {strides = array<i32>} : memref<32x256xf32, #tpu.memory_space<vmem>>, vector<1x16xf32>,
    %swap3A_3775 = vector.shape_cast %swap3A_3774 : vector<1x16xf32> to vector<16xf32>
    %swap3A_3776 = vector.shape_cast %get3A_3602 : vector<16xf32> to vector<1x16xf32>
    tpu.vector_store %arg7[%swap3A_3772, %swap3A_3773], %swap3A_3776 {strides = array<i32>} : memref<32x256xf32, #tpu.memory_space<vmem>>, vector<1x16xf32>,
    %swap3A_3777 = arith.constant 29 : i32
    %swap3A_3778 = arith.index_cast %swap3A_3777 : i32 to index
    %swap3A_3779 = arith.constant 192 : index
    %swap3A_3780 = tpu.vector_load %arg7[%swap3A_3778, %swap3A_3779] {strides = array<i32>} : memref<32x256xf32, #tpu.memory_space<vmem>>, vector<1x16xf32>,
    %swap3A_3781 = vector.shape_cast %swap3A_3780 : vector<1x16xf32> to vector<16xf32>
    %swap3A_3782 = vector.shape_cast %get3A_3602 : vector<16xf32> to vector<1x16xf32>
    tpu.vector_store %arg7[%swap3A_3778, %swap3A_3779], %swap3A_3782 {strides = array<i32>} : memref<32x256xf32, #tpu.memory_space<vmem>>, vector<1x16xf32>,
    %swap3A_3783 = arith.constant 30 : i32
    %swap3A_3784 = arith.index_cast %swap3A_3783 : i32 to index
    %swap3A_3785 = arith.constant 192 : index
    %swap3A_3786 = tpu.vector_load %arg7[%swap3A_3784, %swap3A_3785] {strides = array<i32>} : memref<32x256xf32, #tpu.memory_space<vmem>>, vector<1x16xf32>,
    %swap3A_3787 = vector.shape_cast %swap3A_3786 : vector<1x16xf32> to vector<16xf32>
    %swap3A_3788 = vector.shape_cast %get3A_3602 : vector<16xf32> to vector<1x16xf32>
    tpu.vector_store %arg7[%swap3A_3784, %swap3A_3785], %swap3A_3788 {strides = array<i32>} : memref<32x256xf32, #tpu.memory_space<vmem>>, vector<1x16xf32>,
    %swap3A_3789 = arith.constant 31 : i32
    %swap3A_3790 = arith.index_cast %swap3A_3789 : i32 to index
    %swap3A_3791 = arith.constant 192 : index
    %swap3A_3792 = tpu.vector_load %arg7[%swap3A_3790, %swap3A_3791] {strides = array<i32>} : memref<32x256xf32, #tpu.memory_space<vmem>>, vector<1x16xf32>,
    %swap3A_3793 = vector.shape_cast %swap3A_3792 : vector<1x16xf32> to vector<16xf32>
    %swap3A_3794 = vector.shape_cast %get3A_3602 : vector<16xf32> to vector<1x16xf32>
    tpu.vector_store %arg7[%swap3A_3790, %swap3A_3791], %swap3A_3794 {strides = array<i32>} : memref<32x256xf32, #tpu.memory_space<vmem>>, vector<1x16xf32>,
    %get3A_3795 = arith.index_cast %add3A : i32 to index
    %get3A_3796 = arith.constant 80 : index
    %get3A_3797 = tpu.vector_load %arg6[%get3A_3795, %get3A_3796] {strides = array<i32>} : memref<32x128xf32, #tpu.memory_space<vmem>>, vector<1x16xf32>,
    %get3A_3798 = vector.shape_cast %get3A_3797 : vector<1x16xf32> to vector<16xf32>
    %swap3A_3799 = arith.constant 0 : i32
    %swap3A_3800 = arith.index_cast %swap3A_3799 : i32 to index
    %swap3A_3801 = arith.constant 208 : index
    %swap3A_3802 = tpu.vector_load %arg7[%swap3A_3800, %swap3A_3801] {strides = array<i32>} : memref<32x256xf32, #tpu.memory_space<vmem>>, vector<1x16xf32>,
    %swap3A_3803 = vector.shape_cast %swap3A_3802 : vector<1x16xf32> to vector<16xf32>
    %swap3A_3804 = vector.shape_cast %get3A_3798 : vector<16xf32> to vector<1x16xf32>
    tpu.vector_store %arg7[%swap3A_3800, %swap3A_3801], %swap3A_3804 {strides = array<i32>} : memref<32x256xf32, #tpu.memory_space<vmem>>, vector<1x16xf32>,
    %swap3A_3805 = arith.constant 1 : i32
    %swap3A_3806 = arith.index_cast %swap3A_3805 : i32 to index
    %swap3A_3807 = arith.constant 208 : index
    %swap3A_3808 = tpu.vector_load %arg7[%swap3A_3806, %swap3A_3807] {strides = array<i32>} : memref<32x256xf32, #tpu.memory_space<vmem>>, vector<1x16xf32>,
    %swap3A_3809 = vector.shape_cast %swap3A_3808 : vector<1x16xf32> to vector<16xf32>
    %swap3A_3810 = vector.shape_cast %get3A_3798 : vector<16xf32> to vector<1x16xf32>
    tpu.vector_store %arg7[%swap3A_3806, %swap3A_3807], %swap3A_3810 {strides = array<i32>} : memref<32x256xf32, #tpu.memory_space<vmem>>, vector<1x16xf32>,
    %swap3A_3811 = arith.constant 2 : i32
    %swap3A_3812 = arith.index_cast %swap3A_3811 : i32 to index
    %swap3A_3813 = arith.constant 208 : index
    %swap3A_3814 = tpu.vector_load %arg7[%swap3A_3812, %swap3A_3813] {strides = array<i32>} : memref<32x256xf32, #tpu.memory_space<vmem>>, vector<1x16xf32>,
    %swap3A_3815 = vector.shape_cast %swap3A_3814 : vector<1x16xf32> to vector<16xf32>
    %swap3A_3816 = vector.shape_cast %get3A_3798 : vector<16xf32> to vector<1x16xf32>
    tpu.vector_store %arg7[%swap3A_3812, %swap3A_3813], %swap3A_3816 {strides = array<i32>} : memref<32x256xf32, #tpu.memory_space<vmem>>, vector<1x16xf32>,
    %swap3A_3817 = arith.constant 3 : i32
    %swap3A_3818 = arith.index_cast %swap3A_3817 : i32 to index
    %swap3A_3819 = arith.constant 208 : index
    %swap3A_3820 = tpu.vector_load %arg7[%swap3A_3818, %swap3A_3819] {strides = array<i32>} : memref<32x256xf32, #tpu.memory_space<vmem>>, vector<1x16xf32>,
    %swap3A_3821 = vector.shape_cast %swap3A_3820 : vector<1x16xf32> to vector<16xf32>
    %swap3A_3822 = vector.shape_cast %get3A_3798 : vector<16xf32> to vector<1x16xf32>
    tpu.vector_store %arg7[%swap3A_3818, %swap3A_3819], %swap3A_3822 {strides = array<i32>} : memref<32x256xf32, #tpu.memory_space<vmem>>, vector<1x16xf32>,
    %swap3A_3823 = arith.constant 4 : i32
    %swap3A_3824 = arith.index_cast %swap3A_3823 : i32 to index
    %swap3A_3825 = arith.constant 208 : index
    %swap3A_3826 = tpu.vector_load %arg7[%swap3A_3824, %swap3A_3825] {strides = array<i32>} : memref<32x256xf32, #tpu.memory_space<vmem>>, vector<1x16xf32>,
    %swap3A_3827 = vector.shape_cast %swap3A_3826 : vector<1x16xf32> to vector<16xf32>
    %swap3A_3828 = vector.shape_cast %get3A_3798 : vector<16xf32> to vector<1x16xf32>
    tpu.vector_store %arg7[%swap3A_3824, %swap3A_3825], %swap3A_3828 {strides = array<i32>} : memref<32x256xf32, #tpu.memory_space<vmem>>, vector<1x16xf32>,
    %swap3A_3829 = arith.constant 5 : i32
    %swap3A_3830 = arith.index_cast %swap3A_3829 : i32 to index
    %swap3A_3831 = arith.constant 208 : index
    %swap3A_3832 = tpu.vector_load %arg7[%swap3A_3830, %swap3A_3831] {strides = array<i32>} : memref<32x256xf32, #tpu.memory_space<vmem>>, vector<1x16xf32>,
    %swap3A_3833 = vector.shape_cast %swap3A_3832 : vector<1x16xf32> to vector<16xf32>
    %swap3A_3834 = vector.shape_cast %get3A_3798 : vector<16xf32> to vector<1x16xf32>
    tpu.vector_store %arg7[%swap3A_3830, %swap3A_3831], %swap3A_3834 {strides = array<i32>} : memref<32x256xf32, #tpu.memory_space<vmem>>, vector<1x16xf32>,
    %swap3A_3835 = arith.constant 6 : i32
    %swap3A_3836 = arith.index_cast %swap3A_3835 : i32 to index
    %swap3A_3837 = arith.constant 208 : index
    %swap3A_3838 = tpu.vector_load %arg7[%swap3A_3836, %swap3A_3837] {strides = array<i32>} : memref<32x256xf32, #tpu.memory_space<vmem>>, vector<1x16xf32>,
    %swap3A_3839 = vector.shape_cast %swap3A_3838 : vector<1x16xf32> to vector<16xf32>
    %swap3A_3840 = vector.shape_cast %get3A_3798 : vector<16xf32> to vector<1x16xf32>
    tpu.vector_store %arg7[%swap3A_3836, %swap3A_3837], %swap3A_3840 {strides = array<i32>} : memref<32x256xf32, #tpu.memory_space<vmem>>, vector<1x16xf32>,
    %swap3A_3841 = arith.constant 7 : i32
    %swap3A_3842 = arith.index_cast %swap3A_3841 : i32 to index
    %swap3A_3843 = arith.constant 208 : index
    %swap3A_3844 = tpu.vector_load %arg7[%swap3A_3842, %swap3A_3843] {strides = array<i32>} : memref<32x256xf32, #tpu.memory_space<vmem>>, vector<1x16xf32>,
    %swap3A_3845 = vector.shape_cast %swap3A_3844 : vector<1x16xf32> to vector<16xf32>
    %swap3A_3846 = vector.shape_cast %get3A_3798 : vector<16xf32> to vector<1x16xf32>
    tpu.vector_store %arg7[%swap3A_3842, %swap3A_3843], %swap3A_3846 {strides = array<i32>} : memref<32x256xf32, #tpu.memory_space<vmem>>, vector<1x16xf32>,
    %swap3A_3847 = arith.constant 8 : i32
    %swap3A_3848 = arith.index_cast %swap3A_3847 : i32 to index
    %swap3A_3849 = arith.constant 208 : index
    %swap3A_3850 = tpu.vector_load %arg7[%swap3A_3848, %swap3A_3849] {strides = array<i32>} : memref<32x256xf32, #tpu.memory_space<vmem>>, vector<1x16xf32>,
    %swap3A_3851 = vector.shape_cast %swap3A_3850 : vector<1x16xf32> to vector<16xf32>
    %swap3A_3852 = vector.shape_cast %get3A_3798 : vector<16xf32> to vector<1x16xf32>
    tpu.vector_store %arg7[%swap3A_3848, %swap3A_3849], %swap3A_3852 {strides = array<i32>} : memref<32x256xf32, #tpu.memory_space<vmem>>, vector<1x16xf32>,
    %swap3A_3853 = arith.constant 9 : i32
    %swap3A_3854 = arith.index_cast %swap3A_3853 : i32 to index
    %swap3A_3855 = arith.constant 208 : index
    %swap3A_3856 = tpu.vector_load %arg7[%swap3A_3854, %swap3A_3855] {strides = array<i32>} : memref<32x256xf32, #tpu.memory_space<vmem>>, vector<1x16xf32>,
    %swap3A_3857 = vector.shape_cast %swap3A_3856 : vector<1x16xf32> to vector<16xf32>
    %swap3A_3858 = vector.shape_cast %get3A_3798 : vector<16xf32> to vector<1x16xf32>
    tpu.vector_store %arg7[%swap3A_3854, %swap3A_3855], %swap3A_3858 {strides = array<i32>} : memref<32x256xf32, #tpu.memory_space<vmem>>, vector<1x16xf32>,
    %swap3A_3859 = arith.constant 10 : i32
    %swap3A_3860 = arith.index_cast %swap3A_3859 : i32 to index
    %swap3A_3861 = arith.constant 208 : index
    %swap3A_3862 = tpu.vector_load %arg7[%swap3A_3860, %swap3A_3861] {strides = array<i32>} : memref<32x256xf32, #tpu.memory_space<vmem>>, vector<1x16xf32>,
    %swap3A_3863 = vector.shape_cast %swap3A_3862 : vector<1x16xf32> to vector<16xf32>
    %swap3A_3864 = vector.shape_cast %get3A_3798 : vector<16xf32> to vector<1x16xf32>
    tpu.vector_store %arg7[%swap3A_3860, %swap3A_3861], %swap3A_3864 {strides = array<i32>} : memref<32x256xf32, #tpu.memory_space<vmem>>, vector<1x16xf32>,
    %swap3A_3865 = arith.constant 11 : i32
    %swap3A_3866 = arith.index_cast %swap3A_3865 : i32 to index
    %swap3A_3867 = arith.constant 208 : index
    %swap3A_3868 = tpu.vector_load %arg7[%swap3A_3866, %swap3A_3867] {strides = array<i32>} : memref<32x256xf32, #tpu.memory_space<vmem>>, vector<1x16xf32>,
    %swap3A_3869 = vector.shape_cast %swap3A_3868 : vector<1x16xf32> to vector<16xf32>
    %swap3A_3870 = vector.shape_cast %get3A_3798 : vector<16xf32> to vector<1x16xf32>
    tpu.vector_store %arg7[%swap3A_3866, %swap3A_3867], %swap3A_3870 {strides = array<i32>} : memref<32x256xf32, #tpu.memory_space<vmem>>, vector<1x16xf32>,
    %swap3A_3871 = arith.constant 12 : i32
    %swap3A_3872 = arith.index_cast %swap3A_3871 : i32 to index
    %swap3A_3873 = arith.constant 208 : index
    %swap3A_3874 = tpu.vector_load %arg7[%swap3A_3872, %swap3A_3873] {strides = array<i32>} : memref<32x256xf32, #tpu.memory_space<vmem>>, vector<1x16xf32>,
    %swap3A_3875 = vector.shape_cast %swap3A_3874 : vector<1x16xf32> to vector<16xf32>
    %swap3A_3876 = vector.shape_cast %get3A_3798 : vector<16xf32> to vector<1x16xf32>
    tpu.vector_store %arg7[%swap3A_3872, %swap3A_3873], %swap3A_3876 {strides = array<i32>} : memref<32x256xf32, #tpu.memory_space<vmem>>, vector<1x16xf32>,
    %swap3A_3877 = arith.constant 13 : i32
    %swap3A_3878 = arith.index_cast %swap3A_3877 : i32 to index
    %swap3A_3879 = arith.constant 208 : index
    %swap3A_3880 = tpu.vector_load %arg7[%swap3A_3878, %swap3A_3879] {strides = array<i32>} : memref<32x256xf32, #tpu.memory_space<vmem>>, vector<1x16xf32>,
    %swap3A_3881 = vector.shape_cast %swap3A_3880 : vector<1x16xf32> to vector<16xf32>
    %swap3A_3882 = vector.shape_cast %get3A_3798 : vector<16xf32> to vector<1x16xf32>
    tpu.vector_store %arg7[%swap3A_3878, %swap3A_3879], %swap3A_3882 {strides = array<i32>} : memref<32x256xf32, #tpu.memory_space<vmem>>, vector<1x16xf32>,
    %swap3A_3883 = arith.constant 14 : i32
    %swap3A_3884 = arith.index_cast %swap3A_3883 : i32 to index
    %swap3A_3885 = arith.constant 208 : index
    %swap3A_3886 = tpu.vector_load %arg7[%swap3A_3884, %swap3A_3885] {strides = array<i32>} : memref<32x256xf32, #tpu.memory_space<vmem>>, vector<1x16xf32>,
    %swap3A_3887 = vector.shape_cast %swap3A_3886 : vector<1x16xf32> to vector<16xf32>
    %swap3A_3888 = vector.shape_cast %get3A_3798 : vector<16xf32> to vector<1x16xf32>
    tpu.vector_store %arg7[%swap3A_3884, %swap3A_3885], %swap3A_3888 {strides = array<i32>} : memref<32x256xf32, #tpu.memory_space<vmem>>, vector<1x16xf32>,
    %swap3A_3889 = arith.constant 15 : i32
    %swap3A_3890 = arith.index_cast %swap3A_3889 : i32 to index
    %swap3A_3891 = arith.constant 208 : index
    %swap3A_3892 = tpu.vector_load %arg7[%swap3A_3890, %swap3A_3891] {strides = array<i32>} : memref<32x256xf32, #tpu.memory_space<vmem>>, vector<1x16xf32>,
    %swap3A_3893 = vector.shape_cast %swap3A_3892 : vector<1x16xf32> to vector<16xf32>
    %swap3A_3894 = vector.shape_cast %get3A_3798 : vector<16xf32> to vector<1x16xf32>
    tpu.vector_store %arg7[%swap3A_3890, %swap3A_3891], %swap3A_3894 {strides = array<i32>} : memref<32x256xf32, #tpu.memory_space<vmem>>, vector<1x16xf32>,
    %swap3A_3895 = arith.constant 16 : i32
    %swap3A_3896 = arith.index_cast %swap3A_3895 : i32 to index
    %swap3A_3897 = arith.constant 208 : index
    %swap3A_3898 = tpu.vector_load %arg7[%swap3A_3896, %swap3A_3897] {strides = array<i32>} : memref<32x256xf32, #tpu.memory_space<vmem>>, vector<1x16xf32>,
    %swap3A_3899 = vector.shape_cast %swap3A_3898 : vector<1x16xf32> to vector<16xf32>
    %swap3A_3900 = vector.shape_cast %get3A_3798 : vector<16xf32> to vector<1x16xf32>
    tpu.vector_store %arg7[%swap3A_3896, %swap3A_3897], %swap3A_3900 {strides = array<i32>} : memref<32x256xf32, #tpu.memory_space<vmem>>, vector<1x16xf32>,
    %swap3A_3901 = arith.constant 17 : i32
    %swap3A_3902 = arith.index_cast %swap3A_3901 : i32 to index
    %swap3A_3903 = arith.constant 208 : index
    %swap3A_3904 = tpu.vector_load %arg7[%swap3A_3902, %swap3A_3903] {strides = array<i32>} : memref<32x256xf32, #tpu.memory_space<vmem>>, vector<1x16xf32>,
    %swap3A_3905 = vector.shape_cast %swap3A_3904 : vector<1x16xf32> to vector<16xf32>
    %swap3A_3906 = vector.shape_cast %get3A_3798 : vector<16xf32> to vector<1x16xf32>
    tpu.vector_store %arg7[%swap3A_3902, %swap3A_3903], %swap3A_3906 {strides = array<i32>} : memref<32x256xf32, #tpu.memory_space<vmem>>, vector<1x16xf32>,
    %swap3A_3907 = arith.constant 18 : i32
    %swap3A_3908 = arith.index_cast %swap3A_3907 : i32 to index
    %swap3A_3909 = arith.constant 208 : index
    %swap3A_3910 = tpu.vector_load %arg7[%swap3A_3908, %swap3A_3909] {strides = array<i32>} : memref<32x256xf32, #tpu.memory_space<vmem>>, vector<1x16xf32>,
    %swap3A_3911 = vector.shape_cast %swap3A_3910 : vector<1x16xf32> to vector<16xf32>
    %swap3A_3912 = vector.shape_cast %get3A_3798 : vector<16xf32> to vector<1x16xf32>
    tpu.vector_store %arg7[%swap3A_3908, %swap3A_3909], %swap3A_3912 {strides = array<i32>} : memref<32x256xf32, #tpu.memory_space<vmem>>, vector<1x16xf32>,
    %swap3A_3913 = arith.constant 19 : i32
    %swap3A_3914 = arith.index_cast %swap3A_3913 : i32 to index
    %swap3A_3915 = arith.constant 208 : index
    %swap3A_3916 = tpu.vector_load %arg7[%swap3A_3914, %swap3A_3915] {strides = array<i32>} : memref<32x256xf32, #tpu.memory_space<vmem>>, vector<1x16xf32>,
    %swap3A_3917 = vector.shape_cast %swap3A_3916 : vector<1x16xf32> to vector<16xf32>
    %swap3A_3918 = vector.shape_cast %get3A_3798 : vector<16xf32> to vector<1x16xf32>
    tpu.vector_store %arg7[%swap3A_3914, %swap3A_3915], %swap3A_3918 {strides = array<i32>} : memref<32x256xf32, #tpu.memory_space<vmem>>, vector<1x16xf32>,
    %swap3A_3919 = arith.constant 20 : i32
    %swap3A_3920 = arith.index_cast %swap3A_3919 : i32 to index
    %swap3A_3921 = arith.constant 208 : index
    %swap3A_3922 = tpu.vector_load %arg7[%swap3A_3920, %swap3A_3921] {strides = array<i32>} : memref<32x256xf32, #tpu.memory_space<vmem>>, vector<1x16xf32>,
    %swap3A_3923 = vector.shape_cast %swap3A_3922 : vector<1x16xf32> to vector<16xf32>
    %swap3A_3924 = vector.shape_cast %get3A_3798 : vector<16xf32> to vector<1x16xf32>
    tpu.vector_store %arg7[%swap3A_3920, %swap3A_3921], %swap3A_3924 {strides = array<i32>} : memref<32x256xf32, #tpu.memory_space<vmem>>, vector<1x16xf32>,
    %swap3A_3925 = arith.constant 21 : i32
    %swap3A_3926 = arith.index_cast %swap3A_3925 : i32 to index
    %swap3A_3927 = arith.constant 208 : index
    %swap3A_3928 = tpu.vector_load %arg7[%swap3A_3926, %swap3A_3927] {strides = array<i32>} : memref<32x256xf32, #tpu.memory_space<vmem>>, vector<1x16xf32>,
    %swap3A_3929 = vector.shape_cast %swap3A_3928 : vector<1x16xf32> to vector<16xf32>
    %swap3A_3930 = vector.shape_cast %get3A_3798 : vector<16xf32> to vector<1x16xf32>
    tpu.vector_store %arg7[%swap3A_3926, %swap3A_3927], %swap3A_3930 {strides = array<i32>} : memref<32x256xf32, #tpu.memory_space<vmem>>, vector<1x16xf32>,
    %swap3A_3931 = arith.constant 22 : i32
    %swap3A_3932 = arith.index_cast %swap3A_3931 : i32 to index
    %swap3A_3933 = arith.constant 208 : index
    %swap3A_3934 = tpu.vector_load %arg7[%swap3A_3932, %swap3A_3933] {strides = array<i32>} : memref<32x256xf32, #tpu.memory_space<vmem>>, vector<1x16xf32>,
    %swap3A_3935 = vector.shape_cast %swap3A_3934 : vector<1x16xf32> to vector<16xf32>
    %swap3A_3936 = vector.shape_cast %get3A_3798 : vector<16xf32> to vector<1x16xf32>
    tpu.vector_store %arg7[%swap3A_3932, %swap3A_3933], %swap3A_3936 {strides = array<i32>} : memref<32x256xf32, #tpu.memory_space<vmem>>, vector<1x16xf32>,
    %swap3A_3937 = arith.constant 23 : i32
    %swap3A_3938 = arith.index_cast %swap3A_3937 : i32 to index
    %swap3A_3939 = arith.constant 208 : index
    %swap3A_3940 = tpu.vector_load %arg7[%swap3A_3938, %swap3A_3939] {strides = array<i32>} : memref<32x256xf32, #tpu.memory_space<vmem>>, vector<1x16xf32>,
    %swap3A_3941 = vector.shape_cast %swap3A_3940 : vector<1x16xf32> to vector<16xf32>
    %swap3A_3942 = vector.shape_cast %get3A_3798 : vector<16xf32> to vector<1x16xf32>
    tpu.vector_store %arg7[%swap3A_3938, %swap3A_3939], %swap3A_3942 {strides = array<i32>} : memref<32x256xf32, #tpu.memory_space<vmem>>, vector<1x16xf32>,
    %swap3A_3943 = arith.constant 24 : i32
    %swap3A_3944 = arith.index_cast %swap3A_3943 : i32 to index
    %swap3A_3945 = arith.constant 208 : index
    %swap3A_3946 = tpu.vector_load %arg7[%swap3A_3944, %swap3A_3945] {strides = array<i32>} : memref<32x256xf32, #tpu.memory_space<vmem>>, vector<1x16xf32>,
    %swap3A_3947 = vector.shape_cast %swap3A_3946 : vector<1x16xf32> to vector<16xf32>
    %swap3A_3948 = vector.shape_cast %get3A_3798 : vector<16xf32> to vector<1x16xf32>
    tpu.vector_store %arg7[%swap3A_3944, %swap3A_3945], %swap3A_3948 {strides = array<i32>} : memref<32x256xf32, #tpu.memory_space<vmem>>, vector<1x16xf32>,
    %swap3A_3949 = arith.constant 25 : i32
    %swap3A_3950 = arith.index_cast %swap3A_3949 : i32 to index
    %swap3A_3951 = arith.constant 208 : index
    %swap3A_3952 = tpu.vector_load %arg7[%swap3A_3950, %swap3A_3951] {strides = array<i32>} : memref<32x256xf32, #tpu.memory_space<vmem>>, vector<1x16xf32>,
    %swap3A_3953 = vector.shape_cast %swap3A_3952 : vector<1x16xf32> to vector<16xf32>
    %swap3A_3954 = vector.shape_cast %get3A_3798 : vector<16xf32> to vector<1x16xf32>
    tpu.vector_store %arg7[%swap3A_3950, %swap3A_3951], %swap3A_3954 {strides = array<i32>} : memref<32x256xf32, #tpu.memory_space<vmem>>, vector<1x16xf32>,
    %swap3A_3955 = arith.constant 26 : i32
    %swap3A_3956 = arith.index_cast %swap3A_3955 : i32 to index
    %swap3A_3957 = arith.constant 208 : index
    %swap3A_3958 = tpu.vector_load %arg7[%swap3A_3956, %swap3A_3957] {strides = array<i32>} : memref<32x256xf32, #tpu.memory_space<vmem>>, vector<1x16xf32>,
    %swap3A_3959 = vector.shape_cast %swap3A_3958 : vector<1x16xf32> to vector<16xf32>
    %swap3A_3960 = vector.shape_cast %get3A_3798 : vector<16xf32> to vector<1x16xf32>
    tpu.vector_store %arg7[%swap3A_3956, %swap3A_3957], %swap3A_3960 {strides = array<i32>} : memref<32x256xf32, #tpu.memory_space<vmem>>, vector<1x16xf32>,
    %swap3A_3961 = arith.constant 27 : i32
    %swap3A_3962 = arith.index_cast %swap3A_3961 : i32 to index
    %swap3A_3963 = arith.constant 208 : index
    %swap3A_3964 = tpu.vector_load %arg7[%swap3A_3962, %swap3A_3963] {strides = array<i32>} : memref<32x256xf32, #tpu.memory_space<vmem>>, vector<1x16xf32>,
    %swap3A_3965 = vector.shape_cast %swap3A_3964 : vector<1x16xf32> to vector<16xf32>
    %swap3A_3966 = vector.shape_cast %get3A_3798 : vector<16xf32> to vector<1x16xf32>
    tpu.vector_store %arg7[%swap3A_3962, %swap3A_3963], %swap3A_3966 {strides = array<i32>} : memref<32x256xf32, #tpu.memory_space<vmem>>, vector<1x16xf32>,
    %swap3A_3967 = arith.constant 28 : i32
    %swap3A_3968 = arith.index_cast %swap3A_3967 : i32 to index
    %swap3A_3969 = arith.constant 208 : index
    %swap3A_3970 = tpu.vector_load %arg7[%swap3A_3968, %swap3A_3969] {strides = array<i32>} : memref<32x256xf32, #tpu.memory_space<vmem>>, vector<1x16xf32>,
    %swap3A_3971 = vector.shape_cast %swap3A_3970 : vector<1x16xf32> to vector<16xf32>
    %swap3A_3972 = vector.shape_cast %get3A_3798 : vector<16xf32> to vector<1x16xf32>
    tpu.vector_store %arg7[%swap3A_3968, %swap3A_3969], %swap3A_3972 {strides = array<i32>} : memref<32x256xf32, #tpu.memory_space<vmem>>, vector<1x16xf32>,
    %swap3A_3973 = arith.constant 29 : i32
    %swap3A_3974 = arith.index_cast %swap3A_3973 : i32 to index
    %swap3A_3975 = arith.constant 208 : index
    %swap3A_3976 = tpu.vector_load %arg7[%swap3A_3974, %swap3A_3975] {strides = array<i32>} : memref<32x256xf32, #tpu.memory_space<vmem>>, vector<1x16xf32>,
    %swap3A_3977 = vector.shape_cast %swap3A_3976 : vector<1x16xf32> to vector<16xf32>
    %swap3A_3978 = vector.shape_cast %get3A_3798 : vector<16xf32> to vector<1x16xf32>
    tpu.vector_store %arg7[%swap3A_3974, %swap3A_3975], %swap3A_3978 {strides = array<i32>} : memref<32x256xf32, #tpu.memory_space<vmem>>, vector<1x16xf32>,
    %swap3A_3979 = arith.constant 30 : i32
    %swap3A_3980 = arith.index_cast %swap3A_3979 : i32 to index
    %swap3A_3981 = arith.constant 208 : index
    %swap3A_3982 = tpu.vector_load %arg7[%swap3A_3980, %swap3A_3981] {strides = array<i32>} : memref<32x256xf32, #tpu.memory_space<vmem>>, vector<1x16xf32>,
    %swap3A_3983 = vector.shape_cast %swap3A_3982 : vector<1x16xf32> to vector<16xf32>
    %swap3A_3984 = vector.shape_cast %get3A_3798 : vector<16xf32> to vector<1x16xf32>
    tpu.vector_store %arg7[%swap3A_3980, %swap3A_3981], %swap3A_3984 {strides = array<i32>} : memref<32x256xf32, #tpu.memory_space<vmem>>, vector<1x16xf32>,
    %swap3A_3985 = arith.constant 31 : i32
    %swap3A_3986 = arith.index_cast %swap3A_3985 : i32 to index
    %swap3A_3987 = arith.constant 208 : index
    %swap3A_3988 = tpu.vector_load %arg7[%swap3A_3986, %swap3A_3987] {strides = array<i32>} : memref<32x256xf32, #tpu.memory_space<vmem>>, vector<1x16xf32>,
    %swap3A_3989 = vector.shape_cast %swap3A_3988 : vector<1x16xf32> to vector<16xf32>
    %swap3A_3990 = vector.shape_cast %get3A_3798 : vector<16xf32> to vector<1x16xf32>
    tpu.vector_store %arg7[%swap3A_3986, %swap3A_3987], %swap3A_3990 {strides = array<i32>} : memref<32x256xf32, #tpu.memory_space<vmem>>, vector<1x16xf32>,
    %get3A_3991 = arith.index_cast %add3A : i32 to index
    %get3A_3992 = arith.constant 96 : index
    %get3A_3993 = tpu.vector_load %arg6[%get3A_3991, %get3A_3992] {strides = array<i32>} : memref<32x128xf32, #tpu.memory_space<vmem>>, vector<1x16xf32>,
    %get3A_3994 = vector.shape_cast %get3A_3993 : vector<1x16xf32> to vector<16xf32>
    %swap3A_3995 = arith.constant 0 : i32
    %swap3A_3996 = arith.index_cast %swap3A_3995 : i32 to index
    %swap3A_3997 = arith.constant 224 : index
    %swap3A_3998 = tpu.vector_load %arg7[%swap3A_3996, %swap3A_3997] {strides = array<i32>} : memref<32x256xf32, #tpu.memory_space<vmem>>, vector<1x16xf32>,
    %swap3A_3999 = vector.shape_cast %swap3A_3998 : vector<1x16xf32> to vector<16xf32>
    %swap3A_4000 = vector.shape_cast %get3A_3994 : vector<16xf32> to vector<1x16xf32>
    tpu.vector_store %arg7[%swap3A_3996, %swap3A_3997], %swap3A_4000 {strides = array<i32>} : memref<32x256xf32, #tpu.memory_space<vmem>>, vector<1x16xf32>,
    %swap3A_4001 = arith.constant 1 : i32
    %swap3A_4002 = arith.index_cast %swap3A_4001 : i32 to index
    %swap3A_4003 = arith.constant 224 : index
    %swap3A_4004 = tpu.vector_load %arg7[%swap3A_4002, %swap3A_4003] {strides = array<i32>} : memref<32x256xf32, #tpu.memory_space<vmem>>, vector<1x16xf32>,
    %swap3A_4005 = vector.shape_cast %swap3A_4004 : vector<1x16xf32> to vector<16xf32>
    %swap3A_4006 = vector.shape_cast %get3A_3994 : vector<16xf32> to vector<1x16xf32>
    tpu.vector_store %arg7[%swap3A_4002, %swap3A_4003], %swap3A_4006 {strides = array<i32>} : memref<32x256xf32, #tpu.memory_space<vmem>>, vector<1x16xf32>,
    %swap3A_4007 = arith.constant 2 : i32
    %swap3A_4008 = arith.index_cast %swap3A_4007 : i32 to index
    %swap3A_4009 = arith.constant 224 : index
    %swap3A_4010 = tpu.vector_load %arg7[%swap3A_4008, %swap3A_4009] {strides = array<i32>} : memref<32x256xf32, #tpu.memory_space<vmem>>, vector<1x16xf32>,
    %swap3A_4011 = vector.shape_cast %swap3A_4010 : vector<1x16xf32> to vector<16xf32>
    %swap3A_4012 = vector.shape_cast %get3A_3994 : vector<16xf32> to vector<1x16xf32>
    tpu.vector_store %arg7[%swap3A_4008, %swap3A_4009], %swap3A_4012 {strides = array<i32>} : memref<32x256xf32, #tpu.memory_space<vmem>>, vector<1x16xf32>,
    %swap3A_4013 = arith.constant 3 : i32
    %swap3A_4014 = arith.index_cast %swap3A_4013 : i32 to index
    %swap3A_4015 = arith.constant 224 : index
    %swap3A_4016 = tpu.vector_load %arg7[%swap3A_4014, %swap3A_4015] {strides = array<i32>} : memref<32x256xf32, #tpu.memory_space<vmem>>, vector<1x16xf32>,
    %swap3A_4017 = vector.shape_cast %swap3A_4016 : vector<1x16xf32> to vector<16xf32>
    %swap3A_4018 = vector.shape_cast %get3A_3994 : vector<16xf32> to vector<1x16xf32>
    tpu.vector_store %arg7[%swap3A_4014, %swap3A_4015], %swap3A_4018 {strides = array<i32>} : memref<32x256xf32, #tpu.memory_space<vmem>>, vector<1x16xf32>,
    %swap3A_4019 = arith.constant 4 : i32
    %swap3A_4020 = arith.index_cast %swap3A_4019 : i32 to index
    %swap3A_4021 = arith.constant 224 : index
    %swap3A_4022 = tpu.vector_load %arg7[%swap3A_4020, %swap3A_4021] {strides = array<i32>} : memref<32x256xf32, #tpu.memory_space<vmem>>, vector<1x16xf32>,
    %swap3A_4023 = vector.shape_cast %swap3A_4022 : vector<1x16xf32> to vector<16xf32>
    %swap3A_4024 = vector.shape_cast %get3A_3994 : vector<16xf32> to vector<1x16xf32>
    tpu.vector_store %arg7[%swap3A_4020, %swap3A_4021], %swap3A_4024 {strides = array<i32>} : memref<32x256xf32, #tpu.memory_space<vmem>>, vector<1x16xf32>,
    %swap3A_4025 = arith.constant 5 : i32
    %swap3A_4026 = arith.index_cast %swap3A_4025 : i32 to index
    %swap3A_4027 = arith.constant 224 : index
    %swap3A_4028 = tpu.vector_load %arg7[%swap3A_4026, %swap3A_4027] {strides = array<i32>} : memref<32x256xf32, #tpu.memory_space<vmem>>, vector<1x16xf32>,
    %swap3A_4029 = vector.shape_cast %swap3A_4028 : vector<1x16xf32> to vector<16xf32>
    %swap3A_4030 = vector.shape_cast %get3A_3994 : vector<16xf32> to vector<1x16xf32>
    tpu.vector_store %arg7[%swap3A_4026, %swap3A_4027], %swap3A_4030 {strides = array<i32>} : memref<32x256xf32, #tpu.memory_space<vmem>>, vector<1x16xf32>,
    %swap3A_4031 = arith.constant 6 : i32
    %swap3A_4032 = arith.index_cast %swap3A_4031 : i32 to index
    %swap3A_4033 = arith.constant 224 : index
    %swap3A_4034 = tpu.vector_load %arg7[%swap3A_4032, %swap3A_4033] {strides = array<i32>} : memref<32x256xf32, #tpu.memory_space<vmem>>, vector<1x16xf32>,
    %swap3A_4035 = vector.shape_cast %swap3A_4034 : vector<1x16xf32> to vector<16xf32>
    %swap3A_4036 = vector.shape_cast %get3A_3994 : vector<16xf32> to vector<1x16xf32>
    tpu.vector_store %arg7[%swap3A_4032, %swap3A_4033], %swap3A_4036 {strides = array<i32>} : memref<32x256xf32, #tpu.memory_space<vmem>>, vector<1x16xf32>,
    %swap3A_4037 = arith.constant 7 : i32
    %swap3A_4038 = arith.index_cast %swap3A_4037 : i32 to index
    %swap3A_4039 = arith.constant 224 : index
    %swap3A_4040 = tpu.vector_load %arg7[%swap3A_4038, %swap3A_4039] {strides = array<i32>} : memref<32x256xf32, #tpu.memory_space<vmem>>, vector<1x16xf32>,
    %swap3A_4041 = vector.shape_cast %swap3A_4040 : vector<1x16xf32> to vector<16xf32>
    %swap3A_4042 = vector.shape_cast %get3A_3994 : vector<16xf32> to vector<1x16xf32>
    tpu.vector_store %arg7[%swap3A_4038, %swap3A_4039], %swap3A_4042 {strides = array<i32>} : memref<32x256xf32, #tpu.memory_space<vmem>>, vector<1x16xf32>,
    %swap3A_4043 = arith.constant 8 : i32
    %swap3A_4044 = arith.index_cast %swap3A_4043 : i32 to index
    %swap3A_4045 = arith.constant 224 : index
    %swap3A_4046 = tpu.vector_load %arg7[%swap3A_4044, %swap3A_4045] {strides = array<i32>} : memref<32x256xf32, #tpu.memory_space<vmem>>, vector<1x16xf32>,
    %swap3A_4047 = vector.shape_cast %swap3A_4046 : vector<1x16xf32> to vector<16xf32>
    %swap3A_4048 = vector.shape_cast %get3A_3994 : vector<16xf32> to vector<1x16xf32>
    tpu.vector_store %arg7[%swap3A_4044, %swap3A_4045], %swap3A_4048 {strides = array<i32>} : memref<32x256xf32, #tpu.memory_space<vmem>>, vector<1x16xf32>,
    %swap3A_4049 = arith.constant 9 : i32
    %swap3A_4050 = arith.index_cast %swap3A_4049 : i32 to index
    %swap3A_4051 = arith.constant 224 : index
    %swap3A_4052 = tpu.vector_load %arg7[%swap3A_4050, %swap3A_4051] {strides = array<i32>} : memref<32x256xf32, #tpu.memory_space<vmem>>, vector<1x16xf32>,
    %swap3A_4053 = vector.shape_cast %swap3A_4052 : vector<1x16xf32> to vector<16xf32>
    %swap3A_4054 = vector.shape_cast %get3A_3994 : vector<16xf32> to vector<1x16xf32>
    tpu.vector_store %arg7[%swap3A_4050, %swap3A_4051], %swap3A_4054 {strides = array<i32>} : memref<32x256xf32, #tpu.memory_space<vmem>>, vector<1x16xf32>,
    %swap3A_4055 = arith.constant 10 : i32
    %swap3A_4056 = arith.index_cast %swap3A_4055 : i32 to index
    %swap3A_4057 = arith.constant 224 : index
    %swap3A_4058 = tpu.vector_load %arg7[%swap3A_4056, %swap3A_4057] {strides = array<i32>} : memref<32x256xf32, #tpu.memory_space<vmem>>, vector<1x16xf32>,
    %swap3A_4059 = vector.shape_cast %swap3A_4058 : vector<1x16xf32> to vector<16xf32>
    %swap3A_4060 = vector.shape_cast %get3A_3994 : vector<16xf32> to vector<1x16xf32>
    tpu.vector_store %arg7[%swap3A_4056, %swap3A_4057], %swap3A_4060 {strides = array<i32>} : memref<32x256xf32, #tpu.memory_space<vmem>>, vector<1x16xf32>,
    %swap3A_4061 = arith.constant 11 : i32
    %swap3A_4062 = arith.index_cast %swap3A_4061 : i32 to index
    %swap3A_4063 = arith.constant 224 : index
    %swap3A_4064 = tpu.vector_load %arg7[%swap3A_4062, %swap3A_4063] {strides = array<i32>} : memref<32x256xf32, #tpu.memory_space<vmem>>, vector<1x16xf32>,
    %swap3A_4065 = vector.shape_cast %swap3A_4064 : vector<1x16xf32> to vector<16xf32>
    %swap3A_4066 = vector.shape_cast %get3A_3994 : vector<16xf32> to vector<1x16xf32>
    tpu.vector_store %arg7[%swap3A_4062, %swap3A_4063], %swap3A_4066 {strides = array<i32>} : memref<32x256xf32, #tpu.memory_space<vmem>>, vector<1x16xf32>,
    %swap3A_4067 = arith.constant 12 : i32
    %swap3A_4068 = arith.index_cast %swap3A_4067 : i32 to index
    %swap3A_4069 = arith.constant 224 : index
    %swap3A_4070 = tpu.vector_load %arg7[%swap3A_4068, %swap3A_4069] {strides = array<i32>} : memref<32x256xf32, #tpu.memory_space<vmem>>, vector<1x16xf32>,
    %swap3A_4071 = vector.shape_cast %swap3A_4070 : vector<1x16xf32> to vector<16xf32>
    %swap3A_4072 = vector.shape_cast %get3A_3994 : vector<16xf32> to vector<1x16xf32>
    tpu.vector_store %arg7[%swap3A_4068, %swap3A_4069], %swap3A_4072 {strides = array<i32>} : memref<32x256xf32, #tpu.memory_space<vmem>>, vector<1x16xf32>,
    %swap3A_4073 = arith.constant 13 : i32
    %swap3A_4074 = arith.index_cast %swap3A_4073 : i32 to index
    %swap3A_4075 = arith.constant 224 : index
    %swap3A_4076 = tpu.vector_load %arg7[%swap3A_4074, %swap3A_4075] {strides = array<i32>} : memref<32x256xf32, #tpu.memory_space<vmem>>, vector<1x16xf32>,
    %swap3A_4077 = vector.shape_cast %swap3A_4076 : vector<1x16xf32> to vector<16xf32>
    %swap3A_4078 = vector.shape_cast %get3A_3994 : vector<16xf32> to vector<1x16xf32>
    tpu.vector_store %arg7[%swap3A_4074, %swap3A_4075], %swap3A_4078 {strides = array<i32>} : memref<32x256xf32, #tpu.memory_space<vmem>>, vector<1x16xf32>,
    %swap3A_4079 = arith.constant 14 : i32
    %swap3A_4080 = arith.index_cast %swap3A_4079 : i32 to index
    %swap3A_4081 = arith.constant 224 : index
    %swap3A_4082 = tpu.vector_load %arg7[%swap3A_4080, %swap3A_4081] {strides = array<i32>} : memref<32x256xf32, #tpu.memory_space<vmem>>, vector<1x16xf32>,
    %swap3A_4083 = vector.shape_cast %swap3A_4082 : vector<1x16xf32> to vector<16xf32>
    %swap3A_4084 = vector.shape_cast %get3A_3994 : vector<16xf32> to vector<1x16xf32>
    tpu.vector_store %arg7[%swap3A_4080, %swap3A_4081], %swap3A_4084 {strides = array<i32>} : memref<32x256xf32, #tpu.memory_space<vmem>>, vector<1x16xf32>,
    %swap3A_4085 = arith.constant 15 : i32
    %swap3A_4086 = arith.index_cast %swap3A_4085 : i32 to index
    %swap3A_4087 = arith.constant 224 : index
    %swap3A_4088 = tpu.vector_load %arg7[%swap3A_4086, %swap3A_4087] {strides = array<i32>} : memref<32x256xf32, #tpu.memory_space<vmem>>, vector<1x16xf32>,
    %swap3A_4089 = vector.shape_cast %swap3A_4088 : vector<1x16xf32> to vector<16xf32>
    %swap3A_4090 = vector.shape_cast %get3A_3994 : vector<16xf32> to vector<1x16xf32>
    tpu.vector_store %arg7[%swap3A_4086, %swap3A_4087], %swap3A_4090 {strides = array<i32>} : memref<32x256xf32, #tpu.memory_space<vmem>>, vector<1x16xf32>,
    %swap3A_4091 = arith.constant 16 : i32
    %swap3A_4092 = arith.index_cast %swap3A_4091 : i32 to index
    %swap3A_4093 = arith.constant 224 : index
    %swap3A_4094 = tpu.vector_load %arg7[%swap3A_4092, %swap3A_4093] {strides = array<i32>} : memref<32x256xf32, #tpu.memory_space<vmem>>, vector<1x16xf32>,
    %swap3A_4095 = vector.shape_cast %swap3A_4094 : vector<1x16xf32> to vector<16xf32>
    %swap3A_4096 = vector.shape_cast %get3A_3994 : vector<16xf32> to vector<1x16xf32>
    tpu.vector_store %arg7[%swap3A_4092, %swap3A_4093], %swap3A_4096 {strides = array<i32>} : memref<32x256xf32, #tpu.memory_space<vmem>>, vector<1x16xf32>,
    %swap3A_4097 = arith.constant 17 : i32
    %swap3A_4098 = arith.index_cast %swap3A_4097 : i32 to index
    %swap3A_4099 = arith.constant 224 : index
    %swap3A_4100 = tpu.vector_load %arg7[%swap3A_4098, %swap3A_4099] {strides = array<i32>} : memref<32x256xf32, #tpu.memory_space<vmem>>, vector<1x16xf32>,
    %swap3A_4101 = vector.shape_cast %swap3A_4100 : vector<1x16xf32> to vector<16xf32>
    %swap3A_4102 = vector.shape_cast %get3A_3994 : vector<16xf32> to vector<1x16xf32>
    tpu.vector_store %arg7[%swap3A_4098, %swap3A_4099], %swap3A_4102 {strides = array<i32>} : memref<32x256xf32, #tpu.memory_space<vmem>>, vector<1x16xf32>,
    %swap3A_4103 = arith.constant 18 : i32
    %swap3A_4104 = arith.index_cast %swap3A_4103 : i32 to index
    %swap3A_4105 = arith.constant 224 : index
    %swap3A_4106 = tpu.vector_load %arg7[%swap3A_4104, %swap3A_4105] {strides = array<i32>} : memref<32x256xf32, #tpu.memory_space<vmem>>, vector<1x16xf32>,
    %swap3A_4107 = vector.shape_cast %swap3A_4106 : vector<1x16xf32> to vector<16xf32>
    %swap3A_4108 = vector.shape_cast %get3A_3994 : vector<16xf32> to vector<1x16xf32>
    tpu.vector_store %arg7[%swap3A_4104, %swap3A_4105], %swap3A_4108 {strides = array<i32>} : memref<32x256xf32, #tpu.memory_space<vmem>>, vector<1x16xf32>,
    %swap3A_4109 = arith.constant 19 : i32
    %swap3A_4110 = arith.index_cast %swap3A_4109 : i32 to index
    %swap3A_4111 = arith.constant 224 : index
    %swap3A_4112 = tpu.vector_load %arg7[%swap3A_4110, %swap3A_4111] {strides = array<i32>} : memref<32x256xf32, #tpu.memory_space<vmem>>, vector<1x16xf32>,
    %swap3A_4113 = vector.shape_cast %swap3A_4112 : vector<1x16xf32> to vector<16xf32>
    %swap3A_4114 = vector.shape_cast %get3A_3994 : vector<16xf32> to vector<1x16xf32>
    tpu.vector_store %arg7[%swap3A_4110, %swap3A_4111], %swap3A_4114 {strides = array<i32>} : memref<32x256xf32, #tpu.memory_space<vmem>>, vector<1x16xf32>,
    %swap3A_4115 = arith.constant 20 : i32
    %swap3A_4116 = arith.index_cast %swap3A_4115 : i32 to index
    %swap3A_4117 = arith.constant 224 : index
    %swap3A_4118 = tpu.vector_load %arg7[%swap3A_4116, %swap3A_4117] {strides = array<i32>} : memref<32x256xf32, #tpu.memory_space<vmem>>, vector<1x16xf32>,
    %swap3A_4119 = vector.shape_cast %swap3A_4118 : vector<1x16xf32> to vector<16xf32>
    %swap3A_4120 = vector.shape_cast %get3A_3994 : vector<16xf32> to vector<1x16xf32>
    tpu.vector_store %arg7[%swap3A_4116, %swap3A_4117], %swap3A_4120 {strides = array<i32>} : memref<32x256xf32, #tpu.memory_space<vmem>>, vector<1x16xf32>,
    %swap3A_4121 = arith.constant 21 : i32
    %swap3A_4122 = arith.index_cast %swap3A_4121 : i32 to index
    %swap3A_4123 = arith.constant 224 : index
    %swap3A_4124 = tpu.vector_load %arg7[%swap3A_4122, %swap3A_4123] {strides = array<i32>} : memref<32x256xf32, #tpu.memory_space<vmem>>, vector<1x16xf32>,
    %swap3A_4125 = vector.shape_cast %swap3A_4124 : vector<1x16xf32> to vector<16xf32>
    %swap3A_4126 = vector.shape_cast %get3A_3994 : vector<16xf32> to vector<1x16xf32>
    tpu.vector_store %arg7[%swap3A_4122, %swap3A_4123], %swap3A_4126 {strides = array<i32>} : memref<32x256xf32, #tpu.memory_space<vmem>>, vector<1x16xf32>,
    %swap3A_4127 = arith.constant 22 : i32
    %swap3A_4128 = arith.index_cast %swap3A_4127 : i32 to index
    %swap3A_4129 = arith.constant 224 : index
    %swap3A_4130 = tpu.vector_load %arg7[%swap3A_4128, %swap3A_4129] {strides = array<i32>} : memref<32x256xf32, #tpu.memory_space<vmem>>, vector<1x16xf32>,
    %swap3A_4131 = vector.shape_cast %swap3A_4130 : vector<1x16xf32> to vector<16xf32>
    %swap3A_4132 = vector.shape_cast %get3A_3994 : vector<16xf32> to vector<1x16xf32>
    tpu.vector_store %arg7[%swap3A_4128, %swap3A_4129], %swap3A_4132 {strides = array<i32>} : memref<32x256xf32, #tpu.memory_space<vmem>>, vector<1x16xf32>,
    %swap3A_4133 = arith.constant 23 : i32
    %swap3A_4134 = arith.index_cast %swap3A_4133 : i32 to index
    %swap3A_4135 = arith.constant 224 : index
    %swap3A_4136 = tpu.vector_load %arg7[%swap3A_4134, %swap3A_4135] {strides = array<i32>} : memref<32x256xf32, #tpu.memory_space<vmem>>, vector<1x16xf32>,
    %swap3A_4137 = vector.shape_cast %swap3A_4136 : vector<1x16xf32> to vector<16xf32>
    %swap3A_4138 = vector.shape_cast %get3A_3994 : vector<16xf32> to vector<1x16xf32>
    tpu.vector_store %arg7[%swap3A_4134, %swap3A_4135], %swap3A_4138 {strides = array<i32>} : memref<32x256xf32, #tpu.memory_space<vmem>>, vector<1x16xf32>,
    %swap3A_4139 = arith.constant 24 : i32
    %swap3A_4140 = arith.index_cast %swap3A_4139 : i32 to index
    %swap3A_4141 = arith.constant 224 : index
    %swap3A_4142 = tpu.vector_load %arg7[%swap3A_4140, %swap3A_4141] {strides = array<i32>} : memref<32x256xf32, #tpu.memory_space<vmem>>, vector<1x16xf32>,
    %swap3A_4143 = vector.shape_cast %swap3A_4142 : vector<1x16xf32> to vector<16xf32>
    %swap3A_4144 = vector.shape_cast %get3A_3994 : vector<16xf32> to vector<1x16xf32>
    tpu.vector_store %arg7[%swap3A_4140, %swap3A_4141], %swap3A_4144 {strides = array<i32>} : memref<32x256xf32, #tpu.memory_space<vmem>>, vector<1x16xf32>,
    %swap3A_4145 = arith.constant 25 : i32
    %swap3A_4146 = arith.index_cast %swap3A_4145 : i32 to index
    %swap3A_4147 = arith.constant 224 : index
    %swap3A_4148 = tpu.vector_load %arg7[%swap3A_4146, %swap3A_4147] {strides = array<i32>} : memref<32x256xf32, #tpu.memory_space<vmem>>, vector<1x16xf32>,
    %swap3A_4149 = vector.shape_cast %swap3A_4148 : vector<1x16xf32> to vector<16xf32>
    %swap3A_4150 = vector.shape_cast %get3A_3994 : vector<16xf32> to vector<1x16xf32>
    tpu.vector_store %arg7[%swap3A_4146, %swap3A_4147], %swap3A_4150 {strides = array<i32>} : memref<32x256xf32, #tpu.memory_space<vmem>>, vector<1x16xf32>,
    %swap3A_4151 = arith.constant 26 : i32
    %swap3A_4152 = arith.index_cast %swap3A_4151 : i32 to index
    %swap3A_4153 = arith.constant 224 : index
    %swap3A_4154 = tpu.vector_load %arg7[%swap3A_4152, %swap3A_4153] {strides = array<i32>} : memref<32x256xf32, #tpu.memory_space<vmem>>, vector<1x16xf32>,
    %swap3A_4155 = vector.shape_cast %swap3A_4154 : vector<1x16xf32> to vector<16xf32>
    %swap3A_4156 = vector.shape_cast %get3A_3994 : vector<16xf32> to vector<1x16xf32>
    tpu.vector_store %arg7[%swap3A_4152, %swap3A_4153], %swap3A_4156 {strides = array<i32>} : memref<32x256xf32, #tpu.memory_space<vmem>>, vector<1x16xf32>,
    %swap3A_4157 = arith.constant 27 : i32
    %swap3A_4158 = arith.index_cast %swap3A_4157 : i32 to index
    %swap3A_4159 = arith.constant 224 : index
    %swap3A_4160 = tpu.vector_load %arg7[%swap3A_4158, %swap3A_4159] {strides = array<i32>} : memref<32x256xf32, #tpu.memory_space<vmem>>, vector<1x16xf32>,
    %swap3A_4161 = vector.shape_cast %swap3A_4160 : vector<1x16xf32> to vector<16xf32>
    %swap3A_4162 = vector.shape_cast %get3A_3994 : vector<16xf32> to vector<1x16xf32>
    tpu.vector_store %arg7[%swap3A_4158, %swap3A_4159], %swap3A_4162 {strides = array<i32>} : memref<32x256xf32, #tpu.memory_space<vmem>>, vector<1x16xf32>,
    %swap3A_4163 = arith.constant 28 : i32
    %swap3A_4164 = arith.index_cast %swap3A_4163 : i32 to index
    %swap3A_4165 = arith.constant 224 : index
    %swap3A_4166 = tpu.vector_load %arg7[%swap3A_4164, %swap3A_4165] {strides = array<i32>} : memref<32x256xf32, #tpu.memory_space<vmem>>, vector<1x16xf32>,
    %swap3A_4167 = vector.shape_cast %swap3A_4166 : vector<1x16xf32> to vector<16xf32>
    %swap3A_4168 = vector.shape_cast %get3A_3994 : vector<16xf32> to vector<1x16xf32>
    tpu.vector_store %arg7[%swap3A_4164, %swap3A_4165], %swap3A_4168 {strides = array<i32>} : memref<32x256xf32, #tpu.memory_space<vmem>>, vector<1x16xf32>,
    %swap3A_4169 = arith.constant 29 : i32
    %swap3A_4170 = arith.index_cast %swap3A_4169 : i32 to index
    %swap3A_4171 = arith.constant 224 : index
    %swap3A_4172 = tpu.vector_load %arg7[%swap3A_4170, %swap3A_4171] {strides = array<i32>} : memref<32x256xf32, #tpu.memory_space<vmem>>, vector<1x16xf32>,
    %swap3A_4173 = vector.shape_cast %swap3A_4172 : vector<1x16xf32> to vector<16xf32>
    %swap3A_4174 = vector.shape_cast %get3A_3994 : vector<16xf32> to vector<1x16xf32>
    tpu.vector_store %arg7[%swap3A_4170, %swap3A_4171], %swap3A_4174 {strides = array<i32>} : memref<32x256xf32, #tpu.memory_space<vmem>>, vector<1x16xf32>,
    %swap3A_4175 = arith.constant 30 : i32
    %swap3A_4176 = arith.index_cast %swap3A_4175 : i32 to index
    %swap3A_4177 = arith.constant 224 : index
    %swap3A_4178 = tpu.vector_load %arg7[%swap3A_4176, %swap3A_4177] {strides = array<i32>} : memref<32x256xf32, #tpu.memory_space<vmem>>, vector<1x16xf32>,
    %swap3A_4179 = vector.shape_cast %swap3A_4178 : vector<1x16xf32> to vector<16xf32>
    %swap3A_4180 = vector.shape_cast %get3A_3994 : vector<16xf32> to vector<1x16xf32>
    tpu.vector_store %arg7[%swap3A_4176, %swap3A_4177], %swap3A_4180 {strides = array<i32>} : memref<32x256xf32, #tpu.memory_space<vmem>>, vector<1x16xf32>,
    %swap3A_4181 = arith.constant 31 : i32
    %swap3A_4182 = arith.index_cast %swap3A_4181 : i32 to index
    %swap3A_4183 = arith.constant 224 : index
    %swap3A_4184 = tpu.vector_load %arg7[%swap3A_4182, %swap3A_4183] {strides = array<i32>} : memref<32x256xf32, #tpu.memory_space<vmem>>, vector<1x16xf32>,
    %swap3A_4185 = vector.shape_cast %swap3A_4184 : vector<1x16xf32> to vector<16xf32>
    %swap3A_4186 = vector.shape_cast %get3A_3994 : vector<16xf32> to vector<1x16xf32>
    tpu.vector_store %arg7[%swap3A_4182, %swap3A_4183], %swap3A_4186 {strides = array<i32>} : memref<32x256xf32, #tpu.memory_space<vmem>>, vector<1x16xf32>,
    %get3A_4187 = arith.index_cast %add3A : i32 to index
    %get3A_4188 = arith.constant 112 : index
    %get3A_4189 = tpu.vector_load %arg6[%get3A_4187, %get3A_4188] {strides = array<i32>} : memref<32x128xf32, #tpu.memory_space<vmem>>, vector<1x16xf32>,
    %get3A_4190 = vector.shape_cast %get3A_4189 : vector<1x16xf32> to vector<16xf32>
    %swap3A_4191 = arith.constant 0 : i32
    %swap3A_4192 = arith.index_cast %swap3A_4191 : i32 to index
    %swap3A_4193 = arith.constant 240 : index
    %swap3A_4194 = tpu.vector_load %arg7[%swap3A_4192, %swap3A_4193] {strides = array<i32>} : memref<32x256xf32, #tpu.memory_space<vmem>>, vector<1x16xf32>,
    %swap3A_4195 = vector.shape_cast %swap3A_4194 : vector<1x16xf32> to vector<16xf32>
    %swap3A_4196 = vector.shape_cast %get3A_4190 : vector<16xf32> to vector<1x16xf32>
    tpu.vector_store %arg7[%swap3A_4192, %swap3A_4193], %swap3A_4196 {strides = array<i32>} : memref<32x256xf32, #tpu.memory_space<vmem>>, vector<1x16xf32>,
    %swap3A_4197 = arith.constant 1 : i32
    %swap3A_4198 = arith.index_cast %swap3A_4197 : i32 to index
    %swap3A_4199 = arith.constant 240 : index
    %swap3A_4200 = tpu.vector_load %arg7[%swap3A_4198, %swap3A_4199] {strides = array<i32>} : memref<32x256xf32, #tpu.memory_space<vmem>>, vector<1x16xf32>,
    %swap3A_4201 = vector.shape_cast %swap3A_4200 : vector<1x16xf32> to vector<16xf32>
    %swap3A_4202 = vector.shape_cast %get3A_4190 : vector<16xf32> to vector<1x16xf32>
    tpu.vector_store %arg7[%swap3A_4198, %swap3A_4199], %swap3A_4202 {strides = array<i32>} : memref<32x256xf32, #tpu.memory_space<vmem>>, vector<1x16xf32>,
    %swap3A_4203 = arith.constant 2 : i32
    %swap3A_4204 = arith.index_cast %swap3A_4203 : i32 to index
    %swap3A_4205 = arith.constant 240 : index
    %swap3A_4206 = tpu.vector_load %arg7[%swap3A_4204, %swap3A_4205] {strides = array<i32>} : memref<32x256xf32, #tpu.memory_space<vmem>>, vector<1x16xf32>,
    %swap3A_4207 = vector.shape_cast %swap3A_4206 : vector<1x16xf32> to vector<16xf32>
    %swap3A_4208 = vector.shape_cast %get3A_4190 : vector<16xf32> to vector<1x16xf32>
    tpu.vector_store %arg7[%swap3A_4204, %swap3A_4205], %swap3A_4208 {strides = array<i32>} : memref<32x256xf32, #tpu.memory_space<vmem>>, vector<1x16xf32>,
    %swap3A_4209 = arith.constant 3 : i32
    %swap3A_4210 = arith.index_cast %swap3A_4209 : i32 to index
    %swap3A_4211 = arith.constant 240 : index
    %swap3A_4212 = tpu.vector_load %arg7[%swap3A_4210, %swap3A_4211] {strides = array<i32>} : memref<32x256xf32, #tpu.memory_space<vmem>>, vector<1x16xf32>,
    %swap3A_4213 = vector.shape_cast %swap3A_4212 : vector<1x16xf32> to vector<16xf32>
    %swap3A_4214 = vector.shape_cast %get3A_4190 : vector<16xf32> to vector<1x16xf32>
    tpu.vector_store %arg7[%swap3A_4210, %swap3A_4211], %swap3A_4214 {strides = array<i32>} : memref<32x256xf32, #tpu.memory_space<vmem>>, vector<1x16xf32>,
    %swap3A_4215 = arith.constant 4 : i32
    %swap3A_4216 = arith.index_cast %swap3A_4215 : i32 to index
    %swap3A_4217 = arith.constant 240 : index
    %swap3A_4218 = tpu.vector_load %arg7[%swap3A_4216, %swap3A_4217] {strides = array<i32>} : memref<32x256xf32, #tpu.memory_space<vmem>>, vector<1x16xf32>,
    %swap3A_4219 = vector.shape_cast %swap3A_4218 : vector<1x16xf32> to vector<16xf32>
    %swap3A_4220 = vector.shape_cast %get3A_4190 : vector<16xf32> to vector<1x16xf32>
    tpu.vector_store %arg7[%swap3A_4216, %swap3A_4217], %swap3A_4220 {strides = array<i32>} : memref<32x256xf32, #tpu.memory_space<vmem>>, vector<1x16xf32>,
    %swap3A_4221 = arith.constant 5 : i32
    %swap3A_4222 = arith.index_cast %swap3A_4221 : i32 to index
    %swap3A_4223 = arith.constant 240 : index
    %swap3A_4224 = tpu.vector_load %arg7[%swap3A_4222, %swap3A_4223] {strides = array<i32>} : memref<32x256xf32, #tpu.memory_space<vmem>>, vector<1x16xf32>,
    %swap3A_4225 = vector.shape_cast %swap3A_4224 : vector<1x16xf32> to vector<16xf32>
    %swap3A_4226 = vector.shape_cast %get3A_4190 : vector<16xf32> to vector<1x16xf32>
    tpu.vector_store %arg7[%swap3A_4222, %swap3A_4223], %swap3A_4226 {strides = array<i32>} : memref<32x256xf32, #tpu.memory_space<vmem>>, vector<1x16xf32>,
    %swap3A_4227 = arith.constant 6 : i32
    %swap3A_4228 = arith.index_cast %swap3A_4227 : i32 to index
    %swap3A_4229 = arith.constant 240 : index
    %swap3A_4230 = tpu.vector_load %arg7[%swap3A_4228, %swap3A_4229] {strides = array<i32>} : memref<32x256xf32, #tpu.memory_space<vmem>>, vector<1x16xf32>,
    %swap3A_4231 = vector.shape_cast %swap3A_4230 : vector<1x16xf32> to vector<16xf32>
    %swap3A_4232 = vector.shape_cast %get3A_4190 : vector<16xf32> to vector<1x16xf32>
    tpu.vector_store %arg7[%swap3A_4228, %swap3A_4229], %swap3A_4232 {strides = array<i32>} : memref<32x256xf32, #tpu.memory_space<vmem>>, vector<1x16xf32>,
    %swap3A_4233 = arith.constant 7 : i32
    %swap3A_4234 = arith.index_cast %swap3A_4233 : i32 to index
    %swap3A_4235 = arith.constant 240 : index
    %swap3A_4236 = tpu.vector_load %arg7[%swap3A_4234, %swap3A_4235] {strides = array<i32>} : memref<32x256xf32, #tpu.memory_space<vmem>>, vector<1x16xf32>,
    %swap3A_4237 = vector.shape_cast %swap3A_4236 : vector<1x16xf32> to vector<16xf32>
    %swap3A_4238 = vector.shape_cast %get3A_4190 : vector<16xf32> to vector<1x16xf32>
    tpu.vector_store %arg7[%swap3A_4234, %swap3A_4235], %swap3A_4238 {strides = array<i32>} : memref<32x256xf32, #tpu.memory_space<vmem>>, vector<1x16xf32>,
    %swap3A_4239 = arith.constant 8 : i32
    %swap3A_4240 = arith.index_cast %swap3A_4239 : i32 to index
    %swap3A_4241 = arith.constant 240 : index
    %swap3A_4242 = tpu.vector_load %arg7[%swap3A_4240, %swap3A_4241] {strides = array<i32>} : memref<32x256xf32, #tpu.memory_space<vmem>>, vector<1x16xf32>,
    %swap3A_4243 = vector.shape_cast %swap3A_4242 : vector<1x16xf32> to vector<16xf32>
    %swap3A_4244 = vector.shape_cast %get3A_4190 : vector<16xf32> to vector<1x16xf32>
    tpu.vector_store %arg7[%swap3A_4240, %swap3A_4241], %swap3A_4244 {strides = array<i32>} : memref<32x256xf32, #tpu.memory_space<vmem>>, vector<1x16xf32>,
    %swap3A_4245 = arith.constant 9 : i32
    %swap3A_4246 = arith.index_cast %swap3A_4245 : i32 to index
    %swap3A_4247 = arith.constant 240 : index
    %swap3A_4248 = tpu.vector_load %arg7[%swap3A_4246, %swap3A_4247] {strides = array<i32>} : memref<32x256xf32, #tpu.memory_space<vmem>>, vector<1x16xf32>,
    %swap3A_4249 = vector.shape_cast %swap3A_4248 : vector<1x16xf32> to vector<16xf32>
    %swap3A_4250 = vector.shape_cast %get3A_4190 : vector<16xf32> to vector<1x16xf32>
    tpu.vector_store %arg7[%swap3A_4246, %swap3A_4247], %swap3A_4250 {strides = array<i32>} : memref<32x256xf32, #tpu.memory_space<vmem>>, vector<1x16xf32>,
    %swap3A_4251 = arith.constant 10 : i32
    %swap3A_4252 = arith.index_cast %swap3A_4251 : i32 to index
    %swap3A_4253 = arith.constant 240 : index
    %swap3A_4254 = tpu.vector_load %arg7[%swap3A_4252, %swap3A_4253] {strides = array<i32>} : memref<32x256xf32, #tpu.memory_space<vmem>>, vector<1x16xf32>,
    %swap3A_4255 = vector.shape_cast %swap3A_4254 : vector<1x16xf32> to vector<16xf32>
    %swap3A_4256 = vector.shape_cast %get3A_4190 : vector<16xf32> to vector<1x16xf32>
    tpu.vector_store %arg7[%swap3A_4252, %swap3A_4253], %swap3A_4256 {strides = array<i32>} : memref<32x256xf32, #tpu.memory_space<vmem>>, vector<1x16xf32>,
    %swap3A_4257 = arith.constant 11 : i32
    %swap3A_4258 = arith.index_cast %swap3A_4257 : i32 to index
    %swap3A_4259 = arith.constant 240 : index
    %swap3A_4260 = tpu.vector_load %arg7[%swap3A_4258, %swap3A_4259] {strides = array<i32>} : memref<32x256xf32, #tpu.memory_space<vmem>>, vector<1x16xf32>,
    %swap3A_4261 = vector.shape_cast %swap3A_4260 : vector<1x16xf32> to vector<16xf32>
    %swap3A_4262 = vector.shape_cast %get3A_4190 : vector<16xf32> to vector<1x16xf32>
    tpu.vector_store %arg7[%swap3A_4258, %swap3A_4259], %swap3A_4262 {strides = array<i32>} : memref<32x256xf32, #tpu.memory_space<vmem>>, vector<1x16xf32>,
    %swap3A_4263 = arith.constant 12 : i32
    %swap3A_4264 = arith.index_cast %swap3A_4263 : i32 to index
    %swap3A_4265 = arith.constant 240 : index
    %swap3A_4266 = tpu.vector_load %arg7[%swap3A_4264, %swap3A_4265] {strides = array<i32>} : memref<32x256xf32, #tpu.memory_space<vmem>>, vector<1x16xf32>,
    %swap3A_4267 = vector.shape_cast %swap3A_4266 : vector<1x16xf32> to vector<16xf32>
    %swap3A_4268 = vector.shape_cast %get3A_4190 : vector<16xf32> to vector<1x16xf32>
    tpu.vector_store %arg7[%swap3A_4264, %swap3A_4265], %swap3A_4268 {strides = array<i32>} : memref<32x256xf32, #tpu.memory_space<vmem>>, vector<1x16xf32>,
    %swap3A_4269 = arith.constant 13 : i32
    %swap3A_4270 = arith.index_cast %swap3A_4269 : i32 to index
    %swap3A_4271 = arith.constant 240 : index
    %swap3A_4272 = tpu.vector_load %arg7[%swap3A_4270, %swap3A_4271] {strides = array<i32>} : memref<32x256xf32, #tpu.memory_space<vmem>>, vector<1x16xf32>,
    %swap3A_4273 = vector.shape_cast %swap3A_4272 : vector<1x16xf32> to vector<16xf32>
    %swap3A_4274 = vector.shape_cast %get3A_4190 : vector<16xf32> to vector<1x16xf32>
    tpu.vector_store %arg7[%swap3A_4270, %swap3A_4271], %swap3A_4274 {strides = array<i32>} : memref<32x256xf32, #tpu.memory_space<vmem>>, vector<1x16xf32>,
    %swap3A_4275 = arith.constant 14 : i32
    %swap3A_4276 = arith.index_cast %swap3A_4275 : i32 to index
    %swap3A_4277 = arith.constant 240 : index
    %swap3A_4278 = tpu.vector_load %arg7[%swap3A_4276, %swap3A_4277] {strides = array<i32>} : memref<32x256xf32, #tpu.memory_space<vmem>>, vector<1x16xf32>,
    %swap3A_4279 = vector.shape_cast %swap3A_4278 : vector<1x16xf32> to vector<16xf32>
    %swap3A_4280 = vector.shape_cast %get3A_4190 : vector<16xf32> to vector<1x16xf32>
    tpu.vector_store %arg7[%swap3A_4276, %swap3A_4277], %swap3A_4280 {strides = array<i32>} : memref<32x256xf32, #tpu.memory_space<vmem>>, vector<1x16xf32>,
    %swap3A_4281 = arith.constant 15 : i32
    %swap3A_4282 = arith.index_cast %swap3A_4281 : i32 to index
    %swap3A_4283 = arith.constant 240 : index
    %swap3A_4284 = tpu.vector_load %arg7[%swap3A_4282, %swap3A_4283] {strides = array<i32>} : memref<32x256xf32, #tpu.memory_space<vmem>>, vector<1x16xf32>,
    %swap3A_4285 = vector.shape_cast %swap3A_4284 : vector<1x16xf32> to vector<16xf32>
    %swap3A_4286 = vector.shape_cast %get3A_4190 : vector<16xf32> to vector<1x16xf32>
    tpu.vector_store %arg7[%swap3A_4282, %swap3A_4283], %swap3A_4286 {strides = array<i32>} : memref<32x256xf32, #tpu.memory_space<vmem>>, vector<1x16xf32>,
    %swap3A_4287 = arith.constant 16 : i32
    %swap3A_4288 = arith.index_cast %swap3A_4287 : i32 to index
    %swap3A_4289 = arith.constant 240 : index
    %swap3A_4290 = tpu.vector_load %arg7[%swap3A_4288, %swap3A_4289] {strides = array<i32>} : memref<32x256xf32, #tpu.memory_space<vmem>>, vector<1x16xf32>,
    %swap3A_4291 = vector.shape_cast %swap3A_4290 : vector<1x16xf32> to vector<16xf32>
    %swap3A_4292 = vector.shape_cast %get3A_4190 : vector<16xf32> to vector<1x16xf32>
    tpu.vector_store %arg7[%swap3A_4288, %swap3A_4289], %swap3A_4292 {strides = array<i32>} : memref<32x256xf32, #tpu.memory_space<vmem>>, vector<1x16xf32>,
    %swap3A_4293 = arith.constant 17 : i32
    %swap3A_4294 = arith.index_cast %swap3A_4293 : i32 to index
    %swap3A_4295 = arith.constant 240 : index
    %swap3A_4296 = tpu.vector_load %arg7[%swap3A_4294, %swap3A_4295] {strides = array<i32>} : memref<32x256xf32, #tpu.memory_space<vmem>>, vector<1x16xf32>,
    %swap3A_4297 = vector.shape_cast %swap3A_4296 : vector<1x16xf32> to vector<16xf32>
    %swap3A_4298 = vector.shape_cast %get3A_4190 : vector<16xf32> to vector<1x16xf32>
    tpu.vector_store %arg7[%swap3A_4294, %swap3A_4295], %swap3A_4298 {strides = array<i32>} : memref<32x256xf32, #tpu.memory_space<vmem>>, vector<1x16xf32>,
    %swap3A_4299 = arith.constant 18 : i32
    %swap3A_4300 = arith.index_cast %swap3A_4299 : i32 to index
    %swap3A_4301 = arith.constant 240 : index
    %swap3A_4302 = tpu.vector_load %arg7[%swap3A_4300, %swap3A_4301] {strides = array<i32>} : memref<32x256xf32, #tpu.memory_space<vmem>>, vector<1x16xf32>,
    %swap3A_4303 = vector.shape_cast %swap3A_4302 : vector<1x16xf32> to vector<16xf32>
    %swap3A_4304 = vector.shape_cast %get3A_4190 : vector<16xf32> to vector<1x16xf32>
    tpu.vector_store %arg7[%swap3A_4300, %swap3A_4301], %swap3A_4304 {strides = array<i32>} : memref<32x256xf32, #tpu.memory_space<vmem>>, vector<1x16xf32>,
    %swap3A_4305 = arith.constant 19 : i32
    %swap3A_4306 = arith.index_cast %swap3A_4305 : i32 to index
    %swap3A_4307 = arith.constant 240 : index
    %swap3A_4308 = tpu.vector_load %arg7[%swap3A_4306, %swap3A_4307] {strides = array<i32>} : memref<32x256xf32, #tpu.memory_space<vmem>>, vector<1x16xf32>,
    %swap3A_4309 = vector.shape_cast %swap3A_4308 : vector<1x16xf32> to vector<16xf32>
    %swap3A_4310 = vector.shape_cast %get3A_4190 : vector<16xf32> to vector<1x16xf32>
    tpu.vector_store %arg7[%swap3A_4306, %swap3A_4307], %swap3A_4310 {strides = array<i32>} : memref<32x256xf32, #tpu.memory_space<vmem>>, vector<1x16xf32>,
    %swap3A_4311 = arith.constant 20 : i32
    %swap3A_4312 = arith.index_cast %swap3A_4311 : i32 to index
    %swap3A_4313 = arith.constant 240 : index
    %swap3A_4314 = tpu.vector_load %arg7[%swap3A_4312, %swap3A_4313] {strides = array<i32>} : memref<32x256xf32, #tpu.memory_space<vmem>>, vector<1x16xf32>,
    %swap3A_4315 = vector.shape_cast %swap3A_4314 : vector<1x16xf32> to vector<16xf32>
    %swap3A_4316 = vector.shape_cast %get3A_4190 : vector<16xf32> to vector<1x16xf32>
    tpu.vector_store %arg7[%swap3A_4312, %swap3A_4313], %swap3A_4316 {strides = array<i32>} : memref<32x256xf32, #tpu.memory_space<vmem>>, vector<1x16xf32>,
    %swap3A_4317 = arith.constant 21 : i32
    %swap3A_4318 = arith.index_cast %swap3A_4317 : i32 to index
    %swap3A_4319 = arith.constant 240 : index
    %swap3A_4320 = tpu.vector_load %arg7[%swap3A_4318, %swap3A_4319] {strides = array<i32>} : memref<32x256xf32, #tpu.memory_space<vmem>>, vector<1x16xf32>,
    %swap3A_4321 = vector.shape_cast %swap3A_4320 : vector<1x16xf32> to vector<16xf32>
    %swap3A_4322 = vector.shape_cast %get3A_4190 : vector<16xf32> to vector<1x16xf32>
    tpu.vector_store %arg7[%swap3A_4318, %swap3A_4319], %swap3A_4322 {strides = array<i32>} : memref<32x256xf32, #tpu.memory_space<vmem>>, vector<1x16xf32>,
    %swap3A_4323 = arith.constant 22 : i32
    %swap3A_4324 = arith.index_cast %swap3A_4323 : i32 to index
    %swap3A_4325 = arith.constant 240 : index
    %swap3A_4326 = tpu.vector_load %arg7[%swap3A_4324, %swap3A_4325] {strides = array<i32>} : memref<32x256xf32, #tpu.memory_space<vmem>>, vector<1x16xf32>,
    %swap3A_4327 = vector.shape_cast %swap3A_4326 : vector<1x16xf32> to vector<16xf32>
    %swap3A_4328 = vector.shape_cast %get3A_4190 : vector<16xf32> to vector<1x16xf32>
    tpu.vector_store %arg7[%swap3A_4324, %swap3A_4325], %swap3A_4328 {strides = array<i32>} : memref<32x256xf32, #tpu.memory_space<vmem>>, vector<1x16xf32>,
    %swap3A_4329 = arith.constant 23 : i32
    %swap3A_4330 = arith.index_cast %swap3A_4329 : i32 to index
    %swap3A_4331 = arith.constant 240 : index
    %swap3A_4332 = tpu.vector_load %arg7[%swap3A_4330, %swap3A_4331] {strides = array<i32>} : memref<32x256xf32, #tpu.memory_space<vmem>>, vector<1x16xf32>,
    %swap3A_4333 = vector.shape_cast %swap3A_4332 : vector<1x16xf32> to vector<16xf32>
    %swap3A_4334 = vector.shape_cast %get3A_4190 : vector<16xf32> to vector<1x16xf32>
    tpu.vector_store %arg7[%swap3A_4330, %swap3A_4331], %swap3A_4334 {strides = array<i32>} : memref<32x256xf32, #tpu.memory_space<vmem>>, vector<1x16xf32>,
    %swap3A_4335 = arith.constant 24 : i32
    %swap3A_4336 = arith.index_cast %swap3A_4335 : i32 to index
    %swap3A_4337 = arith.constant 240 : index
    %swap3A_4338 = tpu.vector_load %arg7[%swap3A_4336, %swap3A_4337] {strides = array<i32>} : memref<32x256xf32, #tpu.memory_space<vmem>>, vector<1x16xf32>,
    %swap3A_4339 = vector.shape_cast %swap3A_4338 : vector<1x16xf32> to vector<16xf32>
    %swap3A_4340 = vector.shape_cast %get3A_4190 : vector<16xf32> to vector<1x16xf32>
    tpu.vector_store %arg7[%swap3A_4336, %swap3A_4337], %swap3A_4340 {strides = array<i32>} : memref<32x256xf32, #tpu.memory_space<vmem>>, vector<1x16xf32>,
    %swap3A_4341 = arith.constant 25 : i32
    %swap3A_4342 = arith.index_cast %swap3A_4341 : i32 to index
    %swap3A_4343 = arith.constant 240 : index
    %swap3A_4344 = tpu.vector_load %arg7[%swap3A_4342, %swap3A_4343] {strides = array<i32>} : memref<32x256xf32, #tpu.memory_space<vmem>>, vector<1x16xf32>,
    %swap3A_4345 = vector.shape_cast %swap3A_4344 : vector<1x16xf32> to vector<16xf32>
    %swap3A_4346 = vector.shape_cast %get3A_4190 : vector<16xf32> to vector<1x16xf32>
    tpu.vector_store %arg7[%swap3A_4342, %swap3A_4343], %swap3A_4346 {strides = array<i32>} : memref<32x256xf32, #tpu.memory_space<vmem>>, vector<1x16xf32>,
    %swap3A_4347 = arith.constant 26 : i32
    %swap3A_4348 = arith.index_cast %swap3A_4347 : i32 to index
    %swap3A_4349 = arith.constant 240 : index
    %swap3A_4350 = tpu.vector_load %arg7[%swap3A_4348, %swap3A_4349] {strides = array<i32>} : memref<32x256xf32, #tpu.memory_space<vmem>>, vector<1x16xf32>,
    %swap3A_4351 = vector.shape_cast %swap3A_4350 : vector<1x16xf32> to vector<16xf32>
    %swap3A_4352 = vector.shape_cast %get3A_4190 : vector<16xf32> to vector<1x16xf32>
    tpu.vector_store %arg7[%swap3A_4348, %swap3A_4349], %swap3A_4352 {strides = array<i32>} : memref<32x256xf32, #tpu.memory_space<vmem>>, vector<1x16xf32>,
    %swap3A_4353 = arith.constant 27 : i32
    %swap3A_4354 = arith.index_cast %swap3A_4353 : i32 to index
    %swap3A_4355 = arith.constant 240 : index
    %swap3A_4356 = tpu.vector_load %arg7[%swap3A_4354, %swap3A_4355] {strides = array<i32>} : memref<32x256xf32, #tpu.memory_space<vmem>>, vector<1x16xf32>,
    %swap3A_4357 = vector.shape_cast %swap3A_4356 : vector<1x16xf32> to vector<16xf32>
    %swap3A_4358 = vector.shape_cast %get3A_4190 : vector<16xf32> to vector<1x16xf32>
    tpu.vector_store %arg7[%swap3A_4354, %swap3A_4355], %swap3A_4358 {strides = array<i32>} : memref<32x256xf32, #tpu.memory_space<vmem>>, vector<1x16xf32>,
    %swap3A_4359 = arith.constant 28 : i32
    %swap3A_4360 = arith.index_cast %swap3A_4359 : i32 to index
    %swap3A_4361 = arith.constant 240 : index
    %swap3A_4362 = tpu.vector_load %arg7[%swap3A_4360, %swap3A_4361] {strides = array<i32>} : memref<32x256xf32, #tpu.memory_space<vmem>>, vector<1x16xf32>,
    %swap3A_4363 = vector.shape_cast %swap3A_4362 : vector<1x16xf32> to vector<16xf32>
    %swap3A_4364 = vector.shape_cast %get3A_4190 : vector<16xf32> to vector<1x16xf32>
    tpu.vector_store %arg7[%swap3A_4360, %swap3A_4361], %swap3A_4364 {strides = array<i32>} : memref<32x256xf32, #tpu.memory_space<vmem>>, vector<1x16xf32>,
    %swap3A_4365 = arith.constant 29 : i32
    %swap3A_4366 = arith.index_cast %swap3A_4365 : i32 to index
    %swap3A_4367 = arith.constant 240 : index
    %swap3A_4368 = tpu.vector_load %arg7[%swap3A_4366, %swap3A_4367] {strides = array<i32>} : memref<32x256xf32, #tpu.memory_space<vmem>>, vector<1x16xf32>,
    %swap3A_4369 = vector.shape_cast %swap3A_4368 : vector<1x16xf32> to vector<16xf32>
    %swap3A_4370 = vector.shape_cast %get3A_4190 : vector<16xf32> to vector<1x16xf32>
    tpu.vector_store %arg7[%swap3A_4366, %swap3A_4367], %swap3A_4370 {strides = array<i32>} : memref<32x256xf32, #tpu.memory_space<vmem>>, vector<1x16xf32>,
    %swap3A_4371 = arith.constant 30 : i32
    %swap3A_4372 = arith.index_cast %swap3A_4371 : i32 to index
    %swap3A_4373 = arith.constant 240 : index
    %swap3A_4374 = tpu.vector_load %arg7[%swap3A_4372, %swap3A_4373] {strides = array<i32>} : memref<32x256xf32, #tpu.memory_space<vmem>>, vector<1x16xf32>,
    %swap3A_4375 = vector.shape_cast %swap3A_4374 : vector<1x16xf32> to vector<16xf32>
    %swap3A_4376 = vector.shape_cast %get3A_4190 : vector<16xf32> to vector<1x16xf32>
    tpu.vector_store %arg7[%swap3A_4372, %swap3A_4373], %swap3A_4376 {strides = array<i32>} : memref<32x256xf32, #tpu.memory_space<vmem>>, vector<1x16xf32>,
    %swap3A_4377 = arith.constant 31 : i32
    %swap3A_4378 = arith.index_cast %swap3A_4377 : i32 to index
    %swap3A_4379 = arith.constant 240 : index
    %swap3A_4380 = tpu.vector_load %arg7[%swap3A_4378, %swap3A_4379] {strides = array<i32>} : memref<32x256xf32, #tpu.memory_space<vmem>>, vector<1x16xf32>,
    %swap3A_4381 = vector.shape_cast %swap3A_4380 : vector<1x16xf32> to vector<16xf32>
    %swap3A_4382 = vector.shape_cast %get3A_4190 : vector<16xf32> to vector<1x16xf32>
    tpu.vector_store %arg7[%swap3A_4378, %swap3A_4379], %swap3A_4382 {strides = array<i32>} : memref<32x256xf32, #tpu.memory_space<vmem>>, vector<1x16xf32>,
    %dma_start3A = arith.constant 0 : i32
    %dma_start3A_4383 = arith.constant 0 : i32
    %dma_start3A_4384 = arith.constant 0 : i32
    %dma_start3A_4385 = tpu.memref_slice %arg4[%dma_start3A, %add3A, %dma_start3A_4383, %dma_start3A_4384] : memref<16x32x32x256xf32, #tpu.memory_space<hbm>> -> memref<1x1x32x256xf32, #tpu.memory_space<hbm>>
    %dma_start3A_4386 = tpu.memref_squeeze %dma_start3A_4385 : memref<1x1x32x256xf32, #tpu.memory_space<hbm>> -> memref<32x256xf32, #tpu.memory_space<hbm>>
    %dma_start3A_4387 = arith.constant 0 : i32
    %dma_start3A_4388 = arith.constant 0 : i32
    %dma_start3A_4389 = tpu.memref_slice %arg4[%dma_start3A, %add3A, %dma_start3A_4387, %dma_start3A_4388] : memref<16x32x32x256xf32, #tpu.memory_space<hbm>> -> memref<1x1x32x256xf32, #tpu.memory_space<hbm>>
    %dma_start3A_4390 = tpu.memref_squeeze %dma_start3A_4389 : memref<1x1x32x256xf32, #tpu.memory_space<hbm>> -> memref<32x256xf32, #tpu.memory_space<hbm>>
    tpu.enqueue_dma source(%arg7 : memref<32x256xf32, #tpu.memory_space<vmem>>) target(%dma_start3A_4390 : memref<32x256xf32, #tpu.memory_space<hbm>>) target_semaphore(%arg8 : memref<!tpu.dma_semaphore, #tpu.memory_space<semaphore_mem>>)
    %dma_start3A_4391 = arith.constant 1 : i32
    %dma_start3A_4392 = arith.constant 0 : i32
    %dma_start3A_4393 = arith.constant 0 : i32
    %dma_start3A_4394 = tpu.memref_slice %arg4[%dma_start3A_4391, %add3A, %dma_start3A_4392, %dma_start3A_4393] : memref<16x32x32x256xf32, #tpu.memory_space<hbm>> -> memref<1x1x32x256xf32, #tpu.memory_space<hbm>>
    %dma_start3A_4395 = tpu.memref_squeeze %dma_start3A_4394 : memref<1x1x32x256xf32, #tpu.memory_space<hbm>> -> memref<32x256xf32, #tpu.memory_space<hbm>>
    %dma_start3A_4396 = arith.constant 0 : i32
    %dma_start3A_4397 = arith.constant 0 : i32
    %dma_start3A_4398 = tpu.memref_slice %arg4[%dma_start3A_4391, %add3A, %dma_start3A_4396, %dma_start3A_4397] : memref<16x32x32x256xf32, #tpu.memory_space<hbm>> -> memref<1x1x32x256xf32, #tpu.memory_space<hbm>>
    %dma_start3A_4399 = tpu.memref_squeeze %dma_start3A_4398 : memref<1x1x32x256xf32, #tpu.memory_space<hbm>> -> memref<32x256xf32, #tpu.memory_space<hbm>>
    tpu.enqueue_dma source(%arg7 : memref<32x256xf32, #tpu.memory_space<vmem>>) target(%dma_start3A_4399 : memref<32x256xf32, #tpu.memory_space<hbm>>) target_semaphore(%arg8 : memref<!tpu.dma_semaphore, #tpu.memory_space<semaphore_mem>>)
    %dma_start3A_4400 = arith.constant 2 : i32
    %dma_start3A_4401 = arith.constant 0 : i32
    %dma_start3A_4402 = arith.constant 0 : i32
    %dma_start3A_4403 = tpu.memref_slice %arg4[%dma_start3A_4400, %add3A, %dma_start3A_4401, %dma_start3A_4402] : memref<16x32x32x256xf32, #tpu.memory_space<hbm>> -> memref<1x1x32x256xf32, #tpu.memory_space<hbm>>
    %dma_start3A_4404 = tpu.memref_squeeze %dma_start3A_4403 : memref<1x1x32x256xf32, #tpu.memory_space<hbm>> -> memref<32x256xf32, #tpu.memory_space<hbm>>
    %dma_start3A_4405 = arith.constant 0 : i32
    %dma_start3A_4406 = arith.constant 0 : i32
    %dma_start3A_4407 = tpu.memref_slice %arg4[%dma_start3A_4400, %add3A, %dma_start3A_4405, %dma_start3A_4406] : memref<16x32x32x256xf32, #tpu.memory_space<hbm>> -> memref<1x1x32x256xf32, #tpu.memory_space<hbm>>
    %dma_start3A_4408 = tpu.memref_squeeze %dma_start3A_4407 : memref<1x1x32x256xf32, #tpu.memory_space<hbm>> -> memref<32x256xf32, #tpu.memory_space<hbm>>
    tpu.enqueue_dma source(%arg7 : memref<32x256xf32, #tpu.memory_space<vmem>>) target(%dma_start3A_4408 : memref<32x256xf32, #tpu.memory_space<hbm>>) target_semaphore(%arg8 : memref<!tpu.dma_semaphore, #tpu.memory_space<semaphore_mem>>)
    %dma_start3A_4409 = arith.constant 3 : i32
    %dma_start3A_4410 = arith.constant 0 : i32
    %dma_start3A_4411 = arith.constant 0 : i32
    %dma_start3A_4412 = tpu.memref_slice %arg4[%dma_start3A_4409, %add3A, %dma_start3A_4410, %dma_start3A_4411] : memref<16x32x32x256xf32, #tpu.memory_space<hbm>> -> memref<1x1x32x256xf32, #tpu.memory_space<hbm>>
    %dma_start3A_4413 = tpu.memref_squeeze %dma_start3A_4412 : memref<1x1x32x256xf32, #tpu.memory_space<hbm>> -> memref<32x256xf32, #tpu.memory_space<hbm>>
    %dma_start3A_4414 = arith.constant 0 : i32
    %dma_start3A_4415 = arith.constant 0 : i32
    %dma_start3A_4416 = tpu.memref_slice %arg4[%dma_start3A_4409, %add3A, %dma_start3A_4414, %dma_start3A_4415] : memref<16x32x32x256xf32, #tpu.memory_space<hbm>> -> memref<1x1x32x256xf32, #tpu.memory_space<hbm>>
    %dma_start3A_4417 = tpu.memref_squeeze %dma_start3A_4416 : memref<1x1x32x256xf32, #tpu.memory_space<hbm>> -> memref<32x256xf32, #tpu.memory_space<hbm>>
    tpu.enqueue_dma source(%arg7 : memref<32x256xf32, #tpu.memory_space<vmem>>) target(%dma_start3A_4417 : memref<32x256xf32, #tpu.memory_space<hbm>>) target_semaphore(%arg8 : memref<!tpu.dma_semaphore, #tpu.memory_space<semaphore_mem>>)
    %dma_start3A_4418 = arith.constant 4 : i32
    %dma_start3A_4419 = arith.constant 0 : i32
    %dma_start3A_4420 = arith.constant 0 : i32
    %dma_start3A_4421 = tpu.memref_slice %arg4[%dma_start3A_4418, %add3A, %dma_start3A_4419, %dma_start3A_4420] : memref<16x32x32x256xf32, #tpu.memory_space<hbm>> -> memref<1x1x32x256xf32, #tpu.memory_space<hbm>>
    %dma_start3A_4422 = tpu.memref_squeeze %dma_start3A_4421 : memref<1x1x32x256xf32, #tpu.memory_space<hbm>> -> memref<32x256xf32, #tpu.memory_space<hbm>>
    %dma_start3A_4423 = arith.constant 0 : i32
    %dma_start3A_4424 = arith.constant 0 : i32
    %dma_start3A_4425 = tpu.memref_slice %arg4[%dma_start3A_4418, %add3A, %dma_start3A_4423, %dma_start3A_4424] : memref<16x32x32x256xf32, #tpu.memory_space<hbm>> -> memref<1x1x32x256xf32, #tpu.memory_space<hbm>>
    %dma_start3A_4426 = tpu.memref_squeeze %dma_start3A_4425 : memref<1x1x32x256xf32, #tpu.memory_space<hbm>> -> memref<32x256xf32, #tpu.memory_space<hbm>>
    tpu.enqueue_dma source(%arg7 : memref<32x256xf32, #tpu.memory_space<vmem>>) target(%dma_start3A_4426 : memref<32x256xf32, #tpu.memory_space<hbm>>) target_semaphore(%arg8 : memref<!tpu.dma_semaphore, #tpu.memory_space<semaphore_mem>>)
    %dma_start3A_4427 = arith.constant 5 : i32
    %dma_start3A_4428 = arith.constant 0 : i32
    %dma_start3A_4429 = arith.constant 0 : i32
    %dma_start3A_4430 = tpu.memref_slice %arg4[%dma_start3A_4427, %add3A, %dma_start3A_4428, %dma_start3A_4429] : memref<16x32x32x256xf32, #tpu.memory_space<hbm>> -> memref<1x1x32x256xf32, #tpu.memory_space<hbm>>
    %dma_start3A_4431 = tpu.memref_squeeze %dma_start3A_4430 : memref<1x1x32x256xf32, #tpu.memory_space<hbm>> -> memref<32x256xf32, #tpu.memory_space<hbm>>
    %dma_start3A_4432 = arith.constant 0 : i32
    %dma_start3A_4433 = arith.constant 0 : i32
    %dma_start3A_4434 = tpu.memref_slice %arg4[%dma_start3A_4427, %add3A, %dma_start3A_4432, %dma_start3A_4433] : memref<16x32x32x256xf32, #tpu.memory_space<hbm>> -> memref<1x1x32x256xf32, #tpu.memory_space<hbm>>
    %dma_start3A_4435 = tpu.memref_squeeze %dma_start3A_4434 : memref<1x1x32x256xf32, #tpu.memory_space<hbm>> -> memref<32x256xf32, #tpu.memory_space<hbm>>
    tpu.enqueue_dma source(%arg7 : memref<32x256xf32, #tpu.memory_space<vmem>>) target(%dma_start3A_4435 : memref<32x256xf32, #tpu.memory_space<hbm>>) target_semaphore(%arg8 : memref<!tpu.dma_semaphore, #tpu.memory_space<semaphore_mem>>)
    %dma_start3A_4436 = arith.constant 6 : i32
    %dma_start3A_4437 = arith.constant 0 : i32
    %dma_start3A_4438 = arith.constant 0 : i32
    %dma_start3A_4439 = tpu.memref_slice %arg4[%dma_start3A_4436, %add3A, %dma_start3A_4437, %dma_start3A_4438] : memref<16x32x32x256xf32, #tpu.memory_space<hbm>> -> memref<1x1x32x256xf32, #tpu.memory_space<hbm>>
    %dma_start3A_4440 = tpu.memref_squeeze %dma_start3A_4439 : memref<1x1x32x256xf32, #tpu.memory_space<hbm>> -> memref<32x256xf32, #tpu.memory_space<hbm>>
    %dma_start3A_4441 = arith.constant 0 : i32
    %dma_start3A_4442 = arith.constant 0 : i32
    %dma_start3A_4443 = tpu.memref_slice %arg4[%dma_start3A_4436, %add3A, %dma_start3A_4441, %dma_start3A_4442] : memref<16x32x32x256xf32, #tpu.memory_space<hbm>> -> memref<1x1x32x256xf32, #tpu.memory_space<hbm>>
    %dma_start3A_4444 = tpu.memref_squeeze %dma_start3A_4443 : memref<1x1x32x256xf32, #tpu.memory_space<hbm>> -> memref<32x256xf32, #tpu.memory_space<hbm>>
    tpu.enqueue_dma source(%arg7 : memref<32x256xf32, #tpu.memory_space<vmem>>) target(%dma_start3A_4444 : memref<32x256xf32, #tpu.memory_space<hbm>>) target_semaphore(%arg8 : memref<!tpu.dma_semaphore, #tpu.memory_space<semaphore_mem>>)
    %dma_start3A_4445 = arith.constant 7 : i32
    %dma_start3A_4446 = arith.constant 0 : i32
    %dma_start3A_4447 = arith.constant 0 : i32
    %dma_start3A_4448 = tpu.memref_slice %arg4[%dma_start3A_4445, %add3A, %dma_start3A_4446, %dma_start3A_4447] : memref<16x32x32x256xf32, #tpu.memory_space<hbm>> -> memref<1x1x32x256xf32, #tpu.memory_space<hbm>>
    %dma_start3A_4449 = tpu.memref_squeeze %dma_start3A_4448 : memref<1x1x32x256xf32, #tpu.memory_space<hbm>> -> memref<32x256xf32, #tpu.memory_space<hbm>>
    %dma_start3A_4450 = arith.constant 0 : i32
    %dma_start3A_4451 = arith.constant 0 : i32
    %dma_start3A_4452 = tpu.memref_slice %arg4[%dma_start3A_4445, %add3A, %dma_start3A_4450, %dma_start3A_4451] : memref<16x32x32x256xf32, #tpu.memory_space<hbm>> -> memref<1x1x32x256xf32, #tpu.memory_space<hbm>>
    %dma_start3A_4453 = tpu.memref_squeeze %dma_start3A_4452 : memref<1x1x32x256xf32, #tpu.memory_space<hbm>> -> memref<32x256xf32, #tpu.memory_space<hbm>>
    tpu.enqueue_dma source(%arg7 : memref<32x256xf32, #tpu.memory_space<vmem>>) target(%dma_start3A_4453 : memref<32x256xf32, #tpu.memory_space<hbm>>) target_semaphore(%arg8 : memref<!tpu.dma_semaphore, #tpu.memory_space<semaphore_mem>>)
    %dma_start3A_4454 = arith.constant 8 : i32
    %dma_start3A_4455 = arith.constant 0 : i32
    %dma_start3A_4456 = arith.constant 0 : i32
    %dma_start3A_4457 = tpu.memref_slice %arg4[%dma_start3A_4454, %add3A, %dma_start3A_4455, %dma_start3A_4456] : memref<16x32x32x256xf32, #tpu.memory_space<hbm>> -> memref<1x1x32x256xf32, #tpu.memory_space<hbm>>
    %dma_start3A_4458 = tpu.memref_squeeze %dma_start3A_4457 : memref<1x1x32x256xf32, #tpu.memory_space<hbm>> -> memref<32x256xf32, #tpu.memory_space<hbm>>
    %dma_start3A_4459 = arith.constant 0 : i32
    %dma_start3A_4460 = arith.constant 0 : i32
    %dma_start3A_4461 = tpu.memref_slice %arg4[%dma_start3A_4454, %add3A, %dma_start3A_4459, %dma_start3A_4460] : memref<16x32x32x256xf32, #tpu.memory_space<hbm>> -> memref<1x1x32x256xf32, #tpu.memory_space<hbm>>
    %dma_start3A_4462 = tpu.memref_squeeze %dma_start3A_4461 : memref<1x1x32x256xf32, #tpu.memory_space<hbm>> -> memref<32x256xf32, #tpu.memory_space<hbm>>
    tpu.enqueue_dma source(%arg7 : memref<32x256xf32, #tpu.memory_space<vmem>>) target(%dma_start3A_4462 : memref<32x256xf32, #tpu.memory_space<hbm>>) target_semaphore(%arg8 : memref<!tpu.dma_semaphore, #tpu.memory_space<semaphore_mem>>)
    %dma_start3A_4463 = arith.constant 9 : i32
    %dma_start3A_4464 = arith.constant 0 : i32
    %dma_start3A_4465 = arith.constant 0 : i32
    %dma_start3A_4466 = tpu.memref_slice %arg4[%dma_start3A_4463, %add3A, %dma_start3A_4464, %dma_start3A_4465] : memref<16x32x32x256xf32, #tpu.memory_space<hbm>> -> memref<1x1x32x256xf32, #tpu.memory_space<hbm>>
    %dma_start3A_4467 = tpu.memref_squeeze %dma_start3A_4466 : memref<1x1x32x256xf32, #tpu.memory_space<hbm>> -> memref<32x256xf32, #tpu.memory_space<hbm>>
    %dma_start3A_4468 = arith.constant 0 : i32
    %dma_start3A_4469 = arith.constant 0 : i32
    %dma_start3A_4470 = tpu.memref_slice %arg4[%dma_start3A_4463, %add3A, %dma_start3A_4468, %dma_start3A_4469] : memref<16x32x32x256xf32, #tpu.memory_space<hbm>> -> memref<1x1x32x256xf32, #tpu.memory_space<hbm>>
    %dma_start3A_4471 = tpu.memref_squeeze %dma_start3A_4470 : memref<1x1x32x256xf32, #tpu.memory_space<hbm>> -> memref<32x256xf32, #tpu.memory_space<hbm>>
    tpu.enqueue_dma source(%arg7 : memref<32x256xf32, #tpu.memory_space<vmem>>) target(%dma_start3A_4471 : memref<32x256xf32, #tpu.memory_space<hbm>>) target_semaphore(%arg8 : memref<!tpu.dma_semaphore, #tpu.memory_space<semaphore_mem>>)
    %dma_start3A_4472 = arith.constant 10 : i32
    %dma_start3A_4473 = arith.constant 0 : i32
    %dma_start3A_4474 = arith.constant 0 : i32
    %dma_start3A_4475 = tpu.memref_slice %arg4[%dma_start3A_4472, %add3A, %dma_start3A_4473, %dma_start3A_4474] : memref<16x32x32x256xf32, #tpu.memory_space<hbm>> -> memref<1x1x32x256xf32, #tpu.memory_space<hbm>>
    %dma_start3A_4476 = tpu.memref_squeeze %dma_start3A_4475 : memref<1x1x32x256xf32, #tpu.memory_space<hbm>> -> memref<32x256xf32, #tpu.memory_space<hbm>>
    %dma_start3A_4477 = arith.constant 0 : i32
    %dma_start3A_4478 = arith.constant 0 : i32
    %dma_start3A_4479 = tpu.memref_slice %arg4[%dma_start3A_4472, %add3A, %dma_start3A_4477, %dma_start3A_4478] : memref<16x32x32x256xf32, #tpu.memory_space<hbm>> -> memref<1x1x32x256xf32, #tpu.memory_space<hbm>>
    %dma_start3A_4480 = tpu.memref_squeeze %dma_start3A_4479 : memref<1x1x32x256xf32, #tpu.memory_space<hbm>> -> memref<32x256xf32, #tpu.memory_space<hbm>>
    tpu.enqueue_dma source(%arg7 : memref<32x256xf32, #tpu.memory_space<vmem>>) target(%dma_start3A_4480 : memref<32x256xf32, #tpu.memory_space<hbm>>) target_semaphore(%arg8 : memref<!tpu.dma_semaphore, #tpu.memory_space<semaphore_mem>>)
    %dma_start3A_4481 = arith.constant 11 : i32
    %dma_start3A_4482 = arith.constant 0 : i32
    %dma_start3A_4483 = arith.constant 0 : i32
    %dma_start3A_4484 = tpu.memref_slice %arg4[%dma_start3A_4481, %add3A, %dma_start3A_4482, %dma_start3A_4483] : memref<16x32x32x256xf32, #tpu.memory_space<hbm>> -> memref<1x1x32x256xf32, #tpu.memory_space<hbm>>
    %dma_start3A_4485 = tpu.memref_squeeze %dma_start3A_4484 : memref<1x1x32x256xf32, #tpu.memory_space<hbm>> -> memref<32x256xf32, #tpu.memory_space<hbm>>
    %dma_start3A_4486 = arith.constant 0 : i32
    %dma_start3A_4487 = arith.constant 0 : i32
    %dma_start3A_4488 = tpu.memref_slice %arg4[%dma_start3A_4481, %add3A, %dma_start3A_4486, %dma_start3A_4487] : memref<16x32x32x256xf32, #tpu.memory_space<hbm>> -> memref<1x1x32x256xf32, #tpu.memory_space<hbm>>
    %dma_start3A_4489 = tpu.memref_squeeze %dma_start3A_4488 : memref<1x1x32x256xf32, #tpu.memory_space<hbm>> -> memref<32x256xf32, #tpu.memory_space<hbm>>
    tpu.enqueue_dma source(%arg7 : memref<32x256xf32, #tpu.memory_space<vmem>>) target(%dma_start3A_4489 : memref<32x256xf32, #tpu.memory_space<hbm>>) target_semaphore(%arg8 : memref<!tpu.dma_semaphore, #tpu.memory_space<semaphore_mem>>)
    %dma_start3A_4490 = arith.constant 12 : i32
    %dma_start3A_4491 = arith.constant 0 : i32
    %dma_start3A_4492 = arith.constant 0 : i32
    %dma_start3A_4493 = tpu.memref_slice %arg4[%dma_start3A_4490, %add3A, %dma_start3A_4491, %dma_start3A_4492] : memref<16x32x32x256xf32, #tpu.memory_space<hbm>> -> memref<1x1x32x256xf32, #tpu.memory_space<hbm>>
    %dma_start3A_4494 = tpu.memref_squeeze %dma_start3A_4493 : memref<1x1x32x256xf32, #tpu.memory_space<hbm>> -> memref<32x256xf32, #tpu.memory_space<hbm>>
    %dma_start3A_4495 = arith.constant 0 : i32
    %dma_start3A_4496 = arith.constant 0 : i32
    %dma_start3A_4497 = tpu.memref_slice %arg4[%dma_start3A_4490, %add3A, %dma_start3A_4495, %dma_start3A_4496] : memref<16x32x32x256xf32, #tpu.memory_space<hbm>> -> memref<1x1x32x256xf32, #tpu.memory_space<hbm>>
    %dma_start3A_4498 = tpu.memref_squeeze %dma_start3A_4497 : memref<1x1x32x256xf32, #tpu.memory_space<hbm>> -> memref<32x256xf32, #tpu.memory_space<hbm>>
    tpu.enqueue_dma source(%arg7 : memref<32x256xf32, #tpu.memory_space<vmem>>) target(%dma_start3A_4498 : memref<32x256xf32, #tpu.memory_space<hbm>>) target_semaphore(%arg8 : memref<!tpu.dma_semaphore, #tpu.memory_space<semaphore_mem>>)
    %dma_start3A_4499 = arith.constant 13 : i32
    %dma_start3A_4500 = arith.constant 0 : i32
    %dma_start3A_4501 = arith.constant 0 : i32
    %dma_start3A_4502 = tpu.memref_slice %arg4[%dma_start3A_4499, %add3A, %dma_start3A_4500, %dma_start3A_4501] : memref<16x32x32x256xf32, #tpu.memory_space<hbm>> -> memref<1x1x32x256xf32, #tpu.memory_space<hbm>>
    %dma_start3A_4503 = tpu.memref_squeeze %dma_start3A_4502 : memref<1x1x32x256xf32, #tpu.memory_space<hbm>> -> memref<32x256xf32, #tpu.memory_space<hbm>>
    %dma_start3A_4504 = arith.constant 0 : i32
    %dma_start3A_4505 = arith.constant 0 : i32
    %dma_start3A_4506 = tpu.memref_slice %arg4[%dma_start3A_4499, %add3A, %dma_start3A_4504, %dma_start3A_4505] : memref<16x32x32x256xf32, #tpu.memory_space<hbm>> -> memref<1x1x32x256xf32, #tpu.memory_space<hbm>>
    %dma_start3A_4507 = tpu.memref_squeeze %dma_start3A_4506 : memref<1x1x32x256xf32, #tpu.memory_space<hbm>> -> memref<32x256xf32, #tpu.memory_space<hbm>>
    tpu.enqueue_dma source(%arg7 : memref<32x256xf32, #tpu.memory_space<vmem>>) target(%dma_start3A_4507 : memref<32x256xf32, #tpu.memory_space<hbm>>) target_semaphore(%arg8 : memref<!tpu.dma_semaphore, #tpu.memory_space<semaphore_mem>>)
    %dma_start3A_4508 = arith.constant 14 : i32
    %dma_start3A_4509 = arith.constant 0 : i32
    %dma_start3A_4510 = arith.constant 0 : i32
    %dma_start3A_4511 = tpu.memref_slice %arg4[%dma_start3A_4508, %add3A, %dma_start3A_4509, %dma_start3A_4510] : memref<16x32x32x256xf32, #tpu.memory_space<hbm>> -> memref<1x1x32x256xf32, #tpu.memory_space<hbm>>
    %dma_start3A_4512 = tpu.memref_squeeze %dma_start3A_4511 : memref<1x1x32x256xf32, #tpu.memory_space<hbm>> -> memref<32x256xf32, #tpu.memory_space<hbm>>
    %dma_start3A_4513 = arith.constant 0 : i32
    %dma_start3A_4514 = arith.constant 0 : i32
    %dma_start3A_4515 = tpu.memref_slice %arg4[%dma_start3A_4508, %add3A, %dma_start3A_4513, %dma_start3A_4514] : memref<16x32x32x256xf32, #tpu.memory_space<hbm>> -> memref<1x1x32x256xf32, #tpu.memory_space<hbm>>
    %dma_start3A_4516 = tpu.memref_squeeze %dma_start3A_4515 : memref<1x1x32x256xf32, #tpu.memory_space<hbm>> -> memref<32x256xf32, #tpu.memory_space<hbm>>
    tpu.enqueue_dma source(%arg7 : memref<32x256xf32, #tpu.memory_space<vmem>>) target(%dma_start3A_4516 : memref<32x256xf32, #tpu.memory_space<hbm>>) target_semaphore(%arg8 : memref<!tpu.dma_semaphore, #tpu.memory_space<semaphore_mem>>)
    %dma_start3A_4517 = arith.constant 15 : i32
    %dma_start3A_4518 = arith.constant 0 : i32
    %dma_start3A_4519 = arith.constant 0 : i32
    %dma_start3A_4520 = tpu.memref_slice %arg4[%dma_start3A_4517, %add3A, %dma_start3A_4518, %dma_start3A_4519] : memref<16x32x32x256xf32, #tpu.memory_space<hbm>> -> memref<1x1x32x256xf32, #tpu.memory_space<hbm>>
    %dma_start3A_4521 = tpu.memref_squeeze %dma_start3A_4520 : memref<1x1x32x256xf32, #tpu.memory_space<hbm>> -> memref<32x256xf32, #tpu.memory_space<hbm>>
    %dma_start3A_4522 = arith.constant 0 : i32
    %dma_start3A_4523 = arith.constant 0 : i32
    %dma_start3A_4524 = tpu.memref_slice %arg4[%dma_start3A_4517, %add3A, %dma_start3A_4522, %dma_start3A_4523] : memref<16x32x32x256xf32, #tpu.memory_space<hbm>> -> memref<1x1x32x256xf32, #tpu.memory_space<hbm>>
    %dma_start3A_4525 = tpu.memref_squeeze %dma_start3A_4524 : memref<1x1x32x256xf32, #tpu.memory_space<hbm>> -> memref<32x256xf32, #tpu.memory_space<hbm>>
    tpu.enqueue_dma source(%arg7 : memref<32x256xf32, #tpu.memory_space<vmem>>) target(%dma_start3A_4525 : memref<32x256xf32, #tpu.memory_space<hbm>>) target_semaphore(%arg8 : memref<!tpu.dma_semaphore, #tpu.memory_space<semaphore_mem>>)
    %dma_wait3A = arith.constant 0 : i32
    %dma_wait3A_4526 = arith.constant 0 : i32
    %dma_wait3A_4527 = arith.constant 0 : i32
    %dma_wait3A_4528 = tpu.memref_slice %arg4[%dma_wait3A, %add3A, %dma_wait3A_4526, %dma_wait3A_4527] : memref<16x32x32x256xf32, #tpu.memory_space<hbm>> -> memref<1x1x32x256xf32, #tpu.memory_space<hbm>>
    %dma_wait3A_4529 = tpu.memref_squeeze %dma_wait3A_4528 : memref<1x1x32x256xf32, #tpu.memory_space<hbm>> -> memref<32x256xf32, #tpu.memory_space<hbm>>
    %dma_wait3A_4530 = arith.constant 0 : i32
    %dma_wait3A_4531 = arith.constant 0 : i32
    %dma_wait3A_4532 = tpu.memref_slice %arg4[%dma_wait3A, %add3A, %dma_wait3A_4530, %dma_wait3A_4531] : memref<16x32x32x256xf32, #tpu.memory_space<hbm>> -> memref<1x1x32x256xf32, #tpu.memory_space<hbm>>
    %dma_wait3A_4533 = tpu.memref_squeeze %dma_wait3A_4532 : memref<1x1x32x256xf32, #tpu.memory_space<hbm>> -> memref<32x256xf32, #tpu.memory_space<hbm>>
    tpu.wait_dma2 semaphore(%arg8 : memref<!tpu.dma_semaphore, #tpu.memory_space<semaphore_mem>>) src(%arg7 : memref<32x256xf32, #tpu.memory_space<vmem>>) dst(%dma_wait3A_4533 : memref<32x256xf32, #tpu.memory_space<hbm>>)
    %dma_wait3A_4534 = arith.constant 1 : i32
    %dma_wait3A_4535 = arith.constant 0 : i32
    %dma_wait3A_4536 = arith.constant 0 : i32
    %dma_wait3A_4537 = tpu.memref_slice %arg4[%dma_wait3A_4534, %add3A, %dma_wait3A_4535, %dma_wait3A_4536] : memref<16x32x32x256xf32, #tpu.memory_space<hbm>> -> memref<1x1x32x256xf32, #tpu.memory_space<hbm>>
    %dma_wait3A_4538 = tpu.memref_squeeze %dma_wait3A_4537 : memref<1x1x32x256xf32, #tpu.memory_space<hbm>> -> memref<32x256xf32, #tpu.memory_space<hbm>>
    %dma_wait3A_4539 = arith.constant 0 : i32
    %dma_wait3A_4540 = arith.constant 0 : i32
    %dma_wait3A_4541 = tpu.memref_slice %arg4[%dma_wait3A_4534, %add3A, %dma_wait3A_4539, %dma_wait3A_4540] : memref<16x32x32x256xf32, #tpu.memory_space<hbm>> -> memref<1x1x32x256xf32, #tpu.memory_space<hbm>>
    %dma_wait3A_4542 = tpu.memref_squeeze %dma_wait3A_4541 : memref<1x1x32x256xf32, #tpu.memory_space<hbm>> -> memref<32x256xf32, #tpu.memory_space<hbm>>
    tpu.wait_dma2 semaphore(%arg8 : memref<!tpu.dma_semaphore, #tpu.memory_space<semaphore_mem>>) src(%arg7 : memref<32x256xf32, #tpu.memory_space<vmem>>) dst(%dma_wait3A_4542 : memref<32x256xf32, #tpu.memory_space<hbm>>)
    %dma_wait3A_4543 = arith.constant 2 : i32
    %dma_wait3A_4544 = arith.constant 0 : i32
    %dma_wait3A_4545 = arith.constant 0 : i32
    %dma_wait3A_4546 = tpu.memref_slice %arg4[%dma_wait3A_4543, %add3A, %dma_wait3A_4544, %dma_wait3A_4545] : memref<16x32x32x256xf32, #tpu.memory_space<hbm>> -> memref<1x1x32x256xf32, #tpu.memory_space<hbm>>
    %dma_wait3A_4547 = tpu.memref_squeeze %dma_wait3A_4546 : memref<1x1x32x256xf32, #tpu.memory_space<hbm>> -> memref<32x256xf32, #tpu.memory_space<hbm>>
    %dma_wait3A_4548 = arith.constant 0 : i32
    %dma_wait3A_4549 = arith.constant 0 : i32
    %dma_wait3A_4550 = tpu.memref_slice %arg4[%dma_wait3A_4543, %add3A, %dma_wait3A_4548, %dma_wait3A_4549] : memref<16x32x32x256xf32, #tpu.memory_space<hbm>> -> memref<1x1x32x256xf32, #tpu.memory_space<hbm>>
    %dma_wait3A_4551 = tpu.memref_squeeze %dma_wait3A_4550 : memref<1x1x32x256xf32, #tpu.memory_space<hbm>> -> memref<32x256xf32, #tpu.memory_space<hbm>>
    tpu.wait_dma2 semaphore(%arg8 : memref<!tpu.dma_semaphore, #tpu.memory_space<semaphore_mem>>) src(%arg7 : memref<32x256xf32, #tpu.memory_space<vmem>>) dst(%dma_wait3A_4551 : memref<32x256xf32, #tpu.memory_space<hbm>>)
    %dma_wait3A_4552 = arith.constant 3 : i32
    %dma_wait3A_4553 = arith.constant 0 : i32
    %dma_wait3A_4554 = arith.constant 0 : i32
    %dma_wait3A_4555 = tpu.memref_slice %arg4[%dma_wait3A_4552, %add3A, %dma_wait3A_4553, %dma_wait3A_4554] : memref<16x32x32x256xf32, #tpu.memory_space<hbm>> -> memref<1x1x32x256xf32, #tpu.memory_space<hbm>>
    %dma_wait3A_4556 = tpu.memref_squeeze %dma_wait3A_4555 : memref<1x1x32x256xf32, #tpu.memory_space<hbm>> -> memref<32x256xf32, #tpu.memory_space<hbm>>
    %dma_wait3A_4557 = arith.constant 0 : i32
    %dma_wait3A_4558 = arith.constant 0 : i32
    %dma_wait3A_4559 = tpu.memref_slice %arg4[%dma_wait3A_4552, %add3A, %dma_wait3A_4557, %dma_wait3A_4558] : memref<16x32x32x256xf32, #tpu.memory_space<hbm>> -> memref<1x1x32x256xf32, #tpu.memory_space<hbm>>
    %dma_wait3A_4560 = tpu.memref_squeeze %dma_wait3A_4559 : memref<1x1x32x256xf32, #tpu.memory_space<hbm>> -> memref<32x256xf32, #tpu.memory_space<hbm>>
    tpu.wait_dma2 semaphore(%arg8 : memref<!tpu.dma_semaphore, #tpu.memory_space<semaphore_mem>>) src(%arg7 : memref<32x256xf32, #tpu.memory_space<vmem>>) dst(%dma_wait3A_4560 : memref<32x256xf32, #tpu.memory_space<hbm>>)
    %dma_wait3A_4561 = arith.constant 4 : i32
    %dma_wait3A_4562 = arith.constant 0 : i32
    %dma_wait3A_4563 = arith.constant 0 : i32
    %dma_wait3A_4564 = tpu.memref_slice %arg4[%dma_wait3A_4561, %add3A, %dma_wait3A_4562, %dma_wait3A_4563] : memref<16x32x32x256xf32, #tpu.memory_space<hbm>> -> memref<1x1x32x256xf32, #tpu.memory_space<hbm>>
    %dma_wait3A_4565 = tpu.memref_squeeze %dma_wait3A_4564 : memref<1x1x32x256xf32, #tpu.memory_space<hbm>> -> memref<32x256xf32, #tpu.memory_space<hbm>>
    %dma_wait3A_4566 = arith.constant 0 : i32
    %dma_wait3A_4567 = arith.constant 0 : i32
    %dma_wait3A_4568 = tpu.memref_slice %arg4[%dma_wait3A_4561, %add3A, %dma_wait3A_4566, %dma_wait3A_4567] : memref<16x32x32x256xf32, #tpu.memory_space<hbm>> -> memref<1x1x32x256xf32, #tpu.memory_space<hbm>>
    %dma_wait3A_4569 = tpu.memref_squeeze %dma_wait3A_4568 : memref<1x1x32x256xf32, #tpu.memory_space<hbm>> -> memref<32x256xf32, #tpu.memory_space<hbm>>
    tpu.wait_dma2 semaphore(%arg8 : memref<!tpu.dma_semaphore, #tpu.memory_space<semaphore_mem>>) src(%arg7 : memref<32x256xf32, #tpu.memory_space<vmem>>) dst(%dma_wait3A_4569 : memref<32x256xf32, #tpu.memory_space<hbm>>)
    %dma_wait3A_4570 = arith.constant 5 : i32
    %dma_wait3A_4571 = arith.constant 0 : i32
    %dma_wait3A_4572 = arith.constant 0 : i32
    %dma_wait3A_4573 = tpu.memref_slice %arg4[%dma_wait3A_4570, %add3A, %dma_wait3A_4571, %dma_wait3A_4572] : memref<16x32x32x256xf32, #tpu.memory_space<hbm>> -> memref<1x1x32x256xf32, #tpu.memory_space<hbm>>
    %dma_wait3A_4574 = tpu.memref_squeeze %dma_wait3A_4573 : memref<1x1x32x256xf32, #tpu.memory_space<hbm>> -> memref<32x256xf32, #tpu.memory_space<hbm>>
    %dma_wait3A_4575 = arith.constant 0 : i32
    %dma_wait3A_4576 = arith.constant 0 : i32
    %dma_wait3A_4577 = tpu.memref_slice %arg4[%dma_wait3A_4570, %add3A, %dma_wait3A_4575, %dma_wait3A_4576] : memref<16x32x32x256xf32, #tpu.memory_space<hbm>> -> memref<1x1x32x256xf32, #tpu.memory_space<hbm>>
    %dma_wait3A_4578 = tpu.memref_squeeze %dma_wait3A_4577 : memref<1x1x32x256xf32, #tpu.memory_space<hbm>> -> memref<32x256xf32, #tpu.memory_space<hbm>>
    tpu.wait_dma2 semaphore(%arg8 : memref<!tpu.dma_semaphore, #tpu.memory_space<semaphore_mem>>) src(%arg7 : memref<32x256xf32, #tpu.memory_space<vmem>>) dst(%dma_wait3A_4578 : memref<32x256xf32, #tpu.memory_space<hbm>>)
    %dma_wait3A_4579 = arith.constant 6 : i32
    %dma_wait3A_4580 = arith.constant 0 : i32
    %dma_wait3A_4581 = arith.constant 0 : i32
    %dma_wait3A_4582 = tpu.memref_slice %arg4[%dma_wait3A_4579, %add3A, %dma_wait3A_4580, %dma_wait3A_4581] : memref<16x32x32x256xf32, #tpu.memory_space<hbm>> -> memref<1x1x32x256xf32, #tpu.memory_space<hbm>>
    %dma_wait3A_4583 = tpu.memref_squeeze %dma_wait3A_4582 : memref<1x1x32x256xf32, #tpu.memory_space<hbm>> -> memref<32x256xf32, #tpu.memory_space<hbm>>
    %dma_wait3A_4584 = arith.constant 0 : i32
    %dma_wait3A_4585 = arith.constant 0 : i32
    %dma_wait3A_4586 = tpu.memref_slice %arg4[%dma_wait3A_4579, %add3A, %dma_wait3A_4584, %dma_wait3A_4585] : memref<16x32x32x256xf32, #tpu.memory_space<hbm>> -> memref<1x1x32x256xf32, #tpu.memory_space<hbm>>
    %dma_wait3A_4587 = tpu.memref_squeeze %dma_wait3A_4586 : memref<1x1x32x256xf32, #tpu.memory_space<hbm>> -> memref<32x256xf32, #tpu.memory_space<hbm>>
    tpu.wait_dma2 semaphore(%arg8 : memref<!tpu.dma_semaphore, #tpu.memory_space<semaphore_mem>>) src(%arg7 : memref<32x256xf32, #tpu.memory_space<vmem>>) dst(%dma_wait3A_4587 : memref<32x256xf32, #tpu.memory_space<hbm>>)
    %dma_wait3A_4588 = arith.constant 7 : i32
    %dma_wait3A_4589 = arith.constant 0 : i32
    %dma_wait3A_4590 = arith.constant 0 : i32
    %dma_wait3A_4591 = tpu.memref_slice %arg4[%dma_wait3A_4588, %add3A, %dma_wait3A_4589, %dma_wait3A_4590] : memref<16x32x32x256xf32, #tpu.memory_space<hbm>> -> memref<1x1x32x256xf32, #tpu.memory_space<hbm>>
    %dma_wait3A_4592 = tpu.memref_squeeze %dma_wait3A_4591 : memref<1x1x32x256xf32, #tpu.memory_space<hbm>> -> memref<32x256xf32, #tpu.memory_space<hbm>>
    %dma_wait3A_4593 = arith.constant 0 : i32
    %dma_wait3A_4594 = arith.constant 0 : i32
    %dma_wait3A_4595 = tpu.memref_slice %arg4[%dma_wait3A_4588, %add3A, %dma_wait3A_4593, %dma_wait3A_4594] : memref<16x32x32x256xf32, #tpu.memory_space<hbm>> -> memref<1x1x32x256xf32, #tpu.memory_space<hbm>>
    %dma_wait3A_4596 = tpu.memref_squeeze %dma_wait3A_4595 : memref<1x1x32x256xf32, #tpu.memory_space<hbm>> -> memref<32x256xf32, #tpu.memory_space<hbm>>
    tpu.wait_dma2 semaphore(%arg8 : memref<!tpu.dma_semaphore, #tpu.memory_space<semaphore_mem>>) src(%arg7 : memref<32x256xf32, #tpu.memory_space<vmem>>) dst(%dma_wait3A_4596 : memref<32x256xf32, #tpu.memory_space<hbm>>)
    %dma_wait3A_4597 = arith.constant 8 : i32
    %dma_wait3A_4598 = arith.constant 0 : i32
    %dma_wait3A_4599 = arith.constant 0 : i32
    %dma_wait3A_4600 = tpu.memref_slice %arg4[%dma_wait3A_4597, %add3A, %dma_wait3A_4598, %dma_wait3A_4599] : memref<16x32x32x256xf32, #tpu.memory_space<hbm>> -> memref<1x1x32x256xf32, #tpu.memory_space<hbm>>
    %dma_wait3A_4601 = tpu.memref_squeeze %dma_wait3A_4600 : memref<1x1x32x256xf32, #tpu.memory_space<hbm>> -> memref<32x256xf32, #tpu.memory_space<hbm>>
    %dma_wait3A_4602 = arith.constant 0 : i32
    %dma_wait3A_4603 = arith.constant 0 : i32
    %dma_wait3A_4604 = tpu.memref_slice %arg4[%dma_wait3A_4597, %add3A, %dma_wait3A_4602, %dma_wait3A_4603] : memref<16x32x32x256xf32, #tpu.memory_space<hbm>> -> memref<1x1x32x256xf32, #tpu.memory_space<hbm>>
    %dma_wait3A_4605 = tpu.memref_squeeze %dma_wait3A_4604 : memref<1x1x32x256xf32, #tpu.memory_space<hbm>> -> memref<32x256xf32, #tpu.memory_space<hbm>>
    tpu.wait_dma2 semaphore(%arg8 : memref<!tpu.dma_semaphore, #tpu.memory_space<semaphore_mem>>) src(%arg7 : memref<32x256xf32, #tpu.memory_space<vmem>>) dst(%dma_wait3A_4605 : memref<32x256xf32, #tpu.memory_space<hbm>>)
    %dma_wait3A_4606 = arith.constant 9 : i32
    %dma_wait3A_4607 = arith.constant 0 : i32
    %dma_wait3A_4608 = arith.constant 0 : i32
    %dma_wait3A_4609 = tpu.memref_slice %arg4[%dma_wait3A_4606, %add3A, %dma_wait3A_4607, %dma_wait3A_4608] : memref<16x32x32x256xf32, #tpu.memory_space<hbm>> -> memref<1x1x32x256xf32, #tpu.memory_space<hbm>>
    %dma_wait3A_4610 = tpu.memref_squeeze %dma_wait3A_4609 : memref<1x1x32x256xf32, #tpu.memory_space<hbm>> -> memref<32x256xf32, #tpu.memory_space<hbm>>
    %dma_wait3A_4611 = arith.constant 0 : i32
    %dma_wait3A_4612 = arith.constant 0 : i32
    %dma_wait3A_4613 = tpu.memref_slice %arg4[%dma_wait3A_4606, %add3A, %dma_wait3A_4611, %dma_wait3A_4612] : memref<16x32x32x256xf32, #tpu.memory_space<hbm>> -> memref<1x1x32x256xf32, #tpu.memory_space<hbm>>
    %dma_wait3A_4614 = tpu.memref_squeeze %dma_wait3A_4613 : memref<1x1x32x256xf32, #tpu.memory_space<hbm>> -> memref<32x256xf32, #tpu.memory_space<hbm>>
    tpu.wait_dma2 semaphore(%arg8 : memref<!tpu.dma_semaphore, #tpu.memory_space<semaphore_mem>>) src(%arg7 : memref<32x256xf32, #tpu.memory_space<vmem>>) dst(%dma_wait3A_4614 : memref<32x256xf32, #tpu.memory_space<hbm>>)
    %dma_wait3A_4615 = arith.constant 10 : i32
    %dma_wait3A_4616 = arith.constant 0 : i32
    %dma_wait3A_4617 = arith.constant 0 : i32
    %dma_wait3A_4618 = tpu.memref_slice %arg4[%dma_wait3A_4615, %add3A, %dma_wait3A_4616, %dma_wait3A_4617] : memref<16x32x32x256xf32, #tpu.memory_space<hbm>> -> memref<1x1x32x256xf32, #tpu.memory_space<hbm>>
    %dma_wait3A_4619 = tpu.memref_squeeze %dma_wait3A_4618 : memref<1x1x32x256xf32, #tpu.memory_space<hbm>> -> memref<32x256xf32, #tpu.memory_space<hbm>>
    %dma_wait3A_4620 = arith.constant 0 : i32
    %dma_wait3A_4621 = arith.constant 0 : i32
    %dma_wait3A_4622 = tpu.memref_slice %arg4[%dma_wait3A_4615, %add3A, %dma_wait3A_4620, %dma_wait3A_4621] : memref<16x32x32x256xf32, #tpu.memory_space<hbm>> -> memref<1x1x32x256xf32, #tpu.memory_space<hbm>>
    %dma_wait3A_4623 = tpu.memref_squeeze %dma_wait3A_4622 : memref<1x1x32x256xf32, #tpu.memory_space<hbm>> -> memref<32x256xf32, #tpu.memory_space<hbm>>
    tpu.wait_dma2 semaphore(%arg8 : memref<!tpu.dma_semaphore, #tpu.memory_space<semaphore_mem>>) src(%arg7 : memref<32x256xf32, #tpu.memory_space<vmem>>) dst(%dma_wait3A_4623 : memref<32x256xf32, #tpu.memory_space<hbm>>)
    %dma_wait3A_4624 = arith.constant 11 : i32
    %dma_wait3A_4625 = arith.constant 0 : i32
    %dma_wait3A_4626 = arith.constant 0 : i32
    %dma_wait3A_4627 = tpu.memref_slice %arg4[%dma_wait3A_4624, %add3A, %dma_wait3A_4625, %dma_wait3A_4626] : memref<16x32x32x256xf32, #tpu.memory_space<hbm>> -> memref<1x1x32x256xf32, #tpu.memory_space<hbm>>
    %dma_wait3A_4628 = tpu.memref_squeeze %dma_wait3A_4627 : memref<1x1x32x256xf32, #tpu.memory_space<hbm>> -> memref<32x256xf32, #tpu.memory_space<hbm>>
    %dma_wait3A_4629 = arith.constant 0 : i32
    %dma_wait3A_4630 = arith.constant 0 : i32
    %dma_wait3A_4631 = tpu.memref_slice %arg4[%dma_wait3A_4624, %add3A, %dma_wait3A_4629, %dma_wait3A_4630] : memref<16x32x32x256xf32, #tpu.memory_space<hbm>> -> memref<1x1x32x256xf32, #tpu.memory_space<hbm>>
    %dma_wait3A_4632 = tpu.memref_squeeze %dma_wait3A_4631 : memref<1x1x32x256xf32, #tpu.memory_space<hbm>> -> memref<32x256xf32, #tpu.memory_space<hbm>>
    tpu.wait_dma2 semaphore(%arg8 : memref<!tpu.dma_semaphore, #tpu.memory_space<semaphore_mem>>) src(%arg7 : memref<32x256xf32, #tpu.memory_space<vmem>>) dst(%dma_wait3A_4632 : memref<32x256xf32, #tpu.memory_space<hbm>>)
    %dma_wait3A_4633 = arith.constant 12 : i32
    %dma_wait3A_4634 = arith.constant 0 : i32
    %dma_wait3A_4635 = arith.constant 0 : i32
    %dma_wait3A_4636 = tpu.memref_slice %arg4[%dma_wait3A_4633, %add3A, %dma_wait3A_4634, %dma_wait3A_4635] : memref<16x32x32x256xf32, #tpu.memory_space<hbm>> -> memref<1x1x32x256xf32, #tpu.memory_space<hbm>>
    %dma_wait3A_4637 = tpu.memref_squeeze %dma_wait3A_4636 : memref<1x1x32x256xf32, #tpu.memory_space<hbm>> -> memref<32x256xf32, #tpu.memory_space<hbm>>
    %dma_wait3A_4638 = arith.constant 0 : i32
    %dma_wait3A_4639 = arith.constant 0 : i32
    %dma_wait3A_4640 = tpu.memref_slice %arg4[%dma_wait3A_4633, %add3A, %dma_wait3A_4638, %dma_wait3A_4639] : memref<16x32x32x256xf32, #tpu.memory_space<hbm>> -> memref<1x1x32x256xf32, #tpu.memory_space<hbm>>
    %dma_wait3A_4641 = tpu.memref_squeeze %dma_wait3A_4640 : memref<1x1x32x256xf32, #tpu.memory_space<hbm>> -> memref<32x256xf32, #tpu.memory_space<hbm>>
    tpu.wait_dma2 semaphore(%arg8 : memref<!tpu.dma_semaphore, #tpu.memory_space<semaphore_mem>>) src(%arg7 : memref<32x256xf32, #tpu.memory_space<vmem>>) dst(%dma_wait3A_4641 : memref<32x256xf32, #tpu.memory_space<hbm>>)
    %dma_wait3A_4642 = arith.constant 13 : i32
    %dma_wait3A_4643 = arith.constant 0 : i32
    %dma_wait3A_4644 = arith.constant 0 : i32
    %dma_wait3A_4645 = tpu.memref_slice %arg4[%dma_wait3A_4642, %add3A, %dma_wait3A_4643, %dma_wait3A_4644] : memref<16x32x32x256xf32, #tpu.memory_space<hbm>> -> memref<1x1x32x256xf32, #tpu.memory_space<hbm>>
    %dma_wait3A_4646 = tpu.memref_squeeze %dma_wait3A_4645 : memref<1x1x32x256xf32, #tpu.memory_space<hbm>> -> memref<32x256xf32, #tpu.memory_space<hbm>>
    %dma_wait3A_4647 = arith.constant 0 : i32
    %dma_wait3A_4648 = arith.constant 0 : i32
    %dma_wait3A_4649 = tpu.memref_slice %arg4[%dma_wait3A_4642, %add3A, %dma_wait3A_4647, %dma_wait3A_4648] : memref<16x32x32x256xf32, #tpu.memory_space<hbm>> -> memref<1x1x32x256xf32, #tpu.memory_space<hbm>>
    %dma_wait3A_4650 = tpu.memref_squeeze %dma_wait3A_4649 : memref<1x1x32x256xf32, #tpu.memory_space<hbm>> -> memref<32x256xf32, #tpu.memory_space<hbm>>
    tpu.wait_dma2 semaphore(%arg8 : memref<!tpu.dma_semaphore, #tpu.memory_space<semaphore_mem>>) src(%arg7 : memref<32x256xf32, #tpu.memory_space<vmem>>) dst(%dma_wait3A_4650 : memref<32x256xf32, #tpu.memory_space<hbm>>)
    %dma_wait3A_4651 = arith.constant 14 : i32
    %dma_wait3A_4652 = arith.constant 0 : i32
    %dma_wait3A_4653 = arith.constant 0 : i32
    %dma_wait3A_4654 = tpu.memref_slice %arg4[%dma_wait3A_4651, %add3A, %dma_wait3A_4652, %dma_wait3A_4653] : memref<16x32x32x256xf32, #tpu.memory_space<hbm>> -> memref<1x1x32x256xf32, #tpu.memory_space<hbm>>
    %dma_wait3A_4655 = tpu.memref_squeeze %dma_wait3A_4654 : memref<1x1x32x256xf32, #tpu.memory_space<hbm>> -> memref<32x256xf32, #tpu.memory_space<hbm>>
    %dma_wait3A_4656 = arith.constant 0 : i32
    %dma_wait3A_4657 = arith.constant 0 : i32
    %dma_wait3A_4658 = tpu.memref_slice %arg4[%dma_wait3A_4651, %add3A, %dma_wait3A_4656, %dma_wait3A_4657] : memref<16x32x32x256xf32, #tpu.memory_space<hbm>> -> memref<1x1x32x256xf32, #tpu.memory_space<hbm>>
    %dma_wait3A_4659 = tpu.memref_squeeze %dma_wait3A_4658 : memref<1x1x32x256xf32, #tpu.memory_space<hbm>> -> memref<32x256xf32, #tpu.memory_space<hbm>>
    tpu.wait_dma2 semaphore(%arg8 : memref<!tpu.dma_semaphore, #tpu.memory_space<semaphore_mem>>) src(%arg7 : memref<32x256xf32, #tpu.memory_space<vmem>>) dst(%dma_wait3A_4659 : memref<32x256xf32, #tpu.memory_space<hbm>>)
    %dma_wait3A_4660 = arith.constant 15 : i32
    %dma_wait3A_4661 = arith.constant 0 : i32
    %dma_wait3A_4662 = arith.constant 0 : i32
    %dma_wait3A_4663 = tpu.memref_slice %arg4[%dma_wait3A_4660, %add3A, %dma_wait3A_4661, %dma_wait3A_4662] : memref<16x32x32x256xf32, #tpu.memory_space<hbm>> -> memref<1x1x32x256xf32, #tpu.memory_space<hbm>>
    %dma_wait3A_4664 = tpu.memref_squeeze %dma_wait3A_4663 : memref<1x1x32x256xf32, #tpu.memory_space<hbm>> -> memref<32x256xf32, #tpu.memory_space<hbm>>
    %dma_wait3A_4665 = arith.constant 0 : i32
    %dma_wait3A_4666 = arith.constant 0 : i32
    %dma_wait3A_4667 = tpu.memref_slice %arg4[%dma_wait3A_4660, %add3A, %dma_wait3A_4665, %dma_wait3A_4666] : memref<16x32x32x256xf32, #tpu.memory_space<hbm>> -> memref<1x1x32x256xf32, #tpu.memory_space<hbm>>
    %dma_wait3A_4668 = tpu.memref_squeeze %dma_wait3A_4667 : memref<1x1x32x256xf32, #tpu.memory_space<hbm>> -> memref<32x256xf32, #tpu.memory_space<hbm>>
    tpu.wait_dma2 semaphore(%arg8 : memref<!tpu.dma_semaphore, #tpu.memory_space<semaphore_mem>>) src(%arg7 : memref<32x256xf32, #tpu.memory_space<vmem>>) dst(%dma_wait3A_4668 : memref<32x256xf32, #tpu.memory_space<hbm>>)
    return
  }
}

</mosaic_0001>

<sc_bundles>
// kernel: kernel.3.cloned.1.call-start
scs
__scs_entry_jumppad:
0x0: {  	(pc) =	sbr.rel $0x88, $3  }
0x1: {  	(tag) =	ssettag $0x0;
	lr =	simm.s32 $0x1  }
0x2: {  	[smem:$0x3F9F] =	sst lr;
	_ =	strace $0xD0000000  }
0x3: {  	_ = 	snop  }
0x4: {  	_ = 	snop  }
0x5: {  	_ = 	snop  }
0x6: {  	_ = 	snop  }
0x7: {  	_ = 	snop  }
__scs_overlays_trampoline_lowered:
0x8: {  	[smem:$0x3FAE] =	sst s0  }
0x9: {  	[smem:$0x3FAF] =	sst s1  }
0xa: {  	[smem:$0x3FB0] =	sst s2  }
0xb: {  	[smem:$0x3FB1] =	sst s3  }
0xc: {  	[smem:$0x3FB2] =	sst s4  }
0xd: {  	[smem:$0x3FB3] =	sst s5  }
0xe: {  	[smem:$0x3FB4] =	sst s6  }
0xf: {  	[smem:$0x3FB5] =	sst s7  }
0x10: {  	[smem:$0x3FB6] =	sst s8  }
0x11: {  	[smem:$0x3FB7] =	sst s9;
	s0 =	simm.s32 @!p0 $0x0  }
0x12: {  	s1 =	sld [smem:$0x3F9D];
	s0 =	simm.s32 @p0 $0x1  }
0x13: {  	[smem:$0x3FB8] =	sst s0;
	s0 =	simm.s32 @!p1 $0x0  }
0x14: {  	s2 =	sld [smem:$0x3F9C];
	s0 =	simm.s32 @p1 $0x1  }
0x15: {  	[smem:$0x3FB9] =	sst s0;
	s0 =	simm.s32 @!p2 $0x0  }
0x16: {  	s3 =	sld [smem:$0x3FDB];
	s0 =	simm.s32 @p2 $0x1  }
0x17: {  	s4 =	simm.s32 $0x1BF5;
	[smem:$0x3FBB] =	sst s0  }
0x18: {  	s0 =	sld [smem:$0x3F9E];
	_ =	swait.ge [sflag:s4], $0x0  }
0x19: {  	s7 =	sld [smem:$0x3F9F]  }
0x1a: {  	s8 =	sadd.s32 $0xFFFFE003, lr  }
0x1b: {  	s9 =	sadd.s32 $0xFFFFFEF7, lr;
	s5 =	simm.s32 $0xFFFFFFFF;
	p2 =	slt.u32 s8, $0xFFFFF086  }
0x1c: {  	p1 =	slt.u32 s9, $0xF7A;
	s5 =	simm.s32 @!p2 $0x0  }
0x1d: {  	s5 =	simm.s32 @p1 $0x1;
	p0 =	seq.s32 s7, s2  }
0x1e: {  	s7 =	smul.u32 @!p0 $0xF7A, s2;
	p2 =	seq.s32 @!p0 s5, $0x0  }
0x1f: {  	s9 =	smul.u32 $0xF7A, s1;
	s8 =	simm.s32 @!p0 $0x1BF5;
	p2 =	por !p2, p0  }
0x20: {  	[sflag:s8] =	ssyncset.s32 @!p0 $0xFFFFF086;
	s6 =	sadd.s32 @!p0 s3, s7;
	s7 =	simm.s32 @!p0 $0x108  }
0x21: {  	s3 =	sadd.s32 s3, s9;
	s6 =	sadd.s32 @!p0 $0x88, s6;
	s7 =	simm.s32 @p2 $0x1082  }
0x22: {  	[simem:s7], [sflag:s8] =	dma.local @!p0 [hbm:s6], $0xF7A  }
0x23: {  	s9 =	sor.u32 $0xD0000000, s2;
	s6 =	simm.s32 $0x108;
	_ =	swait.ge @!p0 [sflag:s8], $0x0  }
0x24: {  	s3 =	sadd.s32 $0x88, s3;
	s6 =	simm.s32 @!p1 $0x1082;
	[sflag:s4] =	ssyncset.s32 $0xFFFFF086  }
0x25: {  	[simem:s6], [sflag:s4] =	dma.local [hbm:s3], $0xF7A  }
0x26: {  	[smem:$0x3F9F] =	sst s1;
	(tag) =	ssettag s2;
	_ =	strace s9  }
0x27: {  	s1 =	sld [smem:$0x3FAF]  }
0x28: {  	s2 =	sld [smem:$0x3FB0]  }
0x29: {  	s4 =	sld [smem:$0x3FB2]  }
0x2a: {  	p0 =	seq.s32 s5, $0x0;
	s5 =	sld [smem:$0x3FB3]  }
0x2b: {  	s6 =	sld [smem:$0x3FB4]  }
0x2c: {  	s7 =	sld [smem:$0x3FB5]  }
0x2d: {  	s3 =	simm.s32 $0x108;
	s8 =	sld [smem:$0x3FB6]  }
0x2e: {  	s3 =	simm.s32 @!p0 $0x1082;
	s9 =	sld [smem:$0x3FB7]  }
0x2f: {  	lr =	sadd.s32 s0, s3;
	s0 =	sld [smem:$0x3FAE]  }
0x30: {  	s3 =	sld [smem:$0x3FB1]  }
0x31: {  	[smem:$0x3FBA] =	sst s10  }
0x32: {  	s10 =	sld [smem:$0x3FB8];
	_ =	sdelay $0x3  }
0x33: {  	p0 =	seq.s32 s10, $0x1;
	s10 =	sld [smem:$0x3FBA];
	_ =	sdelay $0x3  }
0x34: {  	[smem:$0x3FBA] =	sst s10  }
0x35: {  	s10 =	sld [smem:$0x3FB9];
	_ =	sdelay $0x3  }
0x36: {  	p1 =	seq.s32 s10, $0x1;
	s10 =	sld [smem:$0x3FBA];
	_ =	sdelay $0x3  }
0x37: {  	[smem:$0x3FBA] =	sst s10  }
0x38: {  	s10 =	sld [smem:$0x3FBB]  }
0x39: {  	_ = 	snop;
	(pc) =	sbr.ind lr, $3  }
0x3a: {  	_ = 	snop  }
0x3b: {  	_ = 	snop  }
0x3c: {  	p2 =	seq.s32 s10, $0x1;
	s10 =	sld [smem:$0x3FBA]  }
0x3d: {  	_ =	shalt  }
0x3e: {  	_ =	shalt  }
0x3f: {  	_ =	shalt  }
0x40: {  	_ =	shalt  }
0x41: {  	_ =	shalt  }
0x42: {  	_ =	shalt  }
0x43: {  	_ =	shalt  }
0x44: {  	_ =	shalt  }
0x45: {  	_ =	shalt  }
0x46: {  	_ =	shalt  }
0x47: {  	_ =	shalt  }
0x48: {  	_ =	shalt  }
0x49: {  	_ =	shalt  }
0x4a: {  	_ =	shalt  }
0x4b: {  	_ =	shalt  }
0x4c: {  	_ =	shalt  }
0x4d: {  	_ =	shalt  }
0x4e: {  	_ =	shalt  }
0x4f: {  	_ =	shalt  }
0x50: {  	_ =	shalt  }
0x51: {  	_ =	shalt  }
0x52: {  	_ =	shalt  }
0x53: {  	_ =	shalt  }
0x54: {  	_ =	shalt  }
0x55: {  	_ =	shalt  }
0x56: {  	_ =	shalt  }
0x57: {  	_ =	shalt  }
0x58: {  	_ =	shalt  }
0x59: {  	_ =	shalt  }
0x5a: {  	_ =	shalt  }
0x5b: {  	_ =	shalt  }
0x5c: {  	_ =	shalt  }
0x5d: {  	_ =	shalt  }
0x5e: {  	_ =	shalt  }
0x5f: {  	_ =	shalt  }
0x60: {  	_ =	shalt  }
0x61: {  	_ =	shalt  }
0x62: {  	_ =	shalt  }
0x63: {  	_ =	shalt  }
0x64: {  	_ =	shalt  }
0x65: {  	_ =	shalt  }
0x66: {  	_ =	shalt  }
0x67: {  	_ =	shalt  }
0x68: {  	_ =	shalt  }
0x69: {  	_ =	shalt  }
0x6a: {  	_ =	shalt  }
0x6b: {  	_ =	shalt  }
0x6c: {  	_ =	shalt  }
0x6d: {  	_ =	shalt  }
0x6e: {  	_ =	shalt  }
0x6f: {  	_ =	shalt  }
0x70: {  	_ =	shalt  }
0x71: {  	_ =	shalt  }
0x72: {  	_ =	shalt  }
0x73: {  	_ =	shalt  }
0x74: {  	_ =	shalt  }
0x75: {  	_ =	shalt  }
0x76: {  	_ =	shalt  }
0x77: {  	_ =	shalt  }
0x78: {  	_ =	shalt  }
0x79: {  	_ =	shalt  }
0x7a: {  	_ =	shalt  }
0x7b: {  	_ =	shalt  }
0x7c: {  	_ =	shalt  }
0x7d: {  	_ =	shalt  }
0x7e: {  	_ =	shalt  }
0x7f: {  	_ =	shalt  }
0x80: {  	_ =	shalt  }
0x81: {  	_ =	shalt  }
0x82: {  	_ =	shalt  }
0x83: {  	_ =	shalt  }
0x84: {  	_ =	shalt  }
0x85: {  	_ =	shalt  }
0x86: {  	_ =	shalt  }
0x87: {  	_ =	shalt  }
.Lfunc_end0:
.L_simem_size_0:
called_computation_lowered:
.L_overlay_start_0:
0x88: {  	s2 =	sld [smem:$0x3FD9]  }
0x89: {  	s3 =	sld [smem:$0x3FFE];
	_ =	sdelay $0x1  }
0x8a: {  	s1 =	srdreg.scid  }
0x8b: {  	s0 =	sand.u32 $0x1, s1  }
0x8c: {  	s17 =	sshll.u32 s0, $0xA;
	s2 =	sadd.s32 s3, s2  }
0x8d: {  	s2 =	sadd.s32 s2, s17  }
0x8e: {  	[smem:$0x3FC6] =	sst s2  }
0x8f: {  	_ = 	snop  }
0x90: {  	s2 =	sld [smem:$0x3FD0];
	(tm) =	ssettm $0x1  }
0x91: {  	s18 =	sld [smem:$0x3FFB];
	_ =	sdelay $0x3  }
0x92: {  	_ =	strace s18  }
0x93: {  	s3 =	sld [smem:$0x3FFC];
	_ =	sdelay $0x3  }
0x94: {  	_ =	strace s3  }
0x95: {  	s3 =	sld [smem:$0x3FFD];
	_ =	sdelay $0x3  }
0x96: {  	_ =	strace s3  }
0x97: {  	_ =	strace $0x8FFFFFFF  }
0x98: {  	s19 =	sld [smem:$0x3FDB];
	_ =	sdelay $0x1  }
0x99: {  	s4 =	simm.s32 $_scs_section_size  }
0x9a: {  	s5 =	simm.s32 $_size__tile_overlayer_lowered;
	s6 =	simm.s32 $_tile_overlayer_lowered  }
0x9b: {  	s22 =	simm.s32 $0x1BFF;
	s21 =	sshll.u32 s6, $0x1;
	s3 =	sadd.s32 s4, s19  }
0x9c: {  	s7 =	simm.s32 $0x0;
	s20 =	sshll.u32 s5, $0x1;
	s5 =	sadd.s32 s21, s3  }
0x9d: {  	[timem:s7], [sflag:s22] =	dma.local [hbm:s5], s20  }
0x9e: {  	_ =	swait.ge [sflag:s22], s20  }
0x9f: {  	s4 =	ssub.s32 $0x0, s20;
	[sflag:s22] =	ssyncset.done $0x0  }
0xa0: {  	[sflag:s22] =	ssyncadd.s32 s4;
	_ =	sdelay $0x1  }
0xa1: {  	s23 =	simm.s32 $0x1B8B  }
0xa2: {  	_ =	swait.ge [sflag:s23], $0x1  }
0xa3: {  	[sflag:s23] =	ssyncset.done $0x0  }
0xa4: {  	s25 =	simm.s32 $0x1B8E;
	s24 =	sld [smem:$0x3FFE];
	[sflag:s23] =	ssyncadd.s32 $0xFFFFFFFF  }
0xa5: {  	s26 =	simm.s32 $execute0_lowered;
	[smem:$0x3FD2] =	sst s25  }
0xa6: {  	s5 =	sshll.u32 s26, $0x1;
	_ =	strace $0x80000046;
	[dreg:$0x1] =	wrdreg $0xFFFFFFFF  }
0xa7: {  	s28 =	simm.s32 $_size_execute0_lowered;
	s3 =	sadd.s32 s3, s5;
	[dreg:$0x0] =	wrdreg $0x0  }
0xa8: {  	s5 =	sshll.u32 s28, $0x1;
	[dreg:$0x2] =	wrdreg s3  }
0xa9: {  	[dreg:$0x3] =	wrdreg s5  }
0xaa: {  	[dreg:$0x4] =	wrdreg $0xC0  }
0xab: {  	_ =	task [dreg:s7], $0x5FFFF  }
0xac: {  	[dreg:$0x1] =	wrdreg $0xFFFFFFFF  }
0xad: {  	[dreg:$0x0] =	wrdreg $0x60  }
0xae: {  	[dreg:$0x2] =	wrdreg s24  }
0xaf: {  	[dreg:$0x3] =	wrdreg s2  }
0xb0: {  	[dreg:$0x4] =	wrdreg $0x9  }
0xb1: {  	_ =	task.clear_ibuf [dreg:s7], $0x5FFFF;
	_ =	strace $0x90000046  }
0xb2: {  	s29 =	simm.s32 $0x9;
	_ =	strace $0x80000048  }
0xb3: {  	_ =	swait.ge [sflag:s29], $0x1  }
0xb4: {  	[sflag:s29] =	ssyncadd.s32 $0xFFFFFFFF  }
0xb5: {  	_ =	strace $0x90000048  }
0xb6: {  	_ =	sfence  }
0xb7: {  	s30 =	sld [smem:$0x0];
	_ =	sdelay $0x2  }
0xb8: {  	s31 =	sshll.u32 s1, $0xD;
	s1 =	sshrl.u32 s1, $0x2  }
0xb9: {  	s3 =	sand.u32 $0x4000, s31;
	s1 =	sadd.s32 s1, s30  }
0xba: {  	s0 =	sor.u32 s3, s0;
	s1 =	sshll.u32 s1, $0x11  }
0xbb: {  	s0 =	sor.u32 s1, s0  }
0xbc: {  	s0 =	sadd.s32 $0x8F2B, s0  }
0xbd: {  	[sflag:s0] =	ssyncadd.remote.s32 $0x1  }
0xbe: {  	_ =	sfence.sel $0xFFFF  }
0xbf: {  	[dreg:$0x0] =	wrdreg $0xFFFFFFFF;
	(pc) =	sbr.abs _section_cstart, $3  }
0xc0: {  	[dreg:$0x1] =	wrdreg $0xFFFFFFFF  }
0xc1: {  	_ =	task.clear_ibuf [dreg:s7], $0x2FFFF;
	_ =	strace $0x9FFFFFFF  }
0xc2: {  	(tm) =	ssettm $0x7FFFFFFF  }
0xc3: {  	_ =	shalt  }
tec
execute0_lowered:
.L_overlay_start_1:
0x0: {  	(tag) =	ssettag $0x1  }
0x1: {  	s4 =	rddreg [dreg:$0x0]  }
0x2: {  	s5 =	rddreg [dreg:$0x1]  }
0x3: {  	s0 =	rddreg [dreg:$0x2]  }
0x4: {  	s2 =	simm.s32 $0x0;
	s3 =	srdreg.scid;
	s1 =	stileid.u32  }
0x5: {  	s23 =	simm.s32 $0x2;
	s24 =	simm.s32 $0x1000;
	s25 =	simm.s32 $0x2000  }
0x6: {  	[smem:$0x7FF] =	sst s2;
	s3 =	sand.u32 $0x1, s3;
	s6 =	sshll.u32 s1, $0x1  }
0x7: {  	s26 =	simm.s32 $0x1;
	_ =	strace $0x80000047;
	s6 =	sor.u32 s3, s6  }
0x8: {  	s7 =	ssub.s32 $0x2, s3;
	s3 =	sadd.s32 $0x600, s4;
	s9 =	sshll.u32 s6, $0xA  }
0x9: {  	s4 =	sadd.s32 $0x400, s4;
	s8 =	sshrl.u32 s7, $0x1;
	s5 =	sadd.s32 s5, s9  }
0xa: {  	s6 =	sshll.u32 s6, $0x7;
	s22 =	ssub.s32 s7, s8;
	s7 =	sadd.s32 $0x8000, s5  }
0xb: {  	s8 =	sadd.s32 $0x10000, s5;
	s9 =	sadd.s32 $0x18000, s5;
	s10 =	sadd.s32 $0x20000, s5  }
0xc: {  	s11 =	sadd.s32 $0x28000, s5;
	s12 =	sadd.s32 $0x30000, s5;
	s13 =	sadd.s32 $0x38000, s5  }
0xd: {  	s14 =	sadd.s32 $0x40000, s5;
	s15 =	sadd.s32 $0x48000, s5;
	s16 =	sadd.s32 $0x50000, s5  }
0xe: {  	s17 =	sadd.s32 $0x58000, s5;
	s18 =	sadd.s32 $0x60000, s5;
	s19 =	sadd.s32 $0x68000, s5  }
0xf: {  	s20 =	sadd.s32 $0x70000, s5;
	s21 =	sadd.s32 $0x78000, s5;
	s22 =	smax.u32 s22, $0x1  }
.LBB2_1:
0x10: {  	[tilespmem:s2], [sflag:$0x2] =	stream.linear.gather [hbm4b:s3+s2], $0x1000, $0x38;
	[tilespmem:$0x4000] =	vst v63  }
0x11: {  	_ =	swait.ge [sflag:s23], $0x1000  }
0x12: {  	[sflag:s23] =	ssyncset.done $0x0  }
0x13: {  	[sflag:s23] =	ssyncadd.s32 $0xFFFFF000  }
0x14: {  	[tilespmem:s24], [sflag:$0x2] =	stream.linear.gather [hbm4b:s4+s2], $0x1000, $0x38;
	[tilespmem:$0x4000] =	vst v63  }
0x15: {  	_ =	swait.ge [sflag:s23], $0x1000  }
0x16: {  	[sflag:s23] =	ssyncset.done $0x0  }
0x17: {  	[sflag:s23] =	ssyncadd.s32 $0xFFFFF000  }
0x18: {  	v0 =	vld [tilespmem:$0x0]  }
0x19: {  	v1 =	vld [tilespmem:$0x10]  }
0x1a: {  	v2 =	vld [tilespmem:$0x20]  }
0x1b: {  	v3 =	vld [tilespmem:$0x30]  }
0x1c: {  	v4 =	vld [tilespmem:$0x40]  }
0x1d: {  	v38 =	vld [tilespmem:$0x50];
	[tilespmem:$0x2000] =	vst v0  }
0x1e: {  	v39 =	vld [tilespmem:$0x60];
	[tilespmem:$0x2010] =	vst v1  }
0x1f: {  	v40 =	vld [tilespmem:$0x70];
	[tilespmem:$0x2020] =	vst v2  }
0x20: {  	v41 =	vld [tilespmem:$0x80];
	[tilespmem:$0x2030] =	vst v3  }
0x21: {  	v42 =	vld [tilespmem:$0x90];
	[tilespmem:$0x2040] =	vst v4  }
0x22: {  	v43 =	vld [tilespmem:$0xA0];
	[tilespmem:$0x2050] =	vst v38  }
0x23: {  	v44 =	vld [tilespmem:$0xB0];
	[tilespmem:$0x2060] =	vst v39  }
0x24: {  	v45 =	vld [tilespmem:$0xC0];
	[tilespmem:$0x2070] =	vst v40  }
0x25: {  	v46 =	vld [tilespmem:$0xD0];
	[tilespmem:$0x2080] =	vst v41  }
0x26: {  	v47 =	vld [tilespmem:$0xE0];
	[tilespmem:$0x2090] =	vst v42  }
0x27: {  	v48 =	vld [tilespmem:$0xF0];
	[tilespmem:$0x20A0] =	vst v43  }
0x28: {  	v49 =	vld [tilespmem:$0x100];
	[tilespmem:$0x20B0] =	vst v44  }
0x29: {  	v50 =	vld [tilespmem:$0x110];
	[tilespmem:$0x20C0] =	vst v45  }
0x2a: {  	v51 =	vld [tilespmem:$0x120];
	[tilespmem:$0x20D0] =	vst v46  }
0x2b: {  	v52 =	vld [tilespmem:$0x130];
	[tilespmem:$0x20E0] =	vst v47  }
0x2c: {  	v53 =	vld [tilespmem:$0x140];
	[tilespmem:$0x20F0] =	vst v48  }
0x2d: {  	v54 =	vld [tilespmem:$0x150];
	[tilespmem:$0x2100] =	vst v49  }
0x2e: {  	v55 =	vld [tilespmem:$0x160];
	[tilespmem:$0x2110] =	vst v50  }
0x2f: {  	v56 =	vld [tilespmem:$0x170];
	[tilespmem:$0x2120] =	vst v51  }
0x30: {  	v57 =	vld [tilespmem:$0x180];
	[tilespmem:$0x2130] =	vst v52  }
0x31: {  	v58 =	vld [tilespmem:$0x190];
	[tilespmem:$0x2140] =	vst v53  }
0x32: {  	v59 =	vld [tilespmem:$0x1A0];
	[tilespmem:$0x2150] =	vst v54  }
0x33: {  	v60 =	vld [tilespmem:$0x1B0];
	[tilespmem:$0x2160] =	vst v55  }
0x34: {  	v61 =	vld [tilespmem:$0x1C0];
	[tilespmem:$0x2170] =	vst v56  }
0x35: {  	v62 =	vld [tilespmem:$0x1D0];
	[tilespmem:$0x2180] =	vst v57  }
0x36: {  	v63 =	vld [tilespmem:$0x1E0];
	[tilespmem:$0x2190] =	vst v58  }
0x37: {  	v8 =	vld [tilespmem:$0x1F0];
	[tilespmem:$0x21A0] =	vst v59  }
0x38: {  	v9 =	vld [tilespmem:$0x200];
	[tilespmem:$0x21B0] =	vst v60  }
0x39: {  	v10 =	vld [tilespmem:$0x210];
	[tilespmem:$0x21C0] =	vst v61  }
0x3a: {  	v11 =	vld [tilespmem:$0x220];
	[tilespmem:$0x21D0] =	vst v62  }
0x3b: {  	v12 =	vld [tilespmem:$0x230];
	[tilespmem:$0x21E0] =	vst v63  }
0x3c: {  	v13 =	vld [tilespmem:$0x240];
	[tilespmem:$0x21F0] =	vst v8  }
0x3d: {  	v14 =	vld [tilespmem:$0x250];
	[tilespmem:$0x2200] =	vst v9  }
0x3e: {  	v15 =	vld [tilespmem:$0x260];
	[tilespmem:$0x2210] =	vst v10  }
0x3f: {  	v16 =	vld [tilespmem:$0x270];
	[tilespmem:$0x2220] =	vst v11  }
0x40: {  	v17 =	vld [tilespmem:$0x280];
	[tilespmem:$0x2230] =	vst v12  }
0x41: {  	v18 =	vld [tilespmem:$0x290];
	[tilespmem:$0x2240] =	vst v13  }
0x42: {  	v19 =	vld [tilespmem:$0x2A0];
	[tilespmem:$0x2250] =	vst v14  }
0x43: {  	v20 =	vld [tilespmem:$0x2B0];
	[tilespmem:$0x2260] =	vst v15  }
0x44: {  	v21 =	vld [tilespmem:$0x2C0];
	[tilespmem:$0x2270] =	vst v16  }
0x45: {  	v22 =	vld [tilespmem:$0x2D0];
	[tilespmem:$0x2280] =	vst v17  }
0x46: {  	v23 =	vld [tilespmem:$0x2E0];
	[tilespmem:$0x2290] =	vst v18  }
0x47: {  	v24 =	vld [tilespmem:$0x2F0];
	[tilespmem:$0x22A0] =	vst v19  }
0x48: {  	v25 =	vld [tilespmem:$0x300];
	[tilespmem:$0x22B0] =	vst v20  }
0x49: {  	v26 =	vld [tilespmem:$0x310];
	[tilespmem:$0x22C0] =	vst v21  }
0x4a: {  	v27 =	vld [tilespmem:$0x320];
	[tilespmem:$0x22D0] =	vst v22  }
0x4b: {  	v28 =	vld [tilespmem:$0x330];
	[tilespmem:$0x22E0] =	vst v23  }
0x4c: {  	v29 =	vld [tilespmem:$0x340];
	[tilespmem:$0x22F0] =	vst v24  }
0x4d: {  	v30 =	vld [tilespmem:$0x350];
	[tilespmem:$0x2300] =	vst v25  }
0x4e: {  	v31 =	vld [tilespmem:$0x360];
	[tilespmem:$0x2310] =	vst v26  }
0x4f: {  	v32 =	vld [tilespmem:$0x370];
	[tilespmem:$0x2320] =	vst v27  }
0x50: {  	v33 =	vld [tilespmem:$0x380];
	[tilespmem:$0x2330] =	vst v28  }
0x51: {  	v34 =	vld [tilespmem:$0x390];
	[tilespmem:$0x2340] =	vst v29  }
0x52: {  	v35 =	vld [tilespmem:$0x3A0];
	[tilespmem:$0x2350] =	vst v30  }
0x53: {  	v36 =	vld [tilespmem:$0x3B0];
	[tilespmem:$0x2360] =	vst v31  }
0x54: {  	v37 =	vld [tilespmem:$0x3C0];
	[tilespmem:$0x2370] =	vst v32  }
0x55: {  	[tilespmem:$0x2380] =	vst v33;
	v38 =	vld [tilespmem:$0x3D0]  }
0x56: {  	[tilespmem:$0x2390] =	vst v34;
	v39 =	vld [tilespmem:$0x3E0]  }
0x57: {  	[tilespmem:$0x23A0] =	vst v35;
	v40 =	vld [tilespmem:$0x3F0]  }
0x58: {  	[tilespmem:$0x23B0] =	vst v36;
	v41 =	vld [tilespmem:$0x400]  }
0x59: {  	[tilespmem:$0x23C0] =	vst v37;
	v42 =	vld [tilespmem:$0x410]  }
0x5a: {  	v43 =	vld [tilespmem:$0x420];
	[tilespmem:$0x23D0] =	vst v38  }
0x5b: {  	v44 =	vld [tilespmem:$0x430];
	[tilespmem:$0x23E0] =	vst v39  }
0x5c: {  	v45 =	vld [tilespmem:$0x440];
	[tilespmem:$0x23F0] =	vst v40  }
0x5d: {  	v46 =	vld [tilespmem:$0x450];
	[tilespmem:$0x2800] =	vst v41  }
0x5e: {  	v47 =	vld [tilespmem:$0x460];
	[tilespmem:$0x2810] =	vst v42  }
0x5f: {  	v48 =	vld [tilespmem:$0x470];
	[tilespmem:$0x2820] =	vst v43  }
0x60: {  	v49 =	vld [tilespmem:$0x480];
	[tilespmem:$0x2830] =	vst v44  }
0x61: {  	v50 =	vld [tilespmem:$0x490];
	[tilespmem:$0x2840] =	vst v45  }
0x62: {  	v51 =	vld [tilespmem:$0x4A0];
	[tilespmem:$0x2850] =	vst v46  }
0x63: {  	v52 =	vld [tilespmem:$0x4B0];
	[tilespmem:$0x2860] =	vst v47  }
0x64: {  	v53 =	vld [tilespmem:$0x4C0];
	[tilespmem:$0x2870] =	vst v48  }
0x65: {  	v54 =	vld [tilespmem:$0x4D0];
	[tilespmem:$0x2880] =	vst v49  }
0x66: {  	v55 =	vld [tilespmem:$0x4E0];
	[tilespmem:$0x2890] =	vst v50  }
0x67: {  	v56 =	vld [tilespmem:$0x4F0];
	[tilespmem:$0x28A0] =	vst v51  }
0x68: {  	v57 =	vld [tilespmem:$0x500];
	[tilespmem:$0x28B0] =	vst v52  }
0x69: {  	v58 =	vld [tilespmem:$0x510];
	[tilespmem:$0x28C0] =	vst v53  }
0x6a: {  	v59 =	vld [tilespmem:$0x520];
	[tilespmem:$0x28D0] =	vst v54  }
0x6b: {  	v60 =	vld [tilespmem:$0x530];
	[tilespmem:$0x28E0] =	vst v55  }
0x6c: {  	v61 =	vld [tilespmem:$0x540];
	[tilespmem:$0x28F0] =	vst v56  }
0x6d: {  	v62 =	vld [tilespmem:$0x550];
	[tilespmem:$0x2900] =	vst v57  }
0x6e: {  	v63 =	vld [tilespmem:$0x560];
	[tilespmem:$0x2910] =	vst v58  }
0x6f: {  	v8 =	vld [tilespmem:$0x570];
	[tilespmem:$0x2920] =	vst v59  }
0x70: {  	v9 =	vld [tilespmem:$0x580];
	[tilespmem:$0x2930] =	vst v60  }
0x71: {  	v10 =	vld [tilespmem:$0x590];
	[tilespmem:$0x2940] =	vst v61  }
0x72: {  	v11 =	vld [tilespmem:$0x5A0];
	[tilespmem:$0x2950] =	vst v62  }
0x73: {  	v12 =	vld [tilespmem:$0x5B0];
	[tilespmem:$0x2960] =	vst v63  }
0x74: {  	v13 =	vld [tilespmem:$0x5C0];
	[tilespmem:$0x2970] =	vst v8  }
0x75: {  	v14 =	vld [tilespmem:$0x5D0];
	[tilespmem:$0x2980] =	vst v9  }
0x76: {  	v15 =	vld [tilespmem:$0x5E0];
	[tilespmem:$0x2990] =	vst v10  }
0x77: {  	v16 =	vld [tilespmem:$0x5F0];
	[tilespmem:$0x29A0] =	vst v11  }
0x78: {  	v17 =	vld [tilespmem:$0x600];
	[tilespmem:$0x29B0] =	vst v12  }
0x79: {  	v18 =	vld [tilespmem:$0x610];
	[tilespmem:$0x29C0] =	vst v13  }
0x7a: {  	v19 =	vld [tilespmem:$0x620];
	[tilespmem:$0x29D0] =	vst v14  }
0x7b: {  	v20 =	vld [tilespmem:$0x630];
	[tilespmem:$0x29E0] =	vst v15  }
0x7c: {  	v21 =	vld [tilespmem:$0x640];
	[tilespmem:$0x29F0] =	vst v16  }
0x7d: {  	v22 =	vld [tilespmem:$0x650];
	[tilespmem:$0x2A00] =	vst v17  }
0x7e: {  	v23 =	vld [tilespmem:$0x660];
	[tilespmem:$0x2A10] =	vst v18  }
0x7f: {  	v24 =	vld [tilespmem:$0x670];
	[tilespmem:$0x2A20] =	vst v19  }
0x80: {  	v25 =	vld [tilespmem:$0x680];
	[tilespmem:$0x2A30] =	vst v20  }
0x81: {  	v26 =	vld [tilespmem:$0x690];
	[tilespmem:$0x2A40] =	vst v21  }
0x82: {  	v27 =	vld [tilespmem:$0x6A0];
	[tilespmem:$0x2A50] =	vst v22  }
0x83: {  	v28 =	vld [tilespmem:$0x6B0];
	[tilespmem:$0x2A60] =	vst v23  }
0x84: {  	v29 =	vld [tilespmem:$0x6C0];
	[tilespmem:$0x2A70] =	vst v24  }
0x85: {  	v30 =	vld [tilespmem:$0x6D0];
	[tilespmem:$0x2A80] =	vst v25  }
0x86: {  	v31 =	vld [tilespmem:$0x6E0];
	[tilespmem:$0x2A90] =	vst v26  }
0x87: {  	v32 =	vld [tilespmem:$0x6F0];
	[tilespmem:$0x2AA0] =	vst v27  }
0x88: {  	v33 =	vld [tilespmem:$0x700];
	[tilespmem:$0x2AB0] =	vst v28  }
0x89: {  	v34 =	vld [tilespmem:$0x710];
	[tilespmem:$0x2AC0] =	vst v29  }
0x8a: {  	v35 =	vld [tilespmem:$0x720];
	[tilespmem:$0x2AD0] =	vst v30  }
0x8b: {  	v36 =	vld [tilespmem:$0x730];
	[tilespmem:$0x2AE0] =	vst v31  }
0x8c: {  	v37 =	vld [tilespmem:$0x740];
	[tilespmem:$0x2AF0] =	vst v32  }
0x8d: {  	[tilespmem:$0x2B00] =	vst v33;
	v38 =	vld [tilespmem:$0x750]  }
0x8e: {  	[tilespmem:$0x2B10] =	vst v34;
	v39 =	vld [tilespmem:$0x760]  }
0x8f: {  	[tilespmem:$0x2B20] =	vst v35;
	v40 =	vld [tilespmem:$0x770]  }
0x90: {  	[tilespmem:$0x2B30] =	vst v36;
	v41 =	vld [tilespmem:$0x780]  }
0x91: {  	[tilespmem:$0x2B40] =	vst v37;
	v42 =	vld [tilespmem:$0x790]  }
0x92: {  	v43 =	vld [tilespmem:$0x7A0];
	[tilespmem:$0x2B50] =	vst v38  }
0x93: {  	v44 =	vld [tilespmem:$0x7B0];
	[tilespmem:$0x2B60] =	vst v39  }
0x94: {  	v45 =	vld [tilespmem:$0x7C0];
	[tilespmem:$0x2B70] =	vst v40  }
0x95: {  	v46 =	vld [tilespmem:$0x7D0];
	[tilespmem:$0x2B80] =	vst v41  }
0x96: {  	v47 =	vld [tilespmem:$0x7E0];
	[tilespmem:$0x2B90] =	vst v42  }
0x97: {  	v48 =	vld [tilespmem:$0x7F0];
	[tilespmem:$0x2BA0] =	vst v43  }
0x98: {  	v49 =	vld [tilespmem:$0x800];
	[tilespmem:$0x2BB0] =	vst v44  }
0x99: {  	v50 =	vld [tilespmem:$0x810];
	[tilespmem:$0x2BC0] =	vst v45  }
0x9a: {  	v51 =	vld [tilespmem:$0x820];
	[tilespmem:$0x2BD0] =	vst v46  }
0x9b: {  	v52 =	vld [tilespmem:$0x830];
	[tilespmem:$0x2BE0] =	vst v47  }
0x9c: {  	v53 =	vld [tilespmem:$0x840];
	[tilespmem:$0x2BF0] =	vst v48  }
0x9d: {  	v54 =	vld [tilespmem:$0x850];
	[tilespmem:$0x3000] =	vst v49  }
0x9e: {  	v55 =	vld [tilespmem:$0x860];
	[tilespmem:$0x3010] =	vst v50  }
0x9f: {  	v56 =	vld [tilespmem:$0x870];
	[tilespmem:$0x3020] =	vst v51  }
0xa0: {  	v57 =	vld [tilespmem:$0x880];
	[tilespmem:$0x3030] =	vst v52  }
0xa1: {  	v58 =	vld [tilespmem:$0x890];
	[tilespmem:$0x3040] =	vst v53  }
0xa2: {  	v59 =	vld [tilespmem:$0x8A0];
	[tilespmem:$0x3050] =	vst v54  }
0xa3: {  	v60 =	vld [tilespmem:$0x8B0];
	[tilespmem:$0x3060] =	vst v55  }
0xa4: {  	v61 =	vld [tilespmem:$0x8C0];
	[tilespmem:$0x3070] =	vst v56  }
0xa5: {  	v62 =	vld [tilespmem:$0x8D0];
	[tilespmem:$0x3080] =	vst v57  }
0xa6: {  	v63 =	vld [tilespmem:$0x8E0];
	[tilespmem:$0x3090] =	vst v58  }
0xa7: {  	v8 =	vld [tilespmem:$0x8F0];
	[tilespmem:$0x30A0] =	vst v59  }
0xa8: {  	v9 =	vld [tilespmem:$0x900];
	[tilespmem:$0x30B0] =	vst v60  }
0xa9: {  	v10 =	vld [tilespmem:$0x910];
	[tilespmem:$0x30C0] =	vst v61  }
0xaa: {  	v11 =	vld [tilespmem:$0x920];
	[tilespmem:$0x30D0] =	vst v62  }
0xab: {  	v12 =	vld [tilespmem:$0x930];
	[tilespmem:$0x30E0] =	vst v63  }
0xac: {  	v13 =	vld [tilespmem:$0x940];
	[tilespmem:$0x30F0] =	vst v8  }
0xad: {  	v14 =	vld [tilespmem:$0x950];
	[tilespmem:$0x3100] =	vst v9  }
0xae: {  	v15 =	vld [tilespmem:$0x960];
	[tilespmem:$0x3110] =	vst v10  }
0xaf: {  	v16 =	vld [tilespmem:$0x970];
	[tilespmem:$0x3120] =	vst v11  }
0xb0: {  	v17 =	vld [tilespmem:$0x980];
	[tilespmem:$0x3130] =	vst v12  }
0xb1: {  	v18 =	vld [tilespmem:$0x990];
	[tilespmem:$0x3140] =	vst v13  }
0xb2: {  	v19 =	vld [tilespmem:$0x9A0];
	[tilespmem:$0x3150] =	vst v14  }
0xb3: {  	v20 =	vld [tilespmem:$0x9B0];
	[tilespmem:$0x3160] =	vst v15  }
0xb4: {  	v21 =	vld [tilespmem:$0x9C0];
	[tilespmem:$0x3170] =	vst v16  }
0xb5: {  	v22 =	vld [tilespmem:$0x9D0];
	[tilespmem:$0x3180] =	vst v17  }
0xb6: {  	v23 =	vld [tilespmem:$0x9E0];
	[tilespmem:$0x3190] =	vst v18  }
0xb7: {  	v24 =	vld [tilespmem:$0x9F0];
	[tilespmem:$0x31A0] =	vst v19  }
0xb8: {  	v25 =	vld [tilespmem:$0xA00];
	[tilespmem:$0x31B0] =	vst v20  }
0xb9: {  	v26 =	vld [tilespmem:$0xA10];
	[tilespmem:$0x31C0] =	vst v21  }
0xba: {  	[tilespmem:$0x31D0] =	vst v22  }
0xbb: {  	[tilespmem:$0x31E0] =	vst v23  }
0xbc: {  	[tilespmem:$0x31F0] =	vst v24  }
0xbd: {  	[tilespmem:$0x3200] =	vst v25  }
0xbe: {  	[tilespmem:$0x3210] =	vst v26  }
0xbf: {  	v0 =	vld [tilespmem:$0xA20]  }
0xc0: {  	v27 =	vld [tilespmem:$0xA30]  }
0xc1: {  	v28 =	vld [tilespmem:$0xA40]  }
0xc2: {  	v29 =	vld [tilespmem:$0xA50]  }
0xc3: {  	v30 =	vld [tilespmem:$0xA60]  }
0xc4: {  	v31 =	vld [tilespmem:$0xA70];
	[tilespmem:$0x3220] =	vst v0  }
0xc5: {  	v32 =	vld [tilespmem:$0xA80];
	[tilespmem:$0x3230] =	vst v27  }
0xc6: {  	v33 =	vld [tilespmem:$0xA90];
	[tilespmem:$0x3240] =	vst v28  }
0xc7: {  	v34 =	vld [tilespmem:$0xAA0];
	[tilespmem:$0x3250] =	vst v29  }
0xc8: {  	v35 =	vld [tilespmem:$0xAB0];
	[tilespmem:$0x3260] =	vst v30  }
0xc9: {  	v36 =	vld [tilespmem:$0xAC0];
	[tilespmem:$0x3270] =	vst v31  }
0xca: {  	v37 =	vld [tilespmem:$0xAD0];
	[tilespmem:$0x3280] =	vst v32  }
0xcb: {  	v38 =	vld [tilespmem:$0xAE0];
	[tilespmem:$0x3290] =	vst v33  }
0xcc: {  	v39 =	vld [tilespmem:$0xAF0];
	[tilespmem:$0x32A0] =	vst v34  }
0xcd: {  	v40 =	vld [tilespmem:$0xB00];
	[tilespmem:$0x32B0] =	vst v35  }
0xce: {  	v41 =	vld [tilespmem:$0xB10];
	[tilespmem:$0x32C0] =	vst v36  }
0xcf: {  	v42 =	vld [tilespmem:$0xB20];
	[tilespmem:$0x32D0] =	vst v37  }
0xd0: {  	v43 =	vld [tilespmem:$0xB30];
	[tilespmem:$0x32E0] =	vst v38  }
0xd1: {  	v44 =	vld [tilespmem:$0xB40];
	[tilespmem:$0x32F0] =	vst v39  }
0xd2: {  	v45 =	vld [tilespmem:$0xB50];
	[tilespmem:$0x3300] =	vst v40  }
0xd3: {  	v46 =	vld [tilespmem:$0xB60];
	[tilespmem:$0x3310] =	vst v41  }
0xd4: {  	v47 =	vld [tilespmem:$0xB70];
	[tilespmem:$0x3320] =	vst v42  }
0xd5: {  	v48 =	vld [tilespmem:$0xB80];
	[tilespmem:$0x3330] =	vst v43  }
0xd6: {  	v49 =	vld [tilespmem:$0xB90];
	[tilespmem:$0x3340] =	vst v44  }
0xd7: {  	v50 =	vld [tilespmem:$0xBA0];
	[tilespmem:$0x3350] =	vst v45  }
0xd8: {  	v51 =	vld [tilespmem:$0xBB0];
	[tilespmem:$0x3360] =	vst v46  }
0xd9: {  	v52 =	vld [tilespmem:$0xBC0];
	[tilespmem:$0x3370] =	vst v47  }
0xda: {  	v53 =	vld [tilespmem:$0xBD0];
	[tilespmem:$0x3380] =	vst v48  }
0xdb: {  	v54 =	vld [tilespmem:$0xBE0];
	[tilespmem:$0x3390] =	vst v49  }
0xdc: {  	v55 =	vld [tilespmem:$0xBF0];
	[tilespmem:$0x33A0] =	vst v50  }
0xdd: {  	v56 =	vld [tilespmem:$0xC00];
	[tilespmem:$0x33B0] =	vst v51  }
0xde: {  	v57 =	vld [tilespmem:$0xC10];
	[tilespmem:$0x33C0] =	vst v52  }
0xdf: {  	v58 =	vld [tilespmem:$0xC20];
	[tilespmem:$0x33D0] =	vst v53  }
0xe0: {  	v59 =	vld [tilespmem:$0xC30];
	[tilespmem:$0x33E0] =	vst v54  }
0xe1: {  	v60 =	vld [tilespmem:$0xC40];
	[tilespmem:$0x33F0] =	vst v55  }
0xe2: {  	v61 =	vld [tilespmem:$0xC50];
	[tilespmem:$0x3800] =	vst v56  }
0xe3: {  	v62 =	vld [tilespmem:$0xC60];
	[tilespmem:$0x3810] =	vst v57  }
0xe4: {  	v63 =	vld [tilespmem:$0xC70];
	[tilespmem:$0x3820] =	vst v58  }
0xe5: {  	v8 =	vld [tilespmem:$0xC80];
	[tilespmem:$0x3830] =	vst v59  }
0xe6: {  	v9 =	vld [tilespmem:$0xC90];
	[tilespmem:$0x3840] =	vst v60  }
0xe7: {  	v10 =	vld [tilespmem:$0xCA0];
	[tilespmem:$0x3850] =	vst v61  }
0xe8: {  	v11 =	vld [tilespmem:$0xCB0];
	[tilespmem:$0x3860] =	vst v62  }
0xe9: {  	v12 =	vld [tilespmem:$0xCC0];
	[tilespmem:$0x3870] =	vst v63  }
0xea: {  	v13 =	vld [tilespmem:$0xCD0];
	[tilespmem:$0x3880] =	vst v8  }
0xeb: {  	v14 =	vld [tilespmem:$0xCE0];
	[tilespmem:$0x3890] =	vst v9  }
0xec: {  	v15 =	vld [tilespmem:$0xCF0];
	[tilespmem:$0x38A0] =	vst v10  }
0xed: {  	v16 =	vld [tilespmem:$0xD00];
	[tilespmem:$0x38B0] =	vst v11  }
0xee: {  	v17 =	vld [tilespmem:$0xD10];
	[tilespmem:$0x38C0] =	vst v12  }
0xef: {  	v18 =	vld [tilespmem:$0xD20];
	[tilespmem:$0x38D0] =	vst v13  }
0xf0: {  	v19 =	vld [tilespmem:$0xD30];
	[tilespmem:$0x38E0] =	vst v14  }
0xf1: {  	v20 =	vld [tilespmem:$0xD40];
	[tilespmem:$0x38F0] =	vst v15  }
0xf2: {  	v21 =	vld [tilespmem:$0xD50];
	[tilespmem:$0x3900] =	vst v16  }
0xf3: {  	v22 =	vld [tilespmem:$0xD60];
	[tilespmem:$0x3910] =	vst v17  }
0xf4: {  	v23 =	vld [tilespmem:$0xD70];
	[tilespmem:$0x3920] =	vst v18  }
0xf5: {  	v24 =	vld [tilespmem:$0xD80];
	[tilespmem:$0x3930] =	vst v19  }
0xf6: {  	v25 =	vld [tilespmem:$0xD90];
	[tilespmem:$0x3940] =	vst v20  }
0xf7: {  	v26 =	vld [tilespmem:$0xDA0];
	[tilespmem:$0x3950] =	vst v21  }
0xf8: {  	[tilespmem:$0x3960] =	vst v22;
	v27 =	vld [tilespmem:$0xDB0]  }
0xf9: {  	[tilespmem:$0x3970] =	vst v23;
	v28 =	vld [tilespmem:$0xDC0]  }
0xfa: {  	[tilespmem:$0x3980] =	vst v24;
	v29 =	vld [tilespmem:$0xDD0]  }
0xfb: {  	[tilespmem:$0x3990] =	vst v25;
	v30 =	vld [tilespmem:$0xDE0]  }
0xfc: {  	[tilespmem:$0x39A0] =	vst v26;
	v31 =	vld [tilespmem:$0xDF0]  }
0xfd: {  	v32 =	vld [tilespmem:$0xE00];
	[tilespmem:$0x39B0] =	vst v27  }
0xfe: {  	v33 =	vld [tilespmem:$0xE10];
	[tilespmem:$0x39C0] =	vst v28  }
0xff: {  	v34 =	vld [tilespmem:$0xE20];
	[tilespmem:$0x39D0] =	vst v29  }
0x100: {  	v35 =	vld [tilespmem:$0xE30];
	[tilespmem:$0x39E0] =	vst v30  }
0x101: {  	v36 =	vld [tilespmem:$0xE40];
	[tilespmem:$0x39F0] =	vst v31  }
0x102: {  	v37 =	vld [tilespmem:$0xE50];
	[tilespmem:$0x3A00] =	vst v32  }
0x103: {  	v38 =	vld [tilespmem:$0xE60];
	[tilespmem:$0x3A10] =	vst v33  }
0x104: {  	v39 =	vld [tilespmem:$0xE70];
	[tilespmem:$0x3A20] =	vst v34  }
0x105: {  	v40 =	vld [tilespmem:$0xE80];
	[tilespmem:$0x3A30] =	vst v35  }
0x106: {  	v41 =	vld [tilespmem:$0xE90];
	[tilespmem:$0x3A40] =	vst v36  }
0x107: {  	v42 =	vld [tilespmem:$0xEA0];
	[tilespmem:$0x3A50] =	vst v37  }
0x108: {  	v43 =	vld [tilespmem:$0xEB0];
	[tilespmem:$0x3A60] =	vst v38  }
0x109: {  	v44 =	vld [tilespmem:$0xEC0];
	[tilespmem:$0x3A70] =	vst v39  }
0x10a: {  	v45 =	vld [tilespmem:$0xED0];
	[tilespmem:$0x3A80] =	vst v40  }
0x10b: {  	v46 =	vld [tilespmem:$0xEE0];
	[tilespmem:$0x3A90] =	vst v41  }
0x10c: {  	v47 =	vld [tilespmem:$0xEF0];
	[tilespmem:$0x3AA0] =	vst v42  }
0x10d: {  	v48 =	vld [tilespmem:$0xF00];
	[tilespmem:$0x3AB0] =	vst v43  }
0x10e: {  	v49 =	vld [tilespmem:$0xF10];
	[tilespmem:$0x3AC0] =	vst v44  }
0x10f: {  	v50 =	vld [tilespmem:$0xF20];
	[tilespmem:$0x3AD0] =	vst v45  }
0x110: {  	v51 =	vld [tilespmem:$0xF30];
	[tilespmem:$0x3AE0] =	vst v46  }
0x111: {  	v52 =	vld [tilespmem:$0xF40];
	[tilespmem:$0x3AF0] =	vst v47  }
0x112: {  	v53 =	vld [tilespmem:$0xF50];
	[tilespmem:$0x3B00] =	vst v48  }
0x113: {  	v54 =	vld [tilespmem:$0xF60];
	[tilespmem:$0x3B10] =	vst v49  }
0x114: {  	v55 =	vld [tilespmem:$0xF70];
	[tilespmem:$0x3B20] =	vst v50  }
0x115: {  	v56 =	vld [tilespmem:$0xF80];
	[tilespmem:$0x3B30] =	vst v51  }
0x116: {  	v57 =	vld [tilespmem:$0xF90];
	[tilespmem:$0x3B40] =	vst v52  }
0x117: {  	v58 =	vld [tilespmem:$0xFA0];
	[tilespmem:$0x3B50] =	vst v53  }
0x118: {  	v59 =	vld [tilespmem:$0xFB0];
	[tilespmem:$0x3B60] =	vst v54  }
0x119: {  	v60 =	vld [tilespmem:$0xFC0];
	[tilespmem:$0x3B70] =	vst v55  }
0x11a: {  	v61 =	vld [tilespmem:$0xFD0];
	[tilespmem:$0x3B80] =	vst v56  }
0x11b: {  	v62 =	vld [tilespmem:$0xFE0];
	[tilespmem:$0x3B90] =	vst v57  }
0x11c: {  	v63 =	vld [tilespmem:$0xFF0];
	[tilespmem:$0x3BA0] =	vst v58  }
0x11d: {  	[tilespmem:$0x3BB0] =	vst v59  }
0x11e: {  	[tilespmem:$0x3BC0] =	vst v60  }
0x11f: {  	[tilespmem:$0x3BD0] =	vst v61  }
0x120: {  	[tilespmem:$0x3BE0] =	vst v62  }
0x121: {  	[tilespmem:$0x3BF0] =	vst v63  }
0x122: {  	v0 =	vld [tilespmem:s6+$0x1000];
	_ =	sdelay $0x4  }
0x123: {  	[tilespmem:$0x2400] =	vst v0  }
0x124: {  	[tilespmem:$0x2480] =	vst v0  }
0x125: {  	[tilespmem:$0x2500] =	vst v0  }
0x126: {  	[tilespmem:$0x2580] =	vst v0  }
0x127: {  	[tilespmem:$0x2600] =	vst v0  }
0x128: {  	[tilespmem:$0x2680] =	vst v0  }
0x129: {  	[tilespmem:$0x2700] =	vst v0  }
0x12a: {  	[tilespmem:$0x2780] =	vst v0  }
0x12b: {  	[tilespmem:$0x2C00] =	vst v0  }
0x12c: {  	[tilespmem:$0x2C80] =	vst v0  }
0x12d: {  	[tilespmem:$0x2D00] =	vst v0  }
0x12e: {  	[tilespmem:$0x2D80] =	vst v0  }
0x12f: {  	[tilespmem:$0x2E00] =	vst v0  }
0x130: {  	[tilespmem:$0x2E80] =	vst v0  }
0x131: {  	[tilespmem:$0x2F00] =	vst v0  }
0x132: {  	[tilespmem:$0x2F80] =	vst v0  }
0x133: {  	[tilespmem:$0x3400] =	vst v0  }
0x134: {  	[tilespmem:$0x3480] =	vst v0  }
0x135: {  	[tilespmem:$0x3500] =	vst v0  }
0x136: {  	[tilespmem:$0x3580] =	vst v0  }
0x137: {  	[tilespmem:$0x3600] =	vst v0  }
0x138: {  	[tilespmem:$0x3680] =	vst v0  }
0x139: {  	[tilespmem:$0x3700] =	vst v0  }
0x13a: {  	[tilespmem:$0x3780] =	vst v0  }
0x13b: {  	[tilespmem:$0x3C00] =	vst v0  }
0x13c: {  	[tilespmem:$0x3C80] =	vst v0  }
0x13d: {  	[tilespmem:$0x3D00] =	vst v0  }
0x13e: {  	[tilespmem:$0x3D80] =	vst v0  }
0x13f: {  	[tilespmem:$0x3E00] =	vst v0  }
0x140: {  	[tilespmem:$0x3E80] =	vst v0  }
0x141: {  	[tilespmem:$0x3F00] =	vst v0  }
0x142: {  	[tilespmem:$0x3F80] =	vst v0  }
0x143: {  	v0 =	vld [tilespmem:s6+$0x1010];
	_ =	sdelay $0x4  }
0x144: {  	[tilespmem:$0x2410] =	vst v0  }
0x145: {  	[tilespmem:$0x2490] =	vst v0  }
0x146: {  	[tilespmem:$0x2510] =	vst v0  }
0x147: {  	[tilespmem:$0x2590] =	vst v0  }
0x148: {  	[tilespmem:$0x2610] =	vst v0  }
0x149: {  	[tilespmem:$0x2690] =	vst v0  }
0x14a: {  	[tilespmem:$0x2710] =	vst v0  }
0x14b: {  	[tilespmem:$0x2790] =	vst v0  }
0x14c: {  	[tilespmem:$0x2C10] =	vst v0  }
0x14d: {  	[tilespmem:$0x2C90] =	vst v0  }
0x14e: {  	[tilespmem:$0x2D10] =	vst v0  }
0x14f: {  	[tilespmem:$0x2D90] =	vst v0  }
0x150: {  	[tilespmem:$0x2E10] =	vst v0  }
0x151: {  	[tilespmem:$0x2E90] =	vst v0  }
0x152: {  	[tilespmem:$0x2F10] =	vst v0  }
0x153: {  	[tilespmem:$0x2F90] =	vst v0  }
0x154: {  	[tilespmem:$0x3410] =	vst v0  }
0x155: {  	[tilespmem:$0x3490] =	vst v0  }
0x156: {  	[tilespmem:$0x3510] =	vst v0  }
0x157: {  	[tilespmem:$0x3590] =	vst v0  }
0x158: {  	[tilespmem:$0x3610] =	vst v0  }
0x159: {  	[tilespmem:$0x3690] =	vst v0  }
0x15a: {  	[tilespmem:$0x3710] =	vst v0  }
0x15b: {  	[tilespmem:$0x3790] =	vst v0  }
0x15c: {  	[tilespmem:$0x3C10] =	vst v0  }
0x15d: {  	[tilespmem:$0x3C90] =	vst v0  }
0x15e: {  	[tilespmem:$0x3D10] =	vst v0  }
0x15f: {  	[tilespmem:$0x3D90] =	vst v0  }
0x160: {  	[tilespmem:$0x3E10] =	vst v0  }
0x161: {  	[tilespmem:$0x3E90] =	vst v0  }
0x162: {  	[tilespmem:$0x3F10] =	vst v0  }
0x163: {  	[tilespmem:$0x3F90] =	vst v0  }
0x164: {  	v0 =	vld [tilespmem:s6+$0x1020];
	_ =	sdelay $0x4  }
0x165: {  	[tilespmem:$0x2420] =	vst v0  }
0x166: {  	[tilespmem:$0x24A0] =	vst v0  }
0x167: {  	[tilespmem:$0x2520] =	vst v0  }
0x168: {  	[tilespmem:$0x25A0] =	vst v0  }
0x169: {  	[tilespmem:$0x2620] =	vst v0  }
0x16a: {  	[tilespmem:$0x26A0] =	vst v0  }
0x16b: {  	[tilespmem:$0x2720] =	vst v0  }
0x16c: {  	[tilespmem:$0x27A0] =	vst v0  }
0x16d: {  	[tilespmem:$0x2C20] =	vst v0  }
0x16e: {  	[tilespmem:$0x2CA0] =	vst v0  }
0x16f: {  	[tilespmem:$0x2D20] =	vst v0  }
0x170: {  	[tilespmem:$0x2DA0] =	vst v0  }
0x171: {  	[tilespmem:$0x2E20] =	vst v0  }
0x172: {  	[tilespmem:$0x2EA0] =	vst v0  }
0x173: {  	[tilespmem:$0x2F20] =	vst v0  }
0x174: {  	[tilespmem:$0x2FA0] =	vst v0  }
0x175: {  	[tilespmem:$0x3420] =	vst v0  }
0x176: {  	[tilespmem:$0x34A0] =	vst v0  }
0x177: {  	[tilespmem:$0x3520] =	vst v0  }
0x178: {  	[tilespmem:$0x35A0] =	vst v0  }
0x179: {  	[tilespmem:$0x3620] =	vst v0  }
0x17a: {  	[tilespmem:$0x36A0] =	vst v0  }
0x17b: {  	[tilespmem:$0x3720] =	vst v0  }
0x17c: {  	[tilespmem:$0x37A0] =	vst v0  }
0x17d: {  	[tilespmem:$0x3C20] =	vst v0  }
0x17e: {  	[tilespmem:$0x3CA0] =	vst v0  }
0x17f: {  	[tilespmem:$0x3D20] =	vst v0  }
0x180: {  	[tilespmem:$0x3DA0] =	vst v0  }
0x181: {  	[tilespmem:$0x3E20] =	vst v0  }
0x182: {  	[tilespmem:$0x3EA0] =	vst v0  }
0x183: {  	[tilespmem:$0x3F20] =	vst v0  }
0x184: {  	[tilespmem:$0x3FA0] =	vst v0  }
0x185: {  	v0 =	vld [tilespmem:s6+$0x1030];
	_ =	sdelay $0x4  }
0x186: {  	[tilespmem:$0x2430] =	vst v0  }
0x187: {  	[tilespmem:$0x24B0] =	vst v0  }
0x188: {  	[tilespmem:$0x2530] =	vst v0  }
0x189: {  	[tilespmem:$0x25B0] =	vst v0  }
0x18a: {  	[tilespmem:$0x2630] =	vst v0  }
0x18b: {  	[tilespmem:$0x26B0] =	vst v0  }
0x18c: {  	[tilespmem:$0x2730] =	vst v0  }
0x18d: {  	[tilespmem:$0x27B0] =	vst v0  }
0x18e: {  	[tilespmem:$0x2C30] =	vst v0  }
0x18f: {  	[tilespmem:$0x2CB0] =	vst v0  }
0x190: {  	[tilespmem:$0x2D30] =	vst v0  }
0x191: {  	[tilespmem:$0x2DB0] =	vst v0  }
0x192: {  	[tilespmem:$0x2E30] =	vst v0  }
0x193: {  	[tilespmem:$0x2EB0] =	vst v0  }
0x194: {  	[tilespmem:$0x2F30] =	vst v0  }
0x195: {  	[tilespmem:$0x2FB0] =	vst v0  }
0x196: {  	[tilespmem:$0x3430] =	vst v0  }
0x197: {  	[tilespmem:$0x34B0] =	vst v0  }
0x198: {  	[tilespmem:$0x3530] =	vst v0  }
0x199: {  	[tilespmem:$0x35B0] =	vst v0  }
0x19a: {  	[tilespmem:$0x3630] =	vst v0  }
0x19b: {  	[tilespmem:$0x36B0] =	vst v0  }
0x19c: {  	[tilespmem:$0x3730] =	vst v0  }
0x19d: {  	[tilespmem:$0x37B0] =	vst v0  }
0x19e: {  	[tilespmem:$0x3C30] =	vst v0  }
0x19f: {  	[tilespmem:$0x3CB0] =	vst v0  }
0x1a0: {  	[tilespmem:$0x3D30] =	vst v0  }
0x1a1: {  	[tilespmem:$0x3DB0] =	vst v0  }
0x1a2: {  	[tilespmem:$0x3E30] =	vst v0  }
0x1a3: {  	[tilespmem:$0x3EB0] =	vst v0  }
0x1a4: {  	[tilespmem:$0x3F30] =	vst v0  }
0x1a5: {  	[tilespmem:$0x3FB0] =	vst v0  }
0x1a6: {  	v0 =	vld [tilespmem:s6+$0x1040];
	_ =	sdelay $0x4  }
0x1a7: {  	[tilespmem:$0x2440] =	vst v0  }
0x1a8: {  	[tilespmem:$0x24C0] =	vst v0  }
0x1a9: {  	[tilespmem:$0x2540] =	vst v0  }
0x1aa: {  	[tilespmem:$0x25C0] =	vst v0  }
0x1ab: {  	[tilespmem:$0x2640] =	vst v0  }
0x1ac: {  	[tilespmem:$0x26C0] =	vst v0  }
0x1ad: {  	[tilespmem:$0x2740] =	vst v0  }
0x1ae: {  	[tilespmem:$0x27C0] =	vst v0  }
0x1af: {  	[tilespmem:$0x2C40] =	vst v0  }
0x1b0: {  	[tilespmem:$0x2CC0] =	vst v0  }
0x1b1: {  	[tilespmem:$0x2D40] =	vst v0  }
0x1b2: {  	[tilespmem:$0x2DC0] =	vst v0  }
0x1b3: {  	[tilespmem:$0x2E40] =	vst v0  }
0x1b4: {  	[tilespmem:$0x2EC0] =	vst v0  }
0x1b5: {  	[tilespmem:$0x2F40] =	vst v0  }
0x1b6: {  	[tilespmem:$0x2FC0] =	vst v0  }
0x1b7: {  	[tilespmem:$0x3440] =	vst v0  }
0x1b8: {  	[tilespmem:$0x34C0] =	vst v0  }
0x1b9: {  	[tilespmem:$0x3540] =	vst v0  }
0x1ba: {  	[tilespmem:$0x35C0] =	vst v0  }
0x1bb: {  	[tilespmem:$0x3640] =	vst v0  }
0x1bc: {  	[tilespmem:$0x36C0] =	vst v0  }
0x1bd: {  	[tilespmem:$0x3740] =	vst v0  }
0x1be: {  	[tilespmem:$0x37C0] =	vst v0  }
0x1bf: {  	[tilespmem:$0x3C40] =	vst v0  }
0x1c0: {  	[tilespmem:$0x3CC0] =	vst v0  }
0x1c1: {  	[tilespmem:$0x3D40] =	vst v0  }
0x1c2: {  	[tilespmem:$0x3DC0] =	vst v0  }
0x1c3: {  	[tilespmem:$0x3E40] =	vst v0  }
0x1c4: {  	[tilespmem:$0x3EC0] =	vst v0  }
0x1c5: {  	[tilespmem:$0x3F40] =	vst v0  }
0x1c6: {  	[tilespmem:$0x3FC0] =	vst v0  }
0x1c7: {  	v0 =	vld [tilespmem:s6+$0x1050];
	_ =	sdelay $0x4  }
0x1c8: {  	[tilespmem:$0x2450] =	vst v0  }
0x1c9: {  	[tilespmem:$0x24D0] =	vst v0  }
0x1ca: {  	[tilespmem:$0x2550] =	vst v0  }
0x1cb: {  	[tilespmem:$0x25D0] =	vst v0  }
0x1cc: {  	[tilespmem:$0x2650] =	vst v0  }
0x1cd: {  	[tilespmem:$0x26D0] =	vst v0  }
0x1ce: {  	[tilespmem:$0x2750] =	vst v0  }
0x1cf: {  	[tilespmem:$0x27D0] =	vst v0  }
0x1d0: {  	[tilespmem:$0x2C50] =	vst v0  }
0x1d1: {  	[tilespmem:$0x2CD0] =	vst v0  }
0x1d2: {  	[tilespmem:$0x2D50] =	vst v0  }
0x1d3: {  	[tilespmem:$0x2DD0] =	vst v0  }
0x1d4: {  	[tilespmem:$0x2E50] =	vst v0  }
0x1d5: {  	[tilespmem:$0x2ED0] =	vst v0  }
0x1d6: {  	[tilespmem:$0x2F50] =	vst v0  }
0x1d7: {  	[tilespmem:$0x2FD0] =	vst v0  }
0x1d8: {  	[tilespmem:$0x3450] =	vst v0  }
0x1d9: {  	[tilespmem:$0x34D0] =	vst v0  }
0x1da: {  	[tilespmem:$0x3550] =	vst v0  }
0x1db: {  	[tilespmem:$0x35D0] =	vst v0  }
0x1dc: {  	[tilespmem:$0x3650] =	vst v0  }
0x1dd: {  	[tilespmem:$0x36D0] =	vst v0  }
0x1de: {  	[tilespmem:$0x3750] =	vst v0  }
0x1df: {  	[tilespmem:$0x37D0] =	vst v0  }
0x1e0: {  	[tilespmem:$0x3C50] =	vst v0  }
0x1e1: {  	[tilespmem:$0x3CD0] =	vst v0  }
0x1e2: {  	[tilespmem:$0x3D50] =	vst v0  }
0x1e3: {  	[tilespmem:$0x3DD0] =	vst v0  }
0x1e4: {  	[tilespmem:$0x3E50] =	vst v0  }
0x1e5: {  	[tilespmem:$0x3ED0] =	vst v0  }
0x1e6: {  	[tilespmem:$0x3F50] =	vst v0  }
0x1e7: {  	[tilespmem:$0x3FD0] =	vst v0  }
0x1e8: {  	v0 =	vld [tilespmem:s6+$0x1060];
	_ =	sdelay $0x4  }
0x1e9: {  	[tilespmem:$0x2460] =	vst v0  }
0x1ea: {  	[tilespmem:$0x24E0] =	vst v0  }
0x1eb: {  	[tilespmem:$0x2560] =	vst v0  }
0x1ec: {  	[tilespmem:$0x25E0] =	vst v0  }
0x1ed: {  	[tilespmem:$0x2660] =	vst v0  }
0x1ee: {  	[tilespmem:$0x26E0] =	vst v0  }
0x1ef: {  	[tilespmem:$0x2760] =	vst v0  }
0x1f0: {  	[tilespmem:$0x27E0] =	vst v0  }
0x1f1: {  	[tilespmem:$0x2C60] =	vst v0  }
0x1f2: {  	[tilespmem:$0x2CE0] =	vst v0  }
0x1f3: {  	[tilespmem:$0x2D60] =	vst v0  }
0x1f4: {  	[tilespmem:$0x2DE0] =	vst v0  }
0x1f5: {  	[tilespmem:$0x2E60] =	vst v0  }
0x1f6: {  	[tilespmem:$0x2EE0] =	vst v0  }
0x1f7: {  	[tilespmem:$0x2F60] =	vst v0  }
0x1f8: {  	[tilespmem:$0x2FE0] =	vst v0  }
0x1f9: {  	[tilespmem:$0x3460] =	vst v0  }
0x1fa: {  	[tilespmem:$0x34E0] =	vst v0  }
0x1fb: {  	[tilespmem:$0x3560] =	vst v0  }
0x1fc: {  	[tilespmem:$0x35E0] =	vst v0  }
0x1fd: {  	[tilespmem:$0x3660] =	vst v0  }
0x1fe: {  	[tilespmem:$0x36E0] =	vst v0  }
0x1ff: {  	[tilespmem:$0x3760] =	vst v0  }
0x200: {  	[tilespmem:$0x37E0] =	vst v0  }
0x201: {  	[tilespmem:$0x3C60] =	vst v0  }
0x202: {  	[tilespmem:$0x3CE0] =	vst v0  }
0x203: {  	[tilespmem:$0x3D60] =	vst v0  }
0x204: {  	[tilespmem:$0x3DE0] =	vst v0  }
0x205: {  	[tilespmem:$0x3E60] =	vst v0  }
0x206: {  	[tilespmem:$0x3EE0] =	vst v0  }
0x207: {  	[tilespmem:$0x3F60] =	vst v0  }
0x208: {  	[tilespmem:$0x3FE0] =	vst v0  }
0x209: {  	v0 =	vld [tilespmem:s6+$0x1070];
	_ =	sdelay $0x4  }
0x20a: {  	[tilespmem:$0x2470] =	vst v0  }
0x20b: {  	[tilespmem:$0x24F0] =	vst v0  }
0x20c: {  	[tilespmem:$0x2570] =	vst v0  }
0x20d: {  	[tilespmem:$0x25F0] =	vst v0  }
0x20e: {  	[tilespmem:$0x2670] =	vst v0  }
0x20f: {  	[tilespmem:$0x26F0] =	vst v0  }
0x210: {  	[tilespmem:$0x2770] =	vst v0  }
0x211: {  	[tilespmem:$0x27F0] =	vst v0  }
0x212: {  	[tilespmem:$0x2C70] =	vst v0  }
0x213: {  	[tilespmem:$0x2CF0] =	vst v0  }
0x214: {  	[tilespmem:$0x2D70] =	vst v0  }
0x215: {  	[tilespmem:$0x2DF0] =	vst v0  }
0x216: {  	[tilespmem:$0x2E70] =	vst v0  }
0x217: {  	[tilespmem:$0x2EF0] =	vst v0  }
0x218: {  	[tilespmem:$0x2F70] =	vst v0  }
0x219: {  	[tilespmem:$0x2FF0] =	vst v0  }
0x21a: {  	[tilespmem:$0x3470] =	vst v0  }
0x21b: {  	[tilespmem:$0x34F0] =	vst v0  }
0x21c: {  	[tilespmem:$0x3570] =	vst v0  }
0x21d: {  	[tilespmem:$0x35F0] =	vst v0  }
0x21e: {  	[tilespmem:$0x3670] =	vst v0  }
0x21f: {  	[tilespmem:$0x36F0] =	vst v0  }
0x220: {  	[tilespmem:$0x3770] =	vst v0  }
0x221: {  	[tilespmem:$0x37F0] =	vst v0  }
0x222: {  	[tilespmem:$0x3C70] =	vst v0  }
0x223: {  	[tilespmem:$0x3CF0] =	vst v0  }
0x224: {  	[tilespmem:$0x3D70] =	vst v0  }
0x225: {  	[tilespmem:$0x3DF0] =	vst v0  }
0x226: {  	[tilespmem:$0x3E70] =	vst v0  }
0x227: {  	[tilespmem:$0x3EF0] =	vst v0  }
0x228: {  	[tilespmem:$0x3F70] =	vst v0  }
0x229: {  	[tilespmem:$0x3FF0] =	vst v0  }
0x22a: {  	[hbm4b:s5+s2] =	stream.linear.scatter [tilespmem:s25], [sflag:$0x1], $0x2000, $0x38;
	[tilespmem:$0x4000] =	vst v63  }
0x22b: {  	_ = 	snop  }
0x22c: {  	[hbm4b:s7+s2] =	stream.linear.scatter [tilespmem:s25], [sflag:$0x1], $0x2000, $0x38;
	[tilespmem:$0x4000] =	vst v63  }
0x22d: {  	_ = 	snop  }
0x22e: {  	[hbm4b:s8+s2] =	stream.linear.scatter [tilespmem:s25], [sflag:$0x1], $0x2000, $0x38;
	[tilespmem:$0x4000] =	vst v63  }
0x22f: {  	_ = 	snop  }
0x230: {  	[hbm4b:s9+s2] =	stream.linear.scatter [tilespmem:s25], [sflag:$0x1], $0x2000, $0x38;
	[tilespmem:$0x4000] =	vst v63  }
0x231: {  	_ = 	snop  }
0x232: {  	[hbm4b:s10+s2] =	stream.linear.scatter [tilespmem:s25], [sflag:$0x1], $0x2000, $0x38;
	[tilespmem:$0x4000] =	vst v63  }
0x233: {  	_ = 	snop  }
0x234: {  	[hbm4b:s11+s2] =	stream.linear.scatter [tilespmem:s25], [sflag:$0x1], $0x2000, $0x38;
	[tilespmem:$0x4000] =	vst v63  }
0x235: {  	_ = 	snop  }
0x236: {  	[hbm4b:s12+s2] =	stream.linear.scatter [tilespmem:s25], [sflag:$0x1], $0x2000, $0x38;
	[tilespmem:$0x4000] =	vst v63  }
0x237: {  	_ = 	snop  }
0x238: {  	[hbm4b:s13+s2] =	stream.linear.scatter [tilespmem:s25], [sflag:$0x1], $0x2000, $0x38;
	[tilespmem:$0x4000] =	vst v63  }
0x239: {  	_ = 	snop  }
0x23a: {  	[hbm4b:s14+s2] =	stream.linear.scatter [tilespmem:s25], [sflag:$0x1], $0x2000, $0x38;
	[tilespmem:$0x4000] =	vst v63  }
0x23b: {  	_ = 	snop  }
0x23c: {  	[hbm4b:s15+s2] =	stream.linear.scatter [tilespmem:s25], [sflag:$0x1], $0x2000, $0x38;
	[tilespmem:$0x4000] =	vst v63  }
0x23d: {  	_ = 	snop  }
0x23e: {  	[hbm4b:s16+s2] =	stream.linear.scatter [tilespmem:s25], [sflag:$0x1], $0x2000, $0x38;
	[tilespmem:$0x4000] =	vst v63  }
0x23f: {  	_ = 	snop  }
0x240: {  	[hbm4b:s17+s2] =	stream.linear.scatter [tilespmem:s25], [sflag:$0x1], $0x2000, $0x38;
	[tilespmem:$0x4000] =	vst v63  }
0x241: {  	_ = 	snop  }
0x242: {  	[hbm4b:s18+s2] =	stream.linear.scatter [tilespmem:s25], [sflag:$0x1], $0x2000, $0x38;
	[tilespmem:$0x4000] =	vst v63  }
0x243: {  	_ = 	snop  }
0x244: {  	[hbm4b:s19+s2] =	stream.linear.scatter [tilespmem:s25], [sflag:$0x1], $0x2000, $0x38;
	[tilespmem:$0x4000] =	vst v63  }
0x245: {  	_ = 	snop  }
0x246: {  	[hbm4b:s20+s2] =	stream.linear.scatter [tilespmem:s25], [sflag:$0x1], $0x2000, $0x38;
	[tilespmem:$0x4000] =	vst v63  }
0x247: {  	_ = 	snop  }
0x248: {  	[hbm4b:s21+s2] =	stream.linear.scatter [tilespmem:s25], [sflag:$0x1], $0x2000, $0x38;
	[tilespmem:$0x4000] =	vst v63  }
0x249: {  	_ =	swait.ge [sflag:s26], $0x2000  }
0x24a: {  	[sflag:s26] =	ssyncset.done $0x0  }
0x24b: {  	[sflag:s26] =	ssyncadd.s32 $0xFFFFE000  }
0x24c: {  	_ =	swait.ge [sflag:s26], $0x2000  }
0x24d: {  	[sflag:s26] =	ssyncset.done $0x0  }
0x24e: {  	[sflag:s26] =	ssyncadd.s32 $0xFFFFE000  }
0x24f: {  	_ =	swait.ge [sflag:s26], $0x2000  }
0x250: {  	[sflag:s26] =	ssyncset.done $0x0  }
0x251: {  	[sflag:s26] =	ssyncadd.s32 $0xFFFFE000  }
0x252: {  	_ =	swait.ge [sflag:s26], $0x2000  }
0x253: {  	[sflag:s26] =	ssyncset.done $0x0  }
0x254: {  	[sflag:s26] =	ssyncadd.s32 $0xFFFFE000  }
0x255: {  	_ =	swait.ge [sflag:s26], $0x2000  }
0x256: {  	[sflag:s26] =	ssyncset.done $0x0  }
0x257: {  	[sflag:s26] =	ssyncadd.s32 $0xFFFFE000  }
0x258: {  	_ =	swait.ge [sflag:s26], $0x2000  }
0x259: {  	[sflag:s26] =	ssyncset.done $0x0  }
0x25a: {  	[sflag:s26] =	ssyncadd.s32 $0xFFFFE000  }
0x25b: {  	_ =	swait.ge [sflag:s26], $0x2000  }
0x25c: {  	[sflag:s26] =	ssyncset.done $0x0  }
0x25d: {  	[sflag:s26] =	ssyncadd.s32 $0xFFFFE000  }
0x25e: {  	_ =	swait.ge [sflag:s26], $0x2000  }
0x25f: {  	[sflag:s26] =	ssyncset.done $0x0  }
0x260: {  	[sflag:s26] =	ssyncadd.s32 $0xFFFFE000  }
0x261: {  	_ =	swait.ge [sflag:s26], $0x2000  }
0x262: {  	[sflag:s26] =	ssyncset.done $0x0  }
0x263: {  	[sflag:s26] =	ssyncadd.s32 $0xFFFFE000  }
0x264: {  	_ =	swait.ge [sflag:s26], $0x2000  }
0x265: {  	[sflag:s26] =	ssyncset.done $0x0  }
0x266: {  	[sflag:s26] =	ssyncadd.s32 $0xFFFFE000  }
0x267: {  	_ =	swait.ge [sflag:s26], $0x2000  }
0x268: {  	[sflag:s26] =	ssyncset.done $0x0  }
0x269: {  	[sflag:s26] =	ssyncadd.s32 $0xFFFFE000  }
0x26a: {  	_ =	swait.ge [sflag:s26], $0x2000  }
0x26b: {  	[sflag:s26] =	ssyncset.done $0x0  }
0x26c: {  	[sflag:s26] =	ssyncadd.s32 $0xFFFFE000  }
0x26d: {  	_ =	swait.ge [sflag:s26], $0x2000  }
0x26e: {  	[sflag:s26] =	ssyncset.done $0x0  }
0x26f: {  	[sflag:s26] =	ssyncadd.s32 $0xFFFFE000  }
0x270: {  	_ =	swait.ge [sflag:s26], $0x2000  }
0x271: {  	[sflag:s26] =	ssyncset.done $0x0  }
0x272: {  	[sflag:s26] =	ssyncadd.s32 $0xFFFFE000  }
0x273: {  	p0 =	sne.s32 s22, $0x1;
	_ =	swait.ge [sflag:s26], $0x2000  }
.Ltmp0:
0x274: {  	[sflag:s26] =	ssyncset.done $0x0;
	(pc) =	sbr.rel @p0 .LBB2_1-.Ltmp0, $4  }
0x275: {  	[sflag:s26] =	ssyncadd.s32 $0xFFFFE000  }
0x276: {  	_ =	swait.ge [sflag:s26], $0x2000  }
0x277: {  	[sflag:s26] =	ssyncset.done $0x0  }
0x278: {  	s22 =	sadd.s32 $0xFFFFFFFF, s22;
	[sflag:s26] =	ssyncadd.s32 $0xFFFFE000  }
0x279: {  	_ =	sfence.sel $0x180000  }
0x27a: {  	[bflag:$0x0] =	sbarrier.arrive $0xFFFF  }
0x27b: {  	p0 =	sne.s32 s1, $0x0;
	_ =	strace $0x90000047  }
0x27c: {  	s0 =	sadd.s32 @!p0 $0x100000, s0;
	[bflag:$0x2] =	sbarrier.arrive $0xFFFF  }
0x27d: {  	[sflag:s0] =	ssyncadd.tile.s32 @!p0 $0x1;
	_ =	shalt  }
.Lfunc_end2:
_tile_overlayer_lowered:
.L_overlay_start_2:
0x27e: {  	(tag) =	ssettag $0x2  }
0x27f: {  	s0 =	rddreg [dreg:$0x0];
	s2 =	stileid.u32  }
0x280: {  	s1 =	rddreg [dreg:$0x1];
	p0 =	sne.s32 s2, $0x0  }
0x281: {  	s3 =	rddreg [dreg:$0x2];
	[bflag:$0x3] =	sbarrier.arrive $0xFFFF;
	s2 =	simm.s32 @!p0 $0x1C02  }
0x282: {  	[timem:s3], [sflag:s2] =	dma.local @!p0 [hbm:s0], s1  }
0x283: {  	s0 =	simm.s32 @!p0 $0x2  }
0x284: {  	_ =	swait.ge @!p0 [sflag:s0], s1  }
0x285: {  	s1 =	ssub.s32 @!p0 $0x0, s1;
	[sflag:s0] =	ssyncset.done @!p0 $0x0  }
0x286: {  	[sflag:s0] =	ssyncadd.s32 @!p0 s1  }
0x287: {  	[bflag:$0x3] =	sbarrier.arrive $0xFFFF  }
0x288: {  	_ =	shalt  }

</sc_bundles>
